<compile_context>
chip_gen: v7x
topology: tpu7x:2x2x1
jax: 0.10.2.dev20260603
libtpu: 0.0.44.dev20260713+nightly
codegen_flags: <defaults>
</compile_context>

<pallas_src>
import functools

import jax
import jax.numpy as jnp
from jax import lax
from jax.experimental import pallas as pl
from jax.experimental.pallas import tpu as pltpu
from jax.experimental.pallas import tpu_sc as plsc

NC = 2
NS = 16
NW = NC * NS
C = 512
T = 4


def _edge_encoder(n_edges, n_nodes, edge_idx, table1, table2, molp):
  nblk = n_edges // C
  trips_pad = nblk // NW + 1
  mesh = plsc.VectorSubcoreMesh(core_axis_name="c", subcore_axis_name="s")

  @functools.partial(
      pl.kernel,
      out_type=jax.ShapeDtypeStruct((n_edges, T * T), jnp.float32),
      mesh=mesh,
      compiler_params=pltpu.CompilerParams(
          needs_layout_passes=False, use_tc_tiling_on_sc=False),
      scratch_types=[
          pltpu.VMEM((n_nodes // 2,), jnp.int32),
          pltpu.VMEM((C,), jnp.int32), pltpu.VMEM((C,), jnp.int32),
          pltpu.VMEM((C,), jnp.int32), pltpu.VMEM((C,), jnp.int32),
          pltpu.VMEM((C,), jnp.float32), pltpu.VMEM((C,), jnp.float32),
          pltpu.VMEM((C, T * T), jnp.float32),
          pltpu.VMEM((C, T * T), jnp.float32),
          pltpu.VMEM((C, T * T), jnp.float32),
          pltpu.VMEM((C, T * T), jnp.float32),
          pltpu.SemaphoreType.DMA, pltpu.SemaphoreType.DMA,
          pltpu.SemaphoreType.DMA, pltpu.SemaphoreType.DMA,
          pltpu.SemaphoreType.DMA, pltpu.SemaphoreType.DMA,
      ],
  )
  def kern(edge_hbm, tab1_hbm, tab2_hbm, molp_hbm, out_hbm,
           molp_v, src_v0, src_v1, dst_v0, dst_v1, sel_v0, sel_v1,
           r1_0, r1_1, r2_0, r2_1, si0, si1, sg0, sg1, sw0, sw1):
    src_v = (src_v0, src_v1)
    dst_v = (dst_v0, dst_v1)
    sel_v = (sel_v0, sel_v1)
    r1 = (r1_0, r1_1)
    r2 = (r2_0, r2_1)
    si = (si0, si1)
    sg = (sg0, sg1)
    sw = (sw0, sw1)

    wid = lax.axis_index("s") * NC + lax.axis_index("c")
    pltpu.sync_copy(molp_hbm, molp_v)
    ones = jnp.full((16,), 1.0, jnp.float32)
    zeros = jnp.zeros((16,), jnp.float32)

    def issue_idx(blk, u):
      pltpu.async_copy(edge_hbm.at[0, pl.ds(blk * C, C)], src_v[u], si[u])
      pltpu.async_copy(edge_hbm.at[1, pl.ds(blk * C, C)], dst_v[u], si[u])

    def wait_idx(u):
      pltpu.make_async_copy(edge_hbm.at[0, pl.ds(0, C)], src_v[u], si[u]).wait()
      pltpu.make_async_copy(edge_hbm.at[1, pl.ds(0, C)], dst_v[u], si[u]).wait()

    def issue_gathers(u):
      pltpu.async_copy(tab1_hbm.at[src_v[u]], r1[u], sg[u])
      pltpu.async_copy(tab2_hbm.at[dst_v[u]], r2[u], sg[u])

    def wait_gathers(u):
      pltpu.make_async_copy(tab1_hbm.at[src_v[u]], r1[u], sg[u]).wait()
      pltpu.make_async_copy(tab2_hbm.at[dst_v[u]], r2[u], sg[u]).wait()

    def wait_wb(u):
      pltpu.make_async_copy(r1[u], out_hbm.at[pl.ds(0, C)], sw[u]).wait()

    def mol_at(idx16):
      w = plsc.load_gather(molp_v, [idx16 >> 1])
      return (w >> ((idx16 & 1) << 4)) & 0xFFFF

    issue_idx(wid, 0)
    wait_idx(0)
    issue_gathers(0)

    @pl.when(wid + NW < nblk)
    def _():
      issue_idx(wid + NW, 1)

    def iter_body(i, carry):
      u = i % 2
      blk = wid + i * NW
      for su in (0, 1):
        @pl.when((blk < nblk) & (u == su))
        def _():
          nxt = blk + NW

          @pl.when(nxt < nblk)
          def _():
            wait_idx(1 - su)

            @pl.when(i >= 1)
            def _():
              wait_wb(1 - su)

            issue_gathers(1 - su)

          for j in range(C // 16):
            s16 = src_v[su][pl.ds(j * 16, 16)]
            d16 = dst_v[su][pl.ds(j * 16, 16)]
            sel_v[su][pl.ds(j * 16, 16)] = (
                jnp.where(mol_at(s16) == mol_at(d16), ones, zeros))

          wait_gathers(su)

          def edge_body(k, carry2):
            kk = jnp.broadcast_to(k, (16,)).astype(jnp.int32)
            s = plsc.load_gather(sel_v[su], [kk])
            r1[su][k] = r1[su][k] * r2[su][k] * s
            return carry2

          lax.fori_loop(0, C, edge_body, 0, unroll=8)
          pltpu.async_copy(r1[su], out_hbm.at[pl.ds(blk * C, C)], sw[su])

          nxt2 = blk + 2 * NW

          @pl.when(nxt2 < nblk)
          def _():
            issue_idx(nxt2, su)

      return carry

    lax.fori_loop(0, trips_pad, iter_body, 0)

    wait_wb(0)
    wait_wb(1)

  return kern(edge_idx, table1, table2, molp)


@jax.jit
def kernel(edge_index, node_type, molecular_index):
  n_nodes, t = node_type.shape
  n_edges = edge_index.shape[1]
  assert t == T and n_edges % C == 0 and n_nodes % 2 == 0
  edge_idx = edge_index.astype(jnp.int32)
  nt = node_type.astype(jnp.float32)
  table1 = jnp.repeat(nt, T, axis=1)
  table2 = jnp.tile(nt, (1, T))
  mol = molecular_index.astype(jnp.int32)
  molp = mol[0::2] | (mol[1::2] << 16)
  return _edge_encoder(n_edges, n_nodes, edge_idx, table1, table2, molp)

# --- scband reference (transcript-rebuilt; emitter-appended) ---
"""Pipeline reference for scband-edge-encoder-inter-intra-7052336300125 (READ-ONLY COPY).

The authoritative reference and input builder live on the scoring server;
editing this copy changes nothing except your own understanding.
"""

import jax, jax.numpy as jnp
import numpy as np


def setup_inputs(seed: int = 0) -> dict:
    key = jax.random.key(seed)
    k1, k2, k3 = jax.random.split(key, 3)
    n_nodes = 100000
    n_edges = 3200000
    T = 4
    edge_index = jax.random.randint(k1, (2, n_edges), 0, n_nodes, dtype=jnp.int64)
    node_type = jax.random.uniform(k2, (n_nodes, T), dtype=jnp.float32)
    molecular_index = jax.random.randint(k3, (n_nodes,), 0, 20000, dtype=jnp.int64)
    return {"edge_index": edge_index, "node_type": node_type, "molecular_index": molecular_index}


def reference(edge_index, node_type, molecular_index):
    # get_edge_node_type: gather node types at edge endpoints (node_type_2=None -> same table)
    node1 = jnp.take(node_type, edge_index[0], axis=0)
    node2 = jnp.take(node_type, edge_index[1], axis=0)
    encoded_edges = jnp.einsum('ki,kj->kij', node1, node2).reshape(node1.shape[0], -1)
    intra = jnp.equal(jnp.take(molecular_index, edge_index[0], axis=0),
                      jnp.take(molecular_index, edge_index[1], axis=0))
    # intramolecular=True branch
    return encoded_edges * intra.astype(jnp.int32)[:, None]

if __name__ == "__main__":
    import jax
    _d = setup_inputs()
    print(jax.jit(kernel)(*tuple(_d.values())))

</pallas_src>

<mosaic_0001>
#map = affine_map<(d0, d1) -> (0, 0)>
#map1 = affine_map<(d0, d1) -> (0)>
module attributes {stable_mosaic.version = 14 : i64} {
  func.func @kern(%arg0: i32, %arg1: i32, %arg2: memref<2x3200000xi32, #tpu.memory_space<hbm>>, %arg3: memref<100000x16xf32, #tpu.memory_space<hbm>>, %arg4: memref<100000x16xf32, #tpu.memory_space<hbm>>, %arg5: memref<50000xi32, #tpu.memory_space<hbm>>, %arg6: memref<3200000x16xf32, #tpu.memory_space<hbm>>, %arg7: memref<50000xi32, #tpu.memory_space<vmem>>, %arg8: memref<512xi32, #tpu.memory_space<vmem>>, %arg9: memref<512xi32, #tpu.memory_space<vmem>>, %arg10: memref<512xi32, #tpu.memory_space<vmem>>, %arg11: memref<512xi32, #tpu.memory_space<vmem>>, %arg12: memref<512xf32, #tpu.memory_space<vmem>>, %arg13: memref<512xf32, #tpu.memory_space<vmem>>, %arg14: memref<512x16xf32, #tpu.memory_space<vmem>>, %arg15: memref<512x16xf32, #tpu.memory_space<vmem>>, %arg16: memref<512x16xf32, #tpu.memory_space<vmem>>, %arg17: memref<512x16xf32, #tpu.memory_space<vmem>>, %arg18: memref<!tpu.dma_semaphore, #tpu.memory_space<semaphore_mem>>, %arg19: memref<!tpu.dma_semaphore, #tpu.memory_space<semaphore_mem>>, %arg20: memref<!tpu.dma_semaphore, #tpu.memory_space<semaphore_mem>>, %arg21: memref<!tpu.dma_semaphore, #tpu.memory_space<semaphore_mem>>, %arg22: memref<!tpu.dma_semaphore, #tpu.memory_space<semaphore_mem>>, %arg23: memref<!tpu.dma_semaphore, #tpu.memory_space<semaphore_mem>>) attributes {dimension_semantics = [#tpu.dimension_semantics<core_parallel>, #tpu.dimension_semantics<subcore_parallel>], iteration_bounds = array<i64: 2, 16>, scalar_prefetch = 0 : i64, scratch_operands = 17 : i64, tpu.core_type = #tpu.core_type<sc_vector_subcore>, window_params = [{transform_indices = #map}, {transform_indices = #map}, {transform_indices = #map}, {transform_indices = #map1}, {transform_indices = #map}]} {
    %mul3A = arith.constant 2 : i32
    %mul3A_0 = arith.muli %arg1, %mul3A : i32
    %add3A = arith.addi %mul3A_0, %arg0 : i32
    "tpu.region"() ({
      %run_scoped3A = tpu.sem_alloc : memref<!tpu.dma_semaphore, #tpu.memory_space<semaphore_mem>>
      tpu.enqueue_dma source(%arg5 : memref<50000xi32, #tpu.memory_space<hbm>>) target(%arg7 : memref<50000xi32, #tpu.memory_space<vmem>>) target_semaphore(%run_scoped3A : memref<!tpu.dma_semaphore, #tpu.memory_space<semaphore_mem>>)
      tpu.wait_dma2 semaphore(%run_scoped3A : memref<!tpu.dma_semaphore, #tpu.memory_space<semaphore_mem>>) src(%arg5 : memref<50000xi32, #tpu.memory_space<hbm>>) dst(%arg7 : memref<50000xi32, #tpu.memory_space<vmem>>)
      tpu.yield
    }) : () -> ()
    %broadcast_in_dim3A = arith.constant 1.000000e+00 : f32
    %broadcast_in_dim3A_1 = vector.broadcast %broadcast_in_dim3A : f32 to vector<16xf32>
    %broadcast_in_dim3A_2 = arith.constant 0.000000e+00 : f32
    %broadcast_in_dim3A_3 = vector.broadcast %broadcast_in_dim3A_2 : f32 to vector<16xf32>
    %mul3A_4 = arith.constant 512 : i32
    %mul3A_5 = arith.muli %add3A, %mul3A_4 : i32
    %dma_start3A = arith.constant 0 : i32
    %dma_start3A_6 = tpu.memref_slice %arg2[%dma_start3A, %mul3A_5] : memref<2x3200000xi32, #tpu.memory_space<hbm>> -> memref<1x512xi32, #tpu.memory_space<hbm>>
    %dma_start3A_7 = tpu.memref_squeeze %dma_start3A_6 : memref<1x512xi32, #tpu.memory_space<hbm>> -> memref<512xi32, #tpu.memory_space<hbm>>
    %dma_start3A_8 = tpu.memref_slice %arg2[%dma_start3A, %mul3A_5] : memref<2x3200000xi32, #tpu.memory_space<hbm>> -> memref<1x512xi32, #tpu.memory_space<hbm>>
    %dma_start3A_9 = tpu.memref_squeeze %dma_start3A_8 : memref<1x512xi32, #tpu.memory_space<hbm>> -> memref<512xi32, #tpu.memory_space<hbm>>
    tpu.enqueue_dma source(%dma_start3A_9 : memref<512xi32, #tpu.memory_space<hbm>>) target(%arg8 : memref<512xi32, #tpu.memory_space<vmem>>) target_semaphore(%arg18 : memref<!tpu.dma_semaphore, #tpu.memory_space<semaphore_mem>>)
    %mul3A_10 = arith.constant 512 : i32
    %mul3A_11 = arith.muli %add3A, %mul3A_10 : i32
    %dma_start3A_12 = arith.constant 1 : i32
    %dma_start3A_13 = tpu.memref_slice %arg2[%dma_start3A_12, %mul3A_11] : memref<2x3200000xi32, #tpu.memory_space<hbm>> -> memref<1x512xi32, #tpu.memory_space<hbm>>
    %dma_start3A_14 = tpu.memref_squeeze %dma_start3A_13 : memref<1x512xi32, #tpu.memory_space<hbm>> -> memref<512xi32, #tpu.memory_space<hbm>>
    %dma_start3A_15 = tpu.memref_slice %arg2[%dma_start3A_12, %mul3A_11] : memref<2x3200000xi32, #tpu.memory_space<hbm>> -> memref<1x512xi32, #tpu.memory_space<hbm>>
    %dma_start3A_16 = tpu.memref_squeeze %dma_start3A_15 : memref<1x512xi32, #tpu.memory_space<hbm>> -> memref<512xi32, #tpu.memory_space<hbm>>
    tpu.enqueue_dma source(%dma_start3A_16 : memref<512xi32, #tpu.memory_space<hbm>>) target(%arg10 : memref<512xi32, #tpu.memory_space<vmem>>) target_semaphore(%arg18 : memref<!tpu.dma_semaphore, #tpu.memory_space<semaphore_mem>>)
    %dma_wait3A = arith.constant 0 : i32
    %dma_wait3A_17 = arith.constant 0 : i32
    %dma_wait3A_18 = tpu.memref_slice %arg2[%dma_wait3A, %dma_wait3A_17] : memref<2x3200000xi32, #tpu.memory_space<hbm>> -> memref<1x512xi32, #tpu.memory_space<hbm>>
    %dma_wait3A_19 = tpu.memref_squeeze %dma_wait3A_18 : memref<1x512xi32, #tpu.memory_space<hbm>> -> memref<512xi32, #tpu.memory_space<hbm>>
    %dma_wait3A_20 = arith.constant 0 : i32
    %dma_wait3A_21 = tpu.memref_slice %arg2[%dma_wait3A, %dma_wait3A_20] : memref<2x3200000xi32, #tpu.memory_space<hbm>> -> memref<1x512xi32, #tpu.memory_space<hbm>>
    %dma_wait3A_22 = tpu.memref_squeeze %dma_wait3A_21 : memref<1x512xi32, #tpu.memory_space<hbm>> -> memref<512xi32, #tpu.memory_space<hbm>>
    tpu.wait_dma2 semaphore(%arg18 : memref<!tpu.dma_semaphore, #tpu.memory_space<semaphore_mem>>) src(%dma_wait3A_22 : memref<512xi32, #tpu.memory_space<hbm>>) dst(%arg8 : memref<512xi32, #tpu.memory_space<vmem>>)
    %dma_wait3A_23 = arith.constant 1 : i32
    %dma_wait3A_24 = arith.constant 0 : i32
    %dma_wait3A_25 = tpu.memref_slice %arg2[%dma_wait3A_23, %dma_wait3A_24] : memref<2x3200000xi32, #tpu.memory_space<hbm>> -> memref<1x512xi32, #tpu.memory_space<hbm>>
    %dma_wait3A_26 = tpu.memref_squeeze %dma_wait3A_25 : memref<1x512xi32, #tpu.memory_space<hbm>> -> memref<512xi32, #tpu.memory_space<hbm>>
    %dma_wait3A_27 = arith.constant 0 : i32
    %dma_wait3A_28 = tpu.memref_slice %arg2[%dma_wait3A_23, %dma_wait3A_27] : memref<2x3200000xi32, #tpu.memory_space<hbm>> -> memref<1x512xi32, #tpu.memory_space<hbm>>
    %dma_wait3A_29 = tpu.memref_squeeze %dma_wait3A_28 : memref<1x512xi32, #tpu.memory_space<hbm>> -> memref<512xi32, #tpu.memory_space<hbm>>
    tpu.wait_dma2 semaphore(%arg18 : memref<!tpu.dma_semaphore, #tpu.memory_space<semaphore_mem>>) src(%dma_wait3A_29 : memref<512xi32, #tpu.memory_space<hbm>>) dst(%arg10 : memref<512xi32, #tpu.memory_space<vmem>>)
    %dma_start3A_30 = arith.constant 0 : i32
    %dma_start3A_31 = arith.constant 0 : i32
    %dma_start3A_32 = tpu.memref_slice %arg3[%dma_start3A_30, %dma_start3A_31] : memref<100000x16xf32, #tpu.memory_space<hbm>> -> memref<100000x16xf32, #tpu.memory_space<hbm>>
    tpu.enqueue_indirect_dma source(%dma_start3A_32 : memref<100000x16xf32, #tpu.memory_space<hbm>>) target(%arg14 : memref<512x16xf32, #tpu.memory_space<vmem>>) offsets(%arg8 : memref<512xi32, #tpu.memory_space<vmem>>) semaphore(%arg20 : memref<!tpu.dma_semaphore, #tpu.memory_space<semaphore_mem>>)
    %dma_start3A_33 = arith.constant 0 : i32
    %dma_start3A_34 = arith.constant 0 : i32
    %dma_start3A_35 = tpu.memref_slice %arg4[%dma_start3A_33, %dma_start3A_34] : memref<100000x16xf32, #tpu.memory_space<hbm>> -> memref<100000x16xf32, #tpu.memory_space<hbm>>
    tpu.enqueue_indirect_dma source(%dma_start3A_35 : memref<100000x16xf32, #tpu.memory_space<hbm>>) target(%arg16 : memref<512x16xf32, #tpu.memory_space<vmem>>) offsets(%arg10 : memref<512xi32, #tpu.memory_space<vmem>>) semaphore(%arg20 : memref<!tpu.dma_semaphore, #tpu.memory_space<semaphore_mem>>)
    %add3A_36 = arith.constant 32 : i32
    %add3A_37 = arith.addi %add3A, %add3A_36 : i32
    %lt3A = arith.constant 6250 : i32
    %lt3A_38 = arith.cmpi slt, %add3A_37, %lt3A : i32
    %convert_element_type3A = arith.extui %lt3A_38 : i1 to i32
    %cond3A = arith.constant 0 : i32
    %cond3A_39 = arith.cmpi ne, %convert_element_type3A, %cond3A : i32
    scf.if %cond3A_39 {
      %add3A_57 = arith.constant 32 : i32
      %add3A_58 = arith.addi %add3A, %add3A_57 : i32
      %mul3A_59 = arith.constant 512 : i32
      %mul3A_60 = arith.muli %add3A_58, %mul3A_59 : i32
      %dma_start3A_61 = arith.constant 0 : i32
      %dma_start3A_62 = tpu.memref_slice %arg2[%dma_start3A_61, %mul3A_60] : memref<2x3200000xi32, #tpu.memory_space<hbm>> -> memref<1x512xi32, #tpu.memory_space<hbm>>
      %dma_start3A_63 = tpu.memref_squeeze %dma_start3A_62 : memref<1x512xi32, #tpu.memory_space<hbm>> -> memref<512xi32, #tpu.memory_space<hbm>>
      %dma_start3A_64 = tpu.memref_slice %arg2[%dma_start3A_61, %mul3A_60] : memref<2x3200000xi32, #tpu.memory_space<hbm>> -> memref<1x512xi32, #tpu.memory_space<hbm>>
      %dma_start3A_65 = tpu.memref_squeeze %dma_start3A_64 : memref<1x512xi32, #tpu.memory_space<hbm>> -> memref<512xi32, #tpu.memory_space<hbm>>
      tpu.enqueue_dma source(%dma_start3A_65 : memref<512xi32, #tpu.memory_space<hbm>>) target(%arg9 : memref<512xi32, #tpu.memory_space<vmem>>) target_semaphore(%arg19 : memref<!tpu.dma_semaphore, #tpu.memory_space<semaphore_mem>>)
      %mul3A_66 = arith.constant 512 : i32
      %mul3A_67 = arith.muli %add3A_58, %mul3A_66 : i32
      %dma_start3A_68 = arith.constant 1 : i32
      %dma_start3A_69 = tpu.memref_slice %arg2[%dma_start3A_68, %mul3A_67] : memref<2x3200000xi32, #tpu.memory_space<hbm>> -> memref<1x512xi32, #tpu.memory_space<hbm>>
      %dma_start3A_70 = tpu.memref_squeeze %dma_start3A_69 : memref<1x512xi32, #tpu.memory_space<hbm>> -> memref<512xi32, #tpu.memory_space<hbm>>
      %dma_start3A_71 = tpu.memref_slice %arg2[%dma_start3A_68, %mul3A_67] : memref<2x3200000xi32, #tpu.memory_space<hbm>> -> memref<1x512xi32, #tpu.memory_space<hbm>>
      %dma_start3A_72 = tpu.memref_squeeze %dma_start3A_71 : memref<1x512xi32, #tpu.memory_space<hbm>> -> memref<512xi32, #tpu.memory_space<hbm>>
      tpu.enqueue_dma source(%dma_start3A_72 : memref<512xi32, #tpu.memory_space<hbm>>) target(%arg11 : memref<512xi32, #tpu.memory_space<vmem>>) target_semaphore(%arg19 : memref<!tpu.dma_semaphore, #tpu.memory_space<semaphore_mem>>)
    } else {
    }
    %scan3A = arith.constant 0 : i32
    %scan3A_40 = arith.constant 0 : i32
    %scan3A_41 = arith.constant 196 : i32
    %scan3A_42 = arith.addi %scan3A_40, %scan3A_41 : i32
    %scan3A_43 = arith.constant 1 : i32
    scf.for %scan3A_57 = %scan3A_40 to %scan3A_42 step %scan3A_43  : i32 {
      %jit3A = arith.constant 2 : i32
      %eq3A = arith.constant 0 : i32
      %eq3A_58 = arith.cmpi eq, %jit3A, %eq3A : i32
      %jit3A_59 = arith.constant 1 : i32
      %select_n3A = arith.select %eq3A_58, %jit3A_59, %jit3A : i32
      %rem3A = arith.remsi %scan3A_57, %select_n3A : i32
      %ne3A = arith.constant 0 : i32
      %ne3A_60 = arith.cmpi ne, %rem3A, %ne3A : i32
      %lt3A_61 = arith.constant 0 : i32
      %lt3A_62 = arith.cmpi slt, %rem3A, %lt3A_61 : i32
      %lt3A_63 = arith.constant 0 : i32
      %lt3A_64 = arith.cmpi slt, %select_n3A, %lt3A_63 : i32
      %ne3A_65 = arith.xori %lt3A_62, %lt3A_64 : i1
      %and3A = arith.andi %ne3A_65, %ne3A_60 : i1
      %add3A_66 = arith.addi %rem3A, %select_n3A : i32
      %select_n3A_67 = arith.select %and3A, %add3A_66, %rem3A : i32
      %mul3A_68 = arith.constant 32 : i32
      %mul3A_69 = arith.muli %scan3A_57, %mul3A_68 : i32
      %add3A_70 = arith.addi %add3A, %mul3A_69 : i32
      %lt3A_71 = arith.constant 6250 : i32
      %lt3A_72 = arith.cmpi slt, %add3A_70, %lt3A_71 : i32
      %eq3A_73 = arith.constant 0 : i32
      %eq3A_74 = arith.cmpi eq, %select_n3A_67, %eq3A_73 : i32
      %and3A_75 = arith.andi %lt3A_72, %eq3A_74 : i1
      %convert_element_type3A_76 = arith.extui %and3A_75 : i1 to i32
      %cond3A_77 = arith.constant 0 : i32
      %cond3A_78 = arith.cmpi ne, %convert_element_type3A_76, %cond3A_77 : i32
      scf.if %cond3A_78 {
        %add3A_87 = arith.constant 32 : i32
        %add3A_88 = arith.addi %add3A_70, %add3A_87 : i32
        %lt3A_89 = arith.constant 6250 : i32
        %lt3A_90 = arith.cmpi slt, %add3A_88, %lt3A_89 : i32
        %convert_element_type3A_91 = arith.extui %lt3A_90 : i1 to i32
        %cond3A_92 = arith.constant 0 : i32
        %cond3A_93 = arith.cmpi ne, %convert_element_type3A_91, %cond3A_92 : i32
        scf.if %cond3A_93 {
          %dma_wait3A_1266 = arith.constant 0 : i32
          %dma_wait3A_1267 = arith.constant 0 : i32
          %dma_wait3A_1268 = tpu.memref_slice %arg2[%dma_wait3A_1266, %dma_wait3A_1267] : memref<2x3200000xi32, #tpu.memory_space<hbm>> -> memref<1x512xi32, #tpu.memory_space<hbm>>
          %dma_wait3A_1269 = tpu.memref_squeeze %dma_wait3A_1268 : memref<1x512xi32, #tpu.memory_space<hbm>> -> memref<512xi32, #tpu.memory_space<hbm>>
          %dma_wait3A_1270 = arith.constant 0 : i32
          %dma_wait3A_1271 = tpu.memref_slice %arg2[%dma_wait3A_1266, %dma_wait3A_1270] : memref<2x3200000xi32, #tpu.memory_space<hbm>> -> memref<1x512xi32, #tpu.memory_space<hbm>>
          %dma_wait3A_1272 = tpu.memref_squeeze %dma_wait3A_1271 : memref<1x512xi32, #tpu.memory_space<hbm>> -> memref<512xi32, #tpu.memory_space<hbm>>
          tpu.wait_dma2 semaphore(%arg19 : memref<!tpu.dma_semaphore, #tpu.memory_space<semaphore_mem>>) src(%dma_wait3A_1272 : memref<512xi32, #tpu.memory_space<hbm>>) dst(%arg9 : memref<512xi32, #tpu.memory_space<vmem>>)
          %dma_wait3A_1273 = arith.constant 1 : i32
          %dma_wait3A_1274 = arith.constant 0 : i32
          %dma_wait3A_1275 = tpu.memref_slice %arg2[%dma_wait3A_1273, %dma_wait3A_1274] : memref<2x3200000xi32, #tpu.memory_space<hbm>> -> memref<1x512xi32, #tpu.memory_space<hbm>>
          %dma_wait3A_1276 = tpu.memref_squeeze %dma_wait3A_1275 : memref<1x512xi32, #tpu.memory_space<hbm>> -> memref<512xi32, #tpu.memory_space<hbm>>
          %dma_wait3A_1277 = arith.constant 0 : i32
          %dma_wait3A_1278 = tpu.memref_slice %arg2[%dma_wait3A_1273, %dma_wait3A_1277] : memref<2x3200000xi32, #tpu.memory_space<hbm>> -> memref<1x512xi32, #tpu.memory_space<hbm>>
          %dma_wait3A_1279 = tpu.memref_squeeze %dma_wait3A_1278 : memref<1x512xi32, #tpu.memory_space<hbm>> -> memref<512xi32, #tpu.memory_space<hbm>>
          tpu.wait_dma2 semaphore(%arg19 : memref<!tpu.dma_semaphore, #tpu.memory_space<semaphore_mem>>) src(%dma_wait3A_1279 : memref<512xi32, #tpu.memory_space<hbm>>) dst(%arg11 : memref<512xi32, #tpu.memory_space<vmem>>)
          %ge3A = arith.constant 1 : i32
          %ge3A_1280 = arith.cmpi sge, %scan3A_57, %ge3A : i32
          %convert_element_type3A_1281 = arith.extui %ge3A_1280 : i1 to i32
          %cond3A_1282 = arith.constant 0 : i32
          %cond3A_1283 = arith.cmpi ne, %convert_element_type3A_1281, %cond3A_1282 : i32
          scf.if %cond3A_1283 {
            %dma_wait3A_1290 = arith.constant 0 : i32
            %dma_wait3A_1291 = arith.constant 0 : i32
            %dma_wait3A_1292 = tpu.memref_slice %arg6[%dma_wait3A_1290, %dma_wait3A_1291] : memref<3200000x16xf32, #tpu.memory_space<hbm>> -> memref<512x16xf32, #tpu.memory_space<hbm>>
            %dma_wait3A_1293 = arith.constant 0 : i32
            %dma_wait3A_1294 = arith.constant 0 : i32
            %dma_wait3A_1295 = tpu.memref_slice %arg6[%dma_wait3A_1293, %dma_wait3A_1294] : memref<3200000x16xf32, #tpu.memory_space<hbm>> -> memref<512x16xf32, #tpu.memory_space<hbm>>
            tpu.wait_dma2 semaphore(%arg23 : memref<!tpu.dma_semaphore, #tpu.memory_space<semaphore_mem>>) src(%arg15 : memref<512x16xf32, #tpu.memory_space<vmem>>) dst(%dma_wait3A_1295 : memref<512x16xf32, #tpu.memory_space<hbm>>)
          } else {
          }
          %dma_start3A_1284 = arith.constant 0 : i32
          %dma_start3A_1285 = arith.constant 0 : i32
          %dma_start3A_1286 = tpu.memref_slice %arg3[%dma_start3A_1284, %dma_start3A_1285] : memref<100000x16xf32, #tpu.memory_space<hbm>> -> memref<100000x16xf32, #tpu.memory_space<hbm>>
          tpu.enqueue_indirect_dma source(%dma_start3A_1286 : memref<100000x16xf32, #tpu.memory_space<hbm>>) target(%arg15 : memref<512x16xf32, #tpu.memory_space<vmem>>) offsets(%arg9 : memref<512xi32, #tpu.memory_space<vmem>>) semaphore(%arg21 : memref<!tpu.dma_semaphore, #tpu.memory_space<semaphore_mem>>)
          %dma_start3A_1287 = arith.constant 0 : i32
          %dma_start3A_1288 = arith.constant 0 : i32
          %dma_start3A_1289 = tpu.memref_slice %arg4[%dma_start3A_1287, %dma_start3A_1288] : memref<100000x16xf32, #tpu.memory_space<hbm>> -> memref<100000x16xf32, #tpu.memory_space<hbm>>
          tpu.enqueue_indirect_dma source(%dma_start3A_1289 : memref<100000x16xf32, #tpu.memory_space<hbm>>) target(%arg17 : memref<512x16xf32, #tpu.memory_space<vmem>>) offsets(%arg11 : memref<512xi32, #tpu.memory_space<vmem>>) semaphore(%arg21 : memref<!tpu.dma_semaphore, #tpu.memory_space<semaphore_mem>>)
        } else {
        }
        %get3A = arith.constant 0 : index
        %get3A_94 = tpu.vector_load %arg8[%get3A] {strides = array<i32>} : memref<512xi32, #tpu.memory_space<vmem>>, vector<16xi32>,
        %get3A_95 = arith.constant 0 : index
        %get3A_96 = tpu.vector_load %arg10[%get3A_95] {strides = array<i32>} : memref<512xi32, #tpu.memory_space<vmem>>, vector<16xi32>,
        %shift_right_arithmetic3A = arith.constant 1 : i32
        %shift_right_arithmetic3A_97 = vector.broadcast %shift_right_arithmetic3A : i32 to vector<16xi32>
        %shift_right_arithmetic3A_98 = arith.shrsi %get3A_94, %shift_right_arithmetic3A_97 : vector<16xi32>
        %gather3A = tpu.vector_load_idx %arg7[%shift_right_arithmetic3A_98] : memref<50000xi32, #tpu.memory_space<vmem>>[vector<16xi32>], vector<16xi32>,
        %and3A_99 = arith.constant 1 : i32
        %and3A_100 = vector.broadcast %and3A_99 : i32 to vector<16xi32>
        %and3A_101 = arith.andi %get3A_94, %and3A_100 : vector<16xi32>
        %shift_left3A = arith.constant 4 : i32
        %shift_left3A_102 = vector.broadcast %shift_left3A : i32 to vector<16xi32>
        %shift_left3A_103 = arith.shli %and3A_101, %shift_left3A_102 : vector<16xi32>
        %shift_right_arithmetic3A_104 = arith.shrsi %gather3A, %shift_left3A_103 : vector<16xi32>
        %and3A_105 = arith.constant 65535 : i32
        %and3A_106 = vector.broadcast %and3A_105 : i32 to vector<16xi32>
        %and3A_107 = arith.andi %shift_right_arithmetic3A_104, %and3A_106 : vector<16xi32>
        %shift_right_arithmetic3A_108 = arith.constant 1 : i32
        %shift_right_arithmetic3A_109 = vector.broadcast %shift_right_arithmetic3A_108 : i32 to vector<16xi32>
        %shift_right_arithmetic3A_110 = arith.shrsi %get3A_96, %shift_right_arithmetic3A_109 : vector<16xi32>
        %gather3A_111 = tpu.vector_load_idx %arg7[%shift_right_arithmetic3A_110] : memref<50000xi32, #tpu.memory_space<vmem>>[vector<16xi32>], vector<16xi32>,
        %and3A_112 = arith.constant 1 : i32
        %and3A_113 = vector.broadcast %and3A_112 : i32 to vector<16xi32>
        %and3A_114 = arith.andi %get3A_96, %and3A_113 : vector<16xi32>
        %shift_left3A_115 = arith.constant 4 : i32
        %shift_left3A_116 = vector.broadcast %shift_left3A_115 : i32 to vector<16xi32>
        %shift_left3A_117 = arith.shli %and3A_114, %shift_left3A_116 : vector<16xi32>
        %shift_right_arithmetic3A_118 = arith.shrsi %gather3A_111, %shift_left3A_117 : vector<16xi32>
        %and3A_119 = arith.constant 65535 : i32
        %and3A_120 = vector.broadcast %and3A_119 : i32 to vector<16xi32>
        %and3A_121 = arith.andi %shift_right_arithmetic3A_118, %and3A_120 : vector<16xi32>
        %eq3A_122 = arith.cmpi eq, %and3A_107, %and3A_121 : vector<16xi32>
        %select_n3A_123 = arith.select %eq3A_122, %broadcast_in_dim3A_1, %broadcast_in_dim3A_3 : vector<16xi1>, vector<16xf32>
        %swap3A = arith.constant 0 : index
        %swap3A_124 = tpu.vector_load %arg12[%swap3A] {strides = array<i32>} : memref<512xf32, #tpu.memory_space<vmem>>, vector<16xf32>,
        tpu.vector_store %arg12[%swap3A], %select_n3A_123 {strides = array<i32>} : memref<512xf32, #tpu.memory_space<vmem>>, vector<16xf32>,
        %get3A_125 = arith.constant 16 : index
        %get3A_126 = tpu.vector_load %arg8[%get3A_125] {strides = array<i32>} : memref<512xi32, #tpu.memory_space<vmem>>, vector<16xi32>,
        %get3A_127 = arith.constant 16 : index
        %get3A_128 = tpu.vector_load %arg10[%get3A_127] {strides = array<i32>} : memref<512xi32, #tpu.memory_space<vmem>>, vector<16xi32>,
        %shift_right_arithmetic3A_129 = arith.constant 1 : i32
        %shift_right_arithmetic3A_130 = vector.broadcast %shift_right_arithmetic3A_129 : i32 to vector<16xi32>
        %shift_right_arithmetic3A_131 = arith.shrsi %get3A_126, %shift_right_arithmetic3A_130 : vector<16xi32>
        %gather3A_132 = tpu.vector_load_idx %arg7[%shift_right_arithmetic3A_131] : memref<50000xi32, #tpu.memory_space<vmem>>[vector<16xi32>], vector<16xi32>,
        %and3A_133 = arith.constant 1 : i32
        %and3A_134 = vector.broadcast %and3A_133 : i32 to vector<16xi32>
        %and3A_135 = arith.andi %get3A_126, %and3A_134 : vector<16xi32>
        %shift_left3A_136 = arith.constant 4 : i32
        %shift_left3A_137 = vector.broadcast %shift_left3A_136 : i32 to vector<16xi32>
        %shift_left3A_138 = arith.shli %and3A_135, %shift_left3A_137 : vector<16xi32>
        %shift_right_arithmetic3A_139 = arith.shrsi %gather3A_132, %shift_left3A_138 : vector<16xi32>
        %and3A_140 = arith.constant 65535 : i32
        %and3A_141 = vector.broadcast %and3A_140 : i32 to vector<16xi32>
        %and3A_142 = arith.andi %shift_right_arithmetic3A_139, %and3A_141 : vector<16xi32>
        %shift_right_arithmetic3A_143 = arith.constant 1 : i32
        %shift_right_arithmetic3A_144 = vector.broadcast %shift_right_arithmetic3A_143 : i32 to vector<16xi32>
        %shift_right_arithmetic3A_145 = arith.shrsi %get3A_128, %shift_right_arithmetic3A_144 : vector<16xi32>
        %gather3A_146 = tpu.vector_load_idx %arg7[%shift_right_arithmetic3A_145] : memref<50000xi32, #tpu.memory_space<vmem>>[vector<16xi32>], vector<16xi32>,
        %and3A_147 = arith.constant 1 : i32
        %and3A_148 = vector.broadcast %and3A_147 : i32 to vector<16xi32>
        %and3A_149 = arith.andi %get3A_128, %and3A_148 : vector<16xi32>
        %shift_left3A_150 = arith.constant 4 : i32
        %shift_left3A_151 = vector.broadcast %shift_left3A_150 : i32 to vector<16xi32>
        %shift_left3A_152 = arith.shli %and3A_149, %shift_left3A_151 : vector<16xi32>
        %shift_right_arithmetic3A_153 = arith.shrsi %gather3A_146, %shift_left3A_152 : vector<16xi32>
        %and3A_154 = arith.constant 65535 : i32
        %and3A_155 = vector.broadcast %and3A_154 : i32 to vector<16xi32>
        %and3A_156 = arith.andi %shift_right_arithmetic3A_153, %and3A_155 : vector<16xi32>
        %eq3A_157 = arith.cmpi eq, %and3A_142, %and3A_156 : vector<16xi32>
        %select_n3A_158 = arith.select %eq3A_157, %broadcast_in_dim3A_1, %broadcast_in_dim3A_3 : vector<16xi1>, vector<16xf32>
        %swap3A_159 = arith.constant 16 : index
        %swap3A_160 = tpu.vector_load %arg12[%swap3A_159] {strides = array<i32>} : memref<512xf32, #tpu.memory_space<vmem>>, vector<16xf32>,
        tpu.vector_store %arg12[%swap3A_159], %select_n3A_158 {strides = array<i32>} : memref<512xf32, #tpu.memory_space<vmem>>, vector<16xf32>,
        %get3A_161 = arith.constant 32 : index
        %get3A_162 = tpu.vector_load %arg8[%get3A_161] {strides = array<i32>} : memref<512xi32, #tpu.memory_space<vmem>>, vector<16xi32>,
        %get3A_163 = arith.constant 32 : index
        %get3A_164 = tpu.vector_load %arg10[%get3A_163] {strides = array<i32>} : memref<512xi32, #tpu.memory_space<vmem>>, vector<16xi32>,
        %shift_right_arithmetic3A_165 = arith.constant 1 : i32
        %shift_right_arithmetic3A_166 = vector.broadcast %shift_right_arithmetic3A_165 : i32 to vector<16xi32>
        %shift_right_arithmetic3A_167 = arith.shrsi %get3A_162, %shift_right_arithmetic3A_166 : vector<16xi32>
        %gather3A_168 = tpu.vector_load_idx %arg7[%shift_right_arithmetic3A_167] : memref<50000xi32, #tpu.memory_space<vmem>>[vector<16xi32>], vector<16xi32>,
        %and3A_169 = arith.constant 1 : i32
        %and3A_170 = vector.broadcast %and3A_169 : i32 to vector<16xi32>
        %and3A_171 = arith.andi %get3A_162, %and3A_170 : vector<16xi32>
        %shift_left3A_172 = arith.constant 4 : i32
        %shift_left3A_173 = vector.broadcast %shift_left3A_172 : i32 to vector<16xi32>
        %shift_left3A_174 = arith.shli %and3A_171, %shift_left3A_173 : vector<16xi32>
        %shift_right_arithmetic3A_175 = arith.shrsi %gather3A_168, %shift_left3A_174 : vector<16xi32>
        %and3A_176 = arith.constant 65535 : i32
        %and3A_177 = vector.broadcast %and3A_176 : i32 to vector<16xi32>
        %and3A_178 = arith.andi %shift_right_arithmetic3A_175, %and3A_177 : vector<16xi32>
        %shift_right_arithmetic3A_179 = arith.constant 1 : i32
        %shift_right_arithmetic3A_180 = vector.broadcast %shift_right_arithmetic3A_179 : i32 to vector<16xi32>
        %shift_right_arithmetic3A_181 = arith.shrsi %get3A_164, %shift_right_arithmetic3A_180 : vector<16xi32>
        %gather3A_182 = tpu.vector_load_idx %arg7[%shift_right_arithmetic3A_181] : memref<50000xi32, #tpu.memory_space<vmem>>[vector<16xi32>], vector<16xi32>,
        %and3A_183 = arith.constant 1 : i32
        %and3A_184 = vector.broadcast %and3A_183 : i32 to vector<16xi32>
        %and3A_185 = arith.andi %get3A_164, %and3A_184 : vector<16xi32>
        %shift_left3A_186 = arith.constant 4 : i32
        %shift_left3A_187 = vector.broadcast %shift_left3A_186 : i32 to vector<16xi32>
        %shift_left3A_188 = arith.shli %and3A_185, %shift_left3A_187 : vector<16xi32>
        %shift_right_arithmetic3A_189 = arith.shrsi %gather3A_182, %shift_left3A_188 : vector<16xi32>
        %and3A_190 = arith.constant 65535 : i32
        %and3A_191 = vector.broadcast %and3A_190 : i32 to vector<16xi32>
        %and3A_192 = arith.andi %shift_right_arithmetic3A_189, %and3A_191 : vector<16xi32>
        %eq3A_193 = arith.cmpi eq, %and3A_178, %and3A_192 : vector<16xi32>
        %select_n3A_194 = arith.select %eq3A_193, %broadcast_in_dim3A_1, %broadcast_in_dim3A_3 : vector<16xi1>, vector<16xf32>
        %swap3A_195 = arith.constant 32 : index
        %swap3A_196 = tpu.vector_load %arg12[%swap3A_195] {strides = array<i32>} : memref<512xf32, #tpu.memory_space<vmem>>, vector<16xf32>,
        tpu.vector_store %arg12[%swap3A_195], %select_n3A_194 {strides = array<i32>} : memref<512xf32, #tpu.memory_space<vmem>>, vector<16xf32>,
        %get3A_197 = arith.constant 48 : index
        %get3A_198 = tpu.vector_load %arg8[%get3A_197] {strides = array<i32>} : memref<512xi32, #tpu.memory_space<vmem>>, vector<16xi32>,
        %get3A_199 = arith.constant 48 : index
        %get3A_200 = tpu.vector_load %arg10[%get3A_199] {strides = array<i32>} : memref<512xi32, #tpu.memory_space<vmem>>, vector<16xi32>,
        %shift_right_arithmetic3A_201 = arith.constant 1 : i32
        %shift_right_arithmetic3A_202 = vector.broadcast %shift_right_arithmetic3A_201 : i32 to vector<16xi32>
        %shift_right_arithmetic3A_203 = arith.shrsi %get3A_198, %shift_right_arithmetic3A_202 : vector<16xi32>
        %gather3A_204 = tpu.vector_load_idx %arg7[%shift_right_arithmetic3A_203] : memref<50000xi32, #tpu.memory_space<vmem>>[vector<16xi32>], vector<16xi32>,
        %and3A_205 = arith.constant 1 : i32
        %and3A_206 = vector.broadcast %and3A_205 : i32 to vector<16xi32>
        %and3A_207 = arith.andi %get3A_198, %and3A_206 : vector<16xi32>
        %shift_left3A_208 = arith.constant 4 : i32
        %shift_left3A_209 = vector.broadcast %shift_left3A_208 : i32 to vector<16xi32>
        %shift_left3A_210 = arith.shli %and3A_207, %shift_left3A_209 : vector<16xi32>
        %shift_right_arithmetic3A_211 = arith.shrsi %gather3A_204, %shift_left3A_210 : vector<16xi32>
        %and3A_212 = arith.constant 65535 : i32
        %and3A_213 = vector.broadcast %and3A_212 : i32 to vector<16xi32>
        %and3A_214 = arith.andi %shift_right_arithmetic3A_211, %and3A_213 : vector<16xi32>
        %shift_right_arithmetic3A_215 = arith.constant 1 : i32
        %shift_right_arithmetic3A_216 = vector.broadcast %shift_right_arithmetic3A_215 : i32 to vector<16xi32>
        %shift_right_arithmetic3A_217 = arith.shrsi %get3A_200, %shift_right_arithmetic3A_216 : vector<16xi32>
        %gather3A_218 = tpu.vector_load_idx %arg7[%shift_right_arithmetic3A_217] : memref<50000xi32, #tpu.memory_space<vmem>>[vector<16xi32>], vector<16xi32>,
        %and3A_219 = arith.constant 1 : i32
        %and3A_220 = vector.broadcast %and3A_219 : i32 to vector<16xi32>
        %and3A_221 = arith.andi %get3A_200, %and3A_220 : vector<16xi32>
        %shift_left3A_222 = arith.constant 4 : i32
        %shift_left3A_223 = vector.broadcast %shift_left3A_222 : i32 to vector<16xi32>
        %shift_left3A_224 = arith.shli %and3A_221, %shift_left3A_223 : vector<16xi32>
        %shift_right_arithmetic3A_225 = arith.shrsi %gather3A_218, %shift_left3A_224 : vector<16xi32>
        %and3A_226 = arith.constant 65535 : i32
        %and3A_227 = vector.broadcast %and3A_226 : i32 to vector<16xi32>
        %and3A_228 = arith.andi %shift_right_arithmetic3A_225, %and3A_227 : vector<16xi32>
        %eq3A_229 = arith.cmpi eq, %and3A_214, %and3A_228 : vector<16xi32>
        %select_n3A_230 = arith.select %eq3A_229, %broadcast_in_dim3A_1, %broadcast_in_dim3A_3 : vector<16xi1>, vector<16xf32>
        %swap3A_231 = arith.constant 48 : index
        %swap3A_232 = tpu.vector_load %arg12[%swap3A_231] {strides = array<i32>} : memref<512xf32, #tpu.memory_space<vmem>>, vector<16xf32>,
        tpu.vector_store %arg12[%swap3A_231], %select_n3A_230 {strides = array<i32>} : memref<512xf32, #tpu.memory_space<vmem>>, vector<16xf32>,
        %get3A_233 = arith.constant 64 : index
        %get3A_234 = tpu.vector_load %arg8[%get3A_233] {strides = array<i32>} : memref<512xi32, #tpu.memory_space<vmem>>, vector<16xi32>,
        %get3A_235 = arith.constant 64 : index
        %get3A_236 = tpu.vector_load %arg10[%get3A_235] {strides = array<i32>} : memref<512xi32, #tpu.memory_space<vmem>>, vector<16xi32>,
        %shift_right_arithmetic3A_237 = arith.constant 1 : i32
        %shift_right_arithmetic3A_238 = vector.broadcast %shift_right_arithmetic3A_237 : i32 to vector<16xi32>
        %shift_right_arithmetic3A_239 = arith.shrsi %get3A_234, %shift_right_arithmetic3A_238 : vector<16xi32>
        %gather3A_240 = tpu.vector_load_idx %arg7[%shift_right_arithmetic3A_239] : memref<50000xi32, #tpu.memory_space<vmem>>[vector<16xi32>], vector<16xi32>,
        %and3A_241 = arith.constant 1 : i32
        %and3A_242 = vector.broadcast %and3A_241 : i32 to vector<16xi32>
        %and3A_243 = arith.andi %get3A_234, %and3A_242 : vector<16xi32>
        %shift_left3A_244 = arith.constant 4 : i32
        %shift_left3A_245 = vector.broadcast %shift_left3A_244 : i32 to vector<16xi32>
        %shift_left3A_246 = arith.shli %and3A_243, %shift_left3A_245 : vector<16xi32>
        %shift_right_arithmetic3A_247 = arith.shrsi %gather3A_240, %shift_left3A_246 : vector<16xi32>
        %and3A_248 = arith.constant 65535 : i32
        %and3A_249 = vector.broadcast %and3A_248 : i32 to vector<16xi32>
        %and3A_250 = arith.andi %shift_right_arithmetic3A_247, %and3A_249 : vector<16xi32>
        %shift_right_arithmetic3A_251 = arith.constant 1 : i32
        %shift_right_arithmetic3A_252 = vector.broadcast %shift_right_arithmetic3A_251 : i32 to vector<16xi32>
        %shift_right_arithmetic3A_253 = arith.shrsi %get3A_236, %shift_right_arithmetic3A_252 : vector<16xi32>
        %gather3A_254 = tpu.vector_load_idx %arg7[%shift_right_arithmetic3A_253] : memref<50000xi32, #tpu.memory_space<vmem>>[vector<16xi32>], vector<16xi32>,
        %and3A_255 = arith.constant 1 : i32
        %and3A_256 = vector.broadcast %and3A_255 : i32 to vector<16xi32>
        %and3A_257 = arith.andi %get3A_236, %and3A_256 : vector<16xi32>
        %shift_left3A_258 = arith.constant 4 : i32
        %shift_left3A_259 = vector.broadcast %shift_left3A_258 : i32 to vector<16xi32>
        %shift_left3A_260 = arith.shli %and3A_257, %shift_left3A_259 : vector<16xi32>
        %shift_right_arithmetic3A_261 = arith.shrsi %gather3A_254, %shift_left3A_260 : vector<16xi32>
        %and3A_262 = arith.constant 65535 : i32
        %and3A_263 = vector.broadcast %and3A_262 : i32 to vector<16xi32>
        %and3A_264 = arith.andi %shift_right_arithmetic3A_261, %and3A_263 : vector<16xi32>
        %eq3A_265 = arith.cmpi eq, %and3A_250, %and3A_264 : vector<16xi32>
        %select_n3A_266 = arith.select %eq3A_265, %broadcast_in_dim3A_1, %broadcast_in_dim3A_3 : vector<16xi1>, vector<16xf32>
        %swap3A_267 = arith.constant 64 : index
        %swap3A_268 = tpu.vector_load %arg12[%swap3A_267] {strides = array<i32>} : memref<512xf32, #tpu.memory_space<vmem>>, vector<16xf32>,
        tpu.vector_store %arg12[%swap3A_267], %select_n3A_266 {strides = array<i32>} : memref<512xf32, #tpu.memory_space<vmem>>, vector<16xf32>,
        %get3A_269 = arith.constant 80 : index
        %get3A_270 = tpu.vector_load %arg8[%get3A_269] {strides = array<i32>} : memref<512xi32, #tpu.memory_space<vmem>>, vector<16xi32>,
        %get3A_271 = arith.constant 80 : index
        %get3A_272 = tpu.vector_load %arg10[%get3A_271] {strides = array<i32>} : memref<512xi32, #tpu.memory_space<vmem>>, vector<16xi32>,
        %shift_right_arithmetic3A_273 = arith.constant 1 : i32
        %shift_right_arithmetic3A_274 = vector.broadcast %shift_right_arithmetic3A_273 : i32 to vector<16xi32>
        %shift_right_arithmetic3A_275 = arith.shrsi %get3A_270, %shift_right_arithmetic3A_274 : vector<16xi32>
        %gather3A_276 = tpu.vector_load_idx %arg7[%shift_right_arithmetic3A_275] : memref<50000xi32, #tpu.memory_space<vmem>>[vector<16xi32>], vector<16xi32>,
        %and3A_277 = arith.constant 1 : i32
        %and3A_278 = vector.broadcast %and3A_277 : i32 to vector<16xi32>
        %and3A_279 = arith.andi %get3A_270, %and3A_278 : vector<16xi32>
        %shift_left3A_280 = arith.constant 4 : i32
        %shift_left3A_281 = vector.broadcast %shift_left3A_280 : i32 to vector<16xi32>
        %shift_left3A_282 = arith.shli %and3A_279, %shift_left3A_281 : vector<16xi32>
        %shift_right_arithmetic3A_283 = arith.shrsi %gather3A_276, %shift_left3A_282 : vector<16xi32>
        %and3A_284 = arith.constant 65535 : i32
        %and3A_285 = vector.broadcast %and3A_284 : i32 to vector<16xi32>
        %and3A_286 = arith.andi %shift_right_arithmetic3A_283, %and3A_285 : vector<16xi32>
        %shift_right_arithmetic3A_287 = arith.constant 1 : i32
        %shift_right_arithmetic3A_288 = vector.broadcast %shift_right_arithmetic3A_287 : i32 to vector<16xi32>
        %shift_right_arithmetic3A_289 = arith.shrsi %get3A_272, %shift_right_arithmetic3A_288 : vector<16xi32>
        %gather3A_290 = tpu.vector_load_idx %arg7[%shift_right_arithmetic3A_289] : memref<50000xi32, #tpu.memory_space<vmem>>[vector<16xi32>], vector<16xi32>,
        %and3A_291 = arith.constant 1 : i32
        %and3A_292 = vector.broadcast %and3A_291 : i32 to vector<16xi32>
        %and3A_293 = arith.andi %get3A_272, %and3A_292 : vector<16xi32>
        %shift_left3A_294 = arith.constant 4 : i32
        %shift_left3A_295 = vector.broadcast %shift_left3A_294 : i32 to vector<16xi32>
        %shift_left3A_296 = arith.shli %and3A_293, %shift_left3A_295 : vector<16xi32>
        %shift_right_arithmetic3A_297 = arith.shrsi %gather3A_290, %shift_left3A_296 : vector<16xi32>
        %and3A_298 = arith.constant 65535 : i32
        %and3A_299 = vector.broadcast %and3A_298 : i32 to vector<16xi32>
        %and3A_300 = arith.andi %shift_right_arithmetic3A_297, %and3A_299 : vector<16xi32>
        %eq3A_301 = arith.cmpi eq, %and3A_286, %and3A_300 : vector<16xi32>
        %select_n3A_302 = arith.select %eq3A_301, %broadcast_in_dim3A_1, %broadcast_in_dim3A_3 : vector<16xi1>, vector<16xf32>
        %swap3A_303 = arith.constant 80 : index
        %swap3A_304 = tpu.vector_load %arg12[%swap3A_303] {strides = array<i32>} : memref<512xf32, #tpu.memory_space<vmem>>, vector<16xf32>,
        tpu.vector_store %arg12[%swap3A_303], %select_n3A_302 {strides = array<i32>} : memref<512xf32, #tpu.memory_space<vmem>>, vector<16xf32>,
        %get3A_305 = arith.constant 96 : index
        %get3A_306 = tpu.vector_load %arg8[%get3A_305] {strides = array<i32>} : memref<512xi32, #tpu.memory_space<vmem>>, vector<16xi32>,
        %get3A_307 = arith.constant 96 : index
        %get3A_308 = tpu.vector_load %arg10[%get3A_307] {strides = array<i32>} : memref<512xi32, #tpu.memory_space<vmem>>, vector<16xi32>,
        %shift_right_arithmetic3A_309 = arith.constant 1 : i32
        %shift_right_arithmetic3A_310 = vector.broadcast %shift_right_arithmetic3A_309 : i32 to vector<16xi32>
        %shift_right_arithmetic3A_311 = arith.shrsi %get3A_306, %shift_right_arithmetic3A_310 : vector<16xi32>
        %gather3A_312 = tpu.vector_load_idx %arg7[%shift_right_arithmetic3A_311] : memref<50000xi32, #tpu.memory_space<vmem>>[vector<16xi32>], vector<16xi32>,
        %and3A_313 = arith.constant 1 : i32
        %and3A_314 = vector.broadcast %and3A_313 : i32 to vector<16xi32>
        %and3A_315 = arith.andi %get3A_306, %and3A_314 : vector<16xi32>
        %shift_left3A_316 = arith.constant 4 : i32
        %shift_left3A_317 = vector.broadcast %shift_left3A_316 : i32 to vector<16xi32>
        %shift_left3A_318 = arith.shli %and3A_315, %shift_left3A_317 : vector<16xi32>
        %shift_right_arithmetic3A_319 = arith.shrsi %gather3A_312, %shift_left3A_318 : vector<16xi32>
        %and3A_320 = arith.constant 65535 : i32
        %and3A_321 = vector.broadcast %and3A_320 : i32 to vector<16xi32>
        %and3A_322 = arith.andi %shift_right_arithmetic3A_319, %and3A_321 : vector<16xi32>
        %shift_right_arithmetic3A_323 = arith.constant 1 : i32
        %shift_right_arithmetic3A_324 = vector.broadcast %shift_right_arithmetic3A_323 : i32 to vector<16xi32>
        %shift_right_arithmetic3A_325 = arith.shrsi %get3A_308, %shift_right_arithmetic3A_324 : vector<16xi32>
        %gather3A_326 = tpu.vector_load_idx %arg7[%shift_right_arithmetic3A_325] : memref<50000xi32, #tpu.memory_space<vmem>>[vector<16xi32>], vector<16xi32>,
        %and3A_327 = arith.constant 1 : i32
        %and3A_328 = vector.broadcast %and3A_327 : i32 to vector<16xi32>
        %and3A_329 = arith.andi %get3A_308, %and3A_328 : vector<16xi32>
        %shift_left3A_330 = arith.constant 4 : i32
        %shift_left3A_331 = vector.broadcast %shift_left3A_330 : i32 to vector<16xi32>
        %shift_left3A_332 = arith.shli %and3A_329, %shift_left3A_331 : vector<16xi32>
        %shift_right_arithmetic3A_333 = arith.shrsi %gather3A_326, %shift_left3A_332 : vector<16xi32>
        %and3A_334 = arith.constant 65535 : i32
        %and3A_335 = vector.broadcast %and3A_334 : i32 to vector<16xi32>
        %and3A_336 = arith.andi %shift_right_arithmetic3A_333, %and3A_335 : vector<16xi32>
        %eq3A_337 = arith.cmpi eq, %and3A_322, %and3A_336 : vector<16xi32>
        %select_n3A_338 = arith.select %eq3A_337, %broadcast_in_dim3A_1, %broadcast_in_dim3A_3 : vector<16xi1>, vector<16xf32>
        %swap3A_339 = arith.constant 96 : index
        %swap3A_340 = tpu.vector_load %arg12[%swap3A_339] {strides = array<i32>} : memref<512xf32, #tpu.memory_space<vmem>>, vector<16xf32>,
        tpu.vector_store %arg12[%swap3A_339], %select_n3A_338 {strides = array<i32>} : memref<512xf32, #tpu.memory_space<vmem>>, vector<16xf32>,
        %get3A_341 = arith.constant 112 : index
        %get3A_342 = tpu.vector_load %arg8[%get3A_341] {strides = array<i32>} : memref<512xi32, #tpu.memory_space<vmem>>, vector<16xi32>,
        %get3A_343 = arith.constant 112 : index
        %get3A_344 = tpu.vector_load %arg10[%get3A_343] {strides = array<i32>} : memref<512xi32, #tpu.memory_space<vmem>>, vector<16xi32>,
        %shift_right_arithmetic3A_345 = arith.constant 1 : i32
        %shift_right_arithmetic3A_346 = vector.broadcast %shift_right_arithmetic3A_345 : i32 to vector<16xi32>
        %shift_right_arithmetic3A_347 = arith.shrsi %get3A_342, %shift_right_arithmetic3A_346 : vector<16xi32>
        %gather3A_348 = tpu.vector_load_idx %arg7[%shift_right_arithmetic3A_347] : memref<50000xi32, #tpu.memory_space<vmem>>[vector<16xi32>], vector<16xi32>,
        %and3A_349 = arith.constant 1 : i32
        %and3A_350 = vector.broadcast %and3A_349 : i32 to vector<16xi32>
        %and3A_351 = arith.andi %get3A_342, %and3A_350 : vector<16xi32>
        %shift_left3A_352 = arith.constant 4 : i32
        %shift_left3A_353 = vector.broadcast %shift_left3A_352 : i32 to vector<16xi32>
        %shift_left3A_354 = arith.shli %and3A_351, %shift_left3A_353 : vector<16xi32>
        %shift_right_arithmetic3A_355 = arith.shrsi %gather3A_348, %shift_left3A_354 : vector<16xi32>
        %and3A_356 = arith.constant 65535 : i32
        %and3A_357 = vector.broadcast %and3A_356 : i32 to vector<16xi32>
        %and3A_358 = arith.andi %shift_right_arithmetic3A_355, %and3A_357 : vector<16xi32>
        %shift_right_arithmetic3A_359 = arith.constant 1 : i32
        %shift_right_arithmetic3A_360 = vector.broadcast %shift_right_arithmetic3A_359 : i32 to vector<16xi32>
        %shift_right_arithmetic3A_361 = arith.shrsi %get3A_344, %shift_right_arithmetic3A_360 : vector<16xi32>
        %gather3A_362 = tpu.vector_load_idx %arg7[%shift_right_arithmetic3A_361] : memref<50000xi32, #tpu.memory_space<vmem>>[vector<16xi32>], vector<16xi32>,
        %and3A_363 = arith.constant 1 : i32
        %and3A_364 = vector.broadcast %and3A_363 : i32 to vector<16xi32>
        %and3A_365 = arith.andi %get3A_344, %and3A_364 : vector<16xi32>
        %shift_left3A_366 = arith.constant 4 : i32
        %shift_left3A_367 = vector.broadcast %shift_left3A_366 : i32 to vector<16xi32>
        %shift_left3A_368 = arith.shli %and3A_365, %shift_left3A_367 : vector<16xi32>
        %shift_right_arithmetic3A_369 = arith.shrsi %gather3A_362, %shift_left3A_368 : vector<16xi32>
        %and3A_370 = arith.constant 65535 : i32
        %and3A_371 = vector.broadcast %and3A_370 : i32 to vector<16xi32>
        %and3A_372 = arith.andi %shift_right_arithmetic3A_369, %and3A_371 : vector<16xi32>
        %eq3A_373 = arith.cmpi eq, %and3A_358, %and3A_372 : vector<16xi32>
        %select_n3A_374 = arith.select %eq3A_373, %broadcast_in_dim3A_1, %broadcast_in_dim3A_3 : vector<16xi1>, vector<16xf32>
        %swap3A_375 = arith.constant 112 : index
        %swap3A_376 = tpu.vector_load %arg12[%swap3A_375] {strides = array<i32>} : memref<512xf32, #tpu.memory_space<vmem>>, vector<16xf32>,
        tpu.vector_store %arg12[%swap3A_375], %select_n3A_374 {strides = array<i32>} : memref<512xf32, #tpu.memory_space<vmem>>, vector<16xf32>,
        %get3A_377 = arith.constant 128 : index
        %get3A_378 = tpu.vector_load %arg8[%get3A_377] {strides = array<i32>} : memref<512xi32, #tpu.memory_space<vmem>>, vector<16xi32>,
        %get3A_379 = arith.constant 128 : index
        %get3A_380 = tpu.vector_load %arg10[%get3A_379] {strides = array<i32>} : memref<512xi32, #tpu.memory_space<vmem>>, vector<16xi32>,
        %shift_right_arithmetic3A_381 = arith.constant 1 : i32
        %shift_right_arithmetic3A_382 = vector.broadcast %shift_right_arithmetic3A_381 : i32 to vector<16xi32>
        %shift_right_arithmetic3A_383 = arith.shrsi %get3A_378, %shift_right_arithmetic3A_382 : vector<16xi32>
        %gather3A_384 = tpu.vector_load_idx %arg7[%shift_right_arithmetic3A_383] : memref<50000xi32, #tpu.memory_space<vmem>>[vector<16xi32>], vector<16xi32>,
        %and3A_385 = arith.constant 1 : i32
        %and3A_386 = vector.broadcast %and3A_385 : i32 to vector<16xi32>
        %and3A_387 = arith.andi %get3A_378, %and3A_386 : vector<16xi32>
        %shift_left3A_388 = arith.constant 4 : i32
        %shift_left3A_389 = vector.broadcast %shift_left3A_388 : i32 to vector<16xi32>
        %shift_left3A_390 = arith.shli %and3A_387, %shift_left3A_389 : vector<16xi32>
        %shift_right_arithmetic3A_391 = arith.shrsi %gather3A_384, %shift_left3A_390 : vector<16xi32>
        %and3A_392 = arith.constant 65535 : i32
        %and3A_393 = vector.broadcast %and3A_392 : i32 to vector<16xi32>
        %and3A_394 = arith.andi %shift_right_arithmetic3A_391, %and3A_393 : vector<16xi32>
        %shift_right_arithmetic3A_395 = arith.constant 1 : i32
        %shift_right_arithmetic3A_396 = vector.broadcast %shift_right_arithmetic3A_395 : i32 to vector<16xi32>
        %shift_right_arithmetic3A_397 = arith.shrsi %get3A_380, %shift_right_arithmetic3A_396 : vector<16xi32>
        %gather3A_398 = tpu.vector_load_idx %arg7[%shift_right_arithmetic3A_397] : memref<50000xi32, #tpu.memory_space<vmem>>[vector<16xi32>], vector<16xi32>,
        %and3A_399 = arith.constant 1 : i32
        %and3A_400 = vector.broadcast %and3A_399 : i32 to vector<16xi32>
        %and3A_401 = arith.andi %get3A_380, %and3A_400 : vector<16xi32>
        %shift_left3A_402 = arith.constant 4 : i32
        %shift_left3A_403 = vector.broadcast %shift_left3A_402 : i32 to vector<16xi32>
        %shift_left3A_404 = arith.shli %and3A_401, %shift_left3A_403 : vector<16xi32>
        %shift_right_arithmetic3A_405 = arith.shrsi %gather3A_398, %shift_left3A_404 : vector<16xi32>
        %and3A_406 = arith.constant 65535 : i32
        %and3A_407 = vector.broadcast %and3A_406 : i32 to vector<16xi32>
        %and3A_408 = arith.andi %shift_right_arithmetic3A_405, %and3A_407 : vector<16xi32>
        %eq3A_409 = arith.cmpi eq, %and3A_394, %and3A_408 : vector<16xi32>
        %select_n3A_410 = arith.select %eq3A_409, %broadcast_in_dim3A_1, %broadcast_in_dim3A_3 : vector<16xi1>, vector<16xf32>
        %swap3A_411 = arith.constant 128 : index
        %swap3A_412 = tpu.vector_load %arg12[%swap3A_411] {strides = array<i32>} : memref<512xf32, #tpu.memory_space<vmem>>, vector<16xf32>,
        tpu.vector_store %arg12[%swap3A_411], %select_n3A_410 {strides = array<i32>} : memref<512xf32, #tpu.memory_space<vmem>>, vector<16xf32>,
        %get3A_413 = arith.constant 144 : index
        %get3A_414 = tpu.vector_load %arg8[%get3A_413] {strides = array<i32>} : memref<512xi32, #tpu.memory_space<vmem>>, vector<16xi32>,
        %get3A_415 = arith.constant 144 : index
        %get3A_416 = tpu.vector_load %arg10[%get3A_415] {strides = array<i32>} : memref<512xi32, #tpu.memory_space<vmem>>, vector<16xi32>,
        %shift_right_arithmetic3A_417 = arith.constant 1 : i32
        %shift_right_arithmetic3A_418 = vector.broadcast %shift_right_arithmetic3A_417 : i32 to vector<16xi32>
        %shift_right_arithmetic3A_419 = arith.shrsi %get3A_414, %shift_right_arithmetic3A_418 : vector<16xi32>
        %gather3A_420 = tpu.vector_load_idx %arg7[%shift_right_arithmetic3A_419] : memref<50000xi32, #tpu.memory_space<vmem>>[vector<16xi32>], vector<16xi32>,
        %and3A_421 = arith.constant 1 : i32
        %and3A_422 = vector.broadcast %and3A_421 : i32 to vector<16xi32>
        %and3A_423 = arith.andi %get3A_414, %and3A_422 : vector<16xi32>
        %shift_left3A_424 = arith.constant 4 : i32
        %shift_left3A_425 = vector.broadcast %shift_left3A_424 : i32 to vector<16xi32>
        %shift_left3A_426 = arith.shli %and3A_423, %shift_left3A_425 : vector<16xi32>
        %shift_right_arithmetic3A_427 = arith.shrsi %gather3A_420, %shift_left3A_426 : vector<16xi32>
        %and3A_428 = arith.constant 65535 : i32
        %and3A_429 = vector.broadcast %and3A_428 : i32 to vector<16xi32>
        %and3A_430 = arith.andi %shift_right_arithmetic3A_427, %and3A_429 : vector<16xi32>
        %shift_right_arithmetic3A_431 = arith.constant 1 : i32
        %shift_right_arithmetic3A_432 = vector.broadcast %shift_right_arithmetic3A_431 : i32 to vector<16xi32>
        %shift_right_arithmetic3A_433 = arith.shrsi %get3A_416, %shift_right_arithmetic3A_432 : vector<16xi32>
        %gather3A_434 = tpu.vector_load_idx %arg7[%shift_right_arithmetic3A_433] : memref<50000xi32, #tpu.memory_space<vmem>>[vector<16xi32>], vector<16xi32>,
        %and3A_435 = arith.constant 1 : i32
        %and3A_436 = vector.broadcast %and3A_435 : i32 to vector<16xi32>
        %and3A_437 = arith.andi %get3A_416, %and3A_436 : vector<16xi32>
        %shift_left3A_438 = arith.constant 4 : i32
        %shift_left3A_439 = vector.broadcast %shift_left3A_438 : i32 to vector<16xi32>
        %shift_left3A_440 = arith.shli %and3A_437, %shift_left3A_439 : vector<16xi32>
        %shift_right_arithmetic3A_441 = arith.shrsi %gather3A_434, %shift_left3A_440 : vector<16xi32>
        %and3A_442 = arith.constant 65535 : i32
        %and3A_443 = vector.broadcast %and3A_442 : i32 to vector<16xi32>
        %and3A_444 = arith.andi %shift_right_arithmetic3A_441, %and3A_443 : vector<16xi32>
        %eq3A_445 = arith.cmpi eq, %and3A_430, %and3A_444 : vector<16xi32>
        %select_n3A_446 = arith.select %eq3A_445, %broadcast_in_dim3A_1, %broadcast_in_dim3A_3 : vector<16xi1>, vector<16xf32>
        %swap3A_447 = arith.constant 144 : index
        %swap3A_448 = tpu.vector_load %arg12[%swap3A_447] {strides = array<i32>} : memref<512xf32, #tpu.memory_space<vmem>>, vector<16xf32>,
        tpu.vector_store %arg12[%swap3A_447], %select_n3A_446 {strides = array<i32>} : memref<512xf32, #tpu.memory_space<vmem>>, vector<16xf32>,
        %get3A_449 = arith.constant 160 : index
        %get3A_450 = tpu.vector_load %arg8[%get3A_449] {strides = array<i32>} : memref<512xi32, #tpu.memory_space<vmem>>, vector<16xi32>,
        %get3A_451 = arith.constant 160 : index
        %get3A_452 = tpu.vector_load %arg10[%get3A_451] {strides = array<i32>} : memref<512xi32, #tpu.memory_space<vmem>>, vector<16xi32>,
        %shift_right_arithmetic3A_453 = arith.constant 1 : i32
        %shift_right_arithmetic3A_454 = vector.broadcast %shift_right_arithmetic3A_453 : i32 to vector<16xi32>
        %shift_right_arithmetic3A_455 = arith.shrsi %get3A_450, %shift_right_arithmetic3A_454 : vector<16xi32>
        %gather3A_456 = tpu.vector_load_idx %arg7[%shift_right_arithmetic3A_455] : memref<50000xi32, #tpu.memory_space<vmem>>[vector<16xi32>], vector<16xi32>,
        %and3A_457 = arith.constant 1 : i32
        %and3A_458 = vector.broadcast %and3A_457 : i32 to vector<16xi32>
        %and3A_459 = arith.andi %get3A_450, %and3A_458 : vector<16xi32>
        %shift_left3A_460 = arith.constant 4 : i32
        %shift_left3A_461 = vector.broadcast %shift_left3A_460 : i32 to vector<16xi32>
        %shift_left3A_462 = arith.shli %and3A_459, %shift_left3A_461 : vector<16xi32>
        %shift_right_arithmetic3A_463 = arith.shrsi %gather3A_456, %shift_left3A_462 : vector<16xi32>
        %and3A_464 = arith.constant 65535 : i32
        %and3A_465 = vector.broadcast %and3A_464 : i32 to vector<16xi32>
        %and3A_466 = arith.andi %shift_right_arithmetic3A_463, %and3A_465 : vector<16xi32>
        %shift_right_arithmetic3A_467 = arith.constant 1 : i32
        %shift_right_arithmetic3A_468 = vector.broadcast %shift_right_arithmetic3A_467 : i32 to vector<16xi32>
        %shift_right_arithmetic3A_469 = arith.shrsi %get3A_452, %shift_right_arithmetic3A_468 : vector<16xi32>
        %gather3A_470 = tpu.vector_load_idx %arg7[%shift_right_arithmetic3A_469] : memref<50000xi32, #tpu.memory_space<vmem>>[vector<16xi32>], vector<16xi32>,
        %and3A_471 = arith.constant 1 : i32
        %and3A_472 = vector.broadcast %and3A_471 : i32 to vector<16xi32>
        %and3A_473 = arith.andi %get3A_452, %and3A_472 : vector<16xi32>
        %shift_left3A_474 = arith.constant 4 : i32
        %shift_left3A_475 = vector.broadcast %shift_left3A_474 : i32 to vector<16xi32>
        %shift_left3A_476 = arith.shli %and3A_473, %shift_left3A_475 : vector<16xi32>
        %shift_right_arithmetic3A_477 = arith.shrsi %gather3A_470, %shift_left3A_476 : vector<16xi32>
        %and3A_478 = arith.constant 65535 : i32
        %and3A_479 = vector.broadcast %and3A_478 : i32 to vector<16xi32>
        %and3A_480 = arith.andi %shift_right_arithmetic3A_477, %and3A_479 : vector<16xi32>
        %eq3A_481 = arith.cmpi eq, %and3A_466, %and3A_480 : vector<16xi32>
        %select_n3A_482 = arith.select %eq3A_481, %broadcast_in_dim3A_1, %broadcast_in_dim3A_3 : vector<16xi1>, vector<16xf32>
        %swap3A_483 = arith.constant 160 : index
        %swap3A_484 = tpu.vector_load %arg12[%swap3A_483] {strides = array<i32>} : memref<512xf32, #tpu.memory_space<vmem>>, vector<16xf32>,
        tpu.vector_store %arg12[%swap3A_483], %select_n3A_482 {strides = array<i32>} : memref<512xf32, #tpu.memory_space<vmem>>, vector<16xf32>,
        %get3A_485 = arith.constant 176 : index
        %get3A_486 = tpu.vector_load %arg8[%get3A_485] {strides = array<i32>} : memref<512xi32, #tpu.memory_space<vmem>>, vector<16xi32>,
        %get3A_487 = arith.constant 176 : index
        %get3A_488 = tpu.vector_load %arg10[%get3A_487] {strides = array<i32>} : memref<512xi32, #tpu.memory_space<vmem>>, vector<16xi32>,
        %shift_right_arithmetic3A_489 = arith.constant 1 : i32
        %shift_right_arithmetic3A_490 = vector.broadcast %shift_right_arithmetic3A_489 : i32 to vector<16xi32>
        %shift_right_arithmetic3A_491 = arith.shrsi %get3A_486, %shift_right_arithmetic3A_490 : vector<16xi32>
        %gather3A_492 = tpu.vector_load_idx %arg7[%shift_right_arithmetic3A_491] : memref<50000xi32, #tpu.memory_space<vmem>>[vector<16xi32>], vector<16xi32>,
        %and3A_493 = arith.constant 1 : i32
        %and3A_494 = vector.broadcast %and3A_493 : i32 to vector<16xi32>
        %and3A_495 = arith.andi %get3A_486, %and3A_494 : vector<16xi32>
        %shift_left3A_496 = arith.constant 4 : i32
        %shift_left3A_497 = vector.broadcast %shift_left3A_496 : i32 to vector<16xi32>
        %shift_left3A_498 = arith.shli %and3A_495, %shift_left3A_497 : vector<16xi32>
        %shift_right_arithmetic3A_499 = arith.shrsi %gather3A_492, %shift_left3A_498 : vector<16xi32>
        %and3A_500 = arith.constant 65535 : i32
        %and3A_501 = vector.broadcast %and3A_500 : i32 to vector<16xi32>
        %and3A_502 = arith.andi %shift_right_arithmetic3A_499, %and3A_501 : vector<16xi32>
        %shift_right_arithmetic3A_503 = arith.constant 1 : i32
        %shift_right_arithmetic3A_504 = vector.broadcast %shift_right_arithmetic3A_503 : i32 to vector<16xi32>
        %shift_right_arithmetic3A_505 = arith.shrsi %get3A_488, %shift_right_arithmetic3A_504 : vector<16xi32>
        %gather3A_506 = tpu.vector_load_idx %arg7[%shift_right_arithmetic3A_505] : memref<50000xi32, #tpu.memory_space<vmem>>[vector<16xi32>], vector<16xi32>,
        %and3A_507 = arith.constant 1 : i32
        %and3A_508 = vector.broadcast %and3A_507 : i32 to vector<16xi32>
        %and3A_509 = arith.andi %get3A_488, %and3A_508 : vector<16xi32>
        %shift_left3A_510 = arith.constant 4 : i32
        %shift_left3A_511 = vector.broadcast %shift_left3A_510 : i32 to vector<16xi32>
        %shift_left3A_512 = arith.shli %and3A_509, %shift_left3A_511 : vector<16xi32>
        %shift_right_arithmetic3A_513 = arith.shrsi %gather3A_506, %shift_left3A_512 : vector<16xi32>
        %and3A_514 = arith.constant 65535 : i32
        %and3A_515 = vector.broadcast %and3A_514 : i32 to vector<16xi32>
        %and3A_516 = arith.andi %shift_right_arithmetic3A_513, %and3A_515 : vector<16xi32>
        %eq3A_517 = arith.cmpi eq, %and3A_502, %and3A_516 : vector<16xi32>
        %select_n3A_518 = arith.select %eq3A_517, %broadcast_in_dim3A_1, %broadcast_in_dim3A_3 : vector<16xi1>, vector<16xf32>
        %swap3A_519 = arith.constant 176 : index
        %swap3A_520 = tpu.vector_load %arg12[%swap3A_519] {strides = array<i32>} : memref<512xf32, #tpu.memory_space<vmem>>, vector<16xf32>,
        tpu.vector_store %arg12[%swap3A_519], %select_n3A_518 {strides = array<i32>} : memref<512xf32, #tpu.memory_space<vmem>>, vector<16xf32>,
        %get3A_521 = arith.constant 192 : index
        %get3A_522 = tpu.vector_load %arg8[%get3A_521] {strides = array<i32>} : memref<512xi32, #tpu.memory_space<vmem>>, vector<16xi32>,
        %get3A_523 = arith.constant 192 : index
        %get3A_524 = tpu.vector_load %arg10[%get3A_523] {strides = array<i32>} : memref<512xi32, #tpu.memory_space<vmem>>, vector<16xi32>,
        %shift_right_arithmetic3A_525 = arith.constant 1 : i32
        %shift_right_arithmetic3A_526 = vector.broadcast %shift_right_arithmetic3A_525 : i32 to vector<16xi32>
        %shift_right_arithmetic3A_527 = arith.shrsi %get3A_522, %shift_right_arithmetic3A_526 : vector<16xi32>
        %gather3A_528 = tpu.vector_load_idx %arg7[%shift_right_arithmetic3A_527] : memref<50000xi32, #tpu.memory_space<vmem>>[vector<16xi32>], vector<16xi32>,
        %and3A_529 = arith.constant 1 : i32
        %and3A_530 = vector.broadcast %and3A_529 : i32 to vector<16xi32>
        %and3A_531 = arith.andi %get3A_522, %and3A_530 : vector<16xi32>
        %shift_left3A_532 = arith.constant 4 : i32
        %shift_left3A_533 = vector.broadcast %shift_left3A_532 : i32 to vector<16xi32>
        %shift_left3A_534 = arith.shli %and3A_531, %shift_left3A_533 : vector<16xi32>
        %shift_right_arithmetic3A_535 = arith.shrsi %gather3A_528, %shift_left3A_534 : vector<16xi32>
        %and3A_536 = arith.constant 65535 : i32
        %and3A_537 = vector.broadcast %and3A_536 : i32 to vector<16xi32>
        %and3A_538 = arith.andi %shift_right_arithmetic3A_535, %and3A_537 : vector<16xi32>
        %shift_right_arithmetic3A_539 = arith.constant 1 : i32
        %shift_right_arithmetic3A_540 = vector.broadcast %shift_right_arithmetic3A_539 : i32 to vector<16xi32>
        %shift_right_arithmetic3A_541 = arith.shrsi %get3A_524, %shift_right_arithmetic3A_540 : vector<16xi32>
        %gather3A_542 = tpu.vector_load_idx %arg7[%shift_right_arithmetic3A_541] : memref<50000xi32, #tpu.memory_space<vmem>>[vector<16xi32>], vector<16xi32>,
        %and3A_543 = arith.constant 1 : i32
        %and3A_544 = vector.broadcast %and3A_543 : i32 to vector<16xi32>
        %and3A_545 = arith.andi %get3A_524, %and3A_544 : vector<16xi32>
        %shift_left3A_546 = arith.constant 4 : i32
        %shift_left3A_547 = vector.broadcast %shift_left3A_546 : i32 to vector<16xi32>
        %shift_left3A_548 = arith.shli %and3A_545, %shift_left3A_547 : vector<16xi32>
        %shift_right_arithmetic3A_549 = arith.shrsi %gather3A_542, %shift_left3A_548 : vector<16xi32>
        %and3A_550 = arith.constant 65535 : i32
        %and3A_551 = vector.broadcast %and3A_550 : i32 to vector<16xi32>
        %and3A_552 = arith.andi %shift_right_arithmetic3A_549, %and3A_551 : vector<16xi32>
        %eq3A_553 = arith.cmpi eq, %and3A_538, %and3A_552 : vector<16xi32>
        %select_n3A_554 = arith.select %eq3A_553, %broadcast_in_dim3A_1, %broadcast_in_dim3A_3 : vector<16xi1>, vector<16xf32>
        %swap3A_555 = arith.constant 192 : index
        %swap3A_556 = tpu.vector_load %arg12[%swap3A_555] {strides = array<i32>} : memref<512xf32, #tpu.memory_space<vmem>>, vector<16xf32>,
        tpu.vector_store %arg12[%swap3A_555], %select_n3A_554 {strides = array<i32>} : memref<512xf32, #tpu.memory_space<vmem>>, vector<16xf32>,
        %get3A_557 = arith.constant 208 : index
        %get3A_558 = tpu.vector_load %arg8[%get3A_557] {strides = array<i32>} : memref<512xi32, #tpu.memory_space<vmem>>, vector<16xi32>,
        %get3A_559 = arith.constant 208 : index
        %get3A_560 = tpu.vector_load %arg10[%get3A_559] {strides = array<i32>} : memref<512xi32, #tpu.memory_space<vmem>>, vector<16xi32>,
        %shift_right_arithmetic3A_561 = arith.constant 1 : i32
        %shift_right_arithmetic3A_562 = vector.broadcast %shift_right_arithmetic3A_561 : i32 to vector<16xi32>
        %shift_right_arithmetic3A_563 = arith.shrsi %get3A_558, %shift_right_arithmetic3A_562 : vector<16xi32>
        %gather3A_564 = tpu.vector_load_idx %arg7[%shift_right_arithmetic3A_563] : memref<50000xi32, #tpu.memory_space<vmem>>[vector<16xi32>], vector<16xi32>,
        %and3A_565 = arith.constant 1 : i32
        %and3A_566 = vector.broadcast %and3A_565 : i32 to vector<16xi32>
        %and3A_567 = arith.andi %get3A_558, %and3A_566 : vector<16xi32>
        %shift_left3A_568 = arith.constant 4 : i32
        %shift_left3A_569 = vector.broadcast %shift_left3A_568 : i32 to vector<16xi32>
        %shift_left3A_570 = arith.shli %and3A_567, %shift_left3A_569 : vector<16xi32>
        %shift_right_arithmetic3A_571 = arith.shrsi %gather3A_564, %shift_left3A_570 : vector<16xi32>
        %and3A_572 = arith.constant 65535 : i32
        %and3A_573 = vector.broadcast %and3A_572 : i32 to vector<16xi32>
        %and3A_574 = arith.andi %shift_right_arithmetic3A_571, %and3A_573 : vector<16xi32>
        %shift_right_arithmetic3A_575 = arith.constant 1 : i32
        %shift_right_arithmetic3A_576 = vector.broadcast %shift_right_arithmetic3A_575 : i32 to vector<16xi32>
        %shift_right_arithmetic3A_577 = arith.shrsi %get3A_560, %shift_right_arithmetic3A_576 : vector<16xi32>
        %gather3A_578 = tpu.vector_load_idx %arg7[%shift_right_arithmetic3A_577] : memref<50000xi32, #tpu.memory_space<vmem>>[vector<16xi32>], vector<16xi32>,
        %and3A_579 = arith.constant 1 : i32
        %and3A_580 = vector.broadcast %and3A_579 : i32 to vector<16xi32>
        %and3A_581 = arith.andi %get3A_560, %and3A_580 : vector<16xi32>
        %shift_left3A_582 = arith.constant 4 : i32
        %shift_left3A_583 = vector.broadcast %shift_left3A_582 : i32 to vector<16xi32>
        %shift_left3A_584 = arith.shli %and3A_581, %shift_left3A_583 : vector<16xi32>
        %shift_right_arithmetic3A_585 = arith.shrsi %gather3A_578, %shift_left3A_584 : vector<16xi32>
        %and3A_586 = arith.constant 65535 : i32
        %and3A_587 = vector.broadcast %and3A_586 : i32 to vector<16xi32>
        %and3A_588 = arith.andi %shift_right_arithmetic3A_585, %and3A_587 : vector<16xi32>
        %eq3A_589 = arith.cmpi eq, %and3A_574, %and3A_588 : vector<16xi32>
        %select_n3A_590 = arith.select %eq3A_589, %broadcast_in_dim3A_1, %broadcast_in_dim3A_3 : vector<16xi1>, vector<16xf32>
        %swap3A_591 = arith.constant 208 : index
        %swap3A_592 = tpu.vector_load %arg12[%swap3A_591] {strides = array<i32>} : memref<512xf32, #tpu.memory_space<vmem>>, vector<16xf32>,
        tpu.vector_store %arg12[%swap3A_591], %select_n3A_590 {strides = array<i32>} : memref<512xf32, #tpu.memory_space<vmem>>, vector<16xf32>,
        %get3A_593 = arith.constant 224 : index
        %get3A_594 = tpu.vector_load %arg8[%get3A_593] {strides = array<i32>} : memref<512xi32, #tpu.memory_space<vmem>>, vector<16xi32>,
        %get3A_595 = arith.constant 224 : index
        %get3A_596 = tpu.vector_load %arg10[%get3A_595] {strides = array<i32>} : memref<512xi32, #tpu.memory_space<vmem>>, vector<16xi32>,
        %shift_right_arithmetic3A_597 = arith.constant 1 : i32
        %shift_right_arithmetic3A_598 = vector.broadcast %shift_right_arithmetic3A_597 : i32 to vector<16xi32>
        %shift_right_arithmetic3A_599 = arith.shrsi %get3A_594, %shift_right_arithmetic3A_598 : vector<16xi32>
        %gather3A_600 = tpu.vector_load_idx %arg7[%shift_right_arithmetic3A_599] : memref<50000xi32, #tpu.memory_space<vmem>>[vector<16xi32>], vector<16xi32>,
        %and3A_601 = arith.constant 1 : i32
        %and3A_602 = vector.broadcast %and3A_601 : i32 to vector<16xi32>
        %and3A_603 = arith.andi %get3A_594, %and3A_602 : vector<16xi32>
        %shift_left3A_604 = arith.constant 4 : i32
        %shift_left3A_605 = vector.broadcast %shift_left3A_604 : i32 to vector<16xi32>
        %shift_left3A_606 = arith.shli %and3A_603, %shift_left3A_605 : vector<16xi32>
        %shift_right_arithmetic3A_607 = arith.shrsi %gather3A_600, %shift_left3A_606 : vector<16xi32>
        %and3A_608 = arith.constant 65535 : i32
        %and3A_609 = vector.broadcast %and3A_608 : i32 to vector<16xi32>
        %and3A_610 = arith.andi %shift_right_arithmetic3A_607, %and3A_609 : vector<16xi32>
        %shift_right_arithmetic3A_611 = arith.constant 1 : i32
        %shift_right_arithmetic3A_612 = vector.broadcast %shift_right_arithmetic3A_611 : i32 to vector<16xi32>
        %shift_right_arithmetic3A_613 = arith.shrsi %get3A_596, %shift_right_arithmetic3A_612 : vector<16xi32>
        %gather3A_614 = tpu.vector_load_idx %arg7[%shift_right_arithmetic3A_613] : memref<50000xi32, #tpu.memory_space<vmem>>[vector<16xi32>], vector<16xi32>,
        %and3A_615 = arith.constant 1 : i32
        %and3A_616 = vector.broadcast %and3A_615 : i32 to vector<16xi32>
        %and3A_617 = arith.andi %get3A_596, %and3A_616 : vector<16xi32>
        %shift_left3A_618 = arith.constant 4 : i32
        %shift_left3A_619 = vector.broadcast %shift_left3A_618 : i32 to vector<16xi32>
        %shift_left3A_620 = arith.shli %and3A_617, %shift_left3A_619 : vector<16xi32>
        %shift_right_arithmetic3A_621 = arith.shrsi %gather3A_614, %shift_left3A_620 : vector<16xi32>
        %and3A_622 = arith.constant 65535 : i32
        %and3A_623 = vector.broadcast %and3A_622 : i32 to vector<16xi32>
        %and3A_624 = arith.andi %shift_right_arithmetic3A_621, %and3A_623 : vector<16xi32>
        %eq3A_625 = arith.cmpi eq, %and3A_610, %and3A_624 : vector<16xi32>
        %select_n3A_626 = arith.select %eq3A_625, %broadcast_in_dim3A_1, %broadcast_in_dim3A_3 : vector<16xi1>, vector<16xf32>
        %swap3A_627 = arith.constant 224 : index
        %swap3A_628 = tpu.vector_load %arg12[%swap3A_627] {strides = array<i32>} : memref<512xf32, #tpu.memory_space<vmem>>, vector<16xf32>,
        tpu.vector_store %arg12[%swap3A_627], %select_n3A_626 {strides = array<i32>} : memref<512xf32, #tpu.memory_space<vmem>>, vector<16xf32>,
        %get3A_629 = arith.constant 240 : index
        %get3A_630 = tpu.vector_load %arg8[%get3A_629] {strides = array<i32>} : memref<512xi32, #tpu.memory_space<vmem>>, vector<16xi32>,
        %get3A_631 = arith.constant 240 : index
        %get3A_632 = tpu.vector_load %arg10[%get3A_631] {strides = array<i32>} : memref<512xi32, #tpu.memory_space<vmem>>, vector<16xi32>,
        %shift_right_arithmetic3A_633 = arith.constant 1 : i32
        %shift_right_arithmetic3A_634 = vector.broadcast %shift_right_arithmetic3A_633 : i32 to vector<16xi32>
        %shift_right_arithmetic3A_635 = arith.shrsi %get3A_630, %shift_right_arithmetic3A_634 : vector<16xi32>
        %gather3A_636 = tpu.vector_load_idx %arg7[%shift_right_arithmetic3A_635] : memref<50000xi32, #tpu.memory_space<vmem>>[vector<16xi32>], vector<16xi32>,
        %and3A_637 = arith.constant 1 : i32
        %and3A_638 = vector.broadcast %and3A_637 : i32 to vector<16xi32>
        %and3A_639 = arith.andi %get3A_630, %and3A_638 : vector<16xi32>
        %shift_left3A_640 = arith.constant 4 : i32
        %shift_left3A_641 = vector.broadcast %shift_left3A_640 : i32 to vector<16xi32>
        %shift_left3A_642 = arith.shli %and3A_639, %shift_left3A_641 : vector<16xi32>
        %shift_right_arithmetic3A_643 = arith.shrsi %gather3A_636, %shift_left3A_642 : vector<16xi32>
        %and3A_644 = arith.constant 65535 : i32
        %and3A_645 = vector.broadcast %and3A_644 : i32 to vector<16xi32>
        %and3A_646 = arith.andi %shift_right_arithmetic3A_643, %and3A_645 : vector<16xi32>
        %shift_right_arithmetic3A_647 = arith.constant 1 : i32
        %shift_right_arithmetic3A_648 = vector.broadcast %shift_right_arithmetic3A_647 : i32 to vector<16xi32>
        %shift_right_arithmetic3A_649 = arith.shrsi %get3A_632, %shift_right_arithmetic3A_648 : vector<16xi32>
        %gather3A_650 = tpu.vector_load_idx %arg7[%shift_right_arithmetic3A_649] : memref<50000xi32, #tpu.memory_space<vmem>>[vector<16xi32>], vector<16xi32>,
        %and3A_651 = arith.constant 1 : i32
        %and3A_652 = vector.broadcast %and3A_651 : i32 to vector<16xi32>
        %and3A_653 = arith.andi %get3A_632, %and3A_652 : vector<16xi32>
        %shift_left3A_654 = arith.constant 4 : i32
        %shift_left3A_655 = vector.broadcast %shift_left3A_654 : i32 to vector<16xi32>
        %shift_left3A_656 = arith.shli %and3A_653, %shift_left3A_655 : vector<16xi32>
        %shift_right_arithmetic3A_657 = arith.shrsi %gather3A_650, %shift_left3A_656 : vector<16xi32>
        %and3A_658 = arith.constant 65535 : i32
        %and3A_659 = vector.broadcast %and3A_658 : i32 to vector<16xi32>
        %and3A_660 = arith.andi %shift_right_arithmetic3A_657, %and3A_659 : vector<16xi32>
        %eq3A_661 = arith.cmpi eq, %and3A_646, %and3A_660 : vector<16xi32>
        %select_n3A_662 = arith.select %eq3A_661, %broadcast_in_dim3A_1, %broadcast_in_dim3A_3 : vector<16xi1>, vector<16xf32>
        %swap3A_663 = arith.constant 240 : index
        %swap3A_664 = tpu.vector_load %arg12[%swap3A_663] {strides = array<i32>} : memref<512xf32, #tpu.memory_space<vmem>>, vector<16xf32>,
        tpu.vector_store %arg12[%swap3A_663], %select_n3A_662 {strides = array<i32>} : memref<512xf32, #tpu.memory_space<vmem>>, vector<16xf32>,
        %get3A_665 = arith.constant 256 : index
        %get3A_666 = tpu.vector_load %arg8[%get3A_665] {strides = array<i32>} : memref<512xi32, #tpu.memory_space<vmem>>, vector<16xi32>,
        %get3A_667 = arith.constant 256 : index
        %get3A_668 = tpu.vector_load %arg10[%get3A_667] {strides = array<i32>} : memref<512xi32, #tpu.memory_space<vmem>>, vector<16xi32>,
        %shift_right_arithmetic3A_669 = arith.constant 1 : i32
        %shift_right_arithmetic3A_670 = vector.broadcast %shift_right_arithmetic3A_669 : i32 to vector<16xi32>
        %shift_right_arithmetic3A_671 = arith.shrsi %get3A_666, %shift_right_arithmetic3A_670 : vector<16xi32>
        %gather3A_672 = tpu.vector_load_idx %arg7[%shift_right_arithmetic3A_671] : memref<50000xi32, #tpu.memory_space<vmem>>[vector<16xi32>], vector<16xi32>,
        %and3A_673 = arith.constant 1 : i32
        %and3A_674 = vector.broadcast %and3A_673 : i32 to vector<16xi32>
        %and3A_675 = arith.andi %get3A_666, %and3A_674 : vector<16xi32>
        %shift_left3A_676 = arith.constant 4 : i32
        %shift_left3A_677 = vector.broadcast %shift_left3A_676 : i32 to vector<16xi32>
        %shift_left3A_678 = arith.shli %and3A_675, %shift_left3A_677 : vector<16xi32>
        %shift_right_arithmetic3A_679 = arith.shrsi %gather3A_672, %shift_left3A_678 : vector<16xi32>
        %and3A_680 = arith.constant 65535 : i32
        %and3A_681 = vector.broadcast %and3A_680 : i32 to vector<16xi32>
        %and3A_682 = arith.andi %shift_right_arithmetic3A_679, %and3A_681 : vector<16xi32>
        %shift_right_arithmetic3A_683 = arith.constant 1 : i32
        %shift_right_arithmetic3A_684 = vector.broadcast %shift_right_arithmetic3A_683 : i32 to vector<16xi32>
        %shift_right_arithmetic3A_685 = arith.shrsi %get3A_668, %shift_right_arithmetic3A_684 : vector<16xi32>
        %gather3A_686 = tpu.vector_load_idx %arg7[%shift_right_arithmetic3A_685] : memref<50000xi32, #tpu.memory_space<vmem>>[vector<16xi32>], vector<16xi32>,
        %and3A_687 = arith.constant 1 : i32
        %and3A_688 = vector.broadcast %and3A_687 : i32 to vector<16xi32>
        %and3A_689 = arith.andi %get3A_668, %and3A_688 : vector<16xi32>
        %shift_left3A_690 = arith.constant 4 : i32
        %shift_left3A_691 = vector.broadcast %shift_left3A_690 : i32 to vector<16xi32>
        %shift_left3A_692 = arith.shli %and3A_689, %shift_left3A_691 : vector<16xi32>
        %shift_right_arithmetic3A_693 = arith.shrsi %gather3A_686, %shift_left3A_692 : vector<16xi32>
        %and3A_694 = arith.constant 65535 : i32
        %and3A_695 = vector.broadcast %and3A_694 : i32 to vector<16xi32>
        %and3A_696 = arith.andi %shift_right_arithmetic3A_693, %and3A_695 : vector<16xi32>
        %eq3A_697 = arith.cmpi eq, %and3A_682, %and3A_696 : vector<16xi32>
        %select_n3A_698 = arith.select %eq3A_697, %broadcast_in_dim3A_1, %broadcast_in_dim3A_3 : vector<16xi1>, vector<16xf32>
        %swap3A_699 = arith.constant 256 : index
        %swap3A_700 = tpu.vector_load %arg12[%swap3A_699] {strides = array<i32>} : memref<512xf32, #tpu.memory_space<vmem>>, vector<16xf32>,
        tpu.vector_store %arg12[%swap3A_699], %select_n3A_698 {strides = array<i32>} : memref<512xf32, #tpu.memory_space<vmem>>, vector<16xf32>,
        %get3A_701 = arith.constant 272 : index
        %get3A_702 = tpu.vector_load %arg8[%get3A_701] {strides = array<i32>} : memref<512xi32, #tpu.memory_space<vmem>>, vector<16xi32>,
        %get3A_703 = arith.constant 272 : index
        %get3A_704 = tpu.vector_load %arg10[%get3A_703] {strides = array<i32>} : memref<512xi32, #tpu.memory_space<vmem>>, vector<16xi32>,
        %shift_right_arithmetic3A_705 = arith.constant 1 : i32
        %shift_right_arithmetic3A_706 = vector.broadcast %shift_right_arithmetic3A_705 : i32 to vector<16xi32>
        %shift_right_arithmetic3A_707 = arith.shrsi %get3A_702, %shift_right_arithmetic3A_706 : vector<16xi32>
        %gather3A_708 = tpu.vector_load_idx %arg7[%shift_right_arithmetic3A_707] : memref<50000xi32, #tpu.memory_space<vmem>>[vector<16xi32>], vector<16xi32>,
        %and3A_709 = arith.constant 1 : i32
        %and3A_710 = vector.broadcast %and3A_709 : i32 to vector<16xi32>
        %and3A_711 = arith.andi %get3A_702, %and3A_710 : vector<16xi32>
        %shift_left3A_712 = arith.constant 4 : i32
        %shift_left3A_713 = vector.broadcast %shift_left3A_712 : i32 to vector<16xi32>
        %shift_left3A_714 = arith.shli %and3A_711, %shift_left3A_713 : vector<16xi32>
        %shift_right_arithmetic3A_715 = arith.shrsi %gather3A_708, %shift_left3A_714 : vector<16xi32>
        %and3A_716 = arith.constant 65535 : i32
        %and3A_717 = vector.broadcast %and3A_716 : i32 to vector<16xi32>
        %and3A_718 = arith.andi %shift_right_arithmetic3A_715, %and3A_717 : vector<16xi32>
        %shift_right_arithmetic3A_719 = arith.constant 1 : i32
        %shift_right_arithmetic3A_720 = vector.broadcast %shift_right_arithmetic3A_719 : i32 to vector<16xi32>
        %shift_right_arithmetic3A_721 = arith.shrsi %get3A_704, %shift_right_arithmetic3A_720 : vector<16xi32>
        %gather3A_722 = tpu.vector_load_idx %arg7[%shift_right_arithmetic3A_721] : memref<50000xi32, #tpu.memory_space<vmem>>[vector<16xi32>], vector<16xi32>,
        %and3A_723 = arith.constant 1 : i32
        %and3A_724 = vector.broadcast %and3A_723 : i32 to vector<16xi32>
        %and3A_725 = arith.andi %get3A_704, %and3A_724 : vector<16xi32>
        %shift_left3A_726 = arith.constant 4 : i32
        %shift_left3A_727 = vector.broadcast %shift_left3A_726 : i32 to vector<16xi32>
        %shift_left3A_728 = arith.shli %and3A_725, %shift_left3A_727 : vector<16xi32>
        %shift_right_arithmetic3A_729 = arith.shrsi %gather3A_722, %shift_left3A_728 : vector<16xi32>
        %and3A_730 = arith.constant 65535 : i32
        %and3A_731 = vector.broadcast %and3A_730 : i32 to vector<16xi32>
        %and3A_732 = arith.andi %shift_right_arithmetic3A_729, %and3A_731 : vector<16xi32>
        %eq3A_733 = arith.cmpi eq, %and3A_718, %and3A_732 : vector<16xi32>
        %select_n3A_734 = arith.select %eq3A_733, %broadcast_in_dim3A_1, %broadcast_in_dim3A_3 : vector<16xi1>, vector<16xf32>
        %swap3A_735 = arith.constant 272 : index
        %swap3A_736 = tpu.vector_load %arg12[%swap3A_735] {strides = array<i32>} : memref<512xf32, #tpu.memory_space<vmem>>, vector<16xf32>,
        tpu.vector_store %arg12[%swap3A_735], %select_n3A_734 {strides = array<i32>} : memref<512xf32, #tpu.memory_space<vmem>>, vector<16xf32>,
        %get3A_737 = arith.constant 288 : index
        %get3A_738 = tpu.vector_load %arg8[%get3A_737] {strides = array<i32>} : memref<512xi32, #tpu.memory_space<vmem>>, vector<16xi32>,
        %get3A_739 = arith.constant 288 : index
        %get3A_740 = tpu.vector_load %arg10[%get3A_739] {strides = array<i32>} : memref<512xi32, #tpu.memory_space<vmem>>, vector<16xi32>,
        %shift_right_arithmetic3A_741 = arith.constant 1 : i32
        %shift_right_arithmetic3A_742 = vector.broadcast %shift_right_arithmetic3A_741 : i32 to vector<16xi32>
        %shift_right_arithmetic3A_743 = arith.shrsi %get3A_738, %shift_right_arithmetic3A_742 : vector<16xi32>
        %gather3A_744 = tpu.vector_load_idx %arg7[%shift_right_arithmetic3A_743] : memref<50000xi32, #tpu.memory_space<vmem>>[vector<16xi32>], vector<16xi32>,
        %and3A_745 = arith.constant 1 : i32
        %and3A_746 = vector.broadcast %and3A_745 : i32 to vector<16xi32>
        %and3A_747 = arith.andi %get3A_738, %and3A_746 : vector<16xi32>
        %shift_left3A_748 = arith.constant 4 : i32
        %shift_left3A_749 = vector.broadcast %shift_left3A_748 : i32 to vector<16xi32>
        %shift_left3A_750 = arith.shli %and3A_747, %shift_left3A_749 : vector<16xi32>
        %shift_right_arithmetic3A_751 = arith.shrsi %gather3A_744, %shift_left3A_750 : vector<16xi32>
        %and3A_752 = arith.constant 65535 : i32
        %and3A_753 = vector.broadcast %and3A_752 : i32 to vector<16xi32>
        %and3A_754 = arith.andi %shift_right_arithmetic3A_751, %and3A_753 : vector<16xi32>
        %shift_right_arithmetic3A_755 = arith.constant 1 : i32
        %shift_right_arithmetic3A_756 = vector.broadcast %shift_right_arithmetic3A_755 : i32 to vector<16xi32>
        %shift_right_arithmetic3A_757 = arith.shrsi %get3A_740, %shift_right_arithmetic3A_756 : vector<16xi32>
        %gather3A_758 = tpu.vector_load_idx %arg7[%shift_right_arithmetic3A_757] : memref<50000xi32, #tpu.memory_space<vmem>>[vector<16xi32>], vector<16xi32>,
        %and3A_759 = arith.constant 1 : i32
        %and3A_760 = vector.broadcast %and3A_759 : i32 to vector<16xi32>
        %and3A_761 = arith.andi %get3A_740, %and3A_760 : vector<16xi32>
        %shift_left3A_762 = arith.constant 4 : i32
        %shift_left3A_763 = vector.broadcast %shift_left3A_762 : i32 to vector<16xi32>
        %shift_left3A_764 = arith.shli %and3A_761, %shift_left3A_763 : vector<16xi32>
        %shift_right_arithmetic3A_765 = arith.shrsi %gather3A_758, %shift_left3A_764 : vector<16xi32>
        %and3A_766 = arith.constant 65535 : i32
        %and3A_767 = vector.broadcast %and3A_766 : i32 to vector<16xi32>
        %and3A_768 = arith.andi %shift_right_arithmetic3A_765, %and3A_767 : vector<16xi32>
        %eq3A_769 = arith.cmpi eq, %and3A_754, %and3A_768 : vector<16xi32>
        %select_n3A_770 = arith.select %eq3A_769, %broadcast_in_dim3A_1, %broadcast_in_dim3A_3 : vector<16xi1>, vector<16xf32>
        %swap3A_771 = arith.constant 288 : index
        %swap3A_772 = tpu.vector_load %arg12[%swap3A_771] {strides = array<i32>} : memref<512xf32, #tpu.memory_space<vmem>>, vector<16xf32>,
        tpu.vector_store %arg12[%swap3A_771], %select_n3A_770 {strides = array<i32>} : memref<512xf32, #tpu.memory_space<vmem>>, vector<16xf32>,
        %get3A_773 = arith.constant 304 : index
        %get3A_774 = tpu.vector_load %arg8[%get3A_773] {strides = array<i32>} : memref<512xi32, #tpu.memory_space<vmem>>, vector<16xi32>,
        %get3A_775 = arith.constant 304 : index
        %get3A_776 = tpu.vector_load %arg10[%get3A_775] {strides = array<i32>} : memref<512xi32, #tpu.memory_space<vmem>>, vector<16xi32>,
        %shift_right_arithmetic3A_777 = arith.constant 1 : i32
        %shift_right_arithmetic3A_778 = vector.broadcast %shift_right_arithmetic3A_777 : i32 to vector<16xi32>
        %shift_right_arithmetic3A_779 = arith.shrsi %get3A_774, %shift_right_arithmetic3A_778 : vector<16xi32>
        %gather3A_780 = tpu.vector_load_idx %arg7[%shift_right_arithmetic3A_779] : memref<50000xi32, #tpu.memory_space<vmem>>[vector<16xi32>], vector<16xi32>,
        %and3A_781 = arith.constant 1 : i32
        %and3A_782 = vector.broadcast %and3A_781 : i32 to vector<16xi32>
        %and3A_783 = arith.andi %get3A_774, %and3A_782 : vector<16xi32>
        %shift_left3A_784 = arith.constant 4 : i32
        %shift_left3A_785 = vector.broadcast %shift_left3A_784 : i32 to vector<16xi32>
        %shift_left3A_786 = arith.shli %and3A_783, %shift_left3A_785 : vector<16xi32>
        %shift_right_arithmetic3A_787 = arith.shrsi %gather3A_780, %shift_left3A_786 : vector<16xi32>
        %and3A_788 = arith.constant 65535 : i32
        %and3A_789 = vector.broadcast %and3A_788 : i32 to vector<16xi32>
        %and3A_790 = arith.andi %shift_right_arithmetic3A_787, %and3A_789 : vector<16xi32>
        %shift_right_arithmetic3A_791 = arith.constant 1 : i32
        %shift_right_arithmetic3A_792 = vector.broadcast %shift_right_arithmetic3A_791 : i32 to vector<16xi32>
        %shift_right_arithmetic3A_793 = arith.shrsi %get3A_776, %shift_right_arithmetic3A_792 : vector<16xi32>
        %gather3A_794 = tpu.vector_load_idx %arg7[%shift_right_arithmetic3A_793] : memref<50000xi32, #tpu.memory_space<vmem>>[vector<16xi32>], vector<16xi32>,
        %and3A_795 = arith.constant 1 : i32
        %and3A_796 = vector.broadcast %and3A_795 : i32 to vector<16xi32>
        %and3A_797 = arith.andi %get3A_776, %and3A_796 : vector<16xi32>
        %shift_left3A_798 = arith.constant 4 : i32
        %shift_left3A_799 = vector.broadcast %shift_left3A_798 : i32 to vector<16xi32>
        %shift_left3A_800 = arith.shli %and3A_797, %shift_left3A_799 : vector<16xi32>
        %shift_right_arithmetic3A_801 = arith.shrsi %gather3A_794, %shift_left3A_800 : vector<16xi32>
        %and3A_802 = arith.constant 65535 : i32
        %and3A_803 = vector.broadcast %and3A_802 : i32 to vector<16xi32>
        %and3A_804 = arith.andi %shift_right_arithmetic3A_801, %and3A_803 : vector<16xi32>
        %eq3A_805 = arith.cmpi eq, %and3A_790, %and3A_804 : vector<16xi32>
        %select_n3A_806 = arith.select %eq3A_805, %broadcast_in_dim3A_1, %broadcast_in_dim3A_3 : vector<16xi1>, vector<16xf32>
        %swap3A_807 = arith.constant 304 : index
        %swap3A_808 = tpu.vector_load %arg12[%swap3A_807] {strides = array<i32>} : memref<512xf32, #tpu.memory_space<vmem>>, vector<16xf32>,
        tpu.vector_store %arg12[%swap3A_807], %select_n3A_806 {strides = array<i32>} : memref<512xf32, #tpu.memory_space<vmem>>, vector<16xf32>,
        %get3A_809 = arith.constant 320 : index
        %get3A_810 = tpu.vector_load %arg8[%get3A_809] {strides = array<i32>} : memref<512xi32, #tpu.memory_space<vmem>>, vector<16xi32>,
        %get3A_811 = arith.constant 320 : index
        %get3A_812 = tpu.vector_load %arg10[%get3A_811] {strides = array<i32>} : memref<512xi32, #tpu.memory_space<vmem>>, vector<16xi32>,
        %shift_right_arithmetic3A_813 = arith.constant 1 : i32
        %shift_right_arithmetic3A_814 = vector.broadcast %shift_right_arithmetic3A_813 : i32 to vector<16xi32>
        %shift_right_arithmetic3A_815 = arith.shrsi %get3A_810, %shift_right_arithmetic3A_814 : vector<16xi32>
        %gather3A_816 = tpu.vector_load_idx %arg7[%shift_right_arithmetic3A_815] : memref<50000xi32, #tpu.memory_space<vmem>>[vector<16xi32>], vector<16xi32>,
        %and3A_817 = arith.constant 1 : i32
        %and3A_818 = vector.broadcast %and3A_817 : i32 to vector<16xi32>
        %and3A_819 = arith.andi %get3A_810, %and3A_818 : vector<16xi32>
        %shift_left3A_820 = arith.constant 4 : i32
        %shift_left3A_821 = vector.broadcast %shift_left3A_820 : i32 to vector<16xi32>
        %shift_left3A_822 = arith.shli %and3A_819, %shift_left3A_821 : vector<16xi32>
        %shift_right_arithmetic3A_823 = arith.shrsi %gather3A_816, %shift_left3A_822 : vector<16xi32>
        %and3A_824 = arith.constant 65535 : i32
        %and3A_825 = vector.broadcast %and3A_824 : i32 to vector<16xi32>
        %and3A_826 = arith.andi %shift_right_arithmetic3A_823, %and3A_825 : vector<16xi32>
        %shift_right_arithmetic3A_827 = arith.constant 1 : i32
        %shift_right_arithmetic3A_828 = vector.broadcast %shift_right_arithmetic3A_827 : i32 to vector<16xi32>
        %shift_right_arithmetic3A_829 = arith.shrsi %get3A_812, %shift_right_arithmetic3A_828 : vector<16xi32>
        %gather3A_830 = tpu.vector_load_idx %arg7[%shift_right_arithmetic3A_829] : memref<50000xi32, #tpu.memory_space<vmem>>[vector<16xi32>], vector<16xi32>,
        %and3A_831 = arith.constant 1 : i32
        %and3A_832 = vector.broadcast %and3A_831 : i32 to vector<16xi32>
        %and3A_833 = arith.andi %get3A_812, %and3A_832 : vector<16xi32>
        %shift_left3A_834 = arith.constant 4 : i32
        %shift_left3A_835 = vector.broadcast %shift_left3A_834 : i32 to vector<16xi32>
        %shift_left3A_836 = arith.shli %and3A_833, %shift_left3A_835 : vector<16xi32>
        %shift_right_arithmetic3A_837 = arith.shrsi %gather3A_830, %shift_left3A_836 : vector<16xi32>
        %and3A_838 = arith.constant 65535 : i32
        %and3A_839 = vector.broadcast %and3A_838 : i32 to vector<16xi32>
        %and3A_840 = arith.andi %shift_right_arithmetic3A_837, %and3A_839 : vector<16xi32>
        %eq3A_841 = arith.cmpi eq, %and3A_826, %and3A_840 : vector<16xi32>
        %select_n3A_842 = arith.select %eq3A_841, %broadcast_in_dim3A_1, %broadcast_in_dim3A_3 : vector<16xi1>, vector<16xf32>
        %swap3A_843 = arith.constant 320 : index
        %swap3A_844 = tpu.vector_load %arg12[%swap3A_843] {strides = array<i32>} : memref<512xf32, #tpu.memory_space<vmem>>, vector<16xf32>,
        tpu.vector_store %arg12[%swap3A_843], %select_n3A_842 {strides = array<i32>} : memref<512xf32, #tpu.memory_space<vmem>>, vector<16xf32>,
        %get3A_845 = arith.constant 336 : index
        %get3A_846 = tpu.vector_load %arg8[%get3A_845] {strides = array<i32>} : memref<512xi32, #tpu.memory_space<vmem>>, vector<16xi32>,
        %get3A_847 = arith.constant 336 : index
        %get3A_848 = tpu.vector_load %arg10[%get3A_847] {strides = array<i32>} : memref<512xi32, #tpu.memory_space<vmem>>, vector<16xi32>,
        %shift_right_arithmetic3A_849 = arith.constant 1 : i32
        %shift_right_arithmetic3A_850 = vector.broadcast %shift_right_arithmetic3A_849 : i32 to vector<16xi32>
        %shift_right_arithmetic3A_851 = arith.shrsi %get3A_846, %shift_right_arithmetic3A_850 : vector<16xi32>
        %gather3A_852 = tpu.vector_load_idx %arg7[%shift_right_arithmetic3A_851] : memref<50000xi32, #tpu.memory_space<vmem>>[vector<16xi32>], vector<16xi32>,
        %and3A_853 = arith.constant 1 : i32
        %and3A_854 = vector.broadcast %and3A_853 : i32 to vector<16xi32>
        %and3A_855 = arith.andi %get3A_846, %and3A_854 : vector<16xi32>
        %shift_left3A_856 = arith.constant 4 : i32
        %shift_left3A_857 = vector.broadcast %shift_left3A_856 : i32 to vector<16xi32>
        %shift_left3A_858 = arith.shli %and3A_855, %shift_left3A_857 : vector<16xi32>
        %shift_right_arithmetic3A_859 = arith.shrsi %gather3A_852, %shift_left3A_858 : vector<16xi32>
        %and3A_860 = arith.constant 65535 : i32
        %and3A_861 = vector.broadcast %and3A_860 : i32 to vector<16xi32>
        %and3A_862 = arith.andi %shift_right_arithmetic3A_859, %and3A_861 : vector<16xi32>
        %shift_right_arithmetic3A_863 = arith.constant 1 : i32
        %shift_right_arithmetic3A_864 = vector.broadcast %shift_right_arithmetic3A_863 : i32 to vector<16xi32>
        %shift_right_arithmetic3A_865 = arith.shrsi %get3A_848, %shift_right_arithmetic3A_864 : vector<16xi32>
        %gather3A_866 = tpu.vector_load_idx %arg7[%shift_right_arithmetic3A_865] : memref<50000xi32, #tpu.memory_space<vmem>>[vector<16xi32>], vector<16xi32>,
        %and3A_867 = arith.constant 1 : i32
        %and3A_868 = vector.broadcast %and3A_867 : i32 to vector<16xi32>
        %and3A_869 = arith.andi %get3A_848, %and3A_868 : vector<16xi32>
        %shift_left3A_870 = arith.constant 4 : i32
        %shift_left3A_871 = vector.broadcast %shift_left3A_870 : i32 to vector<16xi32>
        %shift_left3A_872 = arith.shli %and3A_869, %shift_left3A_871 : vector<16xi32>
        %shift_right_arithmetic3A_873 = arith.shrsi %gather3A_866, %shift_left3A_872 : vector<16xi32>
        %and3A_874 = arith.constant 65535 : i32
        %and3A_875 = vector.broadcast %and3A_874 : i32 to vector<16xi32>
        %and3A_876 = arith.andi %shift_right_arithmetic3A_873, %and3A_875 : vector<16xi32>
        %eq3A_877 = arith.cmpi eq, %and3A_862, %and3A_876 : vector<16xi32>
        %select_n3A_878 = arith.select %eq3A_877, %broadcast_in_dim3A_1, %broadcast_in_dim3A_3 : vector<16xi1>, vector<16xf32>
        %swap3A_879 = arith.constant 336 : index
        %swap3A_880 = tpu.vector_load %arg12[%swap3A_879] {strides = array<i32>} : memref<512xf32, #tpu.memory_space<vmem>>, vector<16xf32>,
        tpu.vector_store %arg12[%swap3A_879], %select_n3A_878 {strides = array<i32>} : memref<512xf32, #tpu.memory_space<vmem>>, vector<16xf32>,
        %get3A_881 = arith.constant 352 : index
        %get3A_882 = tpu.vector_load %arg8[%get3A_881] {strides = array<i32>} : memref<512xi32, #tpu.memory_space<vmem>>, vector<16xi32>,
        %get3A_883 = arith.constant 352 : index
        %get3A_884 = tpu.vector_load %arg10[%get3A_883] {strides = array<i32>} : memref<512xi32, #tpu.memory_space<vmem>>, vector<16xi32>,
        %shift_right_arithmetic3A_885 = arith.constant 1 : i32
        %shift_right_arithmetic3A_886 = vector.broadcast %shift_right_arithmetic3A_885 : i32 to vector<16xi32>
        %shift_right_arithmetic3A_887 = arith.shrsi %get3A_882, %shift_right_arithmetic3A_886 : vector<16xi32>
        %gather3A_888 = tpu.vector_load_idx %arg7[%shift_right_arithmetic3A_887] : memref<50000xi32, #tpu.memory_space<vmem>>[vector<16xi32>], vector<16xi32>,
        %and3A_889 = arith.constant 1 : i32
        %and3A_890 = vector.broadcast %and3A_889 : i32 to vector<16xi32>
        %and3A_891 = arith.andi %get3A_882, %and3A_890 : vector<16xi32>
        %shift_left3A_892 = arith.constant 4 : i32
        %shift_left3A_893 = vector.broadcast %shift_left3A_892 : i32 to vector<16xi32>
        %shift_left3A_894 = arith.shli %and3A_891, %shift_left3A_893 : vector<16xi32>
        %shift_right_arithmetic3A_895 = arith.shrsi %gather3A_888, %shift_left3A_894 : vector<16xi32>
        %and3A_896 = arith.constant 65535 : i32
        %and3A_897 = vector.broadcast %and3A_896 : i32 to vector<16xi32>
        %and3A_898 = arith.andi %shift_right_arithmetic3A_895, %and3A_897 : vector<16xi32>
        %shift_right_arithmetic3A_899 = arith.constant 1 : i32
        %shift_right_arithmetic3A_900 = vector.broadcast %shift_right_arithmetic3A_899 : i32 to vector<16xi32>
        %shift_right_arithmetic3A_901 = arith.shrsi %get3A_884, %shift_right_arithmetic3A_900 : vector<16xi32>
        %gather3A_902 = tpu.vector_load_idx %arg7[%shift_right_arithmetic3A_901] : memref<50000xi32, #tpu.memory_space<vmem>>[vector<16xi32>], vector<16xi32>,
        %and3A_903 = arith.constant 1 : i32
        %and3A_904 = vector.broadcast %and3A_903 : i32 to vector<16xi32>
        %and3A_905 = arith.andi %get3A_884, %and3A_904 : vector<16xi32>
        %shift_left3A_906 = arith.constant 4 : i32
        %shift_left3A_907 = vector.broadcast %shift_left3A_906 : i32 to vector<16xi32>
        %shift_left3A_908 = arith.shli %and3A_905, %shift_left3A_907 : vector<16xi32>
        %shift_right_arithmetic3A_909 = arith.shrsi %gather3A_902, %shift_left3A_908 : vector<16xi32>
        %and3A_910 = arith.constant 65535 : i32
        %and3A_911 = vector.broadcast %and3A_910 : i32 to vector<16xi32>
        %and3A_912 = arith.andi %shift_right_arithmetic3A_909, %and3A_911 : vector<16xi32>
        %eq3A_913 = arith.cmpi eq, %and3A_898, %and3A_912 : vector<16xi32>
        %select_n3A_914 = arith.select %eq3A_913, %broadcast_in_dim3A_1, %broadcast_in_dim3A_3 : vector<16xi1>, vector<16xf32>
        %swap3A_915 = arith.constant 352 : index
        %swap3A_916 = tpu.vector_load %arg12[%swap3A_915] {strides = array<i32>} : memref<512xf32, #tpu.memory_space<vmem>>, vector<16xf32>,
        tpu.vector_store %arg12[%swap3A_915], %select_n3A_914 {strides = array<i32>} : memref<512xf32, #tpu.memory_space<vmem>>, vector<16xf32>,
        %get3A_917 = arith.constant 368 : index
        %get3A_918 = tpu.vector_load %arg8[%get3A_917] {strides = array<i32>} : memref<512xi32, #tpu.memory_space<vmem>>, vector<16xi32>,
        %get3A_919 = arith.constant 368 : index
        %get3A_920 = tpu.vector_load %arg10[%get3A_919] {strides = array<i32>} : memref<512xi32, #tpu.memory_space<vmem>>, vector<16xi32>,
        %shift_right_arithmetic3A_921 = arith.constant 1 : i32
        %shift_right_arithmetic3A_922 = vector.broadcast %shift_right_arithmetic3A_921 : i32 to vector<16xi32>
        %shift_right_arithmetic3A_923 = arith.shrsi %get3A_918, %shift_right_arithmetic3A_922 : vector<16xi32>
        %gather3A_924 = tpu.vector_load_idx %arg7[%shift_right_arithmetic3A_923] : memref<50000xi32, #tpu.memory_space<vmem>>[vector<16xi32>], vector<16xi32>,
        %and3A_925 = arith.constant 1 : i32
        %and3A_926 = vector.broadcast %and3A_925 : i32 to vector<16xi32>
        %and3A_927 = arith.andi %get3A_918, %and3A_926 : vector<16xi32>
        %shift_left3A_928 = arith.constant 4 : i32
        %shift_left3A_929 = vector.broadcast %shift_left3A_928 : i32 to vector<16xi32>
        %shift_left3A_930 = arith.shli %and3A_927, %shift_left3A_929 : vector<16xi32>
        %shift_right_arithmetic3A_931 = arith.shrsi %gather3A_924, %shift_left3A_930 : vector<16xi32>
        %and3A_932 = arith.constant 65535 : i32
        %and3A_933 = vector.broadcast %and3A_932 : i32 to vector<16xi32>
        %and3A_934 = arith.andi %shift_right_arithmetic3A_931, %and3A_933 : vector<16xi32>
        %shift_right_arithmetic3A_935 = arith.constant 1 : i32
        %shift_right_arithmetic3A_936 = vector.broadcast %shift_right_arithmetic3A_935 : i32 to vector<16xi32>
        %shift_right_arithmetic3A_937 = arith.shrsi %get3A_920, %shift_right_arithmetic3A_936 : vector<16xi32>
        %gather3A_938 = tpu.vector_load_idx %arg7[%shift_right_arithmetic3A_937] : memref<50000xi32, #tpu.memory_space<vmem>>[vector<16xi32>], vector<16xi32>,
        %and3A_939 = arith.constant 1 : i32
        %and3A_940 = vector.broadcast %and3A_939 : i32 to vector<16xi32>
        %and3A_941 = arith.andi %get3A_920, %and3A_940 : vector<16xi32>
        %shift_left3A_942 = arith.constant 4 : i32
        %shift_left3A_943 = vector.broadcast %shift_left3A_942 : i32 to vector<16xi32>
        %shift_left3A_944 = arith.shli %and3A_941, %shift_left3A_943 : vector<16xi32>
        %shift_right_arithmetic3A_945 = arith.shrsi %gather3A_938, %shift_left3A_944 : vector<16xi32>
        %and3A_946 = arith.constant 65535 : i32
        %and3A_947 = vector.broadcast %and3A_946 : i32 to vector<16xi32>
        %and3A_948 = arith.andi %shift_right_arithmetic3A_945, %and3A_947 : vector<16xi32>
        %eq3A_949 = arith.cmpi eq, %and3A_934, %and3A_948 : vector<16xi32>
        %select_n3A_950 = arith.select %eq3A_949, %broadcast_in_dim3A_1, %broadcast_in_dim3A_3 : vector<16xi1>, vector<16xf32>
        %swap3A_951 = arith.constant 368 : index
        %swap3A_952 = tpu.vector_load %arg12[%swap3A_951] {strides = array<i32>} : memref<512xf32, #tpu.memory_space<vmem>>, vector<16xf32>,
        tpu.vector_store %arg12[%swap3A_951], %select_n3A_950 {strides = array<i32>} : memref<512xf32, #tpu.memory_space<vmem>>, vector<16xf32>,
        %get3A_953 = arith.constant 384 : index
        %get3A_954 = tpu.vector_load %arg8[%get3A_953] {strides = array<i32>} : memref<512xi32, #tpu.memory_space<vmem>>, vector<16xi32>,
        %get3A_955 = arith.constant 384 : index
        %get3A_956 = tpu.vector_load %arg10[%get3A_955] {strides = array<i32>} : memref<512xi32, #tpu.memory_space<vmem>>, vector<16xi32>,
        %shift_right_arithmetic3A_957 = arith.constant 1 : i32
        %shift_right_arithmetic3A_958 = vector.broadcast %shift_right_arithmetic3A_957 : i32 to vector<16xi32>
        %shift_right_arithmetic3A_959 = arith.shrsi %get3A_954, %shift_right_arithmetic3A_958 : vector<16xi32>
        %gather3A_960 = tpu.vector_load_idx %arg7[%shift_right_arithmetic3A_959] : memref<50000xi32, #tpu.memory_space<vmem>>[vector<16xi32>], vector<16xi32>,
        %and3A_961 = arith.constant 1 : i32
        %and3A_962 = vector.broadcast %and3A_961 : i32 to vector<16xi32>
        %and3A_963 = arith.andi %get3A_954, %and3A_962 : vector<16xi32>
        %shift_left3A_964 = arith.constant 4 : i32
        %shift_left3A_965 = vector.broadcast %shift_left3A_964 : i32 to vector<16xi32>
        %shift_left3A_966 = arith.shli %and3A_963, %shift_left3A_965 : vector<16xi32>
        %shift_right_arithmetic3A_967 = arith.shrsi %gather3A_960, %shift_left3A_966 : vector<16xi32>
        %and3A_968 = arith.constant 65535 : i32
        %and3A_969 = vector.broadcast %and3A_968 : i32 to vector<16xi32>
        %and3A_970 = arith.andi %shift_right_arithmetic3A_967, %and3A_969 : vector<16xi32>
        %shift_right_arithmetic3A_971 = arith.constant 1 : i32
        %shift_right_arithmetic3A_972 = vector.broadcast %shift_right_arithmetic3A_971 : i32 to vector<16xi32>
        %shift_right_arithmetic3A_973 = arith.shrsi %get3A_956, %shift_right_arithmetic3A_972 : vector<16xi32>
        %gather3A_974 = tpu.vector_load_idx %arg7[%shift_right_arithmetic3A_973] : memref<50000xi32, #tpu.memory_space<vmem>>[vector<16xi32>], vector<16xi32>,
        %and3A_975 = arith.constant 1 : i32
        %and3A_976 = vector.broadcast %and3A_975 : i32 to vector<16xi32>
        %and3A_977 = arith.andi %get3A_956, %and3A_976 : vector<16xi32>
        %shift_left3A_978 = arith.constant 4 : i32
        %shift_left3A_979 = vector.broadcast %shift_left3A_978 : i32 to vector<16xi32>
        %shift_left3A_980 = arith.shli %and3A_977, %shift_left3A_979 : vector<16xi32>
        %shift_right_arithmetic3A_981 = arith.shrsi %gather3A_974, %shift_left3A_980 : vector<16xi32>
        %and3A_982 = arith.constant 65535 : i32
        %and3A_983 = vector.broadcast %and3A_982 : i32 to vector<16xi32>
        %and3A_984 = arith.andi %shift_right_arithmetic3A_981, %and3A_983 : vector<16xi32>
        %eq3A_985 = arith.cmpi eq, %and3A_970, %and3A_984 : vector<16xi32>
        %select_n3A_986 = arith.select %eq3A_985, %broadcast_in_dim3A_1, %broadcast_in_dim3A_3 : vector<16xi1>, vector<16xf32>
        %swap3A_987 = arith.constant 384 : index
        %swap3A_988 = tpu.vector_load %arg12[%swap3A_987] {strides = array<i32>} : memref<512xf32, #tpu.memory_space<vmem>>, vector<16xf32>,
        tpu.vector_store %arg12[%swap3A_987], %select_n3A_986 {strides = array<i32>} : memref<512xf32, #tpu.memory_space<vmem>>, vector<16xf32>,
        %get3A_989 = arith.constant 400 : index
        %get3A_990 = tpu.vector_load %arg8[%get3A_989] {strides = array<i32>} : memref<512xi32, #tpu.memory_space<vmem>>, vector<16xi32>,
        %get3A_991 = arith.constant 400 : index
        %get3A_992 = tpu.vector_load %arg10[%get3A_991] {strides = array<i32>} : memref<512xi32, #tpu.memory_space<vmem>>, vector<16xi32>,
        %shift_right_arithmetic3A_993 = arith.constant 1 : i32
        %shift_right_arithmetic3A_994 = vector.broadcast %shift_right_arithmetic3A_993 : i32 to vector<16xi32>
        %shift_right_arithmetic3A_995 = arith.shrsi %get3A_990, %shift_right_arithmetic3A_994 : vector<16xi32>
        %gather3A_996 = tpu.vector_load_idx %arg7[%shift_right_arithmetic3A_995] : memref<50000xi32, #tpu.memory_space<vmem>>[vector<16xi32>], vector<16xi32>,
        %and3A_997 = arith.constant 1 : i32
        %and3A_998 = vector.broadcast %and3A_997 : i32 to vector<16xi32>
        %and3A_999 = arith.andi %get3A_990, %and3A_998 : vector<16xi32>
        %shift_left3A_1000 = arith.constant 4 : i32
        %shift_left3A_1001 = vector.broadcast %shift_left3A_1000 : i32 to vector<16xi32>
        %shift_left3A_1002 = arith.shli %and3A_999, %shift_left3A_1001 : vector<16xi32>
        %shift_right_arithmetic3A_1003 = arith.shrsi %gather3A_996, %shift_left3A_1002 : vector<16xi32>
        %and3A_1004 = arith.constant 65535 : i32
        %and3A_1005 = vector.broadcast %and3A_1004 : i32 to vector<16xi32>
        %and3A_1006 = arith.andi %shift_right_arithmetic3A_1003, %and3A_1005 : vector<16xi32>
        %shift_right_arithmetic3A_1007 = arith.constant 1 : i32
        %shift_right_arithmetic3A_1008 = vector.broadcast %shift_right_arithmetic3A_1007 : i32 to vector<16xi32>
        %shift_right_arithmetic3A_1009 = arith.shrsi %get3A_992, %shift_right_arithmetic3A_1008 : vector<16xi32>
        %gather3A_1010 = tpu.vector_load_idx %arg7[%shift_right_arithmetic3A_1009] : memref<50000xi32, #tpu.memory_space<vmem>>[vector<16xi32>], vector<16xi32>,
        %and3A_1011 = arith.constant 1 : i32
        %and3A_1012 = vector.broadcast %and3A_1011 : i32 to vector<16xi32>
        %and3A_1013 = arith.andi %get3A_992, %and3A_1012 : vector<16xi32>
        %shift_left3A_1014 = arith.constant 4 : i32
        %shift_left3A_1015 = vector.broadcast %shift_left3A_1014 : i32 to vector<16xi32>
        %shift_left3A_1016 = arith.shli %and3A_1013, %shift_left3A_1015 : vector<16xi32>
        %shift_right_arithmetic3A_1017 = arith.shrsi %gather3A_1010, %shift_left3A_1016 : vector<16xi32>
        %and3A_1018 = arith.constant 65535 : i32
        %and3A_1019 = vector.broadcast %and3A_1018 : i32 to vector<16xi32>
        %and3A_1020 = arith.andi %shift_right_arithmetic3A_1017, %and3A_1019 : vector<16xi32>
        %eq3A_1021 = arith.cmpi eq, %and3A_1006, %and3A_1020 : vector<16xi32>
        %select_n3A_1022 = arith.select %eq3A_1021, %broadcast_in_dim3A_1, %broadcast_in_dim3A_3 : vector<16xi1>, vector<16xf32>
        %swap3A_1023 = arith.constant 400 : index
        %swap3A_1024 = tpu.vector_load %arg12[%swap3A_1023] {strides = array<i32>} : memref<512xf32, #tpu.memory_space<vmem>>, vector<16xf32>,
        tpu.vector_store %arg12[%swap3A_1023], %select_n3A_1022 {strides = array<i32>} : memref<512xf32, #tpu.memory_space<vmem>>, vector<16xf32>,
        %get3A_1025 = arith.constant 416 : index
        %get3A_1026 = tpu.vector_load %arg8[%get3A_1025] {strides = array<i32>} : memref<512xi32, #tpu.memory_space<vmem>>, vector<16xi32>,
        %get3A_1027 = arith.constant 416 : index
        %get3A_1028 = tpu.vector_load %arg10[%get3A_1027] {strides = array<i32>} : memref<512xi32, #tpu.memory_space<vmem>>, vector<16xi32>,
        %shift_right_arithmetic3A_1029 = arith.constant 1 : i32
        %shift_right_arithmetic3A_1030 = vector.broadcast %shift_right_arithmetic3A_1029 : i32 to vector<16xi32>
        %shift_right_arithmetic3A_1031 = arith.shrsi %get3A_1026, %shift_right_arithmetic3A_1030 : vector<16xi32>
        %gather3A_1032 = tpu.vector_load_idx %arg7[%shift_right_arithmetic3A_1031] : memref<50000xi32, #tpu.memory_space<vmem>>[vector<16xi32>], vector<16xi32>,
        %and3A_1033 = arith.constant 1 : i32
        %and3A_1034 = vector.broadcast %and3A_1033 : i32 to vector<16xi32>
        %and3A_1035 = arith.andi %get3A_1026, %and3A_1034 : vector<16xi32>
        %shift_left3A_1036 = arith.constant 4 : i32
        %shift_left3A_1037 = vector.broadcast %shift_left3A_1036 : i32 to vector<16xi32>
        %shift_left3A_1038 = arith.shli %and3A_1035, %shift_left3A_1037 : vector<16xi32>
        %shift_right_arithmetic3A_1039 = arith.shrsi %gather3A_1032, %shift_left3A_1038 : vector<16xi32>
        %and3A_1040 = arith.constant 65535 : i32
        %and3A_1041 = vector.broadcast %and3A_1040 : i32 to vector<16xi32>
        %and3A_1042 = arith.andi %shift_right_arithmetic3A_1039, %and3A_1041 : vector<16xi32>
        %shift_right_arithmetic3A_1043 = arith.constant 1 : i32
        %shift_right_arithmetic3A_1044 = vector.broadcast %shift_right_arithmetic3A_1043 : i32 to vector<16xi32>
        %shift_right_arithmetic3A_1045 = arith.shrsi %get3A_1028, %shift_right_arithmetic3A_1044 : vector<16xi32>
        %gather3A_1046 = tpu.vector_load_idx %arg7[%shift_right_arithmetic3A_1045] : memref<50000xi32, #tpu.memory_space<vmem>>[vector<16xi32>], vector<16xi32>,
        %and3A_1047 = arith.constant 1 : i32
        %and3A_1048 = vector.broadcast %and3A_1047 : i32 to vector<16xi32>
        %and3A_1049 = arith.andi %get3A_1028, %and3A_1048 : vector<16xi32>
        %shift_left3A_1050 = arith.constant 4 : i32
        %shift_left3A_1051 = vector.broadcast %shift_left3A_1050 : i32 to vector<16xi32>
        %shift_left3A_1052 = arith.shli %and3A_1049, %shift_left3A_1051 : vector<16xi32>
        %shift_right_arithmetic3A_1053 = arith.shrsi %gather3A_1046, %shift_left3A_1052 : vector<16xi32>
        %and3A_1054 = arith.constant 65535 : i32
        %and3A_1055 = vector.broadcast %and3A_1054 : i32 to vector<16xi32>
        %and3A_1056 = arith.andi %shift_right_arithmetic3A_1053, %and3A_1055 : vector<16xi32>
        %eq3A_1057 = arith.cmpi eq, %and3A_1042, %and3A_1056 : vector<16xi32>
        %select_n3A_1058 = arith.select %eq3A_1057, %broadcast_in_dim3A_1, %broadcast_in_dim3A_3 : vector<16xi1>, vector<16xf32>
        %swap3A_1059 = arith.constant 416 : index
        %swap3A_1060 = tpu.vector_load %arg12[%swap3A_1059] {strides = array<i32>} : memref<512xf32, #tpu.memory_space<vmem>>, vector<16xf32>,
        tpu.vector_store %arg12[%swap3A_1059], %select_n3A_1058 {strides = array<i32>} : memref<512xf32, #tpu.memory_space<vmem>>, vector<16xf32>,
        %get3A_1061 = arith.constant 432 : index
        %get3A_1062 = tpu.vector_load %arg8[%get3A_1061] {strides = array<i32>} : memref<512xi32, #tpu.memory_space<vmem>>, vector<16xi32>,
        %get3A_1063 = arith.constant 432 : index
        %get3A_1064 = tpu.vector_load %arg10[%get3A_1063] {strides = array<i32>} : memref<512xi32, #tpu.memory_space<vmem>>, vector<16xi32>,
        %shift_right_arithmetic3A_1065 = arith.constant 1 : i32
        %shift_right_arithmetic3A_1066 = vector.broadcast %shift_right_arithmetic3A_1065 : i32 to vector<16xi32>
        %shift_right_arithmetic3A_1067 = arith.shrsi %get3A_1062, %shift_right_arithmetic3A_1066 : vector<16xi32>
        %gather3A_1068 = tpu.vector_load_idx %arg7[%shift_right_arithmetic3A_1067] : memref<50000xi32, #tpu.memory_space<vmem>>[vector<16xi32>], vector<16xi32>,
        %and3A_1069 = arith.constant 1 : i32
        %and3A_1070 = vector.broadcast %and3A_1069 : i32 to vector<16xi32>
        %and3A_1071 = arith.andi %get3A_1062, %and3A_1070 : vector<16xi32>
        %shift_left3A_1072 = arith.constant 4 : i32
        %shift_left3A_1073 = vector.broadcast %shift_left3A_1072 : i32 to vector<16xi32>
        %shift_left3A_1074 = arith.shli %and3A_1071, %shift_left3A_1073 : vector<16xi32>
        %shift_right_arithmetic3A_1075 = arith.shrsi %gather3A_1068, %shift_left3A_1074 : vector<16xi32>
        %and3A_1076 = arith.constant 65535 : i32
        %and3A_1077 = vector.broadcast %and3A_1076 : i32 to vector<16xi32>
        %and3A_1078 = arith.andi %shift_right_arithmetic3A_1075, %and3A_1077 : vector<16xi32>
        %shift_right_arithmetic3A_1079 = arith.constant 1 : i32
        %shift_right_arithmetic3A_1080 = vector.broadcast %shift_right_arithmetic3A_1079 : i32 to vector<16xi32>
        %shift_right_arithmetic3A_1081 = arith.shrsi %get3A_1064, %shift_right_arithmetic3A_1080 : vector<16xi32>
        %gather3A_1082 = tpu.vector_load_idx %arg7[%shift_right_arithmetic3A_1081] : memref<50000xi32, #tpu.memory_space<vmem>>[vector<16xi32>], vector<16xi32>,
        %and3A_1083 = arith.constant 1 : i32
        %and3A_1084 = vector.broadcast %and3A_1083 : i32 to vector<16xi32>
        %and3A_1085 = arith.andi %get3A_1064, %and3A_1084 : vector<16xi32>
        %shift_left3A_1086 = arith.constant 4 : i32
        %shift_left3A_1087 = vector.broadcast %shift_left3A_1086 : i32 to vector<16xi32>
        %shift_left3A_1088 = arith.shli %and3A_1085, %shift_left3A_1087 : vector<16xi32>
        %shift_right_arithmetic3A_1089 = arith.shrsi %gather3A_1082, %shift_left3A_1088 : vector<16xi32>
        %and3A_1090 = arith.constant 65535 : i32
        %and3A_1091 = vector.broadcast %and3A_1090 : i32 to vector<16xi32>
        %and3A_1092 = arith.andi %shift_right_arithmetic3A_1089, %and3A_1091 : vector<16xi32>
        %eq3A_1093 = arith.cmpi eq, %and3A_1078, %and3A_1092 : vector<16xi32>
        %select_n3A_1094 = arith.select %eq3A_1093, %broadcast_in_dim3A_1, %broadcast_in_dim3A_3 : vector<16xi1>, vector<16xf32>
        %swap3A_1095 = arith.constant 432 : index
        %swap3A_1096 = tpu.vector_load %arg12[%swap3A_1095] {strides = array<i32>} : memref<512xf32, #tpu.memory_space<vmem>>, vector<16xf32>,
        tpu.vector_store %arg12[%swap3A_1095], %select_n3A_1094 {strides = array<i32>} : memref<512xf32, #tpu.memory_space<vmem>>, vector<16xf32>,
        %get3A_1097 = arith.constant 448 : index
        %get3A_1098 = tpu.vector_load %arg8[%get3A_1097] {strides = array<i32>} : memref<512xi32, #tpu.memory_space<vmem>>, vector<16xi32>,
        %get3A_1099 = arith.constant 448 : index
        %get3A_1100 = tpu.vector_load %arg10[%get3A_1099] {strides = array<i32>} : memref<512xi32, #tpu.memory_space<vmem>>, vector<16xi32>,
        %shift_right_arithmetic3A_1101 = arith.constant 1 : i32
        %shift_right_arithmetic3A_1102 = vector.broadcast %shift_right_arithmetic3A_1101 : i32 to vector<16xi32>
        %shift_right_arithmetic3A_1103 = arith.shrsi %get3A_1098, %shift_right_arithmetic3A_1102 : vector<16xi32>
        %gather3A_1104 = tpu.vector_load_idx %arg7[%shift_right_arithmetic3A_1103] : memref<50000xi32, #tpu.memory_space<vmem>>[vector<16xi32>], vector<16xi32>,
        %and3A_1105 = arith.constant 1 : i32
        %and3A_1106 = vector.broadcast %and3A_1105 : i32 to vector<16xi32>
        %and3A_1107 = arith.andi %get3A_1098, %and3A_1106 : vector<16xi32>
        %shift_left3A_1108 = arith.constant 4 : i32
        %shift_left3A_1109 = vector.broadcast %shift_left3A_1108 : i32 to vector<16xi32>
        %shift_left3A_1110 = arith.shli %and3A_1107, %shift_left3A_1109 : vector<16xi32>
        %shift_right_arithmetic3A_1111 = arith.shrsi %gather3A_1104, %shift_left3A_1110 : vector<16xi32>
        %and3A_1112 = arith.constant 65535 : i32
        %and3A_1113 = vector.broadcast %and3A_1112 : i32 to vector<16xi32>
        %and3A_1114 = arith.andi %shift_right_arithmetic3A_1111, %and3A_1113 : vector<16xi32>
        %shift_right_arithmetic3A_1115 = arith.constant 1 : i32
        %shift_right_arithmetic3A_1116 = vector.broadcast %shift_right_arithmetic3A_1115 : i32 to vector<16xi32>
        %shift_right_arithmetic3A_1117 = arith.shrsi %get3A_1100, %shift_right_arithmetic3A_1116 : vector<16xi32>
        %gather3A_1118 = tpu.vector_load_idx %arg7[%shift_right_arithmetic3A_1117] : memref<50000xi32, #tpu.memory_space<vmem>>[vector<16xi32>], vector<16xi32>,
        %and3A_1119 = arith.constant 1 : i32
        %and3A_1120 = vector.broadcast %and3A_1119 : i32 to vector<16xi32>
        %and3A_1121 = arith.andi %get3A_1100, %and3A_1120 : vector<16xi32>
        %shift_left3A_1122 = arith.constant 4 : i32
        %shift_left3A_1123 = vector.broadcast %shift_left3A_1122 : i32 to vector<16xi32>
        %shift_left3A_1124 = arith.shli %and3A_1121, %shift_left3A_1123 : vector<16xi32>
        %shift_right_arithmetic3A_1125 = arith.shrsi %gather3A_1118, %shift_left3A_1124 : vector<16xi32>
        %and3A_1126 = arith.constant 65535 : i32
        %and3A_1127 = vector.broadcast %and3A_1126 : i32 to vector<16xi32>
        %and3A_1128 = arith.andi %shift_right_arithmetic3A_1125, %and3A_1127 : vector<16xi32>
        %eq3A_1129 = arith.cmpi eq, %and3A_1114, %and3A_1128 : vector<16xi32>
        %select_n3A_1130 = arith.select %eq3A_1129, %broadcast_in_dim3A_1, %broadcast_in_dim3A_3 : vector<16xi1>, vector<16xf32>
        %swap3A_1131 = arith.constant 448 : index
        %swap3A_1132 = tpu.vector_load %arg12[%swap3A_1131] {strides = array<i32>} : memref<512xf32, #tpu.memory_space<vmem>>, vector<16xf32>,
        tpu.vector_store %arg12[%swap3A_1131], %select_n3A_1130 {strides = array<i32>} : memref<512xf32, #tpu.memory_space<vmem>>, vector<16xf32>,
        %get3A_1133 = arith.constant 464 : index
        %get3A_1134 = tpu.vector_load %arg8[%get3A_1133] {strides = array<i32>} : memref<512xi32, #tpu.memory_space<vmem>>, vector<16xi32>,
        %get3A_1135 = arith.constant 464 : index
        %get3A_1136 = tpu.vector_load %arg10[%get3A_1135] {strides = array<i32>} : memref<512xi32, #tpu.memory_space<vmem>>, vector<16xi32>,
        %shift_right_arithmetic3A_1137 = arith.constant 1 : i32
        %shift_right_arithmetic3A_1138 = vector.broadcast %shift_right_arithmetic3A_1137 : i32 to vector<16xi32>
        %shift_right_arithmetic3A_1139 = arith.shrsi %get3A_1134, %shift_right_arithmetic3A_1138 : vector<16xi32>
        %gather3A_1140 = tpu.vector_load_idx %arg7[%shift_right_arithmetic3A_1139] : memref<50000xi32, #tpu.memory_space<vmem>>[vector<16xi32>], vector<16xi32>,
        %and3A_1141 = arith.constant 1 : i32
        %and3A_1142 = vector.broadcast %and3A_1141 : i32 to vector<16xi32>
        %and3A_1143 = arith.andi %get3A_1134, %and3A_1142 : vector<16xi32>
        %shift_left3A_1144 = arith.constant 4 : i32
        %shift_left3A_1145 = vector.broadcast %shift_left3A_1144 : i32 to vector<16xi32>
        %shift_left3A_1146 = arith.shli %and3A_1143, %shift_left3A_1145 : vector<16xi32>
        %shift_right_arithmetic3A_1147 = arith.shrsi %gather3A_1140, %shift_left3A_1146 : vector<16xi32>
        %and3A_1148 = arith.constant 65535 : i32
        %and3A_1149 = vector.broadcast %and3A_1148 : i32 to vector<16xi32>
        %and3A_1150 = arith.andi %shift_right_arithmetic3A_1147, %and3A_1149 : vector<16xi32>
        %shift_right_arithmetic3A_1151 = arith.constant 1 : i32
        %shift_right_arithmetic3A_1152 = vector.broadcast %shift_right_arithmetic3A_1151 : i32 to vector<16xi32>
        %shift_right_arithmetic3A_1153 = arith.shrsi %get3A_1136, %shift_right_arithmetic3A_1152 : vector<16xi32>
        %gather3A_1154 = tpu.vector_load_idx %arg7[%shift_right_arithmetic3A_1153] : memref<50000xi32, #tpu.memory_space<vmem>>[vector<16xi32>], vector<16xi32>,
        %and3A_1155 = arith.constant 1 : i32
        %and3A_1156 = vector.broadcast %and3A_1155 : i32 to vector<16xi32>
        %and3A_1157 = arith.andi %get3A_1136, %and3A_1156 : vector<16xi32>
        %shift_left3A_1158 = arith.constant 4 : i32
        %shift_left3A_1159 = vector.broadcast %shift_left3A_1158 : i32 to vector<16xi32>
        %shift_left3A_1160 = arith.shli %and3A_1157, %shift_left3A_1159 : vector<16xi32>
        %shift_right_arithmetic3A_1161 = arith.shrsi %gather3A_1154, %shift_left3A_1160 : vector<16xi32>
        %and3A_1162 = arith.constant 65535 : i32
        %and3A_1163 = vector.broadcast %and3A_1162 : i32 to vector<16xi32>
        %and3A_1164 = arith.andi %shift_right_arithmetic3A_1161, %and3A_1163 : vector<16xi32>
        %eq3A_1165 = arith.cmpi eq, %and3A_1150, %and3A_1164 : vector<16xi32>
        %select_n3A_1166 = arith.select %eq3A_1165, %broadcast_in_dim3A_1, %broadcast_in_dim3A_3 : vector<16xi1>, vector<16xf32>
        %swap3A_1167 = arith.constant 464 : index
        %swap3A_1168 = tpu.vector_load %arg12[%swap3A_1167] {strides = array<i32>} : memref<512xf32, #tpu.memory_space<vmem>>, vector<16xf32>,
        tpu.vector_store %arg12[%swap3A_1167], %select_n3A_1166 {strides = array<i32>} : memref<512xf32, #tpu.memory_space<vmem>>, vector<16xf32>,
        %get3A_1169 = arith.constant 480 : index
        %get3A_1170 = tpu.vector_load %arg8[%get3A_1169] {strides = array<i32>} : memref<512xi32, #tpu.memory_space<vmem>>, vector<16xi32>,
        %get3A_1171 = arith.constant 480 : index
        %get3A_1172 = tpu.vector_load %arg10[%get3A_1171] {strides = array<i32>} : memref<512xi32, #tpu.memory_space<vmem>>, vector<16xi32>,
        %shift_right_arithmetic3A_1173 = arith.constant 1 : i32
        %shift_right_arithmetic3A_1174 = vector.broadcast %shift_right_arithmetic3A_1173 : i32 to vector<16xi32>
        %shift_right_arithmetic3A_1175 = arith.shrsi %get3A_1170, %shift_right_arithmetic3A_1174 : vector<16xi32>
        %gather3A_1176 = tpu.vector_load_idx %arg7[%shift_right_arithmetic3A_1175] : memref<50000xi32, #tpu.memory_space<vmem>>[vector<16xi32>], vector<16xi32>,
        %and3A_1177 = arith.constant 1 : i32
        %and3A_1178 = vector.broadcast %and3A_1177 : i32 to vector<16xi32>
        %and3A_1179 = arith.andi %get3A_1170, %and3A_1178 : vector<16xi32>
        %shift_left3A_1180 = arith.constant 4 : i32
        %shift_left3A_1181 = vector.broadcast %shift_left3A_1180 : i32 to vector<16xi32>
        %shift_left3A_1182 = arith.shli %and3A_1179, %shift_left3A_1181 : vector<16xi32>
        %shift_right_arithmetic3A_1183 = arith.shrsi %gather3A_1176, %shift_left3A_1182 : vector<16xi32>
        %and3A_1184 = arith.constant 65535 : i32
        %and3A_1185 = vector.broadcast %and3A_1184 : i32 to vector<16xi32>
        %and3A_1186 = arith.andi %shift_right_arithmetic3A_1183, %and3A_1185 : vector<16xi32>
        %shift_right_arithmetic3A_1187 = arith.constant 1 : i32
        %shift_right_arithmetic3A_1188 = vector.broadcast %shift_right_arithmetic3A_1187 : i32 to vector<16xi32>
        %shift_right_arithmetic3A_1189 = arith.shrsi %get3A_1172, %shift_right_arithmetic3A_1188 : vector<16xi32>
        %gather3A_1190 = tpu.vector_load_idx %arg7[%shift_right_arithmetic3A_1189] : memref<50000xi32, #tpu.memory_space<vmem>>[vector<16xi32>], vector<16xi32>,
        %and3A_1191 = arith.constant 1 : i32
        %and3A_1192 = vector.broadcast %and3A_1191 : i32 to vector<16xi32>
        %and3A_1193 = arith.andi %get3A_1172, %and3A_1192 : vector<16xi32>
        %shift_left3A_1194 = arith.constant 4 : i32
        %shift_left3A_1195 = vector.broadcast %shift_left3A_1194 : i32 to vector<16xi32>
        %shift_left3A_1196 = arith.shli %and3A_1193, %shift_left3A_1195 : vector<16xi32>
        %shift_right_arithmetic3A_1197 = arith.shrsi %gather3A_1190, %shift_left3A_1196 : vector<16xi32>
        %and3A_1198 = arith.constant 65535 : i32
        %and3A_1199 = vector.broadcast %and3A_1198 : i32 to vector<16xi32>
        %and3A_1200 = arith.andi %shift_right_arithmetic3A_1197, %and3A_1199 : vector<16xi32>
        %eq3A_1201 = arith.cmpi eq, %and3A_1186, %and3A_1200 : vector<16xi32>
        %select_n3A_1202 = arith.select %eq3A_1201, %broadcast_in_dim3A_1, %broadcast_in_dim3A_3 : vector<16xi1>, vector<16xf32>
        %swap3A_1203 = arith.constant 480 : index
        %swap3A_1204 = tpu.vector_load %arg12[%swap3A_1203] {strides = array<i32>} : memref<512xf32, #tpu.memory_space<vmem>>, vector<16xf32>,
        tpu.vector_store %arg12[%swap3A_1203], %select_n3A_1202 {strides = array<i32>} : memref<512xf32, #tpu.memory_space<vmem>>, vector<16xf32>,
        %get3A_1205 = arith.constant 496 : index
        %get3A_1206 = tpu.vector_load %arg8[%get3A_1205] {strides = array<i32>} : memref<512xi32, #tpu.memory_space<vmem>>, vector<16xi32>,
        %get3A_1207 = arith.constant 496 : index
        %get3A_1208 = tpu.vector_load %arg10[%get3A_1207] {strides = array<i32>} : memref<512xi32, #tpu.memory_space<vmem>>, vector<16xi32>,
        %shift_right_arithmetic3A_1209 = arith.constant 1 : i32
        %shift_right_arithmetic3A_1210 = vector.broadcast %shift_right_arithmetic3A_1209 : i32 to vector<16xi32>
        %shift_right_arithmetic3A_1211 = arith.shrsi %get3A_1206, %shift_right_arithmetic3A_1210 : vector<16xi32>
        %gather3A_1212 = tpu.vector_load_idx %arg7[%shift_right_arithmetic3A_1211] : memref<50000xi32, #tpu.memory_space<vmem>>[vector<16xi32>], vector<16xi32>,
        %and3A_1213 = arith.constant 1 : i32
        %and3A_1214 = vector.broadcast %and3A_1213 : i32 to vector<16xi32>
        %and3A_1215 = arith.andi %get3A_1206, %and3A_1214 : vector<16xi32>
        %shift_left3A_1216 = arith.constant 4 : i32
        %shift_left3A_1217 = vector.broadcast %shift_left3A_1216 : i32 to vector<16xi32>
        %shift_left3A_1218 = arith.shli %and3A_1215, %shift_left3A_1217 : vector<16xi32>
        %shift_right_arithmetic3A_1219 = arith.shrsi %gather3A_1212, %shift_left3A_1218 : vector<16xi32>
        %and3A_1220 = arith.constant 65535 : i32
        %and3A_1221 = vector.broadcast %and3A_1220 : i32 to vector<16xi32>
        %and3A_1222 = arith.andi %shift_right_arithmetic3A_1219, %and3A_1221 : vector<16xi32>
        %shift_right_arithmetic3A_1223 = arith.constant 1 : i32
        %shift_right_arithmetic3A_1224 = vector.broadcast %shift_right_arithmetic3A_1223 : i32 to vector<16xi32>
        %shift_right_arithmetic3A_1225 = arith.shrsi %get3A_1208, %shift_right_arithmetic3A_1224 : vector<16xi32>
        %gather3A_1226 = tpu.vector_load_idx %arg7[%shift_right_arithmetic3A_1225] : memref<50000xi32, #tpu.memory_space<vmem>>[vector<16xi32>], vector<16xi32>,
        %and3A_1227 = arith.constant 1 : i32
        %and3A_1228 = vector.broadcast %and3A_1227 : i32 to vector<16xi32>
        %and3A_1229 = arith.andi %get3A_1208, %and3A_1228 : vector<16xi32>
        %shift_left3A_1230 = arith.constant 4 : i32
        %shift_left3A_1231 = vector.broadcast %shift_left3A_1230 : i32 to vector<16xi32>
        %shift_left3A_1232 = arith.shli %and3A_1229, %shift_left3A_1231 : vector<16xi32>
        %shift_right_arithmetic3A_1233 = arith.shrsi %gather3A_1226, %shift_left3A_1232 : vector<16xi32>
        %and3A_1234 = arith.constant 65535 : i32
        %and3A_1235 = vector.broadcast %and3A_1234 : i32 to vector<16xi32>
        %and3A_1236 = arith.andi %shift_right_arithmetic3A_1233, %and3A_1235 : vector<16xi32>
        %eq3A_1237 = arith.cmpi eq, %and3A_1222, %and3A_1236 : vector<16xi32>
        %select_n3A_1238 = arith.select %eq3A_1237, %broadcast_in_dim3A_1, %broadcast_in_dim3A_3 : vector<16xi1>, vector<16xf32>
        %swap3A_1239 = arith.constant 496 : index
        %swap3A_1240 = tpu.vector_load %arg12[%swap3A_1239] {strides = array<i32>} : memref<512xf32, #tpu.memory_space<vmem>>, vector<16xf32>,
        tpu.vector_store %arg12[%swap3A_1239], %select_n3A_1238 {strides = array<i32>} : memref<512xf32, #tpu.memory_space<vmem>>, vector<16xf32>,
        %dma_wait3A_1241 = arith.constant 0 : i32
        %dma_wait3A_1242 = arith.constant 0 : i32
        %dma_wait3A_1243 = tpu.memref_slice %arg3[%dma_wait3A_1241, %dma_wait3A_1242] : memref<100000x16xf32, #tpu.memory_space<hbm>> -> memref<100000x16xf32, #tpu.memory_space<hbm>>
        tpu.wait_indirect_dma semaphore(%arg20 : memref<!tpu.dma_semaphore, #tpu.memory_space<semaphore_mem>>) src(%dma_wait3A_1243 : memref<100000x16xf32, #tpu.memory_space<hbm>>) dst(%arg14 : memref<512x16xf32, #tpu.memory_space<vmem>>)
        %dma_wait3A_1244 = arith.constant 0 : i32
        %dma_wait3A_1245 = arith.constant 0 : i32
        %dma_wait3A_1246 = tpu.memref_slice %arg4[%dma_wait3A_1244, %dma_wait3A_1245] : memref<100000x16xf32, #tpu.memory_space<hbm>> -> memref<100000x16xf32, #tpu.memory_space<hbm>>
        tpu.wait_indirect_dma semaphore(%arg20 : memref<!tpu.dma_semaphore, #tpu.memory_space<semaphore_mem>>) src(%dma_wait3A_1246 : memref<100000x16xf32, #tpu.memory_space<hbm>>) dst(%arg16 : memref<512x16xf32, #tpu.memory_space<vmem>>)
        %scan3A_1247 = arith.constant 0 : i32
        %scan3A_1248 = arith.constant 0 : i32
        %scan3A_1249 = arith.constant 512 : i32
        %scan3A_1250 = arith.addi %scan3A_1248, %scan3A_1249 : i32
        %scan3A_1251 = arith.constant 8 : i32
        scf.for %scan3A_1266 = %scan3A_1248 to %scan3A_1250 step %scan3A_1251  : i32 {
          %broadcast_in_dim3A_1267 = vector.broadcast %scan3A_1266 : i32 to vector<16xi32>
          %gather3A_1268 = tpu.vector_load_idx %arg12[%broadcast_in_dim3A_1267] : memref<512xf32, #tpu.memory_space<vmem>>[vector<16xi32>], vector<16xf32>,
          %get3A_1269 = arith.index_cast %scan3A_1266 : i32 to index
          %get3A_1270 = arith.constant 0 : index
          %get3A_1271 = tpu.vector_load %arg14[%get3A_1269, %get3A_1270] {strides = array<i32>} : memref<512x16xf32, #tpu.memory_space<vmem>>, vector<16xf32>,
          %get3A_1272 = arith.index_cast %scan3A_1266 : i32 to index
          %get3A_1273 = arith.constant 0 : index
          %get3A_1274 = tpu.vector_load %arg16[%get3A_1272, %get3A_1273] {strides = array<i32>} : memref<512x16xf32, #tpu.memory_space<vmem>>, vector<16xf32>,
          %mul3A_1275 = arith.mulf %get3A_1271, %get3A_1274 : vector<16xf32>
          %mul3A_1276 = arith.mulf %mul3A_1275, %gather3A_1268 : vector<16xf32>
          %swap3A_1277 = arith.index_cast %scan3A_1266 : i32 to index
          %swap3A_1278 = arith.constant 0 : index
          %swap3A_1279 = tpu.vector_load %arg14[%swap3A_1277, %swap3A_1278] {strides = array<i32>} : memref<512x16xf32, #tpu.memory_space<vmem>>, vector<16xf32>,
          tpu.vector_store %arg14[%swap3A_1277, %swap3A_1278], %mul3A_1276 {strides = array<i32>} : memref<512x16xf32, #tpu.memory_space<vmem>>, vector<16xf32>,
          %scan3A_1280 = arith.constant 1 : i32
          %scan3A_1281 = arith.addi %scan3A_1266, %scan3A_1280 : i32
          %broadcast_in_dim3A_1282 = vector.broadcast %scan3A_1281 : i32 to vector<16xi32>
          %gather3A_1283 = tpu.vector_load_idx %arg12[%broadcast_in_dim3A_1282] : memref<512xf32, #tpu.memory_space<vmem>>[vector<16xi32>], vector<16xf32>,
          %get3A_1284 = arith.index_cast %scan3A_1281 : i32 to index
          %get3A_1285 = arith.constant 0 : index
          %get3A_1286 = tpu.vector_load %arg14[%get3A_1284, %get3A_1285] {strides = array<i32>} : memref<512x16xf32, #tpu.memory_space<vmem>>, vector<16xf32>,
          %get3A_1287 = arith.index_cast %scan3A_1281 : i32 to index
          %get3A_1288 = arith.constant 0 : index
          %get3A_1289 = tpu.vector_load %arg16[%get3A_1287, %get3A_1288] {strides = array<i32>} : memref<512x16xf32, #tpu.memory_space<vmem>>, vector<16xf32>,
          %mul3A_1290 = arith.mulf %get3A_1286, %get3A_1289 : vector<16xf32>
          %mul3A_1291 = arith.mulf %mul3A_1290, %gather3A_1283 : vector<16xf32>
          %swap3A_1292 = arith.index_cast %scan3A_1281 : i32 to index
          %swap3A_1293 = arith.constant 0 : index
          %swap3A_1294 = tpu.vector_load %arg14[%swap3A_1292, %swap3A_1293] {strides = array<i32>} : memref<512x16xf32, #tpu.memory_space<vmem>>, vector<16xf32>,
          tpu.vector_store %arg14[%swap3A_1292, %swap3A_1293], %mul3A_1291 {strides = array<i32>} : memref<512x16xf32, #tpu.memory_space<vmem>>, vector<16xf32>,
          %scan3A_1295 = arith.constant 2 : i32
          %scan3A_1296 = arith.addi %scan3A_1266, %scan3A_1295 : i32
          %broadcast_in_dim3A_1297 = vector.broadcast %scan3A_1296 : i32 to vector<16xi32>
          %gather3A_1298 = tpu.vector_load_idx %arg12[%broadcast_in_dim3A_1297] : memref<512xf32, #tpu.memory_space<vmem>>[vector<16xi32>], vector<16xf32>,
          %get3A_1299 = arith.index_cast %scan3A_1296 : i32 to index
          %get3A_1300 = arith.constant 0 : index
          %get3A_1301 = tpu.vector_load %arg14[%get3A_1299, %get3A_1300] {strides = array<i32>} : memref<512x16xf32, #tpu.memory_space<vmem>>, vector<16xf32>,
          %get3A_1302 = arith.index_cast %scan3A_1296 : i32 to index
          %get3A_1303 = arith.constant 0 : index
          %get3A_1304 = tpu.vector_load %arg16[%get3A_1302, %get3A_1303] {strides = array<i32>} : memref<512x16xf32, #tpu.memory_space<vmem>>, vector<16xf32>,
          %mul3A_1305 = arith.mulf %get3A_1301, %get3A_1304 : vector<16xf32>
          %mul3A_1306 = arith.mulf %mul3A_1305, %gather3A_1298 : vector<16xf32>
          %swap3A_1307 = arith.index_cast %scan3A_1296 : i32 to index
          %swap3A_1308 = arith.constant 0 : index
          %swap3A_1309 = tpu.vector_load %arg14[%swap3A_1307, %swap3A_1308] {strides = array<i32>} : memref<512x16xf32, #tpu.memory_space<vmem>>, vector<16xf32>,
          tpu.vector_store %arg14[%swap3A_1307, %swap3A_1308], %mul3A_1306 {strides = array<i32>} : memref<512x16xf32, #tpu.memory_space<vmem>>, vector<16xf32>,
          %scan3A_1310 = arith.constant 3 : i32
          %scan3A_1311 = arith.addi %scan3A_1266, %scan3A_1310 : i32
          %broadcast_in_dim3A_1312 = vector.broadcast %scan3A_1311 : i32 to vector<16xi32>
          %gather3A_1313 = tpu.vector_load_idx %arg12[%broadcast_in_dim3A_1312] : memref<512xf32, #tpu.memory_space<vmem>>[vector<16xi32>], vector<16xf32>,
          %get3A_1314 = arith.index_cast %scan3A_1311 : i32 to index
          %get3A_1315 = arith.constant 0 : index
          %get3A_1316 = tpu.vector_load %arg14[%get3A_1314, %get3A_1315] {strides = array<i32>} : memref<512x16xf32, #tpu.memory_space<vmem>>, vector<16xf32>,
          %get3A_1317 = arith.index_cast %scan3A_1311 : i32 to index
          %get3A_1318 = arith.constant 0 : index
          %get3A_1319 = tpu.vector_load %arg16[%get3A_1317, %get3A_1318] {strides = array<i32>} : memref<512x16xf32, #tpu.memory_space<vmem>>, vector<16xf32>,
          %mul3A_1320 = arith.mulf %get3A_1316, %get3A_1319 : vector<16xf32>
          %mul3A_1321 = arith.mulf %mul3A_1320, %gather3A_1313 : vector<16xf32>
          %swap3A_1322 = arith.index_cast %scan3A_1311 : i32 to index
          %swap3A_1323 = arith.constant 0 : index
          %swap3A_1324 = tpu.vector_load %arg14[%swap3A_1322, %swap3A_1323] {strides = array<i32>} : memref<512x16xf32, #tpu.memory_space<vmem>>, vector<16xf32>,
          tpu.vector_store %arg14[%swap3A_1322, %swap3A_1323], %mul3A_1321 {strides = array<i32>} : memref<512x16xf32, #tpu.memory_space<vmem>>, vector<16xf32>,
          %scan3A_1325 = arith.constant 4 : i32
          %scan3A_1326 = arith.addi %scan3A_1266, %scan3A_1325 : i32
          %broadcast_in_dim3A_1327 = vector.broadcast %scan3A_1326 : i32 to vector<16xi32>
          %gather3A_1328 = tpu.vector_load_idx %arg12[%broadcast_in_dim3A_1327] : memref<512xf32, #tpu.memory_space<vmem>>[vector<16xi32>], vector<16xf32>,
          %get3A_1329 = arith.index_cast %scan3A_1326 : i32 to index
          %get3A_1330 = arith.constant 0 : index
          %get3A_1331 = tpu.vector_load %arg14[%get3A_1329, %get3A_1330] {strides = array<i32>} : memref<512x16xf32, #tpu.memory_space<vmem>>, vector<16xf32>,
          %get3A_1332 = arith.index_cast %scan3A_1326 : i32 to index
          %get3A_1333 = arith.constant 0 : index
          %get3A_1334 = tpu.vector_load %arg16[%get3A_1332, %get3A_1333] {strides = array<i32>} : memref<512x16xf32, #tpu.memory_space<vmem>>, vector<16xf32>,
          %mul3A_1335 = arith.mulf %get3A_1331, %get3A_1334 : vector<16xf32>
          %mul3A_1336 = arith.mulf %mul3A_1335, %gather3A_1328 : vector<16xf32>
          %swap3A_1337 = arith.index_cast %scan3A_1326 : i32 to index
          %swap3A_1338 = arith.constant 0 : index
          %swap3A_1339 = tpu.vector_load %arg14[%swap3A_1337, %swap3A_1338] {strides = array<i32>} : memref<512x16xf32, #tpu.memory_space<vmem>>, vector<16xf32>,
          tpu.vector_store %arg14[%swap3A_1337, %swap3A_1338], %mul3A_1336 {strides = array<i32>} : memref<512x16xf32, #tpu.memory_space<vmem>>, vector<16xf32>,
          %scan3A_1340 = arith.constant 5 : i32
          %scan3A_1341 = arith.addi %scan3A_1266, %scan3A_1340 : i32
          %broadcast_in_dim3A_1342 = vector.broadcast %scan3A_1341 : i32 to vector<16xi32>
          %gather3A_1343 = tpu.vector_load_idx %arg12[%broadcast_in_dim3A_1342] : memref<512xf32, #tpu.memory_space<vmem>>[vector<16xi32>], vector<16xf32>,
          %get3A_1344 = arith.index_cast %scan3A_1341 : i32 to index
          %get3A_1345 = arith.constant 0 : index
          %get3A_1346 = tpu.vector_load %arg14[%get3A_1344, %get3A_1345] {strides = array<i32>} : memref<512x16xf32, #tpu.memory_space<vmem>>, vector<16xf32>,
          %get3A_1347 = arith.index_cast %scan3A_1341 : i32 to index
          %get3A_1348 = arith.constant 0 : index
          %get3A_1349 = tpu.vector_load %arg16[%get3A_1347, %get3A_1348] {strides = array<i32>} : memref<512x16xf32, #tpu.memory_space<vmem>>, vector<16xf32>,
          %mul3A_1350 = arith.mulf %get3A_1346, %get3A_1349 : vector<16xf32>
          %mul3A_1351 = arith.mulf %mul3A_1350, %gather3A_1343 : vector<16xf32>
          %swap3A_1352 = arith.index_cast %scan3A_1341 : i32 to index
          %swap3A_1353 = arith.constant 0 : index
          %swap3A_1354 = tpu.vector_load %arg14[%swap3A_1352, %swap3A_1353] {strides = array<i32>} : memref<512x16xf32, #tpu.memory_space<vmem>>, vector<16xf32>,
          tpu.vector_store %arg14[%swap3A_1352, %swap3A_1353], %mul3A_1351 {strides = array<i32>} : memref<512x16xf32, #tpu.memory_space<vmem>>, vector<16xf32>,
          %scan3A_1355 = arith.constant 6 : i32
          %scan3A_1356 = arith.addi %scan3A_1266, %scan3A_1355 : i32
          %broadcast_in_dim3A_1357 = vector.broadcast %scan3A_1356 : i32 to vector<16xi32>
          %gather3A_1358 = tpu.vector_load_idx %arg12[%broadcast_in_dim3A_1357] : memref<512xf32, #tpu.memory_space<vmem>>[vector<16xi32>], vector<16xf32>,
          %get3A_1359 = arith.index_cast %scan3A_1356 : i32 to index
          %get3A_1360 = arith.constant 0 : index
          %get3A_1361 = tpu.vector_load %arg14[%get3A_1359, %get3A_1360] {strides = array<i32>} : memref<512x16xf32, #tpu.memory_space<vmem>>, vector<16xf32>,
          %get3A_1362 = arith.index_cast %scan3A_1356 : i32 to index
          %get3A_1363 = arith.constant 0 : index
          %get3A_1364 = tpu.vector_load %arg16[%get3A_1362, %get3A_1363] {strides = array<i32>} : memref<512x16xf32, #tpu.memory_space<vmem>>, vector<16xf32>,
          %mul3A_1365 = arith.mulf %get3A_1361, %get3A_1364 : vector<16xf32>
          %mul3A_1366 = arith.mulf %mul3A_1365, %gather3A_1358 : vector<16xf32>
          %swap3A_1367 = arith.index_cast %scan3A_1356 : i32 to index
          %swap3A_1368 = arith.constant 0 : index
          %swap3A_1369 = tpu.vector_load %arg14[%swap3A_1367, %swap3A_1368] {strides = array<i32>} : memref<512x16xf32, #tpu.memory_space<vmem>>, vector<16xf32>,
          tpu.vector_store %arg14[%swap3A_1367, %swap3A_1368], %mul3A_1366 {strides = array<i32>} : memref<512x16xf32, #tpu.memory_space<vmem>>, vector<16xf32>,
          %scan3A_1370 = arith.constant 7 : i32
          %scan3A_1371 = arith.addi %scan3A_1266, %scan3A_1370 : i32
          %broadcast_in_dim3A_1372 = vector.broadcast %scan3A_1371 : i32 to vector<16xi32>
          %gather3A_1373 = tpu.vector_load_idx %arg12[%broadcast_in_dim3A_1372] : memref<512xf32, #tpu.memory_space<vmem>>[vector<16xi32>], vector<16xf32>,
          %get3A_1374 = arith.index_cast %scan3A_1371 : i32 to index
          %get3A_1375 = arith.constant 0 : index
          %get3A_1376 = tpu.vector_load %arg14[%get3A_1374, %get3A_1375] {strides = array<i32>} : memref<512x16xf32, #tpu.memory_space<vmem>>, vector<16xf32>,
          %get3A_1377 = arith.index_cast %scan3A_1371 : i32 to index
          %get3A_1378 = arith.constant 0 : index
          %get3A_1379 = tpu.vector_load %arg16[%get3A_1377, %get3A_1378] {strides = array<i32>} : memref<512x16xf32, #tpu.memory_space<vmem>>, vector<16xf32>,
          %mul3A_1380 = arith.mulf %get3A_1376, %get3A_1379 : vector<16xf32>
          %mul3A_1381 = arith.mulf %mul3A_1380, %gather3A_1373 : vector<16xf32>
          %swap3A_1382 = arith.index_cast %scan3A_1371 : i32 to index
          %swap3A_1383 = arith.constant 0 : index
          %swap3A_1384 = tpu.vector_load %arg14[%swap3A_1382, %swap3A_1383] {strides = array<i32>} : memref<512x16xf32, #tpu.memory_space<vmem>>, vector<16xf32>,
          tpu.vector_store %arg14[%swap3A_1382, %swap3A_1383], %mul3A_1381 {strides = array<i32>} : memref<512x16xf32, #tpu.memory_space<vmem>>, vector<16xf32>,
        }
        %scan3A_1252 = arith.constant 512 : i32
        %mul3A_1253 = arith.constant 512 : i32
        %mul3A_1254 = arith.muli %add3A_70, %mul3A_1253 : i32
        %dma_start3A_1255 = arith.constant 0 : i32
        %dma_start3A_1256 = tpu.memref_slice %arg6[%mul3A_1254, %dma_start3A_1255] : memref<3200000x16xf32, #tpu.memory_space<hbm>> -> memref<512x16xf32, #tpu.memory_space<hbm>>
        %dma_start3A_1257 = arith.constant 0 : i32
        %dma_start3A_1258 = tpu.memref_slice %arg6[%mul3A_1254, %dma_start3A_1257] : memref<3200000x16xf32, #tpu.memory_space<hbm>> -> memref<512x16xf32, #tpu.memory_space<hbm>>
        tpu.enqueue_dma source(%arg14 : memref<512x16xf32, #tpu.memory_space<vmem>>) target(%dma_start3A_1258 : memref<512x16xf32, #tpu.memory_space<hbm>>) target_semaphore(%arg22 : memref<!tpu.dma_semaphore, #tpu.memory_space<semaphore_mem>>)
        %add3A_1259 = arith.constant 64 : i32
        %add3A_1260 = arith.addi %add3A_70, %add3A_1259 : i32
        %lt3A_1261 = arith.constant 6250 : i32
        %lt3A_1262 = arith.cmpi slt, %add3A_1260, %lt3A_1261 : i32
        %convert_element_type3A_1263 = arith.extui %lt3A_1262 : i1 to i32
        %cond3A_1264 = arith.constant 0 : i32
        %cond3A_1265 = arith.cmpi ne, %convert_element_type3A_1263, %cond3A_1264 : i32
        scf.if %cond3A_1265 {
          %mul3A_1266 = arith.constant 512 : i32
          %mul3A_1267 = arith.muli %add3A_1260, %mul3A_1266 : i32
          %dma_start3A_1268 = arith.constant 0 : i32
          %dma_start3A_1269 = tpu.memref_slice %arg2[%dma_start3A_1268, %mul3A_1267] : memref<2x3200000xi32, #tpu.memory_space<hbm>> -> memref<1x512xi32, #tpu.memory_space<hbm>>
          %dma_start3A_1270 = tpu.memref_squeeze %dma_start3A_1269 : memref<1x512xi32, #tpu.memory_space<hbm>> -> memref<512xi32, #tpu.memory_space<hbm>>
          %dma_start3A_1271 = tpu.memref_slice %arg2[%dma_start3A_1268, %mul3A_1267] : memref<2x3200000xi32, #tpu.memory_space<hbm>> -> memref<1x512xi32, #tpu.memory_space<hbm>>
          %dma_start3A_1272 = tpu.memref_squeeze %dma_start3A_1271 : memref<1x512xi32, #tpu.memory_space<hbm>> -> memref<512xi32, #tpu.memory_space<hbm>>
          tpu.enqueue_dma source(%dma_start3A_1272 : memref<512xi32, #tpu.memory_space<hbm>>) target(%arg8 : memref<512xi32, #tpu.memory_space<vmem>>) target_semaphore(%arg18 : memref<!tpu.dma_semaphore, #tpu.memory_space<semaphore_mem>>)
          %mul3A_1273 = arith.constant 512 : i32
          %mul3A_1274 = arith.muli %add3A_1260, %mul3A_1273 : i32
          %dma_start3A_1275 = arith.constant 1 : i32
          %dma_start3A_1276 = tpu.memref_slice %arg2[%dma_start3A_1275, %mul3A_1274] : memref<2x3200000xi32, #tpu.memory_space<hbm>> -> memref<1x512xi32, #tpu.memory_space<hbm>>
          %dma_start3A_1277 = tpu.memref_squeeze %dma_start3A_1276 : memref<1x512xi32, #tpu.memory_space<hbm>> -> memref<512xi32, #tpu.memory_space<hbm>>
          %dma_start3A_1278 = tpu.memref_slice %arg2[%dma_start3A_1275, %mul3A_1274] : memref<2x3200000xi32, #tpu.memory_space<hbm>> -> memref<1x512xi32, #tpu.memory_space<hbm>>
          %dma_start3A_1279 = tpu.memref_squeeze %dma_start3A_1278 : memref<1x512xi32, #tpu.memory_space<hbm>> -> memref<512xi32, #tpu.memory_space<hbm>>
          tpu.enqueue_dma source(%dma_start3A_1279 : memref<512xi32, #tpu.memory_space<hbm>>) target(%arg10 : memref<512xi32, #tpu.memory_space<vmem>>) target_semaphore(%arg18 : memref<!tpu.dma_semaphore, #tpu.memory_space<semaphore_mem>>)
        } else {
        }
      } else {
      }
      %lt3A_79 = arith.constant 6250 : i32
      %lt3A_80 = arith.cmpi slt, %add3A_70, %lt3A_79 : i32
      %eq3A_81 = arith.constant 1 : i32
      %eq3A_82 = arith.cmpi eq, %select_n3A_67, %eq3A_81 : i32
      %and3A_83 = arith.andi %lt3A_80, %eq3A_82 : i1
      %convert_element_type3A_84 = arith.extui %and3A_83 : i1 to i32
      %cond3A_85 = arith.constant 0 : i32
      %cond3A_86 = arith.cmpi ne, %convert_element_type3A_84, %cond3A_85 : i32
      scf.if %cond3A_86 {
        %add3A_87 = arith.constant 32 : i32
        %add3A_88 = arith.addi %add3A_70, %add3A_87 : i32
        %lt3A_89 = arith.constant 6250 : i32
        %lt3A_90 = arith.cmpi slt, %add3A_88, %lt3A_89 : i32
        %convert_element_type3A_91 = arith.extui %lt3A_90 : i1 to i32
        %cond3A_92 = arith.constant 0 : i32
        %cond3A_93 = arith.cmpi ne, %convert_element_type3A_91, %cond3A_92 : i32
        scf.if %cond3A_93 {
          %dma_wait3A_1266 = arith.constant 0 : i32
          %dma_wait3A_1267 = arith.constant 0 : i32
          %dma_wait3A_1268 = tpu.memref_slice %arg2[%dma_wait3A_1266, %dma_wait3A_1267] : memref<2x3200000xi32, #tpu.memory_space<hbm>> -> memref<1x512xi32, #tpu.memory_space<hbm>>
          %dma_wait3A_1269 = tpu.memref_squeeze %dma_wait3A_1268 : memref<1x512xi32, #tpu.memory_space<hbm>> -> memref<512xi32, #tpu.memory_space<hbm>>
          %dma_wait3A_1270 = arith.constant 0 : i32
          %dma_wait3A_1271 = tpu.memref_slice %arg2[%dma_wait3A_1266, %dma_wait3A_1270] : memref<2x3200000xi32, #tpu.memory_space<hbm>> -> memref<1x512xi32, #tpu.memory_space<hbm>>
          %dma_wait3A_1272 = tpu.memref_squeeze %dma_wait3A_1271 : memref<1x512xi32, #tpu.memory_space<hbm>> -> memref<512xi32, #tpu.memory_space<hbm>>
          tpu.wait_dma2 semaphore(%arg18 : memref<!tpu.dma_semaphore, #tpu.memory_space<semaphore_mem>>) src(%dma_wait3A_1272 : memref<512xi32, #tpu.memory_space<hbm>>) dst(%arg8 : memref<512xi32, #tpu.memory_space<vmem>>)
          %dma_wait3A_1273 = arith.constant 1 : i32
          %dma_wait3A_1274 = arith.constant 0 : i32
          %dma_wait3A_1275 = tpu.memref_slice %arg2[%dma_wait3A_1273, %dma_wait3A_1274] : memref<2x3200000xi32, #tpu.memory_space<hbm>> -> memref<1x512xi32, #tpu.memory_space<hbm>>
          %dma_wait3A_1276 = tpu.memref_squeeze %dma_wait3A_1275 : memref<1x512xi32, #tpu.memory_space<hbm>> -> memref<512xi32, #tpu.memory_space<hbm>>
          %dma_wait3A_1277 = arith.constant 0 : i32
          %dma_wait3A_1278 = tpu.memref_slice %arg2[%dma_wait3A_1273, %dma_wait3A_1277] : memref<2x3200000xi32, #tpu.memory_space<hbm>> -> memref<1x512xi32, #tpu.memory_space<hbm>>
          %dma_wait3A_1279 = tpu.memref_squeeze %dma_wait3A_1278 : memref<1x512xi32, #tpu.memory_space<hbm>> -> memref<512xi32, #tpu.memory_space<hbm>>
          tpu.wait_dma2 semaphore(%arg18 : memref<!tpu.dma_semaphore, #tpu.memory_space<semaphore_mem>>) src(%dma_wait3A_1279 : memref<512xi32, #tpu.memory_space<hbm>>) dst(%arg10 : memref<512xi32, #tpu.memory_space<vmem>>)
          %ge3A = arith.constant 1 : i32
          %ge3A_1280 = arith.cmpi sge, %scan3A_57, %ge3A : i32
          %convert_element_type3A_1281 = arith.extui %ge3A_1280 : i1 to i32
          %cond3A_1282 = arith.constant 0 : i32
          %cond3A_1283 = arith.cmpi ne, %convert_element_type3A_1281, %cond3A_1282 : i32
          scf.if %cond3A_1283 {
            %dma_wait3A_1290 = arith.constant 0 : i32
            %dma_wait3A_1291 = arith.constant 0 : i32
            %dma_wait3A_1292 = tpu.memref_slice %arg6[%dma_wait3A_1290, %dma_wait3A_1291] : memref<3200000x16xf32, #tpu.memory_space<hbm>> -> memref<512x16xf32, #tpu.memory_space<hbm>>
            %dma_wait3A_1293 = arith.constant 0 : i32
            %dma_wait3A_1294 = arith.constant 0 : i32
            %dma_wait3A_1295 = tpu.memref_slice %arg6[%dma_wait3A_1293, %dma_wait3A_1294] : memref<3200000x16xf32, #tpu.memory_space<hbm>> -> memref<512x16xf32, #tpu.memory_space<hbm>>
            tpu.wait_dma2 semaphore(%arg22 : memref<!tpu.dma_semaphore, #tpu.memory_space<semaphore_mem>>) src(%arg14 : memref<512x16xf32, #tpu.memory_space<vmem>>) dst(%dma_wait3A_1295 : memref<512x16xf32, #tpu.memory_space<hbm>>)
          } else {
          }
          %dma_start3A_1284 = arith.constant 0 : i32
          %dma_start3A_1285 = arith.constant 0 : i32
          %dma_start3A_1286 = tpu.memref_slice %arg3[%dma_start3A_1284, %dma_start3A_1285] : memref<100000x16xf32, #tpu.memory_space<hbm>> -> memref<100000x16xf32, #tpu.memory_space<hbm>>
          tpu.enqueue_indirect_dma source(%dma_start3A_1286 : memref<100000x16xf32, #tpu.memory_space<hbm>>) target(%arg14 : memref<512x16xf32, #tpu.memory_space<vmem>>) offsets(%arg8 : memref<512xi32, #tpu.memory_space<vmem>>) semaphore(%arg20 : memref<!tpu.dma_semaphore, #tpu.memory_space<semaphore_mem>>)
          %dma_start3A_1287 = arith.constant 0 : i32
          %dma_start3A_1288 = arith.constant 0 : i32
          %dma_start3A_1289 = tpu.memref_slice %arg4[%dma_start3A_1287, %dma_start3A_1288] : memref<100000x16xf32, #tpu.memory_space<hbm>> -> memref<100000x16xf32, #tpu.memory_space<hbm>>
          tpu.enqueue_indirect_dma source(%dma_start3A_1289 : memref<100000x16xf32, #tpu.memory_space<hbm>>) target(%arg16 : memref<512x16xf32, #tpu.memory_space<vmem>>) offsets(%arg10 : memref<512xi32, #tpu.memory_space<vmem>>) semaphore(%arg20 : memref<!tpu.dma_semaphore, #tpu.memory_space<semaphore_mem>>)
        } else {
        }
        %get3A = arith.constant 0 : index
        %get3A_94 = tpu.vector_load %arg9[%get3A] {strides = array<i32>} : memref<512xi32, #tpu.memory_space<vmem>>, vector<16xi32>,
        %get3A_95 = arith.constant 0 : index
        %get3A_96 = tpu.vector_load %arg11[%get3A_95] {strides = array<i32>} : memref<512xi32, #tpu.memory_space<vmem>>, vector<16xi32>,
        %shift_right_arithmetic3A = arith.constant 1 : i32
        %shift_right_arithmetic3A_97 = vector.broadcast %shift_right_arithmetic3A : i32 to vector<16xi32>
        %shift_right_arithmetic3A_98 = arith.shrsi %get3A_94, %shift_right_arithmetic3A_97 : vector<16xi32>
        %gather3A = tpu.vector_load_idx %arg7[%shift_right_arithmetic3A_98] : memref<50000xi32, #tpu.memory_space<vmem>>[vector<16xi32>], vector<16xi32>,
        %and3A_99 = arith.constant 1 : i32
        %and3A_100 = vector.broadcast %and3A_99 : i32 to vector<16xi32>
        %and3A_101 = arith.andi %get3A_94, %and3A_100 : vector<16xi32>
        %shift_left3A = arith.constant 4 : i32
        %shift_left3A_102 = vector.broadcast %shift_left3A : i32 to vector<16xi32>
        %shift_left3A_103 = arith.shli %and3A_101, %shift_left3A_102 : vector<16xi32>
        %shift_right_arithmetic3A_104 = arith.shrsi %gather3A, %shift_left3A_103 : vector<16xi32>
        %and3A_105 = arith.constant 65535 : i32
        %and3A_106 = vector.broadcast %and3A_105 : i32 to vector<16xi32>
        %and3A_107 = arith.andi %shift_right_arithmetic3A_104, %and3A_106 : vector<16xi32>
        %shift_right_arithmetic3A_108 = arith.constant 1 : i32
        %shift_right_arithmetic3A_109 = vector.broadcast %shift_right_arithmetic3A_108 : i32 to vector<16xi32>
        %shift_right_arithmetic3A_110 = arith.shrsi %get3A_96, %shift_right_arithmetic3A_109 : vector<16xi32>
        %gather3A_111 = tpu.vector_load_idx %arg7[%shift_right_arithmetic3A_110] : memref<50000xi32, #tpu.memory_space<vmem>>[vector<16xi32>], vector<16xi32>,
        %and3A_112 = arith.constant 1 : i32
        %and3A_113 = vector.broadcast %and3A_112 : i32 to vector<16xi32>
        %and3A_114 = arith.andi %get3A_96, %and3A_113 : vector<16xi32>
        %shift_left3A_115 = arith.constant 4 : i32
        %shift_left3A_116 = vector.broadcast %shift_left3A_115 : i32 to vector<16xi32>
        %shift_left3A_117 = arith.shli %and3A_114, %shift_left3A_116 : vector<16xi32>
        %shift_right_arithmetic3A_118 = arith.shrsi %gather3A_111, %shift_left3A_117 : vector<16xi32>
        %and3A_119 = arith.constant 65535 : i32
        %and3A_120 = vector.broadcast %and3A_119 : i32 to vector<16xi32>
        %and3A_121 = arith.andi %shift_right_arithmetic3A_118, %and3A_120 : vector<16xi32>
        %eq3A_122 = arith.cmpi eq, %and3A_107, %and3A_121 : vector<16xi32>
        %select_n3A_123 = arith.select %eq3A_122, %broadcast_in_dim3A_1, %broadcast_in_dim3A_3 : vector<16xi1>, vector<16xf32>
        %swap3A = arith.constant 0 : index
        %swap3A_124 = tpu.vector_load %arg13[%swap3A] {strides = array<i32>} : memref<512xf32, #tpu.memory_space<vmem>>, vector<16xf32>,
        tpu.vector_store %arg13[%swap3A], %select_n3A_123 {strides = array<i32>} : memref<512xf32, #tpu.memory_space<vmem>>, vector<16xf32>,
        %get3A_125 = arith.constant 16 : index
        %get3A_126 = tpu.vector_load %arg9[%get3A_125] {strides = array<i32>} : memref<512xi32, #tpu.memory_space<vmem>>, vector<16xi32>,
        %get3A_127 = arith.constant 16 : index
        %get3A_128 = tpu.vector_load %arg11[%get3A_127] {strides = array<i32>} : memref<512xi32, #tpu.memory_space<vmem>>, vector<16xi32>,
        %shift_right_arithmetic3A_129 = arith.constant 1 : i32
        %shift_right_arithmetic3A_130 = vector.broadcast %shift_right_arithmetic3A_129 : i32 to vector<16xi32>
        %shift_right_arithmetic3A_131 = arith.shrsi %get3A_126, %shift_right_arithmetic3A_130 : vector<16xi32>
        %gather3A_132 = tpu.vector_load_idx %arg7[%shift_right_arithmetic3A_131] : memref<50000xi32, #tpu.memory_space<vmem>>[vector<16xi32>], vector<16xi32>,
        %and3A_133 = arith.constant 1 : i32
        %and3A_134 = vector.broadcast %and3A_133 : i32 to vector<16xi32>
        %and3A_135 = arith.andi %get3A_126, %and3A_134 : vector<16xi32>
        %shift_left3A_136 = arith.constant 4 : i32
        %shift_left3A_137 = vector.broadcast %shift_left3A_136 : i32 to vector<16xi32>
        %shift_left3A_138 = arith.shli %and3A_135, %shift_left3A_137 : vector<16xi32>
        %shift_right_arithmetic3A_139 = arith.shrsi %gather3A_132, %shift_left3A_138 : vector<16xi32>
        %and3A_140 = arith.constant 65535 : i32
        %and3A_141 = vector.broadcast %and3A_140 : i32 to vector<16xi32>
        %and3A_142 = arith.andi %shift_right_arithmetic3A_139, %and3A_141 : vector<16xi32>
        %shift_right_arithmetic3A_143 = arith.constant 1 : i32
        %shift_right_arithmetic3A_144 = vector.broadcast %shift_right_arithmetic3A_143 : i32 to vector<16xi32>
        %shift_right_arithmetic3A_145 = arith.shrsi %get3A_128, %shift_right_arithmetic3A_144 : vector<16xi32>
        %gather3A_146 = tpu.vector_load_idx %arg7[%shift_right_arithmetic3A_145] : memref<50000xi32, #tpu.memory_space<vmem>>[vector<16xi32>], vector<16xi32>,
        %and3A_147 = arith.constant 1 : i32
        %and3A_148 = vector.broadcast %and3A_147 : i32 to vector<16xi32>
        %and3A_149 = arith.andi %get3A_128, %and3A_148 : vector<16xi32>
        %shift_left3A_150 = arith.constant 4 : i32
        %shift_left3A_151 = vector.broadcast %shift_left3A_150 : i32 to vector<16xi32>
        %shift_left3A_152 = arith.shli %and3A_149, %shift_left3A_151 : vector<16xi32>
        %shift_right_arithmetic3A_153 = arith.shrsi %gather3A_146, %shift_left3A_152 : vector<16xi32>
        %and3A_154 = arith.constant 65535 : i32
        %and3A_155 = vector.broadcast %and3A_154 : i32 to vector<16xi32>
        %and3A_156 = arith.andi %shift_right_arithmetic3A_153, %and3A_155 : vector<16xi32>
        %eq3A_157 = arith.cmpi eq, %and3A_142, %and3A_156 : vector<16xi32>
        %select_n3A_158 = arith.select %eq3A_157, %broadcast_in_dim3A_1, %broadcast_in_dim3A_3 : vector<16xi1>, vector<16xf32>
        %swap3A_159 = arith.constant 16 : index
        %swap3A_160 = tpu.vector_load %arg13[%swap3A_159] {strides = array<i32>} : memref<512xf32, #tpu.memory_space<vmem>>, vector<16xf32>,
        tpu.vector_store %arg13[%swap3A_159], %select_n3A_158 {strides = array<i32>} : memref<512xf32, #tpu.memory_space<vmem>>, vector<16xf32>,
        %get3A_161 = arith.constant 32 : index
        %get3A_162 = tpu.vector_load %arg9[%get3A_161] {strides = array<i32>} : memref<512xi32, #tpu.memory_space<vmem>>, vector<16xi32>,
        %get3A_163 = arith.constant 32 : index
        %get3A_164 = tpu.vector_load %arg11[%get3A_163] {strides = array<i32>} : memref<512xi32, #tpu.memory_space<vmem>>, vector<16xi32>,
        %shift_right_arithmetic3A_165 = arith.constant 1 : i32
        %shift_right_arithmetic3A_166 = vector.broadcast %shift_right_arithmetic3A_165 : i32 to vector<16xi32>
        %shift_right_arithmetic3A_167 = arith.shrsi %get3A_162, %shift_right_arithmetic3A_166 : vector<16xi32>
        %gather3A_168 = tpu.vector_load_idx %arg7[%shift_right_arithmetic3A_167] : memref<50000xi32, #tpu.memory_space<vmem>>[vector<16xi32>], vector<16xi32>,
        %and3A_169 = arith.constant 1 : i32
        %and3A_170 = vector.broadcast %and3A_169 : i32 to vector<16xi32>
        %and3A_171 = arith.andi %get3A_162, %and3A_170 : vector<16xi32>
        %shift_left3A_172 = arith.constant 4 : i32
        %shift_left3A_173 = vector.broadcast %shift_left3A_172 : i32 to vector<16xi32>
        %shift_left3A_174 = arith.shli %and3A_171, %shift_left3A_173 : vector<16xi32>
        %shift_right_arithmetic3A_175 = arith.shrsi %gather3A_168, %shift_left3A_174 : vector<16xi32>
        %and3A_176 = arith.constant 65535 : i32
        %and3A_177 = vector.broadcast %and3A_176 : i32 to vector<16xi32>
        %and3A_178 = arith.andi %shift_right_arithmetic3A_175, %and3A_177 : vector<16xi32>
        %shift_right_arithmetic3A_179 = arith.constant 1 : i32
        %shift_right_arithmetic3A_180 = vector.broadcast %shift_right_arithmetic3A_179 : i32 to vector<16xi32>
        %shift_right_arithmetic3A_181 = arith.shrsi %get3A_164, %shift_right_arithmetic3A_180 : vector<16xi32>
        %gather3A_182 = tpu.vector_load_idx %arg7[%shift_right_arithmetic3A_181] : memref<50000xi32, #tpu.memory_space<vmem>>[vector<16xi32>], vector<16xi32>,
        %and3A_183 = arith.constant 1 : i32
        %and3A_184 = vector.broadcast %and3A_183 : i32 to vector<16xi32>
        %and3A_185 = arith.andi %get3A_164, %and3A_184 : vector<16xi32>
        %shift_left3A_186 = arith.constant 4 : i32
        %shift_left3A_187 = vector.broadcast %shift_left3A_186 : i32 to vector<16xi32>
        %shift_left3A_188 = arith.shli %and3A_185, %shift_left3A_187 : vector<16xi32>
        %shift_right_arithmetic3A_189 = arith.shrsi %gather3A_182, %shift_left3A_188 : vector<16xi32>
        %and3A_190 = arith.constant 65535 : i32
        %and3A_191 = vector.broadcast %and3A_190 : i32 to vector<16xi32>
        %and3A_192 = arith.andi %shift_right_arithmetic3A_189, %and3A_191 : vector<16xi32>
        %eq3A_193 = arith.cmpi eq, %and3A_178, %and3A_192 : vector<16xi32>
        %select_n3A_194 = arith.select %eq3A_193, %broadcast_in_dim3A_1, %broadcast_in_dim3A_3 : vector<16xi1>, vector<16xf32>
        %swap3A_195 = arith.constant 32 : index
        %swap3A_196 = tpu.vector_load %arg13[%swap3A_195] {strides = array<i32>} : memref<512xf32, #tpu.memory_space<vmem>>, vector<16xf32>,
        tpu.vector_store %arg13[%swap3A_195], %select_n3A_194 {strides = array<i32>} : memref<512xf32, #tpu.memory_space<vmem>>, vector<16xf32>,
        %get3A_197 = arith.constant 48 : index
        %get3A_198 = tpu.vector_load %arg9[%get3A_197] {strides = array<i32>} : memref<512xi32, #tpu.memory_space<vmem>>, vector<16xi32>,
        %get3A_199 = arith.constant 48 : index
        %get3A_200 = tpu.vector_load %arg11[%get3A_199] {strides = array<i32>} : memref<512xi32, #tpu.memory_space<vmem>>, vector<16xi32>,
        %shift_right_arithmetic3A_201 = arith.constant 1 : i32
        %shift_right_arithmetic3A_202 = vector.broadcast %shift_right_arithmetic3A_201 : i32 to vector<16xi32>
        %shift_right_arithmetic3A_203 = arith.shrsi %get3A_198, %shift_right_arithmetic3A_202 : vector<16xi32>
        %gather3A_204 = tpu.vector_load_idx %arg7[%shift_right_arithmetic3A_203] : memref<50000xi32, #tpu.memory_space<vmem>>[vector<16xi32>], vector<16xi32>,
        %and3A_205 = arith.constant 1 : i32
        %and3A_206 = vector.broadcast %and3A_205 : i32 to vector<16xi32>
        %and3A_207 = arith.andi %get3A_198, %and3A_206 : vector<16xi32>
        %shift_left3A_208 = arith.constant 4 : i32
        %shift_left3A_209 = vector.broadcast %shift_left3A_208 : i32 to vector<16xi32>
        %shift_left3A_210 = arith.shli %and3A_207, %shift_left3A_209 : vector<16xi32>
        %shift_right_arithmetic3A_211 = arith.shrsi %gather3A_204, %shift_left3A_210 : vector<16xi32>
        %and3A_212 = arith.constant 65535 : i32
        %and3A_213 = vector.broadcast %and3A_212 : i32 to vector<16xi32>
        %and3A_214 = arith.andi %shift_right_arithmetic3A_211, %and3A_213 : vector<16xi32>
        %shift_right_arithmetic3A_215 = arith.constant 1 : i32
        %shift_right_arithmetic3A_216 = vector.broadcast %shift_right_arithmetic3A_215 : i32 to vector<16xi32>
        %shift_right_arithmetic3A_217 = arith.shrsi %get3A_200, %shift_right_arithmetic3A_216 : vector<16xi32>
        %gather3A_218 = tpu.vector_load_idx %arg7[%shift_right_arithmetic3A_217] : memref<50000xi32, #tpu.memory_space<vmem>>[vector<16xi32>], vector<16xi32>,
        %and3A_219 = arith.constant 1 : i32
        %and3A_220 = vector.broadcast %and3A_219 : i32 to vector<16xi32>
        %and3A_221 = arith.andi %get3A_200, %and3A_220 : vector<16xi32>
        %shift_left3A_222 = arith.constant 4 : i32
        %shift_left3A_223 = vector.broadcast %shift_left3A_222 : i32 to vector<16xi32>
        %shift_left3A_224 = arith.shli %and3A_221, %shift_left3A_223 : vector<16xi32>
        %shift_right_arithmetic3A_225 = arith.shrsi %gather3A_218, %shift_left3A_224 : vector<16xi32>
        %and3A_226 = arith.constant 65535 : i32
        %and3A_227 = vector.broadcast %and3A_226 : i32 to vector<16xi32>
        %and3A_228 = arith.andi %shift_right_arithmetic3A_225, %and3A_227 : vector<16xi32>
        %eq3A_229 = arith.cmpi eq, %and3A_214, %and3A_228 : vector<16xi32>
        %select_n3A_230 = arith.select %eq3A_229, %broadcast_in_dim3A_1, %broadcast_in_dim3A_3 : vector<16xi1>, vector<16xf32>
        %swap3A_231 = arith.constant 48 : index
        %swap3A_232 = tpu.vector_load %arg13[%swap3A_231] {strides = array<i32>} : memref<512xf32, #tpu.memory_space<vmem>>, vector<16xf32>,
        tpu.vector_store %arg13[%swap3A_231], %select_n3A_230 {strides = array<i32>} : memref<512xf32, #tpu.memory_space<vmem>>, vector<16xf32>,
        %get3A_233 = arith.constant 64 : index
        %get3A_234 = tpu.vector_load %arg9[%get3A_233] {strides = array<i32>} : memref<512xi32, #tpu.memory_space<vmem>>, vector<16xi32>,
        %get3A_235 = arith.constant 64 : index
        %get3A_236 = tpu.vector_load %arg11[%get3A_235] {strides = array<i32>} : memref<512xi32, #tpu.memory_space<vmem>>, vector<16xi32>,
        %shift_right_arithmetic3A_237 = arith.constant 1 : i32
        %shift_right_arithmetic3A_238 = vector.broadcast %shift_right_arithmetic3A_237 : i32 to vector<16xi32>
        %shift_right_arithmetic3A_239 = arith.shrsi %get3A_234, %shift_right_arithmetic3A_238 : vector<16xi32>
        %gather3A_240 = tpu.vector_load_idx %arg7[%shift_right_arithmetic3A_239] : memref<50000xi32, #tpu.memory_space<vmem>>[vector<16xi32>], vector<16xi32>,
        %and3A_241 = arith.constant 1 : i32
        %and3A_242 = vector.broadcast %and3A_241 : i32 to vector<16xi32>
        %and3A_243 = arith.andi %get3A_234, %and3A_242 : vector<16xi32>
        %shift_left3A_244 = arith.constant 4 : i32
        %shift_left3A_245 = vector.broadcast %shift_left3A_244 : i32 to vector<16xi32>
        %shift_left3A_246 = arith.shli %and3A_243, %shift_left3A_245 : vector<16xi32>
        %shift_right_arithmetic3A_247 = arith.shrsi %gather3A_240, %shift_left3A_246 : vector<16xi32>
        %and3A_248 = arith.constant 65535 : i32
        %and3A_249 = vector.broadcast %and3A_248 : i32 to vector<16xi32>
        %and3A_250 = arith.andi %shift_right_arithmetic3A_247, %and3A_249 : vector<16xi32>
        %shift_right_arithmetic3A_251 = arith.constant 1 : i32
        %shift_right_arithmetic3A_252 = vector.broadcast %shift_right_arithmetic3A_251 : i32 to vector<16xi32>
        %shift_right_arithmetic3A_253 = arith.shrsi %get3A_236, %shift_right_arithmetic3A_252 : vector<16xi32>
        %gather3A_254 = tpu.vector_load_idx %arg7[%shift_right_arithmetic3A_253] : memref<50000xi32, #tpu.memory_space<vmem>>[vector<16xi32>], vector<16xi32>,
        %and3A_255 = arith.constant 1 : i32
        %and3A_256 = vector.broadcast %and3A_255 : i32 to vector<16xi32>
        %and3A_257 = arith.andi %get3A_236, %and3A_256 : vector<16xi32>
        %shift_left3A_258 = arith.constant 4 : i32
        %shift_left3A_259 = vector.broadcast %shift_left3A_258 : i32 to vector<16xi32>
        %shift_left3A_260 = arith.shli %and3A_257, %shift_left3A_259 : vector<16xi32>
        %shift_right_arithmetic3A_261 = arith.shrsi %gather3A_254, %shift_left3A_260 : vector<16xi32>
        %and3A_262 = arith.constant 65535 : i32
        %and3A_263 = vector.broadcast %and3A_262 : i32 to vector<16xi32>
        %and3A_264 = arith.andi %shift_right_arithmetic3A_261, %and3A_263 : vector<16xi32>
        %eq3A_265 = arith.cmpi eq, %and3A_250, %and3A_264 : vector<16xi32>
        %select_n3A_266 = arith.select %eq3A_265, %broadcast_in_dim3A_1, %broadcast_in_dim3A_3 : vector<16xi1>, vector<16xf32>
        %swap3A_267 = arith.constant 64 : index
        %swap3A_268 = tpu.vector_load %arg13[%swap3A_267] {strides = array<i32>} : memref<512xf32, #tpu.memory_space<vmem>>, vector<16xf32>,
        tpu.vector_store %arg13[%swap3A_267], %select_n3A_266 {strides = array<i32>} : memref<512xf32, #tpu.memory_space<vmem>>, vector<16xf32>,
        %get3A_269 = arith.constant 80 : index
        %get3A_270 = tpu.vector_load %arg9[%get3A_269] {strides = array<i32>} : memref<512xi32, #tpu.memory_space<vmem>>, vector<16xi32>,
        %get3A_271 = arith.constant 80 : index
        %get3A_272 = tpu.vector_load %arg11[%get3A_271] {strides = array<i32>} : memref<512xi32, #tpu.memory_space<vmem>>, vector<16xi32>,
        %shift_right_arithmetic3A_273 = arith.constant 1 : i32
        %shift_right_arithmetic3A_274 = vector.broadcast %shift_right_arithmetic3A_273 : i32 to vector<16xi32>
        %shift_right_arithmetic3A_275 = arith.shrsi %get3A_270, %shift_right_arithmetic3A_274 : vector<16xi32>
        %gather3A_276 = tpu.vector_load_idx %arg7[%shift_right_arithmetic3A_275] : memref<50000xi32, #tpu.memory_space<vmem>>[vector<16xi32>], vector<16xi32>,
        %and3A_277 = arith.constant 1 : i32
        %and3A_278 = vector.broadcast %and3A_277 : i32 to vector<16xi32>
        %and3A_279 = arith.andi %get3A_270, %and3A_278 : vector<16xi32>
        %shift_left3A_280 = arith.constant 4 : i32
        %shift_left3A_281 = vector.broadcast %shift_left3A_280 : i32 to vector<16xi32>
        %shift_left3A_282 = arith.shli %and3A_279, %shift_left3A_281 : vector<16xi32>
        %shift_right_arithmetic3A_283 = arith.shrsi %gather3A_276, %shift_left3A_282 : vector<16xi32>
        %and3A_284 = arith.constant 65535 : i32
        %and3A_285 = vector.broadcast %and3A_284 : i32 to vector<16xi32>
        %and3A_286 = arith.andi %shift_right_arithmetic3A_283, %and3A_285 : vector<16xi32>
        %shift_right_arithmetic3A_287 = arith.constant 1 : i32
        %shift_right_arithmetic3A_288 = vector.broadcast %shift_right_arithmetic3A_287 : i32 to vector<16xi32>
        %shift_right_arithmetic3A_289 = arith.shrsi %get3A_272, %shift_right_arithmetic3A_288 : vector<16xi32>
        %gather3A_290 = tpu.vector_load_idx %arg7[%shift_right_arithmetic3A_289] : memref<50000xi32, #tpu.memory_space<vmem>>[vector<16xi32>], vector<16xi32>,
        %and3A_291 = arith.constant 1 : i32
        %and3A_292 = vector.broadcast %and3A_291 : i32 to vector<16xi32>
        %and3A_293 = arith.andi %get3A_272, %and3A_292 : vector<16xi32>
        %shift_left3A_294 = arith.constant 4 : i32
        %shift_left3A_295 = vector.broadcast %shift_left3A_294 : i32 to vector<16xi32>
        %shift_left3A_296 = arith.shli %and3A_293, %shift_left3A_295 : vector<16xi32>
        %shift_right_arithmetic3A_297 = arith.shrsi %gather3A_290, %shift_left3A_296 : vector<16xi32>
        %and3A_298 = arith.constant 65535 : i32
        %and3A_299 = vector.broadcast %and3A_298 : i32 to vector<16xi32>
        %and3A_300 = arith.andi %shift_right_arithmetic3A_297, %and3A_299 : vector<16xi32>
        %eq3A_301 = arith.cmpi eq, %and3A_286, %and3A_300 : vector<16xi32>
        %select_n3A_302 = arith.select %eq3A_301, %broadcast_in_dim3A_1, %broadcast_in_dim3A_3 : vector<16xi1>, vector<16xf32>
        %swap3A_303 = arith.constant 80 : index
        %swap3A_304 = tpu.vector_load %arg13[%swap3A_303] {strides = array<i32>} : memref<512xf32, #tpu.memory_space<vmem>>, vector<16xf32>,
        tpu.vector_store %arg13[%swap3A_303], %select_n3A_302 {strides = array<i32>} : memref<512xf32, #tpu.memory_space<vmem>>, vector<16xf32>,
        %get3A_305 = arith.constant 96 : index
        %get3A_306 = tpu.vector_load %arg9[%get3A_305] {strides = array<i32>} : memref<512xi32, #tpu.memory_space<vmem>>, vector<16xi32>,
        %get3A_307 = arith.constant 96 : index
        %get3A_308 = tpu.vector_load %arg11[%get3A_307] {strides = array<i32>} : memref<512xi32, #tpu.memory_space<vmem>>, vector<16xi32>,
        %shift_right_arithmetic3A_309 = arith.constant 1 : i32
        %shift_right_arithmetic3A_310 = vector.broadcast %shift_right_arithmetic3A_309 : i32 to vector<16xi32>
        %shift_right_arithmetic3A_311 = arith.shrsi %get3A_306, %shift_right_arithmetic3A_310 : vector<16xi32>
        %gather3A_312 = tpu.vector_load_idx %arg7[%shift_right_arithmetic3A_311] : memref<50000xi32, #tpu.memory_space<vmem>>[vector<16xi32>], vector<16xi32>,
        %and3A_313 = arith.constant 1 : i32
        %and3A_314 = vector.broadcast %and3A_313 : i32 to vector<16xi32>
        %and3A_315 = arith.andi %get3A_306, %and3A_314 : vector<16xi32>
        %shift_left3A_316 = arith.constant 4 : i32
        %shift_left3A_317 = vector.broadcast %shift_left3A_316 : i32 to vector<16xi32>
        %shift_left3A_318 = arith.shli %and3A_315, %shift_left3A_317 : vector<16xi32>
        %shift_right_arithmetic3A_319 = arith.shrsi %gather3A_312, %shift_left3A_318 : vector<16xi32>
        %and3A_320 = arith.constant 65535 : i32
        %and3A_321 = vector.broadcast %and3A_320 : i32 to vector<16xi32>
        %and3A_322 = arith.andi %shift_right_arithmetic3A_319, %and3A_321 : vector<16xi32>
        %shift_right_arithmetic3A_323 = arith.constant 1 : i32
        %shift_right_arithmetic3A_324 = vector.broadcast %shift_right_arithmetic3A_323 : i32 to vector<16xi32>
        %shift_right_arithmetic3A_325 = arith.shrsi %get3A_308, %shift_right_arithmetic3A_324 : vector<16xi32>
        %gather3A_326 = tpu.vector_load_idx %arg7[%shift_right_arithmetic3A_325] : memref<50000xi32, #tpu.memory_space<vmem>>[vector<16xi32>], vector<16xi32>,
        %and3A_327 = arith.constant 1 : i32
        %and3A_328 = vector.broadcast %and3A_327 : i32 to vector<16xi32>
        %and3A_329 = arith.andi %get3A_308, %and3A_328 : vector<16xi32>
        %shift_left3A_330 = arith.constant 4 : i32
        %shift_left3A_331 = vector.broadcast %shift_left3A_330 : i32 to vector<16xi32>
        %shift_left3A_332 = arith.shli %and3A_329, %shift_left3A_331 : vector<16xi32>
        %shift_right_arithmetic3A_333 = arith.shrsi %gather3A_326, %shift_left3A_332 : vector<16xi32>
        %and3A_334 = arith.constant 65535 : i32
        %and3A_335 = vector.broadcast %and3A_334 : i32 to vector<16xi32>
        %and3A_336 = arith.andi %shift_right_arithmetic3A_333, %and3A_335 : vector<16xi32>
        %eq3A_337 = arith.cmpi eq, %and3A_322, %and3A_336 : vector<16xi32>
        %select_n3A_338 = arith.select %eq3A_337, %broadcast_in_dim3A_1, %broadcast_in_dim3A_3 : vector<16xi1>, vector<16xf32>
        %swap3A_339 = arith.constant 96 : index
        %swap3A_340 = tpu.vector_load %arg13[%swap3A_339] {strides = array<i32>} : memref<512xf32, #tpu.memory_space<vmem>>, vector<16xf32>,
        tpu.vector_store %arg13[%swap3A_339], %select_n3A_338 {strides = array<i32>} : memref<512xf32, #tpu.memory_space<vmem>>, vector<16xf32>,
        %get3A_341 = arith.constant 112 : index
        %get3A_342 = tpu.vector_load %arg9[%get3A_341] {strides = array<i32>} : memref<512xi32, #tpu.memory_space<vmem>>, vector<16xi32>,
        %get3A_343 = arith.constant 112 : index
        %get3A_344 = tpu.vector_load %arg11[%get3A_343] {strides = array<i32>} : memref<512xi32, #tpu.memory_space<vmem>>, vector<16xi32>,
        %shift_right_arithmetic3A_345 = arith.constant 1 : i32
        %shift_right_arithmetic3A_346 = vector.broadcast %shift_right_arithmetic3A_345 : i32 to vector<16xi32>
        %shift_right_arithmetic3A_347 = arith.shrsi %get3A_342, %shift_right_arithmetic3A_346 : vector<16xi32>
        %gather3A_348 = tpu.vector_load_idx %arg7[%shift_right_arithmetic3A_347] : memref<50000xi32, #tpu.memory_space<vmem>>[vector<16xi32>], vector<16xi32>,
        %and3A_349 = arith.constant 1 : i32
        %and3A_350 = vector.broadcast %and3A_349 : i32 to vector<16xi32>
        %and3A_351 = arith.andi %get3A_342, %and3A_350 : vector<16xi32>
        %shift_left3A_352 = arith.constant 4 : i32
        %shift_left3A_353 = vector.broadcast %shift_left3A_352 : i32 to vector<16xi32>
        %shift_left3A_354 = arith.shli %and3A_351, %shift_left3A_353 : vector<16xi32>
        %shift_right_arithmetic3A_355 = arith.shrsi %gather3A_348, %shift_left3A_354 : vector<16xi32>
        %and3A_356 = arith.constant 65535 : i32
        %and3A_357 = vector.broadcast %and3A_356 : i32 to vector<16xi32>
        %and3A_358 = arith.andi %shift_right_arithmetic3A_355, %and3A_357 : vector<16xi32>
        %shift_right_arithmetic3A_359 = arith.constant 1 : i32
        %shift_right_arithmetic3A_360 = vector.broadcast %shift_right_arithmetic3A_359 : i32 to vector<16xi32>
        %shift_right_arithmetic3A_361 = arith.shrsi %get3A_344, %shift_right_arithmetic3A_360 : vector<16xi32>
        %gather3A_362 = tpu.vector_load_idx %arg7[%shift_right_arithmetic3A_361] : memref<50000xi32, #tpu.memory_space<vmem>>[vector<16xi32>], vector<16xi32>,
        %and3A_363 = arith.constant 1 : i32
        %and3A_364 = vector.broadcast %and3A_363 : i32 to vector<16xi32>
        %and3A_365 = arith.andi %get3A_344, %and3A_364 : vector<16xi32>
        %shift_left3A_366 = arith.constant 4 : i32
        %shift_left3A_367 = vector.broadcast %shift_left3A_366 : i32 to vector<16xi32>
        %shift_left3A_368 = arith.shli %and3A_365, %shift_left3A_367 : vector<16xi32>
        %shift_right_arithmetic3A_369 = arith.shrsi %gather3A_362, %shift_left3A_368 : vector<16xi32>
        %and3A_370 = arith.constant 65535 : i32
        %and3A_371 = vector.broadcast %and3A_370 : i32 to vector<16xi32>
        %and3A_372 = arith.andi %shift_right_arithmetic3A_369, %and3A_371 : vector<16xi32>
        %eq3A_373 = arith.cmpi eq, %and3A_358, %and3A_372 : vector<16xi32>
        %select_n3A_374 = arith.select %eq3A_373, %broadcast_in_dim3A_1, %broadcast_in_dim3A_3 : vector<16xi1>, vector<16xf32>
        %swap3A_375 = arith.constant 112 : index
        %swap3A_376 = tpu.vector_load %arg13[%swap3A_375] {strides = array<i32>} : memref<512xf32, #tpu.memory_space<vmem>>, vector<16xf32>,
        tpu.vector_store %arg13[%swap3A_375], %select_n3A_374 {strides = array<i32>} : memref<512xf32, #tpu.memory_space<vmem>>, vector<16xf32>,
        %get3A_377 = arith.constant 128 : index
        %get3A_378 = tpu.vector_load %arg9[%get3A_377] {strides = array<i32>} : memref<512xi32, #tpu.memory_space<vmem>>, vector<16xi32>,
        %get3A_379 = arith.constant 128 : index
        %get3A_380 = tpu.vector_load %arg11[%get3A_379] {strides = array<i32>} : memref<512xi32, #tpu.memory_space<vmem>>, vector<16xi32>,
        %shift_right_arithmetic3A_381 = arith.constant 1 : i32
        %shift_right_arithmetic3A_382 = vector.broadcast %shift_right_arithmetic3A_381 : i32 to vector<16xi32>
        %shift_right_arithmetic3A_383 = arith.shrsi %get3A_378, %shift_right_arithmetic3A_382 : vector<16xi32>
        %gather3A_384 = tpu.vector_load_idx %arg7[%shift_right_arithmetic3A_383] : memref<50000xi32, #tpu.memory_space<vmem>>[vector<16xi32>], vector<16xi32>,
        %and3A_385 = arith.constant 1 : i32
        %and3A_386 = vector.broadcast %and3A_385 : i32 to vector<16xi32>
        %and3A_387 = arith.andi %get3A_378, %and3A_386 : vector<16xi32>
        %shift_left3A_388 = arith.constant 4 : i32
        %shift_left3A_389 = vector.broadcast %shift_left3A_388 : i32 to vector<16xi32>
        %shift_left3A_390 = arith.shli %and3A_387, %shift_left3A_389 : vector<16xi32>
        %shift_right_arithmetic3A_391 = arith.shrsi %gather3A_384, %shift_left3A_390 : vector<16xi32>
        %and3A_392 = arith.constant 65535 : i32
        %and3A_393 = vector.broadcast %and3A_392 : i32 to vector<16xi32>
        %and3A_394 = arith.andi %shift_right_arithmetic3A_391, %and3A_393 : vector<16xi32>
        %shift_right_arithmetic3A_395 = arith.constant 1 : i32
        %shift_right_arithmetic3A_396 = vector.broadcast %shift_right_arithmetic3A_395 : i32 to vector<16xi32>
        %shift_right_arithmetic3A_397 = arith.shrsi %get3A_380, %shift_right_arithmetic3A_396 : vector<16xi32>
        %gather3A_398 = tpu.vector_load_idx %arg7[%shift_right_arithmetic3A_397] : memref<50000xi32, #tpu.memory_space<vmem>>[vector<16xi32>], vector<16xi32>,
        %and3A_399 = arith.constant 1 : i32
        %and3A_400 = vector.broadcast %and3A_399 : i32 to vector<16xi32>
        %and3A_401 = arith.andi %get3A_380, %and3A_400 : vector<16xi32>
        %shift_left3A_402 = arith.constant 4 : i32
        %shift_left3A_403 = vector.broadcast %shift_left3A_402 : i32 to vector<16xi32>
        %shift_left3A_404 = arith.shli %and3A_401, %shift_left3A_403 : vector<16xi32>
        %shift_right_arithmetic3A_405 = arith.shrsi %gather3A_398, %shift_left3A_404 : vector<16xi32>
        %and3A_406 = arith.constant 65535 : i32
        %and3A_407 = vector.broadcast %and3A_406 : i32 to vector<16xi32>
        %and3A_408 = arith.andi %shift_right_arithmetic3A_405, %and3A_407 : vector<16xi32>
        %eq3A_409 = arith.cmpi eq, %and3A_394, %and3A_408 : vector<16xi32>
        %select_n3A_410 = arith.select %eq3A_409, %broadcast_in_dim3A_1, %broadcast_in_dim3A_3 : vector<16xi1>, vector<16xf32>
        %swap3A_411 = arith.constant 128 : index
        %swap3A_412 = tpu.vector_load %arg13[%swap3A_411] {strides = array<i32>} : memref<512xf32, #tpu.memory_space<vmem>>, vector<16xf32>,
        tpu.vector_store %arg13[%swap3A_411], %select_n3A_410 {strides = array<i32>} : memref<512xf32, #tpu.memory_space<vmem>>, vector<16xf32>,
        %get3A_413 = arith.constant 144 : index
        %get3A_414 = tpu.vector_load %arg9[%get3A_413] {strides = array<i32>} : memref<512xi32, #tpu.memory_space<vmem>>, vector<16xi32>,
        %get3A_415 = arith.constant 144 : index
        %get3A_416 = tpu.vector_load %arg11[%get3A_415] {strides = array<i32>} : memref<512xi32, #tpu.memory_space<vmem>>, vector<16xi32>,
        %shift_right_arithmetic3A_417 = arith.constant 1 : i32
        %shift_right_arithmetic3A_418 = vector.broadcast %shift_right_arithmetic3A_417 : i32 to vector<16xi32>
        %shift_right_arithmetic3A_419 = arith.shrsi %get3A_414, %shift_right_arithmetic3A_418 : vector<16xi32>
        %gather3A_420 = tpu.vector_load_idx %arg7[%shift_right_arithmetic3A_419] : memref<50000xi32, #tpu.memory_space<vmem>>[vector<16xi32>], vector<16xi32>,
        %and3A_421 = arith.constant 1 : i32
        %and3A_422 = vector.broadcast %and3A_421 : i32 to vector<16xi32>
        %and3A_423 = arith.andi %get3A_414, %and3A_422 : vector<16xi32>
        %shift_left3A_424 = arith.constant 4 : i32
        %shift_left3A_425 = vector.broadcast %shift_left3A_424 : i32 to vector<16xi32>
        %shift_left3A_426 = arith.shli %and3A_423, %shift_left3A_425 : vector<16xi32>
        %shift_right_arithmetic3A_427 = arith.shrsi %gather3A_420, %shift_left3A_426 : vector<16xi32>
        %and3A_428 = arith.constant 65535 : i32
        %and3A_429 = vector.broadcast %and3A_428 : i32 to vector<16xi32>
        %and3A_430 = arith.andi %shift_right_arithmetic3A_427, %and3A_429 : vector<16xi32>
        %shift_right_arithmetic3A_431 = arith.constant 1 : i32
        %shift_right_arithmetic3A_432 = vector.broadcast %shift_right_arithmetic3A_431 : i32 to vector<16xi32>
        %shift_right_arithmetic3A_433 = arith.shrsi %get3A_416, %shift_right_arithmetic3A_432 : vector<16xi32>
        %gather3A_434 = tpu.vector_load_idx %arg7[%shift_right_arithmetic3A_433] : memref<50000xi32, #tpu.memory_space<vmem>>[vector<16xi32>], vector<16xi32>,
        %and3A_435 = arith.constant 1 : i32
        %and3A_436 = vector.broadcast %and3A_435 : i32 to vector<16xi32>
        %and3A_437 = arith.andi %get3A_416, %and3A_436 : vector<16xi32>
        %shift_left3A_438 = arith.constant 4 : i32
        %shift_left3A_439 = vector.broadcast %shift_left3A_438 : i32 to vector<16xi32>
        %shift_left3A_440 = arith.shli %and3A_437, %shift_left3A_439 : vector<16xi32>
        %shift_right_arithmetic3A_441 = arith.shrsi %gather3A_434, %shift_left3A_440 : vector<16xi32>
        %and3A_442 = arith.constant 65535 : i32
        %and3A_443 = vector.broadcast %and3A_442 : i32 to vector<16xi32>
        %and3A_444 = arith.andi %shift_right_arithmetic3A_441, %and3A_443 : vector<16xi32>
        %eq3A_445 = arith.cmpi eq, %and3A_430, %and3A_444 : vector<16xi32>
        %select_n3A_446 = arith.select %eq3A_445, %broadcast_in_dim3A_1, %broadcast_in_dim3A_3 : vector<16xi1>, vector<16xf32>
        %swap3A_447 = arith.constant 144 : index
        %swap3A_448 = tpu.vector_load %arg13[%swap3A_447] {strides = array<i32>} : memref<512xf32, #tpu.memory_space<vmem>>, vector<16xf32>,
        tpu.vector_store %arg13[%swap3A_447], %select_n3A_446 {strides = array<i32>} : memref<512xf32, #tpu.memory_space<vmem>>, vector<16xf32>,
        %get3A_449 = arith.constant 160 : index
        %get3A_450 = tpu.vector_load %arg9[%get3A_449] {strides = array<i32>} : memref<512xi32, #tpu.memory_space<vmem>>, vector<16xi32>,
        %get3A_451 = arith.constant 160 : index
        %get3A_452 = tpu.vector_load %arg11[%get3A_451] {strides = array<i32>} : memref<512xi32, #tpu.memory_space<vmem>>, vector<16xi32>,
        %shift_right_arithmetic3A_453 = arith.constant 1 : i32
        %shift_right_arithmetic3A_454 = vector.broadcast %shift_right_arithmetic3A_453 : i32 to vector<16xi32>
        %shift_right_arithmetic3A_455 = arith.shrsi %get3A_450, %shift_right_arithmetic3A_454 : vector<16xi32>
        %gather3A_456 = tpu.vector_load_idx %arg7[%shift_right_arithmetic3A_455] : memref<50000xi32, #tpu.memory_space<vmem>>[vector<16xi32>], vector<16xi32>,
        %and3A_457 = arith.constant 1 : i32
        %and3A_458 = vector.broadcast %and3A_457 : i32 to vector<16xi32>
        %and3A_459 = arith.andi %get3A_450, %and3A_458 : vector<16xi32>
        %shift_left3A_460 = arith.constant 4 : i32
        %shift_left3A_461 = vector.broadcast %shift_left3A_460 : i32 to vector<16xi32>
        %shift_left3A_462 = arith.shli %and3A_459, %shift_left3A_461 : vector<16xi32>
        %shift_right_arithmetic3A_463 = arith.shrsi %gather3A_456, %shift_left3A_462 : vector<16xi32>
        %and3A_464 = arith.constant 65535 : i32
        %and3A_465 = vector.broadcast %and3A_464 : i32 to vector<16xi32>
        %and3A_466 = arith.andi %shift_right_arithmetic3A_463, %and3A_465 : vector<16xi32>
        %shift_right_arithmetic3A_467 = arith.constant 1 : i32
        %shift_right_arithmetic3A_468 = vector.broadcast %shift_right_arithmetic3A_467 : i32 to vector<16xi32>
        %shift_right_arithmetic3A_469 = arith.shrsi %get3A_452, %shift_right_arithmetic3A_468 : vector<16xi32>
        %gather3A_470 = tpu.vector_load_idx %arg7[%shift_right_arithmetic3A_469] : memref<50000xi32, #tpu.memory_space<vmem>>[vector<16xi32>], vector<16xi32>,
        %and3A_471 = arith.constant 1 : i32
        %and3A_472 = vector.broadcast %and3A_471 : i32 to vector<16xi32>
        %and3A_473 = arith.andi %get3A_452, %and3A_472 : vector<16xi32>
        %shift_left3A_474 = arith.constant 4 : i32
        %shift_left3A_475 = vector.broadcast %shift_left3A_474 : i32 to vector<16xi32>
        %shift_left3A_476 = arith.shli %and3A_473, %shift_left3A_475 : vector<16xi32>
        %shift_right_arithmetic3A_477 = arith.shrsi %gather3A_470, %shift_left3A_476 : vector<16xi32>
        %and3A_478 = arith.constant 65535 : i32
        %and3A_479 = vector.broadcast %and3A_478 : i32 to vector<16xi32>
        %and3A_480 = arith.andi %shift_right_arithmetic3A_477, %and3A_479 : vector<16xi32>
        %eq3A_481 = arith.cmpi eq, %and3A_466, %and3A_480 : vector<16xi32>
        %select_n3A_482 = arith.select %eq3A_481, %broadcast_in_dim3A_1, %broadcast_in_dim3A_3 : vector<16xi1>, vector<16xf32>
        %swap3A_483 = arith.constant 160 : index
        %swap3A_484 = tpu.vector_load %arg13[%swap3A_483] {strides = array<i32>} : memref<512xf32, #tpu.memory_space<vmem>>, vector<16xf32>,
        tpu.vector_store %arg13[%swap3A_483], %select_n3A_482 {strides = array<i32>} : memref<512xf32, #tpu.memory_space<vmem>>, vector<16xf32>,
        %get3A_485 = arith.constant 176 : index
        %get3A_486 = tpu.vector_load %arg9[%get3A_485] {strides = array<i32>} : memref<512xi32, #tpu.memory_space<vmem>>, vector<16xi32>,
        %get3A_487 = arith.constant 176 : index
        %get3A_488 = tpu.vector_load %arg11[%get3A_487] {strides = array<i32>} : memref<512xi32, #tpu.memory_space<vmem>>, vector<16xi32>,
        %shift_right_arithmetic3A_489 = arith.constant 1 : i32
        %shift_right_arithmetic3A_490 = vector.broadcast %shift_right_arithmetic3A_489 : i32 to vector<16xi32>
        %shift_right_arithmetic3A_491 = arith.shrsi %get3A_486, %shift_right_arithmetic3A_490 : vector<16xi32>
        %gather3A_492 = tpu.vector_load_idx %arg7[%shift_right_arithmetic3A_491] : memref<50000xi32, #tpu.memory_space<vmem>>[vector<16xi32>], vector<16xi32>,
        %and3A_493 = arith.constant 1 : i32
        %and3A_494 = vector.broadcast %and3A_493 : i32 to vector<16xi32>
        %and3A_495 = arith.andi %get3A_486, %and3A_494 : vector<16xi32>
        %shift_left3A_496 = arith.constant 4 : i32
        %shift_left3A_497 = vector.broadcast %shift_left3A_496 : i32 to vector<16xi32>
        %shift_left3A_498 = arith.shli %and3A_495, %shift_left3A_497 : vector<16xi32>
        %shift_right_arithmetic3A_499 = arith.shrsi %gather3A_492, %shift_left3A_498 : vector<16xi32>
        %and3A_500 = arith.constant 65535 : i32
        %and3A_501 = vector.broadcast %and3A_500 : i32 to vector<16xi32>
        %and3A_502 = arith.andi %shift_right_arithmetic3A_499, %and3A_501 : vector<16xi32>
        %shift_right_arithmetic3A_503 = arith.constant 1 : i32
        %shift_right_arithmetic3A_504 = vector.broadcast %shift_right_arithmetic3A_503 : i32 to vector<16xi32>
        %shift_right_arithmetic3A_505 = arith.shrsi %get3A_488, %shift_right_arithmetic3A_504 : vector<16xi32>
        %gather3A_506 = tpu.vector_load_idx %arg7[%shift_right_arithmetic3A_505] : memref<50000xi32, #tpu.memory_space<vmem>>[vector<16xi32>], vector<16xi32>,
        %and3A_507 = arith.constant 1 : i32
        %and3A_508 = vector.broadcast %and3A_507 : i32 to vector<16xi32>
        %and3A_509 = arith.andi %get3A_488, %and3A_508 : vector<16xi32>
        %shift_left3A_510 = arith.constant 4 : i32
        %shift_left3A_511 = vector.broadcast %shift_left3A_510 : i32 to vector<16xi32>
        %shift_left3A_512 = arith.shli %and3A_509, %shift_left3A_511 : vector<16xi32>
        %shift_right_arithmetic3A_513 = arith.shrsi %gather3A_506, %shift_left3A_512 : vector<16xi32>
        %and3A_514 = arith.constant 65535 : i32
        %and3A_515 = vector.broadcast %and3A_514 : i32 to vector<16xi32>
        %and3A_516 = arith.andi %shift_right_arithmetic3A_513, %and3A_515 : vector<16xi32>
        %eq3A_517 = arith.cmpi eq, %and3A_502, %and3A_516 : vector<16xi32>
        %select_n3A_518 = arith.select %eq3A_517, %broadcast_in_dim3A_1, %broadcast_in_dim3A_3 : vector<16xi1>, vector<16xf32>
        %swap3A_519 = arith.constant 176 : index
        %swap3A_520 = tpu.vector_load %arg13[%swap3A_519] {strides = array<i32>} : memref<512xf32, #tpu.memory_space<vmem>>, vector<16xf32>,
        tpu.vector_store %arg13[%swap3A_519], %select_n3A_518 {strides = array<i32>} : memref<512xf32, #tpu.memory_space<vmem>>, vector<16xf32>,
        %get3A_521 = arith.constant 192 : index
        %get3A_522 = tpu.vector_load %arg9[%get3A_521] {strides = array<i32>} : memref<512xi32, #tpu.memory_space<vmem>>, vector<16xi32>,
        %get3A_523 = arith.constant 192 : index
        %get3A_524 = tpu.vector_load %arg11[%get3A_523] {strides = array<i32>} : memref<512xi32, #tpu.memory_space<vmem>>, vector<16xi32>,
        %shift_right_arithmetic3A_525 = arith.constant 1 : i32
        %shift_right_arithmetic3A_526 = vector.broadcast %shift_right_arithmetic3A_525 : i32 to vector<16xi32>
        %shift_right_arithmetic3A_527 = arith.shrsi %get3A_522, %shift_right_arithmetic3A_526 : vector<16xi32>
        %gather3A_528 = tpu.vector_load_idx %arg7[%shift_right_arithmetic3A_527] : memref<50000xi32, #tpu.memory_space<vmem>>[vector<16xi32>], vector<16xi32>,
        %and3A_529 = arith.constant 1 : i32
        %and3A_530 = vector.broadcast %and3A_529 : i32 to vector<16xi32>
        %and3A_531 = arith.andi %get3A_522, %and3A_530 : vector<16xi32>
        %shift_left3A_532 = arith.constant 4 : i32
        %shift_left3A_533 = vector.broadcast %shift_left3A_532 : i32 to vector<16xi32>
        %shift_left3A_534 = arith.shli %and3A_531, %shift_left3A_533 : vector<16xi32>
        %shift_right_arithmetic3A_535 = arith.shrsi %gather3A_528, %shift_left3A_534 : vector<16xi32>
        %and3A_536 = arith.constant 65535 : i32
        %and3A_537 = vector.broadcast %and3A_536 : i32 to vector<16xi32>
        %and3A_538 = arith.andi %shift_right_arithmetic3A_535, %and3A_537 : vector<16xi32>
        %shift_right_arithmetic3A_539 = arith.constant 1 : i32
        %shift_right_arithmetic3A_540 = vector.broadcast %shift_right_arithmetic3A_539 : i32 to vector<16xi32>
        %shift_right_arithmetic3A_541 = arith.shrsi %get3A_524, %shift_right_arithmetic3A_540 : vector<16xi32>
        %gather3A_542 = tpu.vector_load_idx %arg7[%shift_right_arithmetic3A_541] : memref<50000xi32, #tpu.memory_space<vmem>>[vector<16xi32>], vector<16xi32>,
        %and3A_543 = arith.constant 1 : i32
        %and3A_544 = vector.broadcast %and3A_543 : i32 to vector<16xi32>
        %and3A_545 = arith.andi %get3A_524, %and3A_544 : vector<16xi32>
        %shift_left3A_546 = arith.constant 4 : i32
        %shift_left3A_547 = vector.broadcast %shift_left3A_546 : i32 to vector<16xi32>
        %shift_left3A_548 = arith.shli %and3A_545, %shift_left3A_547 : vector<16xi32>
        %shift_right_arithmetic3A_549 = arith.shrsi %gather3A_542, %shift_left3A_548 : vector<16xi32>
        %and3A_550 = arith.constant 65535 : i32
        %and3A_551 = vector.broadcast %and3A_550 : i32 to vector<16xi32>
        %and3A_552 = arith.andi %shift_right_arithmetic3A_549, %and3A_551 : vector<16xi32>
        %eq3A_553 = arith.cmpi eq, %and3A_538, %and3A_552 : vector<16xi32>
        %select_n3A_554 = arith.select %eq3A_553, %broadcast_in_dim3A_1, %broadcast_in_dim3A_3 : vector<16xi1>, vector<16xf32>
        %swap3A_555 = arith.constant 192 : index
        %swap3A_556 = tpu.vector_load %arg13[%swap3A_555] {strides = array<i32>} : memref<512xf32, #tpu.memory_space<vmem>>, vector<16xf32>,
        tpu.vector_store %arg13[%swap3A_555], %select_n3A_554 {strides = array<i32>} : memref<512xf32, #tpu.memory_space<vmem>>, vector<16xf32>,
        %get3A_557 = arith.constant 208 : index
        %get3A_558 = tpu.vector_load %arg9[%get3A_557] {strides = array<i32>} : memref<512xi32, #tpu.memory_space<vmem>>, vector<16xi32>,
        %get3A_559 = arith.constant 208 : index
        %get3A_560 = tpu.vector_load %arg11[%get3A_559] {strides = array<i32>} : memref<512xi32, #tpu.memory_space<vmem>>, vector<16xi32>,
        %shift_right_arithmetic3A_561 = arith.constant 1 : i32
        %shift_right_arithmetic3A_562 = vector.broadcast %shift_right_arithmetic3A_561 : i32 to vector<16xi32>
        %shift_right_arithmetic3A_563 = arith.shrsi %get3A_558, %shift_right_arithmetic3A_562 : vector<16xi32>
        %gather3A_564 = tpu.vector_load_idx %arg7[%shift_right_arithmetic3A_563] : memref<50000xi32, #tpu.memory_space<vmem>>[vector<16xi32>], vector<16xi32>,
        %and3A_565 = arith.constant 1 : i32
        %and3A_566 = vector.broadcast %and3A_565 : i32 to vector<16xi32>
        %and3A_567 = arith.andi %get3A_558, %and3A_566 : vector<16xi32>
        %shift_left3A_568 = arith.constant 4 : i32
        %shift_left3A_569 = vector.broadcast %shift_left3A_568 : i32 to vector<16xi32>
        %shift_left3A_570 = arith.shli %and3A_567, %shift_left3A_569 : vector<16xi32>
        %shift_right_arithmetic3A_571 = arith.shrsi %gather3A_564, %shift_left3A_570 : vector<16xi32>
        %and3A_572 = arith.constant 65535 : i32
        %and3A_573 = vector.broadcast %and3A_572 : i32 to vector<16xi32>
        %and3A_574 = arith.andi %shift_right_arithmetic3A_571, %and3A_573 : vector<16xi32>
        %shift_right_arithmetic3A_575 = arith.constant 1 : i32
        %shift_right_arithmetic3A_576 = vector.broadcast %shift_right_arithmetic3A_575 : i32 to vector<16xi32>
        %shift_right_arithmetic3A_577 = arith.shrsi %get3A_560, %shift_right_arithmetic3A_576 : vector<16xi32>
        %gather3A_578 = tpu.vector_load_idx %arg7[%shift_right_arithmetic3A_577] : memref<50000xi32, #tpu.memory_space<vmem>>[vector<16xi32>], vector<16xi32>,
        %and3A_579 = arith.constant 1 : i32
        %and3A_580 = vector.broadcast %and3A_579 : i32 to vector<16xi32>
        %and3A_581 = arith.andi %get3A_560, %and3A_580 : vector<16xi32>
        %shift_left3A_582 = arith.constant 4 : i32
        %shift_left3A_583 = vector.broadcast %shift_left3A_582 : i32 to vector<16xi32>
        %shift_left3A_584 = arith.shli %and3A_581, %shift_left3A_583 : vector<16xi32>
        %shift_right_arithmetic3A_585 = arith.shrsi %gather3A_578, %shift_left3A_584 : vector<16xi32>
        %and3A_586 = arith.constant 65535 : i32
        %and3A_587 = vector.broadcast %and3A_586 : i32 to vector<16xi32>
        %and3A_588 = arith.andi %shift_right_arithmetic3A_585, %and3A_587 : vector<16xi32>
        %eq3A_589 = arith.cmpi eq, %and3A_574, %and3A_588 : vector<16xi32>
        %select_n3A_590 = arith.select %eq3A_589, %broadcast_in_dim3A_1, %broadcast_in_dim3A_3 : vector<16xi1>, vector<16xf32>
        %swap3A_591 = arith.constant 208 : index
        %swap3A_592 = tpu.vector_load %arg13[%swap3A_591] {strides = array<i32>} : memref<512xf32, #tpu.memory_space<vmem>>, vector<16xf32>,
        tpu.vector_store %arg13[%swap3A_591], %select_n3A_590 {strides = array<i32>} : memref<512xf32, #tpu.memory_space<vmem>>, vector<16xf32>,
        %get3A_593 = arith.constant 224 : index
        %get3A_594 = tpu.vector_load %arg9[%get3A_593] {strides = array<i32>} : memref<512xi32, #tpu.memory_space<vmem>>, vector<16xi32>,
        %get3A_595 = arith.constant 224 : index
        %get3A_596 = tpu.vector_load %arg11[%get3A_595] {strides = array<i32>} : memref<512xi32, #tpu.memory_space<vmem>>, vector<16xi32>,
        %shift_right_arithmetic3A_597 = arith.constant 1 : i32
        %shift_right_arithmetic3A_598 = vector.broadcast %shift_right_arithmetic3A_597 : i32 to vector<16xi32>
        %shift_right_arithmetic3A_599 = arith.shrsi %get3A_594, %shift_right_arithmetic3A_598 : vector<16xi32>
        %gather3A_600 = tpu.vector_load_idx %arg7[%shift_right_arithmetic3A_599] : memref<50000xi32, #tpu.memory_space<vmem>>[vector<16xi32>], vector<16xi32>,
        %and3A_601 = arith.constant 1 : i32
        %and3A_602 = vector.broadcast %and3A_601 : i32 to vector<16xi32>
        %and3A_603 = arith.andi %get3A_594, %and3A_602 : vector<16xi32>
        %shift_left3A_604 = arith.constant 4 : i32
        %shift_left3A_605 = vector.broadcast %shift_left3A_604 : i32 to vector<16xi32>
        %shift_left3A_606 = arith.shli %and3A_603, %shift_left3A_605 : vector<16xi32>
        %shift_right_arithmetic3A_607 = arith.shrsi %gather3A_600, %shift_left3A_606 : vector<16xi32>
        %and3A_608 = arith.constant 65535 : i32
        %and3A_609 = vector.broadcast %and3A_608 : i32 to vector<16xi32>
        %and3A_610 = arith.andi %shift_right_arithmetic3A_607, %and3A_609 : vector<16xi32>
        %shift_right_arithmetic3A_611 = arith.constant 1 : i32
        %shift_right_arithmetic3A_612 = vector.broadcast %shift_right_arithmetic3A_611 : i32 to vector<16xi32>
        %shift_right_arithmetic3A_613 = arith.shrsi %get3A_596, %shift_right_arithmetic3A_612 : vector<16xi32>
        %gather3A_614 = tpu.vector_load_idx %arg7[%shift_right_arithmetic3A_613] : memref<50000xi32, #tpu.memory_space<vmem>>[vector<16xi32>], vector<16xi32>,
        %and3A_615 = arith.constant 1 : i32
        %and3A_616 = vector.broadcast %and3A_615 : i32 to vector<16xi32>
        %and3A_617 = arith.andi %get3A_596, %and3A_616 : vector<16xi32>
        %shift_left3A_618 = arith.constant 4 : i32
        %shift_left3A_619 = vector.broadcast %shift_left3A_618 : i32 to vector<16xi32>
        %shift_left3A_620 = arith.shli %and3A_617, %shift_left3A_619 : vector<16xi32>
        %shift_right_arithmetic3A_621 = arith.shrsi %gather3A_614, %shift_left3A_620 : vector<16xi32>
        %and3A_622 = arith.constant 65535 : i32
        %and3A_623 = vector.broadcast %and3A_622 : i32 to vector<16xi32>
        %and3A_624 = arith.andi %shift_right_arithmetic3A_621, %and3A_623 : vector<16xi32>
        %eq3A_625 = arith.cmpi eq, %and3A_610, %and3A_624 : vector<16xi32>
        %select_n3A_626 = arith.select %eq3A_625, %broadcast_in_dim3A_1, %broadcast_in_dim3A_3 : vector<16xi1>, vector<16xf32>
        %swap3A_627 = arith.constant 224 : index
        %swap3A_628 = tpu.vector_load %arg13[%swap3A_627] {strides = array<i32>} : memref<512xf32, #tpu.memory_space<vmem>>, vector<16xf32>,
        tpu.vector_store %arg13[%swap3A_627], %select_n3A_626 {strides = array<i32>} : memref<512xf32, #tpu.memory_space<vmem>>, vector<16xf32>,
        %get3A_629 = arith.constant 240 : index
        %get3A_630 = tpu.vector_load %arg9[%get3A_629] {strides = array<i32>} : memref<512xi32, #tpu.memory_space<vmem>>, vector<16xi32>,
        %get3A_631 = arith.constant 240 : index
        %get3A_632 = tpu.vector_load %arg11[%get3A_631] {strides = array<i32>} : memref<512xi32, #tpu.memory_space<vmem>>, vector<16xi32>,
        %shift_right_arithmetic3A_633 = arith.constant 1 : i32
        %shift_right_arithmetic3A_634 = vector.broadcast %shift_right_arithmetic3A_633 : i32 to vector<16xi32>
        %shift_right_arithmetic3A_635 = arith.shrsi %get3A_630, %shift_right_arithmetic3A_634 : vector<16xi32>
        %gather3A_636 = tpu.vector_load_idx %arg7[%shift_right_arithmetic3A_635] : memref<50000xi32, #tpu.memory_space<vmem>>[vector<16xi32>], vector<16xi32>,
        %and3A_637 = arith.constant 1 : i32
        %and3A_638 = vector.broadcast %and3A_637 : i32 to vector<16xi32>
        %and3A_639 = arith.andi %get3A_630, %and3A_638 : vector<16xi32>
        %shift_left3A_640 = arith.constant 4 : i32
        %shift_left3A_641 = vector.broadcast %shift_left3A_640 : i32 to vector<16xi32>
        %shift_left3A_642 = arith.shli %and3A_639, %shift_left3A_641 : vector<16xi32>
        %shift_right_arithmetic3A_643 = arith.shrsi %gather3A_636, %shift_left3A_642 : vector<16xi32>
        %and3A_644 = arith.constant 65535 : i32
        %and3A_645 = vector.broadcast %and3A_644 : i32 to vector<16xi32>
        %and3A_646 = arith.andi %shift_right_arithmetic3A_643, %and3A_645 : vector<16xi32>
        %shift_right_arithmetic3A_647 = arith.constant 1 : i32
        %shift_right_arithmetic3A_648 = vector.broadcast %shift_right_arithmetic3A_647 : i32 to vector<16xi32>
        %shift_right_arithmetic3A_649 = arith.shrsi %get3A_632, %shift_right_arithmetic3A_648 : vector<16xi32>
        %gather3A_650 = tpu.vector_load_idx %arg7[%shift_right_arithmetic3A_649] : memref<50000xi32, #tpu.memory_space<vmem>>[vector<16xi32>], vector<16xi32>,
        %and3A_651 = arith.constant 1 : i32
        %and3A_652 = vector.broadcast %and3A_651 : i32 to vector<16xi32>
        %and3A_653 = arith.andi %get3A_632, %and3A_652 : vector<16xi32>
        %shift_left3A_654 = arith.constant 4 : i32
        %shift_left3A_655 = vector.broadcast %shift_left3A_654 : i32 to vector<16xi32>
        %shift_left3A_656 = arith.shli %and3A_653, %shift_left3A_655 : vector<16xi32>
        %shift_right_arithmetic3A_657 = arith.shrsi %gather3A_650, %shift_left3A_656 : vector<16xi32>
        %and3A_658 = arith.constant 65535 : i32
        %and3A_659 = vector.broadcast %and3A_658 : i32 to vector<16xi32>
        %and3A_660 = arith.andi %shift_right_arithmetic3A_657, %and3A_659 : vector<16xi32>
        %eq3A_661 = arith.cmpi eq, %and3A_646, %and3A_660 : vector<16xi32>
        %select_n3A_662 = arith.select %eq3A_661, %broadcast_in_dim3A_1, %broadcast_in_dim3A_3 : vector<16xi1>, vector<16xf32>
        %swap3A_663 = arith.constant 240 : index
        %swap3A_664 = tpu.vector_load %arg13[%swap3A_663] {strides = array<i32>} : memref<512xf32, #tpu.memory_space<vmem>>, vector<16xf32>,
        tpu.vector_store %arg13[%swap3A_663], %select_n3A_662 {strides = array<i32>} : memref<512xf32, #tpu.memory_space<vmem>>, vector<16xf32>,
        %get3A_665 = arith.constant 256 : index
        %get3A_666 = tpu.vector_load %arg9[%get3A_665] {strides = array<i32>} : memref<512xi32, #tpu.memory_space<vmem>>, vector<16xi32>,
        %get3A_667 = arith.constant 256 : index
        %get3A_668 = tpu.vector_load %arg11[%get3A_667] {strides = array<i32>} : memref<512xi32, #tpu.memory_space<vmem>>, vector<16xi32>,
        %shift_right_arithmetic3A_669 = arith.constant 1 : i32
        %shift_right_arithmetic3A_670 = vector.broadcast %shift_right_arithmetic3A_669 : i32 to vector<16xi32>
        %shift_right_arithmetic3A_671 = arith.shrsi %get3A_666, %shift_right_arithmetic3A_670 : vector<16xi32>
        %gather3A_672 = tpu.vector_load_idx %arg7[%shift_right_arithmetic3A_671] : memref<50000xi32, #tpu.memory_space<vmem>>[vector<16xi32>], vector<16xi32>,
        %and3A_673 = arith.constant 1 : i32
        %and3A_674 = vector.broadcast %and3A_673 : i32 to vector<16xi32>
        %and3A_675 = arith.andi %get3A_666, %and3A_674 : vector<16xi32>
        %shift_left3A_676 = arith.constant 4 : i32
        %shift_left3A_677 = vector.broadcast %shift_left3A_676 : i32 to vector<16xi32>
        %shift_left3A_678 = arith.shli %and3A_675, %shift_left3A_677 : vector<16xi32>
        %shift_right_arithmetic3A_679 = arith.shrsi %gather3A_672, %shift_left3A_678 : vector<16xi32>
        %and3A_680 = arith.constant 65535 : i32
        %and3A_681 = vector.broadcast %and3A_680 : i32 to vector<16xi32>
        %and3A_682 = arith.andi %shift_right_arithmetic3A_679, %and3A_681 : vector<16xi32>
        %shift_right_arithmetic3A_683 = arith.constant 1 : i32
        %shift_right_arithmetic3A_684 = vector.broadcast %shift_right_arithmetic3A_683 : i32 to vector<16xi32>
        %shift_right_arithmetic3A_685 = arith.shrsi %get3A_668, %shift_right_arithmetic3A_684 : vector<16xi32>
        %gather3A_686 = tpu.vector_load_idx %arg7[%shift_right_arithmetic3A_685] : memref<50000xi32, #tpu.memory_space<vmem>>[vector<16xi32>], vector<16xi32>,
        %and3A_687 = arith.constant 1 : i32
        %and3A_688 = vector.broadcast %and3A_687 : i32 to vector<16xi32>
        %and3A_689 = arith.andi %get3A_668, %and3A_688 : vector<16xi32>
        %shift_left3A_690 = arith.constant 4 : i32
        %shift_left3A_691 = vector.broadcast %shift_left3A_690 : i32 to vector<16xi32>
        %shift_left3A_692 = arith.shli %and3A_689, %shift_left3A_691 : vector<16xi32>
        %shift_right_arithmetic3A_693 = arith.shrsi %gather3A_686, %shift_left3A_692 : vector<16xi32>
        %and3A_694 = arith.constant 65535 : i32
        %and3A_695 = vector.broadcast %and3A_694 : i32 to vector<16xi32>
        %and3A_696 = arith.andi %shift_right_arithmetic3A_693, %and3A_695 : vector<16xi32>
        %eq3A_697 = arith.cmpi eq, %and3A_682, %and3A_696 : vector<16xi32>
        %select_n3A_698 = arith.select %eq3A_697, %broadcast_in_dim3A_1, %broadcast_in_dim3A_3 : vector<16xi1>, vector<16xf32>
        %swap3A_699 = arith.constant 256 : index
        %swap3A_700 = tpu.vector_load %arg13[%swap3A_699] {strides = array<i32>} : memref<512xf32, #tpu.memory_space<vmem>>, vector<16xf32>,
        tpu.vector_store %arg13[%swap3A_699], %select_n3A_698 {strides = array<i32>} : memref<512xf32, #tpu.memory_space<vmem>>, vector<16xf32>,
        %get3A_701 = arith.constant 272 : index
        %get3A_702 = tpu.vector_load %arg9[%get3A_701] {strides = array<i32>} : memref<512xi32, #tpu.memory_space<vmem>>, vector<16xi32>,
        %get3A_703 = arith.constant 272 : index
        %get3A_704 = tpu.vector_load %arg11[%get3A_703] {strides = array<i32>} : memref<512xi32, #tpu.memory_space<vmem>>, vector<16xi32>,
        %shift_right_arithmetic3A_705 = arith.constant 1 : i32
        %shift_right_arithmetic3A_706 = vector.broadcast %shift_right_arithmetic3A_705 : i32 to vector<16xi32>
        %shift_right_arithmetic3A_707 = arith.shrsi %get3A_702, %shift_right_arithmetic3A_706 : vector<16xi32>
        %gather3A_708 = tpu.vector_load_idx %arg7[%shift_right_arithmetic3A_707] : memref<50000xi32, #tpu.memory_space<vmem>>[vector<16xi32>], vector<16xi32>,
        %and3A_709 = arith.constant 1 : i32
        %and3A_710 = vector.broadcast %and3A_709 : i32 to vector<16xi32>
        %and3A_711 = arith.andi %get3A_702, %and3A_710 : vector<16xi32>
        %shift_left3A_712 = arith.constant 4 : i32
        %shift_left3A_713 = vector.broadcast %shift_left3A_712 : i32 to vector<16xi32>
        %shift_left3A_714 = arith.shli %and3A_711, %shift_left3A_713 : vector<16xi32>
        %shift_right_arithmetic3A_715 = arith.shrsi %gather3A_708, %shift_left3A_714 : vector<16xi32>
        %and3A_716 = arith.constant 65535 : i32
        %and3A_717 = vector.broadcast %and3A_716 : i32 to vector<16xi32>
        %and3A_718 = arith.andi %shift_right_arithmetic3A_715, %and3A_717 : vector<16xi32>
        %shift_right_arithmetic3A_719 = arith.constant 1 : i32
        %shift_right_arithmetic3A_720 = vector.broadcast %shift_right_arithmetic3A_719 : i32 to vector<16xi32>
        %shift_right_arithmetic3A_721 = arith.shrsi %get3A_704, %shift_right_arithmetic3A_720 : vector<16xi32>
        %gather3A_722 = tpu.vector_load_idx %arg7[%shift_right_arithmetic3A_721] : memref<50000xi32, #tpu.memory_space<vmem>>[vector<16xi32>], vector<16xi32>,
        %and3A_723 = arith.constant 1 : i32
        %and3A_724 = vector.broadcast %and3A_723 : i32 to vector<16xi32>
        %and3A_725 = arith.andi %get3A_704, %and3A_724 : vector<16xi32>
        %shift_left3A_726 = arith.constant 4 : i32
        %shift_left3A_727 = vector.broadcast %shift_left3A_726 : i32 to vector<16xi32>
        %shift_left3A_728 = arith.shli %and3A_725, %shift_left3A_727 : vector<16xi32>
        %shift_right_arithmetic3A_729 = arith.shrsi %gather3A_722, %shift_left3A_728 : vector<16xi32>
        %and3A_730 = arith.constant 65535 : i32
        %and3A_731 = vector.broadcast %and3A_730 : i32 to vector<16xi32>
        %and3A_732 = arith.andi %shift_right_arithmetic3A_729, %and3A_731 : vector<16xi32>
        %eq3A_733 = arith.cmpi eq, %and3A_718, %and3A_732 : vector<16xi32>
        %select_n3A_734 = arith.select %eq3A_733, %broadcast_in_dim3A_1, %broadcast_in_dim3A_3 : vector<16xi1>, vector<16xf32>
        %swap3A_735 = arith.constant 272 : index
        %swap3A_736 = tpu.vector_load %arg13[%swap3A_735] {strides = array<i32>} : memref<512xf32, #tpu.memory_space<vmem>>, vector<16xf32>,
        tpu.vector_store %arg13[%swap3A_735], %select_n3A_734 {strides = array<i32>} : memref<512xf32, #tpu.memory_space<vmem>>, vector<16xf32>,
        %get3A_737 = arith.constant 288 : index
        %get3A_738 = tpu.vector_load %arg9[%get3A_737] {strides = array<i32>} : memref<512xi32, #tpu.memory_space<vmem>>, vector<16xi32>,
        %get3A_739 = arith.constant 288 : index
        %get3A_740 = tpu.vector_load %arg11[%get3A_739] {strides = array<i32>} : memref<512xi32, #tpu.memory_space<vmem>>, vector<16xi32>,
        %shift_right_arithmetic3A_741 = arith.constant 1 : i32
        %shift_right_arithmetic3A_742 = vector.broadcast %shift_right_arithmetic3A_741 : i32 to vector<16xi32>
        %shift_right_arithmetic3A_743 = arith.shrsi %get3A_738, %shift_right_arithmetic3A_742 : vector<16xi32>
        %gather3A_744 = tpu.vector_load_idx %arg7[%shift_right_arithmetic3A_743] : memref<50000xi32, #tpu.memory_space<vmem>>[vector<16xi32>], vector<16xi32>,
        %and3A_745 = arith.constant 1 : i32
        %and3A_746 = vector.broadcast %and3A_745 : i32 to vector<16xi32>
        %and3A_747 = arith.andi %get3A_738, %and3A_746 : vector<16xi32>
        %shift_left3A_748 = arith.constant 4 : i32
        %shift_left3A_749 = vector.broadcast %shift_left3A_748 : i32 to vector<16xi32>
        %shift_left3A_750 = arith.shli %and3A_747, %shift_left3A_749 : vector<16xi32>
        %shift_right_arithmetic3A_751 = arith.shrsi %gather3A_744, %shift_left3A_750 : vector<16xi32>
        %and3A_752 = arith.constant 65535 : i32
        %and3A_753 = vector.broadcast %and3A_752 : i32 to vector<16xi32>
        %and3A_754 = arith.andi %shift_right_arithmetic3A_751, %and3A_753 : vector<16xi32>
        %shift_right_arithmetic3A_755 = arith.constant 1 : i32
        %shift_right_arithmetic3A_756 = vector.broadcast %shift_right_arithmetic3A_755 : i32 to vector<16xi32>
        %shift_right_arithmetic3A_757 = arith.shrsi %get3A_740, %shift_right_arithmetic3A_756 : vector<16xi32>
        %gather3A_758 = tpu.vector_load_idx %arg7[%shift_right_arithmetic3A_757] : memref<50000xi32, #tpu.memory_space<vmem>>[vector<16xi32>], vector<16xi32>,
        %and3A_759 = arith.constant 1 : i32
        %and3A_760 = vector.broadcast %and3A_759 : i32 to vector<16xi32>
        %and3A_761 = arith.andi %get3A_740, %and3A_760 : vector<16xi32>
        %shift_left3A_762 = arith.constant 4 : i32
        %shift_left3A_763 = vector.broadcast %shift_left3A_762 : i32 to vector<16xi32>
        %shift_left3A_764 = arith.shli %and3A_761, %shift_left3A_763 : vector<16xi32>
        %shift_right_arithmetic3A_765 = arith.shrsi %gather3A_758, %shift_left3A_764 : vector<16xi32>
        %and3A_766 = arith.constant 65535 : i32
        %and3A_767 = vector.broadcast %and3A_766 : i32 to vector<16xi32>
        %and3A_768 = arith.andi %shift_right_arithmetic3A_765, %and3A_767 : vector<16xi32>
        %eq3A_769 = arith.cmpi eq, %and3A_754, %and3A_768 : vector<16xi32>
        %select_n3A_770 = arith.select %eq3A_769, %broadcast_in_dim3A_1, %broadcast_in_dim3A_3 : vector<16xi1>, vector<16xf32>
        %swap3A_771 = arith.constant 288 : index
        %swap3A_772 = tpu.vector_load %arg13[%swap3A_771] {strides = array<i32>} : memref<512xf32, #tpu.memory_space<vmem>>, vector<16xf32>,
        tpu.vector_store %arg13[%swap3A_771], %select_n3A_770 {strides = array<i32>} : memref<512xf32, #tpu.memory_space<vmem>>, vector<16xf32>,
        %get3A_773 = arith.constant 304 : index
        %get3A_774 = tpu.vector_load %arg9[%get3A_773] {strides = array<i32>} : memref<512xi32, #tpu.memory_space<vmem>>, vector<16xi32>,
        %get3A_775 = arith.constant 304 : index
        %get3A_776 = tpu.vector_load %arg11[%get3A_775] {strides = array<i32>} : memref<512xi32, #tpu.memory_space<vmem>>, vector<16xi32>,
        %shift_right_arithmetic3A_777 = arith.constant 1 : i32
        %shift_right_arithmetic3A_778 = vector.broadcast %shift_right_arithmetic3A_777 : i32 to vector<16xi32>
        %shift_right_arithmetic3A_779 = arith.shrsi %get3A_774, %shift_right_arithmetic3A_778 : vector<16xi32>
        %gather3A_780 = tpu.vector_load_idx %arg7[%shift_right_arithmetic3A_779] : memref<50000xi32, #tpu.memory_space<vmem>>[vector<16xi32>], vector<16xi32>,
        %and3A_781 = arith.constant 1 : i32
        %and3A_782 = vector.broadcast %and3A_781 : i32 to vector<16xi32>
        %and3A_783 = arith.andi %get3A_774, %and3A_782 : vector<16xi32>
        %shift_left3A_784 = arith.constant 4 : i32
        %shift_left3A_785 = vector.broadcast %shift_left3A_784 : i32 to vector<16xi32>
        %shift_left3A_786 = arith.shli %and3A_783, %shift_left3A_785 : vector<16xi32>
        %shift_right_arithmetic3A_787 = arith.shrsi %gather3A_780, %shift_left3A_786 : vector<16xi32>
        %and3A_788 = arith.constant 65535 : i32
        %and3A_789 = vector.broadcast %and3A_788 : i32 to vector<16xi32>
        %and3A_790 = arith.andi %shift_right_arithmetic3A_787, %and3A_789 : vector<16xi32>
        %shift_right_arithmetic3A_791 = arith.constant 1 : i32
        %shift_right_arithmetic3A_792 = vector.broadcast %shift_right_arithmetic3A_791 : i32 to vector<16xi32>
        %shift_right_arithmetic3A_793 = arith.shrsi %get3A_776, %shift_right_arithmetic3A_792 : vector<16xi32>
        %gather3A_794 = tpu.vector_load_idx %arg7[%shift_right_arithmetic3A_793] : memref<50000xi32, #tpu.memory_space<vmem>>[vector<16xi32>], vector<16xi32>,
        %and3A_795 = arith.constant 1 : i32
        %and3A_796 = vector.broadcast %and3A_795 : i32 to vector<16xi32>
        %and3A_797 = arith.andi %get3A_776, %and3A_796 : vector<16xi32>
        %shift_left3A_798 = arith.constant 4 : i32
        %shift_left3A_799 = vector.broadcast %shift_left3A_798 : i32 to vector<16xi32>
        %shift_left3A_800 = arith.shli %and3A_797, %shift_left3A_799 : vector<16xi32>
        %shift_right_arithmetic3A_801 = arith.shrsi %gather3A_794, %shift_left3A_800 : vector<16xi32>
        %and3A_802 = arith.constant 65535 : i32
        %and3A_803 = vector.broadcast %and3A_802 : i32 to vector<16xi32>
        %and3A_804 = arith.andi %shift_right_arithmetic3A_801, %and3A_803 : vector<16xi32>
        %eq3A_805 = arith.cmpi eq, %and3A_790, %and3A_804 : vector<16xi32>
        %select_n3A_806 = arith.select %eq3A_805, %broadcast_in_dim3A_1, %broadcast_in_dim3A_3 : vector<16xi1>, vector<16xf32>
        %swap3A_807 = arith.constant 304 : index
        %swap3A_808 = tpu.vector_load %arg13[%swap3A_807] {strides = array<i32>} : memref<512xf32, #tpu.memory_space<vmem>>, vector<16xf32>,
        tpu.vector_store %arg13[%swap3A_807], %select_n3A_806 {strides = array<i32>} : memref<512xf32, #tpu.memory_space<vmem>>, vector<16xf32>,
        %get3A_809 = arith.constant 320 : index
        %get3A_810 = tpu.vector_load %arg9[%get3A_809] {strides = array<i32>} : memref<512xi32, #tpu.memory_space<vmem>>, vector<16xi32>,
        %get3A_811 = arith.constant 320 : index
        %get3A_812 = tpu.vector_load %arg11[%get3A_811] {strides = array<i32>} : memref<512xi32, #tpu.memory_space<vmem>>, vector<16xi32>,
        %shift_right_arithmetic3A_813 = arith.constant 1 : i32
        %shift_right_arithmetic3A_814 = vector.broadcast %shift_right_arithmetic3A_813 : i32 to vector<16xi32>
        %shift_right_arithmetic3A_815 = arith.shrsi %get3A_810, %shift_right_arithmetic3A_814 : vector<16xi32>
        %gather3A_816 = tpu.vector_load_idx %arg7[%shift_right_arithmetic3A_815] : memref<50000xi32, #tpu.memory_space<vmem>>[vector<16xi32>], vector<16xi32>,
        %and3A_817 = arith.constant 1 : i32
        %and3A_818 = vector.broadcast %and3A_817 : i32 to vector<16xi32>
        %and3A_819 = arith.andi %get3A_810, %and3A_818 : vector<16xi32>
        %shift_left3A_820 = arith.constant 4 : i32
        %shift_left3A_821 = vector.broadcast %shift_left3A_820 : i32 to vector<16xi32>
        %shift_left3A_822 = arith.shli %and3A_819, %shift_left3A_821 : vector<16xi32>
        %shift_right_arithmetic3A_823 = arith.shrsi %gather3A_816, %shift_left3A_822 : vector<16xi32>
        %and3A_824 = arith.constant 65535 : i32
        %and3A_825 = vector.broadcast %and3A_824 : i32 to vector<16xi32>
        %and3A_826 = arith.andi %shift_right_arithmetic3A_823, %and3A_825 : vector<16xi32>
        %shift_right_arithmetic3A_827 = arith.constant 1 : i32
        %shift_right_arithmetic3A_828 = vector.broadcast %shift_right_arithmetic3A_827 : i32 to vector<16xi32>
        %shift_right_arithmetic3A_829 = arith.shrsi %get3A_812, %shift_right_arithmetic3A_828 : vector<16xi32>
        %gather3A_830 = tpu.vector_load_idx %arg7[%shift_right_arithmetic3A_829] : memref<50000xi32, #tpu.memory_space<vmem>>[vector<16xi32>], vector<16xi32>,
        %and3A_831 = arith.constant 1 : i32
        %and3A_832 = vector.broadcast %and3A_831 : i32 to vector<16xi32>
        %and3A_833 = arith.andi %get3A_812, %and3A_832 : vector<16xi32>
        %shift_left3A_834 = arith.constant 4 : i32
        %shift_left3A_835 = vector.broadcast %shift_left3A_834 : i32 to vector<16xi32>
        %shift_left3A_836 = arith.shli %and3A_833, %shift_left3A_835 : vector<16xi32>
        %shift_right_arithmetic3A_837 = arith.shrsi %gather3A_830, %shift_left3A_836 : vector<16xi32>
        %and3A_838 = arith.constant 65535 : i32
        %and3A_839 = vector.broadcast %and3A_838 : i32 to vector<16xi32>
        %and3A_840 = arith.andi %shift_right_arithmetic3A_837, %and3A_839 : vector<16xi32>
        %eq3A_841 = arith.cmpi eq, %and3A_826, %and3A_840 : vector<16xi32>
        %select_n3A_842 = arith.select %eq3A_841, %broadcast_in_dim3A_1, %broadcast_in_dim3A_3 : vector<16xi1>, vector<16xf32>
        %swap3A_843 = arith.constant 320 : index
        %swap3A_844 = tpu.vector_load %arg13[%swap3A_843] {strides = array<i32>} : memref<512xf32, #tpu.memory_space<vmem>>, vector<16xf32>,
        tpu.vector_store %arg13[%swap3A_843], %select_n3A_842 {strides = array<i32>} : memref<512xf32, #tpu.memory_space<vmem>>, vector<16xf32>,
        %get3A_845 = arith.constant 336 : index
        %get3A_846 = tpu.vector_load %arg9[%get3A_845] {strides = array<i32>} : memref<512xi32, #tpu.memory_space<vmem>>, vector<16xi32>,
        %get3A_847 = arith.constant 336 : index
        %get3A_848 = tpu.vector_load %arg11[%get3A_847] {strides = array<i32>} : memref<512xi32, #tpu.memory_space<vmem>>, vector<16xi32>,
        %shift_right_arithmetic3A_849 = arith.constant 1 : i32
        %shift_right_arithmetic3A_850 = vector.broadcast %shift_right_arithmetic3A_849 : i32 to vector<16xi32>
        %shift_right_arithmetic3A_851 = arith.shrsi %get3A_846, %shift_right_arithmetic3A_850 : vector<16xi32>
        %gather3A_852 = tpu.vector_load_idx %arg7[%shift_right_arithmetic3A_851] : memref<50000xi32, #tpu.memory_space<vmem>>[vector<16xi32>], vector<16xi32>,
        %and3A_853 = arith.constant 1 : i32
        %and3A_854 = vector.broadcast %and3A_853 : i32 to vector<16xi32>
        %and3A_855 = arith.andi %get3A_846, %and3A_854 : vector<16xi32>
        %shift_left3A_856 = arith.constant 4 : i32
        %shift_left3A_857 = vector.broadcast %shift_left3A_856 : i32 to vector<16xi32>
        %shift_left3A_858 = arith.shli %and3A_855, %shift_left3A_857 : vector<16xi32>
        %shift_right_arithmetic3A_859 = arith.shrsi %gather3A_852, %shift_left3A_858 : vector<16xi32>
        %and3A_860 = arith.constant 65535 : i32
        %and3A_861 = vector.broadcast %and3A_860 : i32 to vector<16xi32>
        %and3A_862 = arith.andi %shift_right_arithmetic3A_859, %and3A_861 : vector<16xi32>
        %shift_right_arithmetic3A_863 = arith.constant 1 : i32
        %shift_right_arithmetic3A_864 = vector.broadcast %shift_right_arithmetic3A_863 : i32 to vector<16xi32>
        %shift_right_arithmetic3A_865 = arith.shrsi %get3A_848, %shift_right_arithmetic3A_864 : vector<16xi32>
        %gather3A_866 = tpu.vector_load_idx %arg7[%shift_right_arithmetic3A_865] : memref<50000xi32, #tpu.memory_space<vmem>>[vector<16xi32>], vector<16xi32>,
        %and3A_867 = arith.constant 1 : i32
        %and3A_868 = vector.broadcast %and3A_867 : i32 to vector<16xi32>
        %and3A_869 = arith.andi %get3A_848, %and3A_868 : vector<16xi32>
        %shift_left3A_870 = arith.constant 4 : i32
        %shift_left3A_871 = vector.broadcast %shift_left3A_870 : i32 to vector<16xi32>
        %shift_left3A_872 = arith.shli %and3A_869, %shift_left3A_871 : vector<16xi32>
        %shift_right_arithmetic3A_873 = arith.shrsi %gather3A_866, %shift_left3A_872 : vector<16xi32>
        %and3A_874 = arith.constant 65535 : i32
        %and3A_875 = vector.broadcast %and3A_874 : i32 to vector<16xi32>
        %and3A_876 = arith.andi %shift_right_arithmetic3A_873, %and3A_875 : vector<16xi32>
        %eq3A_877 = arith.cmpi eq, %and3A_862, %and3A_876 : vector<16xi32>
        %select_n3A_878 = arith.select %eq3A_877, %broadcast_in_dim3A_1, %broadcast_in_dim3A_3 : vector<16xi1>, vector<16xf32>
        %swap3A_879 = arith.constant 336 : index
        %swap3A_880 = tpu.vector_load %arg13[%swap3A_879] {strides = array<i32>} : memref<512xf32, #tpu.memory_space<vmem>>, vector<16xf32>,
        tpu.vector_store %arg13[%swap3A_879], %select_n3A_878 {strides = array<i32>} : memref<512xf32, #tpu.memory_space<vmem>>, vector<16xf32>,
        %get3A_881 = arith.constant 352 : index
        %get3A_882 = tpu.vector_load %arg9[%get3A_881] {strides = array<i32>} : memref<512xi32, #tpu.memory_space<vmem>>, vector<16xi32>,
        %get3A_883 = arith.constant 352 : index
        %get3A_884 = tpu.vector_load %arg11[%get3A_883] {strides = array<i32>} : memref<512xi32, #tpu.memory_space<vmem>>, vector<16xi32>,
        %shift_right_arithmetic3A_885 = arith.constant 1 : i32
        %shift_right_arithmetic3A_886 = vector.broadcast %shift_right_arithmetic3A_885 : i32 to vector<16xi32>
        %shift_right_arithmetic3A_887 = arith.shrsi %get3A_882, %shift_right_arithmetic3A_886 : vector<16xi32>
        %gather3A_888 = tpu.vector_load_idx %arg7[%shift_right_arithmetic3A_887] : memref<50000xi32, #tpu.memory_space<vmem>>[vector<16xi32>], vector<16xi32>,
        %and3A_889 = arith.constant 1 : i32
        %and3A_890 = vector.broadcast %and3A_889 : i32 to vector<16xi32>
        %and3A_891 = arith.andi %get3A_882, %and3A_890 : vector<16xi32>
        %shift_left3A_892 = arith.constant 4 : i32
        %shift_left3A_893 = vector.broadcast %shift_left3A_892 : i32 to vector<16xi32>
        %shift_left3A_894 = arith.shli %and3A_891, %shift_left3A_893 : vector<16xi32>
        %shift_right_arithmetic3A_895 = arith.shrsi %gather3A_888, %shift_left3A_894 : vector<16xi32>
        %and3A_896 = arith.constant 65535 : i32
        %and3A_897 = vector.broadcast %and3A_896 : i32 to vector<16xi32>
        %and3A_898 = arith.andi %shift_right_arithmetic3A_895, %and3A_897 : vector<16xi32>
        %shift_right_arithmetic3A_899 = arith.constant 1 : i32
        %shift_right_arithmetic3A_900 = vector.broadcast %shift_right_arithmetic3A_899 : i32 to vector<16xi32>
        %shift_right_arithmetic3A_901 = arith.shrsi %get3A_884, %shift_right_arithmetic3A_900 : vector<16xi32>
        %gather3A_902 = tpu.vector_load_idx %arg7[%shift_right_arithmetic3A_901] : memref<50000xi32, #tpu.memory_space<vmem>>[vector<16xi32>], vector<16xi32>,
        %and3A_903 = arith.constant 1 : i32
        %and3A_904 = vector.broadcast %and3A_903 : i32 to vector<16xi32>
        %and3A_905 = arith.andi %get3A_884, %and3A_904 : vector<16xi32>
        %shift_left3A_906 = arith.constant 4 : i32
        %shift_left3A_907 = vector.broadcast %shift_left3A_906 : i32 to vector<16xi32>
        %shift_left3A_908 = arith.shli %and3A_905, %shift_left3A_907 : vector<16xi32>
        %shift_right_arithmetic3A_909 = arith.shrsi %gather3A_902, %shift_left3A_908 : vector<16xi32>
        %and3A_910 = arith.constant 65535 : i32
        %and3A_911 = vector.broadcast %and3A_910 : i32 to vector<16xi32>
        %and3A_912 = arith.andi %shift_right_arithmetic3A_909, %and3A_911 : vector<16xi32>
        %eq3A_913 = arith.cmpi eq, %and3A_898, %and3A_912 : vector<16xi32>
        %select_n3A_914 = arith.select %eq3A_913, %broadcast_in_dim3A_1, %broadcast_in_dim3A_3 : vector<16xi1>, vector<16xf32>
        %swap3A_915 = arith.constant 352 : index
        %swap3A_916 = tpu.vector_load %arg13[%swap3A_915] {strides = array<i32>} : memref<512xf32, #tpu.memory_space<vmem>>, vector<16xf32>,
        tpu.vector_store %arg13[%swap3A_915], %select_n3A_914 {strides = array<i32>} : memref<512xf32, #tpu.memory_space<vmem>>, vector<16xf32>,
        %get3A_917 = arith.constant 368 : index
        %get3A_918 = tpu.vector_load %arg9[%get3A_917] {strides = array<i32>} : memref<512xi32, #tpu.memory_space<vmem>>, vector<16xi32>,
        %get3A_919 = arith.constant 368 : index
        %get3A_920 = tpu.vector_load %arg11[%get3A_919] {strides = array<i32>} : memref<512xi32, #tpu.memory_space<vmem>>, vector<16xi32>,
        %shift_right_arithmetic3A_921 = arith.constant 1 : i32
        %shift_right_arithmetic3A_922 = vector.broadcast %shift_right_arithmetic3A_921 : i32 to vector<16xi32>
        %shift_right_arithmetic3A_923 = arith.shrsi %get3A_918, %shift_right_arithmetic3A_922 : vector<16xi32>
        %gather3A_924 = tpu.vector_load_idx %arg7[%shift_right_arithmetic3A_923] : memref<50000xi32, #tpu.memory_space<vmem>>[vector<16xi32>], vector<16xi32>,
        %and3A_925 = arith.constant 1 : i32
        %and3A_926 = vector.broadcast %and3A_925 : i32 to vector<16xi32>
        %and3A_927 = arith.andi %get3A_918, %and3A_926 : vector<16xi32>
        %shift_left3A_928 = arith.constant 4 : i32
        %shift_left3A_929 = vector.broadcast %shift_left3A_928 : i32 to vector<16xi32>
        %shift_left3A_930 = arith.shli %and3A_927, %shift_left3A_929 : vector<16xi32>
        %shift_right_arithmetic3A_931 = arith.shrsi %gather3A_924, %shift_left3A_930 : vector<16xi32>
        %and3A_932 = arith.constant 65535 : i32
        %and3A_933 = vector.broadcast %and3A_932 : i32 to vector<16xi32>
        %and3A_934 = arith.andi %shift_right_arithmetic3A_931, %and3A_933 : vector<16xi32>
        %shift_right_arithmetic3A_935 = arith.constant 1 : i32
        %shift_right_arithmetic3A_936 = vector.broadcast %shift_right_arithmetic3A_935 : i32 to vector<16xi32>
        %shift_right_arithmetic3A_937 = arith.shrsi %get3A_920, %shift_right_arithmetic3A_936 : vector<16xi32>
        %gather3A_938 = tpu.vector_load_idx %arg7[%shift_right_arithmetic3A_937] : memref<50000xi32, #tpu.memory_space<vmem>>[vector<16xi32>], vector<16xi32>,
        %and3A_939 = arith.constant 1 : i32
        %and3A_940 = vector.broadcast %and3A_939 : i32 to vector<16xi32>
        %and3A_941 = arith.andi %get3A_920, %and3A_940 : vector<16xi32>
        %shift_left3A_942 = arith.constant 4 : i32
        %shift_left3A_943 = vector.broadcast %shift_left3A_942 : i32 to vector<16xi32>
        %shift_left3A_944 = arith.shli %and3A_941, %shift_left3A_943 : vector<16xi32>
        %shift_right_arithmetic3A_945 = arith.shrsi %gather3A_938, %shift_left3A_944 : vector<16xi32>
        %and3A_946 = arith.constant 65535 : i32
        %and3A_947 = vector.broadcast %and3A_946 : i32 to vector<16xi32>
        %and3A_948 = arith.andi %shift_right_arithmetic3A_945, %and3A_947 : vector<16xi32>
        %eq3A_949 = arith.cmpi eq, %and3A_934, %and3A_948 : vector<16xi32>
        %select_n3A_950 = arith.select %eq3A_949, %broadcast_in_dim3A_1, %broadcast_in_dim3A_3 : vector<16xi1>, vector<16xf32>
        %swap3A_951 = arith.constant 368 : index
        %swap3A_952 = tpu.vector_load %arg13[%swap3A_951] {strides = array<i32>} : memref<512xf32, #tpu.memory_space<vmem>>, vector<16xf32>,
        tpu.vector_store %arg13[%swap3A_951], %select_n3A_950 {strides = array<i32>} : memref<512xf32, #tpu.memory_space<vmem>>, vector<16xf32>,
        %get3A_953 = arith.constant 384 : index
        %get3A_954 = tpu.vector_load %arg9[%get3A_953] {strides = array<i32>} : memref<512xi32, #tpu.memory_space<vmem>>, vector<16xi32>,
        %get3A_955 = arith.constant 384 : index
        %get3A_956 = tpu.vector_load %arg11[%get3A_955] {strides = array<i32>} : memref<512xi32, #tpu.memory_space<vmem>>, vector<16xi32>,
        %shift_right_arithmetic3A_957 = arith.constant 1 : i32
        %shift_right_arithmetic3A_958 = vector.broadcast %shift_right_arithmetic3A_957 : i32 to vector<16xi32>
        %shift_right_arithmetic3A_959 = arith.shrsi %get3A_954, %shift_right_arithmetic3A_958 : vector<16xi32>
        %gather3A_960 = tpu.vector_load_idx %arg7[%shift_right_arithmetic3A_959] : memref<50000xi32, #tpu.memory_space<vmem>>[vector<16xi32>], vector<16xi32>,
        %and3A_961 = arith.constant 1 : i32
        %and3A_962 = vector.broadcast %and3A_961 : i32 to vector<16xi32>
        %and3A_963 = arith.andi %get3A_954, %and3A_962 : vector<16xi32>
        %shift_left3A_964 = arith.constant 4 : i32
        %shift_left3A_965 = vector.broadcast %shift_left3A_964 : i32 to vector<16xi32>
        %shift_left3A_966 = arith.shli %and3A_963, %shift_left3A_965 : vector<16xi32>
        %shift_right_arithmetic3A_967 = arith.shrsi %gather3A_960, %shift_left3A_966 : vector<16xi32>
        %and3A_968 = arith.constant 65535 : i32
        %and3A_969 = vector.broadcast %and3A_968 : i32 to vector<16xi32>
        %and3A_970 = arith.andi %shift_right_arithmetic3A_967, %and3A_969 : vector<16xi32>
        %shift_right_arithmetic3A_971 = arith.constant 1 : i32
        %shift_right_arithmetic3A_972 = vector.broadcast %shift_right_arithmetic3A_971 : i32 to vector<16xi32>
        %shift_right_arithmetic3A_973 = arith.shrsi %get3A_956, %shift_right_arithmetic3A_972 : vector<16xi32>
        %gather3A_974 = tpu.vector_load_idx %arg7[%shift_right_arithmetic3A_973] : memref<50000xi32, #tpu.memory_space<vmem>>[vector<16xi32>], vector<16xi32>,
        %and3A_975 = arith.constant 1 : i32
        %and3A_976 = vector.broadcast %and3A_975 : i32 to vector<16xi32>
        %and3A_977 = arith.andi %get3A_956, %and3A_976 : vector<16xi32>
        %shift_left3A_978 = arith.constant 4 : i32
        %shift_left3A_979 = vector.broadcast %shift_left3A_978 : i32 to vector<16xi32>
        %shift_left3A_980 = arith.shli %and3A_977, %shift_left3A_979 : vector<16xi32>
        %shift_right_arithmetic3A_981 = arith.shrsi %gather3A_974, %shift_left3A_980 : vector<16xi32>
        %and3A_982 = arith.constant 65535 : i32
        %and3A_983 = vector.broadcast %and3A_982 : i32 to vector<16xi32>
        %and3A_984 = arith.andi %shift_right_arithmetic3A_981, %and3A_983 : vector<16xi32>
        %eq3A_985 = arith.cmpi eq, %and3A_970, %and3A_984 : vector<16xi32>
        %select_n3A_986 = arith.select %eq3A_985, %broadcast_in_dim3A_1, %broadcast_in_dim3A_3 : vector<16xi1>, vector<16xf32>
        %swap3A_987 = arith.constant 384 : index
        %swap3A_988 = tpu.vector_load %arg13[%swap3A_987] {strides = array<i32>} : memref<512xf32, #tpu.memory_space<vmem>>, vector<16xf32>,
        tpu.vector_store %arg13[%swap3A_987], %select_n3A_986 {strides = array<i32>} : memref<512xf32, #tpu.memory_space<vmem>>, vector<16xf32>,
        %get3A_989 = arith.constant 400 : index
        %get3A_990 = tpu.vector_load %arg9[%get3A_989] {strides = array<i32>} : memref<512xi32, #tpu.memory_space<vmem>>, vector<16xi32>,
        %get3A_991 = arith.constant 400 : index
        %get3A_992 = tpu.vector_load %arg11[%get3A_991] {strides = array<i32>} : memref<512xi32, #tpu.memory_space<vmem>>, vector<16xi32>,
        %shift_right_arithmetic3A_993 = arith.constant 1 : i32
        %shift_right_arithmetic3A_994 = vector.broadcast %shift_right_arithmetic3A_993 : i32 to vector<16xi32>
        %shift_right_arithmetic3A_995 = arith.shrsi %get3A_990, %shift_right_arithmetic3A_994 : vector<16xi32>
        %gather3A_996 = tpu.vector_load_idx %arg7[%shift_right_arithmetic3A_995] : memref<50000xi32, #tpu.memory_space<vmem>>[vector<16xi32>], vector<16xi32>,
        %and3A_997 = arith.constant 1 : i32
        %and3A_998 = vector.broadcast %and3A_997 : i32 to vector<16xi32>
        %and3A_999 = arith.andi %get3A_990, %and3A_998 : vector<16xi32>
        %shift_left3A_1000 = arith.constant 4 : i32
        %shift_left3A_1001 = vector.broadcast %shift_left3A_1000 : i32 to vector<16xi32>
        %shift_left3A_1002 = arith.shli %and3A_999, %shift_left3A_1001 : vector<16xi32>
        %shift_right_arithmetic3A_1003 = arith.shrsi %gather3A_996, %shift_left3A_1002 : vector<16xi32>
        %and3A_1004 = arith.constant 65535 : i32
        %and3A_1005 = vector.broadcast %and3A_1004 : i32 to vector<16xi32>
        %and3A_1006 = arith.andi %shift_right_arithmetic3A_1003, %and3A_1005 : vector<16xi32>
        %shift_right_arithmetic3A_1007 = arith.constant 1 : i32
        %shift_right_arithmetic3A_1008 = vector.broadcast %shift_right_arithmetic3A_1007 : i32 to vector<16xi32>
        %shift_right_arithmetic3A_1009 = arith.shrsi %get3A_992, %shift_right_arithmetic3A_1008 : vector<16xi32>
        %gather3A_1010 = tpu.vector_load_idx %arg7[%shift_right_arithmetic3A_1009] : memref<50000xi32, #tpu.memory_space<vmem>>[vector<16xi32>], vector<16xi32>,
        %and3A_1011 = arith.constant 1 : i32
        %and3A_1012 = vector.broadcast %and3A_1011 : i32 to vector<16xi32>
        %and3A_1013 = arith.andi %get3A_992, %and3A_1012 : vector<16xi32>
        %shift_left3A_1014 = arith.constant 4 : i32
        %shift_left3A_1015 = vector.broadcast %shift_left3A_1014 : i32 to vector<16xi32>
        %shift_left3A_1016 = arith.shli %and3A_1013, %shift_left3A_1015 : vector<16xi32>
        %shift_right_arithmetic3A_1017 = arith.shrsi %gather3A_1010, %shift_left3A_1016 : vector<16xi32>
        %and3A_1018 = arith.constant 65535 : i32
        %and3A_1019 = vector.broadcast %and3A_1018 : i32 to vector<16xi32>
        %and3A_1020 = arith.andi %shift_right_arithmetic3A_1017, %and3A_1019 : vector<16xi32>
        %eq3A_1021 = arith.cmpi eq, %and3A_1006, %and3A_1020 : vector<16xi32>
        %select_n3A_1022 = arith.select %eq3A_1021, %broadcast_in_dim3A_1, %broadcast_in_dim3A_3 : vector<16xi1>, vector<16xf32>
        %swap3A_1023 = arith.constant 400 : index
        %swap3A_1024 = tpu.vector_load %arg13[%swap3A_1023] {strides = array<i32>} : memref<512xf32, #tpu.memory_space<vmem>>, vector<16xf32>,
        tpu.vector_store %arg13[%swap3A_1023], %select_n3A_1022 {strides = array<i32>} : memref<512xf32, #tpu.memory_space<vmem>>, vector<16xf32>,
        %get3A_1025 = arith.constant 416 : index
        %get3A_1026 = tpu.vector_load %arg9[%get3A_1025] {strides = array<i32>} : memref<512xi32, #tpu.memory_space<vmem>>, vector<16xi32>,
        %get3A_1027 = arith.constant 416 : index
        %get3A_1028 = tpu.vector_load %arg11[%get3A_1027] {strides = array<i32>} : memref<512xi32, #tpu.memory_space<vmem>>, vector<16xi32>,
        %shift_right_arithmetic3A_1029 = arith.constant 1 : i32
        %shift_right_arithmetic3A_1030 = vector.broadcast %shift_right_arithmetic3A_1029 : i32 to vector<16xi32>
        %shift_right_arithmetic3A_1031 = arith.shrsi %get3A_1026, %shift_right_arithmetic3A_1030 : vector<16xi32>
        %gather3A_1032 = tpu.vector_load_idx %arg7[%shift_right_arithmetic3A_1031] : memref<50000xi32, #tpu.memory_space<vmem>>[vector<16xi32>], vector<16xi32>,
        %and3A_1033 = arith.constant 1 : i32
        %and3A_1034 = vector.broadcast %and3A_1033 : i32 to vector<16xi32>
        %and3A_1035 = arith.andi %get3A_1026, %and3A_1034 : vector<16xi32>
        %shift_left3A_1036 = arith.constant 4 : i32
        %shift_left3A_1037 = vector.broadcast %shift_left3A_1036 : i32 to vector<16xi32>
        %shift_left3A_1038 = arith.shli %and3A_1035, %shift_left3A_1037 : vector<16xi32>
        %shift_right_arithmetic3A_1039 = arith.shrsi %gather3A_1032, %shift_left3A_1038 : vector<16xi32>
        %and3A_1040 = arith.constant 65535 : i32
        %and3A_1041 = vector.broadcast %and3A_1040 : i32 to vector<16xi32>
        %and3A_1042 = arith.andi %shift_right_arithmetic3A_1039, %and3A_1041 : vector<16xi32>
        %shift_right_arithmetic3A_1043 = arith.constant 1 : i32
        %shift_right_arithmetic3A_1044 = vector.broadcast %shift_right_arithmetic3A_1043 : i32 to vector<16xi32>
        %shift_right_arithmetic3A_1045 = arith.shrsi %get3A_1028, %shift_right_arithmetic3A_1044 : vector<16xi32>
        %gather3A_1046 = tpu.vector_load_idx %arg7[%shift_right_arithmetic3A_1045] : memref<50000xi32, #tpu.memory_space<vmem>>[vector<16xi32>], vector<16xi32>,
        %and3A_1047 = arith.constant 1 : i32
        %and3A_1048 = vector.broadcast %and3A_1047 : i32 to vector<16xi32>
        %and3A_1049 = arith.andi %get3A_1028, %and3A_1048 : vector<16xi32>
        %shift_left3A_1050 = arith.constant 4 : i32
        %shift_left3A_1051 = vector.broadcast %shift_left3A_1050 : i32 to vector<16xi32>
        %shift_left3A_1052 = arith.shli %and3A_1049, %shift_left3A_1051 : vector<16xi32>
        %shift_right_arithmetic3A_1053 = arith.shrsi %gather3A_1046, %shift_left3A_1052 : vector<16xi32>
        %and3A_1054 = arith.constant 65535 : i32
        %and3A_1055 = vector.broadcast %and3A_1054 : i32 to vector<16xi32>
        %and3A_1056 = arith.andi %shift_right_arithmetic3A_1053, %and3A_1055 : vector<16xi32>
        %eq3A_1057 = arith.cmpi eq, %and3A_1042, %and3A_1056 : vector<16xi32>
        %select_n3A_1058 = arith.select %eq3A_1057, %broadcast_in_dim3A_1, %broadcast_in_dim3A_3 : vector<16xi1>, vector<16xf32>
        %swap3A_1059 = arith.constant 416 : index
        %swap3A_1060 = tpu.vector_load %arg13[%swap3A_1059] {strides = array<i32>} : memref<512xf32, #tpu.memory_space<vmem>>, vector<16xf32>,
        tpu.vector_store %arg13[%swap3A_1059], %select_n3A_1058 {strides = array<i32>} : memref<512xf32, #tpu.memory_space<vmem>>, vector<16xf32>,
        %get3A_1061 = arith.constant 432 : index
        %get3A_1062 = tpu.vector_load %arg9[%get3A_1061] {strides = array<i32>} : memref<512xi32, #tpu.memory_space<vmem>>, vector<16xi32>,
        %get3A_1063 = arith.constant 432 : index
        %get3A_1064 = tpu.vector_load %arg11[%get3A_1063] {strides = array<i32>} : memref<512xi32, #tpu.memory_space<vmem>>, vector<16xi32>,
        %shift_right_arithmetic3A_1065 = arith.constant 1 : i32
        %shift_right_arithmetic3A_1066 = vector.broadcast %shift_right_arithmetic3A_1065 : i32 to vector<16xi32>
        %shift_right_arithmetic3A_1067 = arith.shrsi %get3A_1062, %shift_right_arithmetic3A_1066 : vector<16xi32>
        %gather3A_1068 = tpu.vector_load_idx %arg7[%shift_right_arithmetic3A_1067] : memref<50000xi32, #tpu.memory_space<vmem>>[vector<16xi32>], vector<16xi32>,
        %and3A_1069 = arith.constant 1 : i32
        %and3A_1070 = vector.broadcast %and3A_1069 : i32 to vector<16xi32>
        %and3A_1071 = arith.andi %get3A_1062, %and3A_1070 : vector<16xi32>
        %shift_left3A_1072 = arith.constant 4 : i32
        %shift_left3A_1073 = vector.broadcast %shift_left3A_1072 : i32 to vector<16xi32>
        %shift_left3A_1074 = arith.shli %and3A_1071, %shift_left3A_1073 : vector<16xi32>
        %shift_right_arithmetic3A_1075 = arith.shrsi %gather3A_1068, %shift_left3A_1074 : vector<16xi32>
        %and3A_1076 = arith.constant 65535 : i32
        %and3A_1077 = vector.broadcast %and3A_1076 : i32 to vector<16xi32>
        %and3A_1078 = arith.andi %shift_right_arithmetic3A_1075, %and3A_1077 : vector<16xi32>
        %shift_right_arithmetic3A_1079 = arith.constant 1 : i32
        %shift_right_arithmetic3A_1080 = vector.broadcast %shift_right_arithmetic3A_1079 : i32 to vector<16xi32>
        %shift_right_arithmetic3A_1081 = arith.shrsi %get3A_1064, %shift_right_arithmetic3A_1080 : vector<16xi32>
        %gather3A_1082 = tpu.vector_load_idx %arg7[%shift_right_arithmetic3A_1081] : memref<50000xi32, #tpu.memory_space<vmem>>[vector<16xi32>], vector<16xi32>,
        %and3A_1083 = arith.constant 1 : i32
        %and3A_1084 = vector.broadcast %and3A_1083 : i32 to vector<16xi32>
        %and3A_1085 = arith.andi %get3A_1064, %and3A_1084 : vector<16xi32>
        %shift_left3A_1086 = arith.constant 4 : i32
        %shift_left3A_1087 = vector.broadcast %shift_left3A_1086 : i32 to vector<16xi32>
        %shift_left3A_1088 = arith.shli %and3A_1085, %shift_left3A_1087 : vector<16xi32>
        %shift_right_arithmetic3A_1089 = arith.shrsi %gather3A_1082, %shift_left3A_1088 : vector<16xi32>
        %and3A_1090 = arith.constant 65535 : i32
        %and3A_1091 = vector.broadcast %and3A_1090 : i32 to vector<16xi32>
        %and3A_1092 = arith.andi %shift_right_arithmetic3A_1089, %and3A_1091 : vector<16xi32>
        %eq3A_1093 = arith.cmpi eq, %and3A_1078, %and3A_1092 : vector<16xi32>
        %select_n3A_1094 = arith.select %eq3A_1093, %broadcast_in_dim3A_1, %broadcast_in_dim3A_3 : vector<16xi1>, vector<16xf32>
        %swap3A_1095 = arith.constant 432 : index
        %swap3A_1096 = tpu.vector_load %arg13[%swap3A_1095] {strides = array<i32>} : memref<512xf32, #tpu.memory_space<vmem>>, vector<16xf32>,
        tpu.vector_store %arg13[%swap3A_1095], %select_n3A_1094 {strides = array<i32>} : memref<512xf32, #tpu.memory_space<vmem>>, vector<16xf32>,
        %get3A_1097 = arith.constant 448 : index
        %get3A_1098 = tpu.vector_load %arg9[%get3A_1097] {strides = array<i32>} : memref<512xi32, #tpu.memory_space<vmem>>, vector<16xi32>,
        %get3A_1099 = arith.constant 448 : index
        %get3A_1100 = tpu.vector_load %arg11[%get3A_1099] {strides = array<i32>} : memref<512xi32, #tpu.memory_space<vmem>>, vector<16xi32>,
        %shift_right_arithmetic3A_1101 = arith.constant 1 : i32
        %shift_right_arithmetic3A_1102 = vector.broadcast %shift_right_arithmetic3A_1101 : i32 to vector<16xi32>
        %shift_right_arithmetic3A_1103 = arith.shrsi %get3A_1098, %shift_right_arithmetic3A_1102 : vector<16xi32>
        %gather3A_1104 = tpu.vector_load_idx %arg7[%shift_right_arithmetic3A_1103] : memref<50000xi32, #tpu.memory_space<vmem>>[vector<16xi32>], vector<16xi32>,
        %and3A_1105 = arith.constant 1 : i32
        %and3A_1106 = vector.broadcast %and3A_1105 : i32 to vector<16xi32>
        %and3A_1107 = arith.andi %get3A_1098, %and3A_1106 : vector<16xi32>
        %shift_left3A_1108 = arith.constant 4 : i32
        %shift_left3A_1109 = vector.broadcast %shift_left3A_1108 : i32 to vector<16xi32>
        %shift_left3A_1110 = arith.shli %and3A_1107, %shift_left3A_1109 : vector<16xi32>
        %shift_right_arithmetic3A_1111 = arith.shrsi %gather3A_1104, %shift_left3A_1110 : vector<16xi32>
        %and3A_1112 = arith.constant 65535 : i32
        %and3A_1113 = vector.broadcast %and3A_1112 : i32 to vector<16xi32>
        %and3A_1114 = arith.andi %shift_right_arithmetic3A_1111, %and3A_1113 : vector<16xi32>
        %shift_right_arithmetic3A_1115 = arith.constant 1 : i32
        %shift_right_arithmetic3A_1116 = vector.broadcast %shift_right_arithmetic3A_1115 : i32 to vector<16xi32>
        %shift_right_arithmetic3A_1117 = arith.shrsi %get3A_1100, %shift_right_arithmetic3A_1116 : vector<16xi32>
        %gather3A_1118 = tpu.vector_load_idx %arg7[%shift_right_arithmetic3A_1117] : memref<50000xi32, #tpu.memory_space<vmem>>[vector<16xi32>], vector<16xi32>,
        %and3A_1119 = arith.constant 1 : i32
        %and3A_1120 = vector.broadcast %and3A_1119 : i32 to vector<16xi32>
        %and3A_1121 = arith.andi %get3A_1100, %and3A_1120 : vector<16xi32>
        %shift_left3A_1122 = arith.constant 4 : i32
        %shift_left3A_1123 = vector.broadcast %shift_left3A_1122 : i32 to vector<16xi32>
        %shift_left3A_1124 = arith.shli %and3A_1121, %shift_left3A_1123 : vector<16xi32>
        %shift_right_arithmetic3A_1125 = arith.shrsi %gather3A_1118, %shift_left3A_1124 : vector<16xi32>
        %and3A_1126 = arith.constant 65535 : i32
        %and3A_1127 = vector.broadcast %and3A_1126 : i32 to vector<16xi32>
        %and3A_1128 = arith.andi %shift_right_arithmetic3A_1125, %and3A_1127 : vector<16xi32>
        %eq3A_1129 = arith.cmpi eq, %and3A_1114, %and3A_1128 : vector<16xi32>
        %select_n3A_1130 = arith.select %eq3A_1129, %broadcast_in_dim3A_1, %broadcast_in_dim3A_3 : vector<16xi1>, vector<16xf32>
        %swap3A_1131 = arith.constant 448 : index
        %swap3A_1132 = tpu.vector_load %arg13[%swap3A_1131] {strides = array<i32>} : memref<512xf32, #tpu.memory_space<vmem>>, vector<16xf32>,
        tpu.vector_store %arg13[%swap3A_1131], %select_n3A_1130 {strides = array<i32>} : memref<512xf32, #tpu.memory_space<vmem>>, vector<16xf32>,
        %get3A_1133 = arith.constant 464 : index
        %get3A_1134 = tpu.vector_load %arg9[%get3A_1133] {strides = array<i32>} : memref<512xi32, #tpu.memory_space<vmem>>, vector<16xi32>,
        %get3A_1135 = arith.constant 464 : index
        %get3A_1136 = tpu.vector_load %arg11[%get3A_1135] {strides = array<i32>} : memref<512xi32, #tpu.memory_space<vmem>>, vector<16xi32>,
        %shift_right_arithmetic3A_1137 = arith.constant 1 : i32
        %shift_right_arithmetic3A_1138 = vector.broadcast %shift_right_arithmetic3A_1137 : i32 to vector<16xi32>
        %shift_right_arithmetic3A_1139 = arith.shrsi %get3A_1134, %shift_right_arithmetic3A_1138 : vector<16xi32>
        %gather3A_1140 = tpu.vector_load_idx %arg7[%shift_right_arithmetic3A_1139] : memref<50000xi32, #tpu.memory_space<vmem>>[vector<16xi32>], vector<16xi32>,
        %and3A_1141 = arith.constant 1 : i32
        %and3A_1142 = vector.broadcast %and3A_1141 : i32 to vector<16xi32>
        %and3A_1143 = arith.andi %get3A_1134, %and3A_1142 : vector<16xi32>
        %shift_left3A_1144 = arith.constant 4 : i32
        %shift_left3A_1145 = vector.broadcast %shift_left3A_1144 : i32 to vector<16xi32>
        %shift_left3A_1146 = arith.shli %and3A_1143, %shift_left3A_1145 : vector<16xi32>
        %shift_right_arithmetic3A_1147 = arith.shrsi %gather3A_1140, %shift_left3A_1146 : vector<16xi32>
        %and3A_1148 = arith.constant 65535 : i32
        %and3A_1149 = vector.broadcast %and3A_1148 : i32 to vector<16xi32>
        %and3A_1150 = arith.andi %shift_right_arithmetic3A_1147, %and3A_1149 : vector<16xi32>
        %shift_right_arithmetic3A_1151 = arith.constant 1 : i32
        %shift_right_arithmetic3A_1152 = vector.broadcast %shift_right_arithmetic3A_1151 : i32 to vector<16xi32>
        %shift_right_arithmetic3A_1153 = arith.shrsi %get3A_1136, %shift_right_arithmetic3A_1152 : vector<16xi32>
        %gather3A_1154 = tpu.vector_load_idx %arg7[%shift_right_arithmetic3A_1153] : memref<50000xi32, #tpu.memory_space<vmem>>[vector<16xi32>], vector<16xi32>,
        %and3A_1155 = arith.constant 1 : i32
        %and3A_1156 = vector.broadcast %and3A_1155 : i32 to vector<16xi32>
        %and3A_1157 = arith.andi %get3A_1136, %and3A_1156 : vector<16xi32>
        %shift_left3A_1158 = arith.constant 4 : i32
        %shift_left3A_1159 = vector.broadcast %shift_left3A_1158 : i32 to vector<16xi32>
        %shift_left3A_1160 = arith.shli %and3A_1157, %shift_left3A_1159 : vector<16xi32>
        %shift_right_arithmetic3A_1161 = arith.shrsi %gather3A_1154, %shift_left3A_1160 : vector<16xi32>
        %and3A_1162 = arith.constant 65535 : i32
        %and3A_1163 = vector.broadcast %and3A_1162 : i32 to vector<16xi32>
        %and3A_1164 = arith.andi %shift_right_arithmetic3A_1161, %and3A_1163 : vector<16xi32>
        %eq3A_1165 = arith.cmpi eq, %and3A_1150, %and3A_1164 : vector<16xi32>
        %select_n3A_1166 = arith.select %eq3A_1165, %broadcast_in_dim3A_1, %broadcast_in_dim3A_3 : vector<16xi1>, vector<16xf32>
        %swap3A_1167 = arith.constant 464 : index
        %swap3A_1168 = tpu.vector_load %arg13[%swap3A_1167] {strides = array<i32>} : memref<512xf32, #tpu.memory_space<vmem>>, vector<16xf32>,
        tpu.vector_store %arg13[%swap3A_1167], %select_n3A_1166 {strides = array<i32>} : memref<512xf32, #tpu.memory_space<vmem>>, vector<16xf32>,
        %get3A_1169 = arith.constant 480 : index
        %get3A_1170 = tpu.vector_load %arg9[%get3A_1169] {strides = array<i32>} : memref<512xi32, #tpu.memory_space<vmem>>, vector<16xi32>,
        %get3A_1171 = arith.constant 480 : index
        %get3A_1172 = tpu.vector_load %arg11[%get3A_1171] {strides = array<i32>} : memref<512xi32, #tpu.memory_space<vmem>>, vector<16xi32>,
        %shift_right_arithmetic3A_1173 = arith.constant 1 : i32
        %shift_right_arithmetic3A_1174 = vector.broadcast %shift_right_arithmetic3A_1173 : i32 to vector<16xi32>
        %shift_right_arithmetic3A_1175 = arith.shrsi %get3A_1170, %shift_right_arithmetic3A_1174 : vector<16xi32>
        %gather3A_1176 = tpu.vector_load_idx %arg7[%shift_right_arithmetic3A_1175] : memref<50000xi32, #tpu.memory_space<vmem>>[vector<16xi32>], vector<16xi32>,
        %and3A_1177 = arith.constant 1 : i32
        %and3A_1178 = vector.broadcast %and3A_1177 : i32 to vector<16xi32>
        %and3A_1179 = arith.andi %get3A_1170, %and3A_1178 : vector<16xi32>
        %shift_left3A_1180 = arith.constant 4 : i32
        %shift_left3A_1181 = vector.broadcast %shift_left3A_1180 : i32 to vector<16xi32>
        %shift_left3A_1182 = arith.shli %and3A_1179, %shift_left3A_1181 : vector<16xi32>
        %shift_right_arithmetic3A_1183 = arith.shrsi %gather3A_1176, %shift_left3A_1182 : vector<16xi32>
        %and3A_1184 = arith.constant 65535 : i32
        %and3A_1185 = vector.broadcast %and3A_1184 : i32 to vector<16xi32>
        %and3A_1186 = arith.andi %shift_right_arithmetic3A_1183, %and3A_1185 : vector<16xi32>
        %shift_right_arithmetic3A_1187 = arith.constant 1 : i32
        %shift_right_arithmetic3A_1188 = vector.broadcast %shift_right_arithmetic3A_1187 : i32 to vector<16xi32>
        %shift_right_arithmetic3A_1189 = arith.shrsi %get3A_1172, %shift_right_arithmetic3A_1188 : vector<16xi32>
        %gather3A_1190 = tpu.vector_load_idx %arg7[%shift_right_arithmetic3A_1189] : memref<50000xi32, #tpu.memory_space<vmem>>[vector<16xi32>], vector<16xi32>,
        %and3A_1191 = arith.constant 1 : i32
        %and3A_1192 = vector.broadcast %and3A_1191 : i32 to vector<16xi32>
        %and3A_1193 = arith.andi %get3A_1172, %and3A_1192 : vector<16xi32>
        %shift_left3A_1194 = arith.constant 4 : i32
        %shift_left3A_1195 = vector.broadcast %shift_left3A_1194 : i32 to vector<16xi32>
        %shift_left3A_1196 = arith.shli %and3A_1193, %shift_left3A_1195 : vector<16xi32>
        %shift_right_arithmetic3A_1197 = arith.shrsi %gather3A_1190, %shift_left3A_1196 : vector<16xi32>
        %and3A_1198 = arith.constant 65535 : i32
        %and3A_1199 = vector.broadcast %and3A_1198 : i32 to vector<16xi32>
        %and3A_1200 = arith.andi %shift_right_arithmetic3A_1197, %and3A_1199 : vector<16xi32>
        %eq3A_1201 = arith.cmpi eq, %and3A_1186, %and3A_1200 : vector<16xi32>
        %select_n3A_1202 = arith.select %eq3A_1201, %broadcast_in_dim3A_1, %broadcast_in_dim3A_3 : vector<16xi1>, vector<16xf32>
        %swap3A_1203 = arith.constant 480 : index
        %swap3A_1204 = tpu.vector_load %arg13[%swap3A_1203] {strides = array<i32>} : memref<512xf32, #tpu.memory_space<vmem>>, vector<16xf32>,
        tpu.vector_store %arg13[%swap3A_1203], %select_n3A_1202 {strides = array<i32>} : memref<512xf32, #tpu.memory_space<vmem>>, vector<16xf32>,
        %get3A_1205 = arith.constant 496 : index
        %get3A_1206 = tpu.vector_load %arg9[%get3A_1205] {strides = array<i32>} : memref<512xi32, #tpu.memory_space<vmem>>, vector<16xi32>,
        %get3A_1207 = arith.constant 496 : index
        %get3A_1208 = tpu.vector_load %arg11[%get3A_1207] {strides = array<i32>} : memref<512xi32, #tpu.memory_space<vmem>>, vector<16xi32>,
        %shift_right_arithmetic3A_1209 = arith.constant 1 : i32
        %shift_right_arithmetic3A_1210 = vector.broadcast %shift_right_arithmetic3A_1209 : i32 to vector<16xi32>
        %shift_right_arithmetic3A_1211 = arith.shrsi %get3A_1206, %shift_right_arithmetic3A_1210 : vector<16xi32>
        %gather3A_1212 = tpu.vector_load_idx %arg7[%shift_right_arithmetic3A_1211] : memref<50000xi32, #tpu.memory_space<vmem>>[vector<16xi32>], vector<16xi32>,
        %and3A_1213 = arith.constant 1 : i32
        %and3A_1214 = vector.broadcast %and3A_1213 : i32 to vector<16xi32>
        %and3A_1215 = arith.andi %get3A_1206, %and3A_1214 : vector<16xi32>
        %shift_left3A_1216 = arith.constant 4 : i32
        %shift_left3A_1217 = vector.broadcast %shift_left3A_1216 : i32 to vector<16xi32>
        %shift_left3A_1218 = arith.shli %and3A_1215, %shift_left3A_1217 : vector<16xi32>
        %shift_right_arithmetic3A_1219 = arith.shrsi %gather3A_1212, %shift_left3A_1218 : vector<16xi32>
        %and3A_1220 = arith.constant 65535 : i32
        %and3A_1221 = vector.broadcast %and3A_1220 : i32 to vector<16xi32>
        %and3A_1222 = arith.andi %shift_right_arithmetic3A_1219, %and3A_1221 : vector<16xi32>
        %shift_right_arithmetic3A_1223 = arith.constant 1 : i32
        %shift_right_arithmetic3A_1224 = vector.broadcast %shift_right_arithmetic3A_1223 : i32 to vector<16xi32>
        %shift_right_arithmetic3A_1225 = arith.shrsi %get3A_1208, %shift_right_arithmetic3A_1224 : vector<16xi32>
        %gather3A_1226 = tpu.vector_load_idx %arg7[%shift_right_arithmetic3A_1225] : memref<50000xi32, #tpu.memory_space<vmem>>[vector<16xi32>], vector<16xi32>,
        %and3A_1227 = arith.constant 1 : i32
        %and3A_1228 = vector.broadcast %and3A_1227 : i32 to vector<16xi32>
        %and3A_1229 = arith.andi %get3A_1208, %and3A_1228 : vector<16xi32>
        %shift_left3A_1230 = arith.constant 4 : i32
        %shift_left3A_1231 = vector.broadcast %shift_left3A_1230 : i32 to vector<16xi32>
        %shift_left3A_1232 = arith.shli %and3A_1229, %shift_left3A_1231 : vector<16xi32>
        %shift_right_arithmetic3A_1233 = arith.shrsi %gather3A_1226, %shift_left3A_1232 : vector<16xi32>
        %and3A_1234 = arith.constant 65535 : i32
        %and3A_1235 = vector.broadcast %and3A_1234 : i32 to vector<16xi32>
        %and3A_1236 = arith.andi %shift_right_arithmetic3A_1233, %and3A_1235 : vector<16xi32>
        %eq3A_1237 = arith.cmpi eq, %and3A_1222, %and3A_1236 : vector<16xi32>
        %select_n3A_1238 = arith.select %eq3A_1237, %broadcast_in_dim3A_1, %broadcast_in_dim3A_3 : vector<16xi1>, vector<16xf32>
        %swap3A_1239 = arith.constant 496 : index
        %swap3A_1240 = tpu.vector_load %arg13[%swap3A_1239] {strides = array<i32>} : memref<512xf32, #tpu.memory_space<vmem>>, vector<16xf32>,
        tpu.vector_store %arg13[%swap3A_1239], %select_n3A_1238 {strides = array<i32>} : memref<512xf32, #tpu.memory_space<vmem>>, vector<16xf32>,
        %dma_wait3A_1241 = arith.constant 0 : i32
        %dma_wait3A_1242 = arith.constant 0 : i32
        %dma_wait3A_1243 = tpu.memref_slice %arg3[%dma_wait3A_1241, %dma_wait3A_1242] : memref<100000x16xf32, #tpu.memory_space<hbm>> -> memref<100000x16xf32, #tpu.memory_space<hbm>>
        tpu.wait_indirect_dma semaphore(%arg21 : memref<!tpu.dma_semaphore, #tpu.memory_space<semaphore_mem>>) src(%dma_wait3A_1243 : memref<100000x16xf32, #tpu.memory_space<hbm>>) dst(%arg15 : memref<512x16xf32, #tpu.memory_space<vmem>>)
        %dma_wait3A_1244 = arith.constant 0 : i32
        %dma_wait3A_1245 = arith.constant 0 : i32
        %dma_wait3A_1246 = tpu.memref_slice %arg4[%dma_wait3A_1244, %dma_wait3A_1245] : memref<100000x16xf32, #tpu.memory_space<hbm>> -> memref<100000x16xf32, #tpu.memory_space<hbm>>
        tpu.wait_indirect_dma semaphore(%arg21 : memref<!tpu.dma_semaphore, #tpu.memory_space<semaphore_mem>>) src(%dma_wait3A_1246 : memref<100000x16xf32, #tpu.memory_space<hbm>>) dst(%arg17 : memref<512x16xf32, #tpu.memory_space<vmem>>)
        %scan3A_1247 = arith.constant 0 : i32
        %scan3A_1248 = arith.constant 0 : i32
        %scan3A_1249 = arith.constant 512 : i32
        %scan3A_1250 = arith.addi %scan3A_1248, %scan3A_1249 : i32
        %scan3A_1251 = arith.constant 8 : i32
        scf.for %scan3A_1266 = %scan3A_1248 to %scan3A_1250 step %scan3A_1251  : i32 {
          %broadcast_in_dim3A_1267 = vector.broadcast %scan3A_1266 : i32 to vector<16xi32>
          %gather3A_1268 = tpu.vector_load_idx %arg13[%broadcast_in_dim3A_1267] : memref<512xf32, #tpu.memory_space<vmem>>[vector<16xi32>], vector<16xf32>,
          %get3A_1269 = arith.index_cast %scan3A_1266 : i32 to index
          %get3A_1270 = arith.constant 0 : index
          %get3A_1271 = tpu.vector_load %arg15[%get3A_1269, %get3A_1270] {strides = array<i32>} : memref<512x16xf32, #tpu.memory_space<vmem>>, vector<16xf32>,
          %get3A_1272 = arith.index_cast %scan3A_1266 : i32 to index
          %get3A_1273 = arith.constant 0 : index
          %get3A_1274 = tpu.vector_load %arg17[%get3A_1272, %get3A_1273] {strides = array<i32>} : memref<512x16xf32, #tpu.memory_space<vmem>>, vector<16xf32>,
          %mul3A_1275 = arith.mulf %get3A_1271, %get3A_1274 : vector<16xf32>
          %mul3A_1276 = arith.mulf %mul3A_1275, %gather3A_1268 : vector<16xf32>
          %swap3A_1277 = arith.index_cast %scan3A_1266 : i32 to index
          %swap3A_1278 = arith.constant 0 : index
          %swap3A_1279 = tpu.vector_load %arg15[%swap3A_1277, %swap3A_1278] {strides = array<i32>} : memref<512x16xf32, #tpu.memory_space<vmem>>, vector<16xf32>,
          tpu.vector_store %arg15[%swap3A_1277, %swap3A_1278], %mul3A_1276 {strides = array<i32>} : memref<512x16xf32, #tpu.memory_space<vmem>>, vector<16xf32>,
          %scan3A_1280 = arith.constant 1 : i32
          %scan3A_1281 = arith.addi %scan3A_1266, %scan3A_1280 : i32
          %broadcast_in_dim3A_1282 = vector.broadcast %scan3A_1281 : i32 to vector<16xi32>
          %gather3A_1283 = tpu.vector_load_idx %arg13[%broadcast_in_dim3A_1282] : memref<512xf32, #tpu.memory_space<vmem>>[vector<16xi32>], vector<16xf32>,
          %get3A_1284 = arith.index_cast %scan3A_1281 : i32 to index
          %get3A_1285 = arith.constant 0 : index
          %get3A_1286 = tpu.vector_load %arg15[%get3A_1284, %get3A_1285] {strides = array<i32>} : memref<512x16xf32, #tpu.memory_space<vmem>>, vector<16xf32>,
          %get3A_1287 = arith.index_cast %scan3A_1281 : i32 to index
          %get3A_1288 = arith.constant 0 : index
          %get3A_1289 = tpu.vector_load %arg17[%get3A_1287, %get3A_1288] {strides = array<i32>} : memref<512x16xf32, #tpu.memory_space<vmem>>, vector<16xf32>,
          %mul3A_1290 = arith.mulf %get3A_1286, %get3A_1289 : vector<16xf32>
          %mul3A_1291 = arith.mulf %mul3A_1290, %gather3A_1283 : vector<16xf32>
          %swap3A_1292 = arith.index_cast %scan3A_1281 : i32 to index
          %swap3A_1293 = arith.constant 0 : index
          %swap3A_1294 = tpu.vector_load %arg15[%swap3A_1292, %swap3A_1293] {strides = array<i32>} : memref<512x16xf32, #tpu.memory_space<vmem>>, vector<16xf32>,
          tpu.vector_store %arg15[%swap3A_1292, %swap3A_1293], %mul3A_1291 {strides = array<i32>} : memref<512x16xf32, #tpu.memory_space<vmem>>, vector<16xf32>,
          %scan3A_1295 = arith.constant 2 : i32
          %scan3A_1296 = arith.addi %scan3A_1266, %scan3A_1295 : i32
          %broadcast_in_dim3A_1297 = vector.broadcast %scan3A_1296 : i32 to vector<16xi32>
          %gather3A_1298 = tpu.vector_load_idx %arg13[%broadcast_in_dim3A_1297] : memref<512xf32, #tpu.memory_space<vmem>>[vector<16xi32>], vector<16xf32>,
          %get3A_1299 = arith.index_cast %scan3A_1296 : i32 to index
          %get3A_1300 = arith.constant 0 : index
          %get3A_1301 = tpu.vector_load %arg15[%get3A_1299, %get3A_1300] {strides = array<i32>} : memref<512x16xf32, #tpu.memory_space<vmem>>, vector<16xf32>,
          %get3A_1302 = arith.index_cast %scan3A_1296 : i32 to index
          %get3A_1303 = arith.constant 0 : index
          %get3A_1304 = tpu.vector_load %arg17[%get3A_1302, %get3A_1303] {strides = array<i32>} : memref<512x16xf32, #tpu.memory_space<vmem>>, vector<16xf32>,
          %mul3A_1305 = arith.mulf %get3A_1301, %get3A_1304 : vector<16xf32>
          %mul3A_1306 = arith.mulf %mul3A_1305, %gather3A_1298 : vector<16xf32>
          %swap3A_1307 = arith.index_cast %scan3A_1296 : i32 to index
          %swap3A_1308 = arith.constant 0 : index
          %swap3A_1309 = tpu.vector_load %arg15[%swap3A_1307, %swap3A_1308] {strides = array<i32>} : memref<512x16xf32, #tpu.memory_space<vmem>>, vector<16xf32>,
          tpu.vector_store %arg15[%swap3A_1307, %swap3A_1308], %mul3A_1306 {strides = array<i32>} : memref<512x16xf32, #tpu.memory_space<vmem>>, vector<16xf32>,
          %scan3A_1310 = arith.constant 3 : i32
          %scan3A_1311 = arith.addi %scan3A_1266, %scan3A_1310 : i32
          %broadcast_in_dim3A_1312 = vector.broadcast %scan3A_1311 : i32 to vector<16xi32>
          %gather3A_1313 = tpu.vector_load_idx %arg13[%broadcast_in_dim3A_1312] : memref<512xf32, #tpu.memory_space<vmem>>[vector<16xi32>], vector<16xf32>,
          %get3A_1314 = arith.index_cast %scan3A_1311 : i32 to index
          %get3A_1315 = arith.constant 0 : index
          %get3A_1316 = tpu.vector_load %arg15[%get3A_1314, %get3A_1315] {strides = array<i32>} : memref<512x16xf32, #tpu.memory_space<vmem>>, vector<16xf32>,
          %get3A_1317 = arith.index_cast %scan3A_1311 : i32 to index
          %get3A_1318 = arith.constant 0 : index
          %get3A_1319 = tpu.vector_load %arg17[%get3A_1317, %get3A_1318] {strides = array<i32>} : memref<512x16xf32, #tpu.memory_space<vmem>>, vector<16xf32>,
          %mul3A_1320 = arith.mulf %get3A_1316, %get3A_1319 : vector<16xf32>
          %mul3A_1321 = arith.mulf %mul3A_1320, %gather3A_1313 : vector<16xf32>
          %swap3A_1322 = arith.index_cast %scan3A_1311 : i32 to index
          %swap3A_1323 = arith.constant 0 : index
          %swap3A_1324 = tpu.vector_load %arg15[%swap3A_1322, %swap3A_1323] {strides = array<i32>} : memref<512x16xf32, #tpu.memory_space<vmem>>, vector<16xf32>,
          tpu.vector_store %arg15[%swap3A_1322, %swap3A_1323], %mul3A_1321 {strides = array<i32>} : memref<512x16xf32, #tpu.memory_space<vmem>>, vector<16xf32>,
          %scan3A_1325 = arith.constant 4 : i32
          %scan3A_1326 = arith.addi %scan3A_1266, %scan3A_1325 : i32
          %broadcast_in_dim3A_1327 = vector.broadcast %scan3A_1326 : i32 to vector<16xi32>
          %gather3A_1328 = tpu.vector_load_idx %arg13[%broadcast_in_dim3A_1327] : memref<512xf32, #tpu.memory_space<vmem>>[vector<16xi32>], vector<16xf32>,
          %get3A_1329 = arith.index_cast %scan3A_1326 : i32 to index
          %get3A_1330 = arith.constant 0 : index
          %get3A_1331 = tpu.vector_load %arg15[%get3A_1329, %get3A_1330] {strides = array<i32>} : memref<512x16xf32, #tpu.memory_space<vmem>>, vector<16xf32>,
          %get3A_1332 = arith.index_cast %scan3A_1326 : i32 to index
          %get3A_1333 = arith.constant 0 : index
          %get3A_1334 = tpu.vector_load %arg17[%get3A_1332, %get3A_1333] {strides = array<i32>} : memref<512x16xf32, #tpu.memory_space<vmem>>, vector<16xf32>,
          %mul3A_1335 = arith.mulf %get3A_1331, %get3A_1334 : vector<16xf32>
          %mul3A_1336 = arith.mulf %mul3A_1335, %gather3A_1328 : vector<16xf32>
          %swap3A_1337 = arith.index_cast %scan3A_1326 : i32 to index
          %swap3A_1338 = arith.constant 0 : index
          %swap3A_1339 = tpu.vector_load %arg15[%swap3A_1337, %swap3A_1338] {strides = array<i32>} : memref<512x16xf32, #tpu.memory_space<vmem>>, vector<16xf32>,
          tpu.vector_store %arg15[%swap3A_1337, %swap3A_1338], %mul3A_1336 {strides = array<i32>} : memref<512x16xf32, #tpu.memory_space<vmem>>, vector<16xf32>,
          %scan3A_1340 = arith.constant 5 : i32
          %scan3A_1341 = arith.addi %scan3A_1266, %scan3A_1340 : i32
          %broadcast_in_dim3A_1342 = vector.broadcast %scan3A_1341 : i32 to vector<16xi32>
          %gather3A_1343 = tpu.vector_load_idx %arg13[%broadcast_in_dim3A_1342] : memref<512xf32, #tpu.memory_space<vmem>>[vector<16xi32>], vector<16xf32>,
          %get3A_1344 = arith.index_cast %scan3A_1341 : i32 to index
          %get3A_1345 = arith.constant 0 : index
          %get3A_1346 = tpu.vector_load %arg15[%get3A_1344, %get3A_1345] {strides = array<i32>} : memref<512x16xf32, #tpu.memory_space<vmem>>, vector<16xf32>,
          %get3A_1347 = arith.index_cast %scan3A_1341 : i32 to index
          %get3A_1348 = arith.constant 0 : index
          %get3A_1349 = tpu.vector_load %arg17[%get3A_1347, %get3A_1348] {strides = array<i32>} : memref<512x16xf32, #tpu.memory_space<vmem>>, vector<16xf32>,
          %mul3A_1350 = arith.mulf %get3A_1346, %get3A_1349 : vector<16xf32>
          %mul3A_1351 = arith.mulf %mul3A_1350, %gather3A_1343 : vector<16xf32>
          %swap3A_1352 = arith.index_cast %scan3A_1341 : i32 to index
          %swap3A_1353 = arith.constant 0 : index
          %swap3A_1354 = tpu.vector_load %arg15[%swap3A_1352, %swap3A_1353] {strides = array<i32>} : memref<512x16xf32, #tpu.memory_space<vmem>>, vector<16xf32>,
          tpu.vector_store %arg15[%swap3A_1352, %swap3A_1353], %mul3A_1351 {strides = array<i32>} : memref<512x16xf32, #tpu.memory_space<vmem>>, vector<16xf32>,
          %scan3A_1355 = arith.constant 6 : i32
          %scan3A_1356 = arith.addi %scan3A_1266, %scan3A_1355 : i32
          %broadcast_in_dim3A_1357 = vector.broadcast %scan3A_1356 : i32 to vector<16xi32>
          %gather3A_1358 = tpu.vector_load_idx %arg13[%broadcast_in_dim3A_1357] : memref<512xf32, #tpu.memory_space<vmem>>[vector<16xi32>], vector<16xf32>,
          %get3A_1359 = arith.index_cast %scan3A_1356 : i32 to index
          %get3A_1360 = arith.constant 0 : index
          %get3A_1361 = tpu.vector_load %arg15[%get3A_1359, %get3A_1360] {strides = array<i32>} : memref<512x16xf32, #tpu.memory_space<vmem>>, vector<16xf32>,
          %get3A_1362 = arith.index_cast %scan3A_1356 : i32 to index
          %get3A_1363 = arith.constant 0 : index
          %get3A_1364 = tpu.vector_load %arg17[%get3A_1362, %get3A_1363] {strides = array<i32>} : memref<512x16xf32, #tpu.memory_space<vmem>>, vector<16xf32>,
          %mul3A_1365 = arith.mulf %get3A_1361, %get3A_1364 : vector<16xf32>
          %mul3A_1366 = arith.mulf %mul3A_1365, %gather3A_1358 : vector<16xf32>
          %swap3A_1367 = arith.index_cast %scan3A_1356 : i32 to index
          %swap3A_1368 = arith.constant 0 : index
          %swap3A_1369 = tpu.vector_load %arg15[%swap3A_1367, %swap3A_1368] {strides = array<i32>} : memref<512x16xf32, #tpu.memory_space<vmem>>, vector<16xf32>,
          tpu.vector_store %arg15[%swap3A_1367, %swap3A_1368], %mul3A_1366 {strides = array<i32>} : memref<512x16xf32, #tpu.memory_space<vmem>>, vector<16xf32>,
          %scan3A_1370 = arith.constant 7 : i32
          %scan3A_1371 = arith.addi %scan3A_1266, %scan3A_1370 : i32
          %broadcast_in_dim3A_1372 = vector.broadcast %scan3A_1371 : i32 to vector<16xi32>
          %gather3A_1373 = tpu.vector_load_idx %arg13[%broadcast_in_dim3A_1372] : memref<512xf32, #tpu.memory_space<vmem>>[vector<16xi32>], vector<16xf32>,
          %get3A_1374 = arith.index_cast %scan3A_1371 : i32 to index
          %get3A_1375 = arith.constant 0 : index
          %get3A_1376 = tpu.vector_load %arg15[%get3A_1374, %get3A_1375] {strides = array<i32>} : memref<512x16xf32, #tpu.memory_space<vmem>>, vector<16xf32>,
          %get3A_1377 = arith.index_cast %scan3A_1371 : i32 to index
          %get3A_1378 = arith.constant 0 : index
          %get3A_1379 = tpu.vector_load %arg17[%get3A_1377, %get3A_1378] {strides = array<i32>} : memref<512x16xf32, #tpu.memory_space<vmem>>, vector<16xf32>,
          %mul3A_1380 = arith.mulf %get3A_1376, %get3A_1379 : vector<16xf32>
          %mul3A_1381 = arith.mulf %mul3A_1380, %gather3A_1373 : vector<16xf32>
          %swap3A_1382 = arith.index_cast %scan3A_1371 : i32 to index
          %swap3A_1383 = arith.constant 0 : index
          %swap3A_1384 = tpu.vector_load %arg15[%swap3A_1382, %swap3A_1383] {strides = array<i32>} : memref<512x16xf32, #tpu.memory_space<vmem>>, vector<16xf32>,
          tpu.vector_store %arg15[%swap3A_1382, %swap3A_1383], %mul3A_1381 {strides = array<i32>} : memref<512x16xf32, #tpu.memory_space<vmem>>, vector<16xf32>,
        }
        %scan3A_1252 = arith.constant 512 : i32
        %mul3A_1253 = arith.constant 512 : i32
        %mul3A_1254 = arith.muli %add3A_70, %mul3A_1253 : i32
        %dma_start3A_1255 = arith.constant 0 : i32
        %dma_start3A_1256 = tpu.memref_slice %arg6[%mul3A_1254, %dma_start3A_1255] : memref<3200000x16xf32, #tpu.memory_space<hbm>> -> memref<512x16xf32, #tpu.memory_space<hbm>>
        %dma_start3A_1257 = arith.constant 0 : i32
        %dma_start3A_1258 = tpu.memref_slice %arg6[%mul3A_1254, %dma_start3A_1257] : memref<3200000x16xf32, #tpu.memory_space<hbm>> -> memref<512x16xf32, #tpu.memory_space<hbm>>
        tpu.enqueue_dma source(%arg15 : memref<512x16xf32, #tpu.memory_space<vmem>>) target(%dma_start3A_1258 : memref<512x16xf32, #tpu.memory_space<hbm>>) target_semaphore(%arg23 : memref<!tpu.dma_semaphore, #tpu.memory_space<semaphore_mem>>)
        %add3A_1259 = arith.constant 64 : i32
        %add3A_1260 = arith.addi %add3A_70, %add3A_1259 : i32
        %lt3A_1261 = arith.constant 6250 : i32
        %lt3A_1262 = arith.cmpi slt, %add3A_1260, %lt3A_1261 : i32
        %convert_element_type3A_1263 = arith.extui %lt3A_1262 : i1 to i32
        %cond3A_1264 = arith.constant 0 : i32
        %cond3A_1265 = arith.cmpi ne, %convert_element_type3A_1263, %cond3A_1264 : i32
        scf.if %cond3A_1265 {
          %mul3A_1266 = arith.constant 512 : i32
          %mul3A_1267 = arith.muli %add3A_1260, %mul3A_1266 : i32
          %dma_start3A_1268 = arith.constant 0 : i32
          %dma_start3A_1269 = tpu.memref_slice %arg2[%dma_start3A_1268, %mul3A_1267] : memref<2x3200000xi32, #tpu.memory_space<hbm>> -> memref<1x512xi32, #tpu.memory_space<hbm>>
          %dma_start3A_1270 = tpu.memref_squeeze %dma_start3A_1269 : memref<1x512xi32, #tpu.memory_space<hbm>> -> memref<512xi32, #tpu.memory_space<hbm>>
          %dma_start3A_1271 = tpu.memref_slice %arg2[%dma_start3A_1268, %mul3A_1267] : memref<2x3200000xi32, #tpu.memory_space<hbm>> -> memref<1x512xi32, #tpu.memory_space<hbm>>
          %dma_start3A_1272 = tpu.memref_squeeze %dma_start3A_1271 : memref<1x512xi32, #tpu.memory_space<hbm>> -> memref<512xi32, #tpu.memory_space<hbm>>
          tpu.enqueue_dma source(%dma_start3A_1272 : memref<512xi32, #tpu.memory_space<hbm>>) target(%arg9 : memref<512xi32, #tpu.memory_space<vmem>>) target_semaphore(%arg19 : memref<!tpu.dma_semaphore, #tpu.memory_space<semaphore_mem>>)
          %mul3A_1273 = arith.constant 512 : i32
          %mul3A_1274 = arith.muli %add3A_1260, %mul3A_1273 : i32
          %dma_start3A_1275 = arith.constant 1 : i32
          %dma_start3A_1276 = tpu.memref_slice %arg2[%dma_start3A_1275, %mul3A_1274] : memref<2x3200000xi32, #tpu.memory_space<hbm>> -> memref<1x512xi32, #tpu.memory_space<hbm>>
          %dma_start3A_1277 = tpu.memref_squeeze %dma_start3A_1276 : memref<1x512xi32, #tpu.memory_space<hbm>> -> memref<512xi32, #tpu.memory_space<hbm>>
          %dma_start3A_1278 = tpu.memref_slice %arg2[%dma_start3A_1275, %mul3A_1274] : memref<2x3200000xi32, #tpu.memory_space<hbm>> -> memref<1x512xi32, #tpu.memory_space<hbm>>
          %dma_start3A_1279 = tpu.memref_squeeze %dma_start3A_1278 : memref<1x512xi32, #tpu.memory_space<hbm>> -> memref<512xi32, #tpu.memory_space<hbm>>
          tpu.enqueue_dma source(%dma_start3A_1279 : memref<512xi32, #tpu.memory_space<hbm>>) target(%arg11 : memref<512xi32, #tpu.memory_space<vmem>>) target_semaphore(%arg19 : memref<!tpu.dma_semaphore, #tpu.memory_space<semaphore_mem>>)
        } else {
        }
      } else {
      }
    }
    %scan3A_44 = arith.constant 196 : i32
    %dma_wait3A_45 = arith.constant 0 : i32
    %dma_wait3A_46 = arith.constant 0 : i32
    %dma_wait3A_47 = tpu.memref_slice %arg6[%dma_wait3A_45, %dma_wait3A_46] : memref<3200000x16xf32, #tpu.memory_space<hbm>> -> memref<512x16xf32, #tpu.memory_space<hbm>>
    %dma_wait3A_48 = arith.constant 0 : i32
    %dma_wait3A_49 = arith.constant 0 : i32
    %dma_wait3A_50 = tpu.memref_slice %arg6[%dma_wait3A_48, %dma_wait3A_49] : memref<3200000x16xf32, #tpu.memory_space<hbm>> -> memref<512x16xf32, #tpu.memory_space<hbm>>
    tpu.wait_dma2 semaphore(%arg22 : memref<!tpu.dma_semaphore, #tpu.memory_space<semaphore_mem>>) src(%arg14 : memref<512x16xf32, #tpu.memory_space<vmem>>) dst(%dma_wait3A_50 : memref<512x16xf32, #tpu.memory_space<hbm>>)
    %dma_wait3A_51 = arith.constant 0 : i32
    %dma_wait3A_52 = arith.constant 0 : i32
    %dma_wait3A_53 = tpu.memref_slice %arg6[%dma_wait3A_51, %dma_wait3A_52] : memref<3200000x16xf32, #tpu.memory_space<hbm>> -> memref<512x16xf32, #tpu.memory_space<hbm>>
    %dma_wait3A_54 = arith.constant 0 : i32
    %dma_wait3A_55 = arith.constant 0 : i32
    %dma_wait3A_56 = tpu.memref_slice %arg6[%dma_wait3A_54, %dma_wait3A_55] : memref<3200000x16xf32, #tpu.memory_space<hbm>> -> memref<512x16xf32, #tpu.memory_space<hbm>>
    tpu.wait_dma2 semaphore(%arg23 : memref<!tpu.dma_semaphore, #tpu.memory_space<semaphore_mem>>) src(%arg15 : memref<512x16xf32, #tpu.memory_space<vmem>>) dst(%dma_wait3A_56 : memref<512x16xf32, #tpu.memory_space<hbm>>)
    return
  }
}

</mosaic_0001>

<sc_bundles>
// kernel: kernel.3.cloned.1.call-start
scs
__scs_entry_jumppad:
0x0: {  	(pc) =	sbr.rel $0x88, $3  }
0x1: {  	(tag) =	ssettag $0x0;
	lr =	simm.s32 $0x1  }
0x2: {  	[smem:$0x3F9E] =	sst lr;
	_ =	strace $0xD0000000  }
0x3: {  	_ = 	snop  }
0x4: {  	_ = 	snop  }
0x5: {  	_ = 	snop  }
0x6: {  	_ = 	snop  }
0x7: {  	_ = 	snop  }
__scs_overlays_trampoline_lowered:
0x8: {  	[smem:$0x3FAD] =	sst s0  }
0x9: {  	[smem:$0x3FAE] =	sst s1  }
0xa: {  	[smem:$0x3FAF] =	sst s2  }
0xb: {  	[smem:$0x3FB0] =	sst s3  }
0xc: {  	[smem:$0x3FB1] =	sst s4  }
0xd: {  	[smem:$0x3FB2] =	sst s5  }
0xe: {  	[smem:$0x3FB3] =	sst s6  }
0xf: {  	[smem:$0x3FB4] =	sst s7  }
0x10: {  	[smem:$0x3FB5] =	sst s8  }
0x11: {  	[smem:$0x3FB6] =	sst s9;
	s0 =	simm.s32 @!p0 $0x0  }
0x12: {  	s1 =	sld [smem:$0x3F9C];
	s0 =	simm.s32 @p0 $0x1  }
0x13: {  	[smem:$0x3FB7] =	sst s0;
	s0 =	simm.s32 @!p1 $0x0  }
0x14: {  	s2 =	sld [smem:$0x3F9B];
	s0 =	simm.s32 @p1 $0x1  }
0x15: {  	[smem:$0x3FB8] =	sst s0;
	s0 =	simm.s32 @!p2 $0x0  }
0x16: {  	s3 =	sld [smem:$0x3FDB];
	s0 =	simm.s32 @p2 $0x1  }
0x17: {  	s4 =	simm.s32 $0x1BF5;
	[smem:$0x3FBA] =	sst s0  }
0x18: {  	s0 =	sld [smem:$0x3F9D];
	_ =	swait.ge [sflag:s4], $0x0  }
0x19: {  	s7 =	sld [smem:$0x3F9E]  }
0x1a: {  	s8 =	sadd.s32 $0xFFFFE003, lr  }
0x1b: {  	s9 =	sadd.s32 $0xFFFFFEF7, lr;
	s5 =	simm.s32 $0xFFFFFFFF;
	p2 =	slt.u32 s8, $0xFFFFF086  }
0x1c: {  	p1 =	slt.u32 s9, $0xF7A;
	s5 =	simm.s32 @!p2 $0x0  }
0x1d: {  	s5 =	simm.s32 @p1 $0x1;
	p0 =	seq.s32 s7, s2  }
0x1e: {  	s7 =	smul.u32 @!p0 $0xF7A, s2;
	p2 =	seq.s32 @!p0 s5, $0x0  }
0x1f: {  	s9 =	smul.u32 $0xF7A, s1;
	s8 =	simm.s32 @!p0 $0x1BF5;
	p2 =	por !p2, p0  }
0x20: {  	[sflag:s8] =	ssyncset.s32 @!p0 $0xFFFFF086;
	s6 =	sadd.s32 @!p0 s3, s7;
	s7 =	simm.s32 @!p0 $0x108  }
0x21: {  	s3 =	sadd.s32 s3, s9;
	s6 =	sadd.s32 @!p0 $0x88, s6;
	s7 =	simm.s32 @p2 $0x1082  }
0x22: {  	[simem:s7], [sflag:s8] =	dma.local @!p0 [hbm:s6], $0xF7A  }
0x23: {  	s9 =	sor.u32 $0xD0000000, s2;
	s6 =	simm.s32 $0x108;
	_ =	swait.ge @!p0 [sflag:s8], $0x0  }
0x24: {  	s3 =	sadd.s32 $0x88, s3;
	s6 =	simm.s32 @!p1 $0x1082;
	[sflag:s4] =	ssyncset.s32 $0xFFFFF086  }
0x25: {  	[simem:s6], [sflag:s4] =	dma.local [hbm:s3], $0xF7A  }
0x26: {  	[smem:$0x3F9E] =	sst s1;
	(tag) =	ssettag s2;
	_ =	strace s9  }
0x27: {  	s1 =	sld [smem:$0x3FAE]  }
0x28: {  	s2 =	sld [smem:$0x3FAF]  }
0x29: {  	s4 =	sld [smem:$0x3FB1]  }
0x2a: {  	p0 =	seq.s32 s5, $0x0;
	s5 =	sld [smem:$0x3FB2]  }
0x2b: {  	s6 =	sld [smem:$0x3FB3]  }
0x2c: {  	s7 =	sld [smem:$0x3FB4]  }
0x2d: {  	s3 =	simm.s32 $0x108;
	s8 =	sld [smem:$0x3FB5]  }
0x2e: {  	s3 =	simm.s32 @!p0 $0x1082;
	s9 =	sld [smem:$0x3FB6]  }
0x2f: {  	lr =	sadd.s32 s0, s3;
	s0 =	sld [smem:$0x3FAD]  }
0x30: {  	s3 =	sld [smem:$0x3FB0]  }
0x31: {  	[smem:$0x3FB9] =	sst s10  }
0x32: {  	s10 =	sld [smem:$0x3FB7];
	_ =	sdelay $0x3  }
0x33: {  	p0 =	seq.s32 s10, $0x1;
	s10 =	sld [smem:$0x3FB9];
	_ =	sdelay $0x3  }
0x34: {  	[smem:$0x3FB9] =	sst s10  }
0x35: {  	s10 =	sld [smem:$0x3FB8];
	_ =	sdelay $0x3  }
0x36: {  	p1 =	seq.s32 s10, $0x1;
	s10 =	sld [smem:$0x3FB9];
	_ =	sdelay $0x3  }
0x37: {  	[smem:$0x3FB9] =	sst s10  }
0x38: {  	s10 =	sld [smem:$0x3FBA]  }
0x39: {  	_ = 	snop;
	(pc) =	sbr.ind lr, $3  }
0x3a: {  	_ = 	snop  }
0x3b: {  	_ = 	snop  }
0x3c: {  	p2 =	seq.s32 s10, $0x1;
	s10 =	sld [smem:$0x3FB9]  }
0x3d: {  	_ =	shalt  }
0x3e: {  	_ =	shalt  }
0x3f: {  	_ =	shalt  }
0x40: {  	_ =	shalt  }
0x41: {  	_ =	shalt  }
0x42: {  	_ =	shalt  }
0x43: {  	_ =	shalt  }
0x44: {  	_ =	shalt  }
0x45: {  	_ =	shalt  }
0x46: {  	_ =	shalt  }
0x47: {  	_ =	shalt  }
0x48: {  	_ =	shalt  }
0x49: {  	_ =	shalt  }
0x4a: {  	_ =	shalt  }
0x4b: {  	_ =	shalt  }
0x4c: {  	_ =	shalt  }
0x4d: {  	_ =	shalt  }
0x4e: {  	_ =	shalt  }
0x4f: {  	_ =	shalt  }
0x50: {  	_ =	shalt  }
0x51: {  	_ =	shalt  }
0x52: {  	_ =	shalt  }
0x53: {  	_ =	shalt  }
0x54: {  	_ =	shalt  }
0x55: {  	_ =	shalt  }
0x56: {  	_ =	shalt  }
0x57: {  	_ =	shalt  }
0x58: {  	_ =	shalt  }
0x59: {  	_ =	shalt  }
0x5a: {  	_ =	shalt  }
0x5b: {  	_ =	shalt  }
0x5c: {  	_ =	shalt  }
0x5d: {  	_ =	shalt  }
0x5e: {  	_ =	shalt  }
0x5f: {  	_ =	shalt  }
0x60: {  	_ =	shalt  }
0x61: {  	_ =	shalt  }
0x62: {  	_ =	shalt  }
0x63: {  	_ =	shalt  }
0x64: {  	_ =	shalt  }
0x65: {  	_ =	shalt  }
0x66: {  	_ =	shalt  }
0x67: {  	_ =	shalt  }
0x68: {  	_ =	shalt  }
0x69: {  	_ =	shalt  }
0x6a: {  	_ =	shalt  }
0x6b: {  	_ =	shalt  }
0x6c: {  	_ =	shalt  }
0x6d: {  	_ =	shalt  }
0x6e: {  	_ =	shalt  }
0x6f: {  	_ =	shalt  }
0x70: {  	_ =	shalt  }
0x71: {  	_ =	shalt  }
0x72: {  	_ =	shalt  }
0x73: {  	_ =	shalt  }
0x74: {  	_ =	shalt  }
0x75: {  	_ =	shalt  }
0x76: {  	_ =	shalt  }
0x77: {  	_ =	shalt  }
0x78: {  	_ =	shalt  }
0x79: {  	_ =	shalt  }
0x7a: {  	_ =	shalt  }
0x7b: {  	_ =	shalt  }
0x7c: {  	_ =	shalt  }
0x7d: {  	_ =	shalt  }
0x7e: {  	_ =	shalt  }
0x7f: {  	_ =	shalt  }
0x80: {  	_ =	shalt  }
0x81: {  	_ =	shalt  }
0x82: {  	_ =	shalt  }
0x83: {  	_ =	shalt  }
0x84: {  	_ =	shalt  }
0x85: {  	_ =	shalt  }
0x86: {  	_ =	shalt  }
0x87: {  	_ =	shalt  }
.Lfunc_end0:
.L_simem_size_0:
called_computation.1_lowered:
.L_overlay_start_0:
0x88: {  	s2 =	sld [smem:$0x3FD9]  }
0x89: {  	s3 =	sld [smem:$0x3FFE];
	_ =	sdelay $0x1  }
0x8a: {  	s1 =	srdreg.scid  }
0x8b: {  	s0 =	sand.u32 $0x1, s1  }
0x8c: {  	s17 =	sshll.u32 s0, $0xA;
	s2 =	sadd.s32 s3, s2  }
0x8d: {  	s2 =	sadd.s32 s2, s17  }
0x8e: {  	[smem:$0x3FC5] =	sst s2  }
0x8f: {  	_ = 	snop  }
0x90: {  	s2 =	sld [smem:$0x3FD0];
	(tm) =	ssettm $0x1  }
0x91: {  	s18 =	sld [smem:$0x3FFB];
	_ =	sdelay $0x3  }
0x92: {  	_ =	strace s18  }
0x93: {  	s3 =	sld [smem:$0x3FFC];
	_ =	sdelay $0x3  }
0x94: {  	_ =	strace s3  }
0x95: {  	s3 =	sld [smem:$0x3FFD];
	_ =	sdelay $0x3  }
0x96: {  	_ =	strace s3  }
0x97: {  	_ =	strace $0x8FFFFFFF  }
0x98: {  	s19 =	sld [smem:$0x3FDB];
	_ =	sdelay $0x1  }
0x99: {  	s4 =	simm.s32 $_scs_section_size  }
0x9a: {  	s5 =	simm.s32 $_size__tile_overlayer_lowered;
	s6 =	simm.s32 $_tile_overlayer_lowered  }
0x9b: {  	s22 =	simm.s32 $0x1BFF;
	s21 =	sshll.u32 s6, $0x1;
	s3 =	sadd.s32 s4, s19  }
0x9c: {  	s7 =	simm.s32 $0x0;
	s20 =	sshll.u32 s5, $0x1;
	s5 =	sadd.s32 s21, s3  }
0x9d: {  	[timem:s7], [sflag:s22] =	dma.local [hbm:s5], s20  }
0x9e: {  	_ =	swait.ge [sflag:s22], s20  }
0x9f: {  	s4 =	ssub.s32 $0x0, s20;
	[sflag:s22] =	ssyncset.done $0x0  }
0xa0: {  	[sflag:s22] =	ssyncadd.s32 s4;
	_ =	sdelay $0x1  }
0xa1: {  	s23 =	simm.s32 $0x1B8B  }
0xa2: {  	_ =	swait.ge [sflag:s23], $0x1  }
0xa3: {  	[sflag:s23] =	ssyncset.done $0x0  }
0xa4: {  	s25 =	simm.s32 $0x1B8E;
	s24 =	sld [smem:$0x3FFE];
	[sflag:s23] =	ssyncadd.s32 $0xFFFFFFFF  }
0xa5: {  	s26 =	simm.s32 $execute0_lowered;
	[smem:$0x3FD2] =	sst s25  }
0xa6: {  	s5 =	sshll.u32 s26, $0x1;
	_ =	strace $0x80000046;
	[dreg:$0x1] =	wrdreg $0xFFFFFFFF  }
0xa7: {  	s28 =	simm.s32 $_size_execute0_lowered;
	s3 =	sadd.s32 s3, s5;
	[dreg:$0x0] =	wrdreg $0x0  }
0xa8: {  	s5 =	sshll.u32 s28, $0x1;
	[dreg:$0x2] =	wrdreg s3  }
0xa9: {  	[dreg:$0x3] =	wrdreg s5  }
0xaa: {  	[dreg:$0x4] =	wrdreg $0xC0  }
0xab: {  	_ =	task [dreg:s7], $0x5FFFF  }
0xac: {  	[dreg:$0x1] =	wrdreg $0xFFFFFFFF  }
0xad: {  	[dreg:$0x0] =	wrdreg $0x60  }
0xae: {  	[dreg:$0x2] =	wrdreg s24  }
0xaf: {  	[dreg:$0x3] =	wrdreg s2  }
0xb0: {  	[dreg:$0x4] =	wrdreg $0x9  }
0xb1: {  	_ =	task.clear_ibuf [dreg:s7], $0x5FFFF;
	_ =	strace $0x90000046  }
0xb2: {  	s29 =	simm.s32 $0x9;
	_ =	strace $0x80000048  }
0xb3: {  	_ =	swait.ge [sflag:s29], $0x1  }
0xb4: {  	[sflag:s29] =	ssyncadd.s32 $0xFFFFFFFF  }
0xb5: {  	_ =	strace $0x90000048  }
0xb6: {  	_ =	sfence  }
0xb7: {  	s30 =	sld [smem:$0x0];
	_ =	sdelay $0x2  }
0xb8: {  	s31 =	sshll.u32 s1, $0xD;
	s1 =	sshrl.u32 s1, $0x2  }
0xb9: {  	s3 =	sand.u32 $0x4000, s31;
	s1 =	sadd.s32 s1, s30  }
0xba: {  	s0 =	sor.u32 s3, s0;
	s1 =	sshll.u32 s1, $0x11  }
0xbb: {  	s0 =	sor.u32 s1, s0  }
0xbc: {  	s0 =	sadd.s32 $0x8F2B, s0  }
0xbd: {  	[sflag:s0] =	ssyncadd.remote.s32 $0x1  }
0xbe: {  	_ =	sfence.sel $0xFFFF  }
0xbf: {  	[dreg:$0x0] =	wrdreg $0xFFFFFFFF;
	(pc) =	sbr.abs _section_cstart, $3  }
0xc0: {  	[dreg:$0x1] =	wrdreg $0xFFFFFFFF  }
0xc1: {  	_ =	task.clear_ibuf [dreg:s7], $0x2FFFF;
	_ =	strace $0x9FFFFFFF  }
0xc2: {  	(tm) =	ssettm $0x7FFFFFFF  }
0xc3: {  	_ =	shalt  }
tec
execute0_lowered:
.L_overlay_start_1:
0x0: {  	(tag) =	ssettag $0x1  }
0x1: {  	s0 =	rddreg [dreg:$0x0]  }
0x2: {  	s1 =	rddreg [dreg:$0x1];
	s3 =	simm.s32 $0x0  }
0x3: {  	s2 =	srdreg.scid;
	s5 =	stileid.u32;
	s14 =	simm.s32 $0x7  }
0x4: {  	s17 =	simm.s32 $0x1;
	s19 =	simm.s32 $0xCF50;
	s23 =	simm.s32 $0x3  }
0x5: {  	s24 =	simm.s32 $0xCB50;
	s28 =	simm.s32 $0xEF50;
	s29 =	simm.s32 $0x5  }
0x6: {  	s30 =	simm.s32 $0x6;
	s31 =	simm.s32 $0x0;
	[smem:$0x7FF] =	sst s3  }
0x7: {  	s4 =	sadd.s32 $0x800, s0;
	s2 =	sand.u32 $0x1, s2;
	s6 =	sshll.u32 s5, $0x1  }
0x8: {  	s5 =	sadd.s32 $0xC3E00, s0;
	s7 =	sadd.s32 $0xF4C00, s0;
	s0 =	sadd.s32 $0x125A00, s0  }
.Ltmp0:
0x9: {  	s9 =	ssub.s32 $0x2, s2;
	s6 =	sor.u32 s2, s6;
	(pc) =	sbr.rel .LBB2_1-.Ltmp0, $4  }
0xa: {  	_ =	strace $0x80000047;
	s25 =	sshrl.u32 s9, $0x1;
	s10 =	sshll.u32 s6, $0x6  }
0xb: {  	[dreg:$0x3] =	wrdreg s0;
	s26 =	ssub.s32 s9, s25;
	s9 =	sadd.s32 s4, s10  }
0xc: {  	v1 =	vimm.s32 $0x0;
	vm0 =	vcmask $0x300;
	s25 =	simm.s32 $0x4;
	s10 =	sadd.s32 $0x61A80, s9;
	s11 =	sadd.s32 $0x800, s9  }
0xd: {  	v0 =	vimm.f32 $0.0e+00;
	v1 =	vsel vm0, $0x3, v1;
	s12 =	sadd.s32 $0x62280, s9;
	s13 =	smax.u32 s26, $0x1;
	s26 =	simm.s32 $0xCD50  }
.LBB2_11:
0xe: {  	s31 =	sadd.s32 $0x1, s31  }
0xf: {  	_ =	swait.ge [sflag:s29], $0x2000;
	p0 =	sne.s32 s31, s13  }
.Ltmp1:
0x10: {  	[sflag:s29] =	ssyncset.done $0x0;
	(pc) =	sbr.rel @!p0 .LBB2_12-.Ltmp1, $4  }
0x11: {  	[sflag:s29] =	ssyncadd.s32 $0xFFFFE000  }
0x12: {  	_ =	swait.ge [sflag:s30], $0x2000  }
0x13: {  	[sflag:s30] =	ssyncset.done $0x0  }
0x14: {  	[sflag:s30] =	ssyncadd.s32 $0xFFFFE000  }
.LBB2_1:
0x15: {  	s0 =	rddreg [dreg:$0x3]  }
0x16: {  	[tilespmem:s3], [sflag:$0x7] =	stream.linear.gather [hbm4b:s0+s3], $0xC350, $0x38;
	[tilespmem:$0x14F50] =	vst v63  }
0x17: {  	_ =	swait.ge [sflag:s14], $0xC350  }
0x18: {  	[sflag:s14] =	ssyncset.done $0x0  }
0x19: {  	s18 =	simm.s32 $0xC350;
	[sflag:s14] =	ssyncadd.s32 $0xFFFF3CB0  }
0x1a: {  	[tilespmem:s18], [sflag:$0x1] =	stream.linear.gather [hbm4b:s9+s3], $0x200, $0x38;
	[tilespmem:$0x14F50] =	vst v63  }
0x1b: {  	s2 =	simm.s32 $0xC750  }
0x1c: {  	[tilespmem:s2], [sflag:$0x1] =	stream.linear.gather [hbm4b:s10+s3], $0x200, $0x38;
	[tilespmem:$0x14F50] =	vst v63  }
0x1d: {  	_ =	swait.ge [sflag:s17], $0x200  }
0x1e: {  	[sflag:s17] =	ssyncset.done $0x0  }
0x1f: {  	[sflag:s17] =	ssyncadd.s32 $0xFFFFFE00  }
0x20: {  	_ =	swait.ge [sflag:s17], $0x200  }
0x21: {  	[sflag:s17] =	ssyncset.done $0x0  }
0x22: {  	s8 =	simm.s32 $0x200;
	[sflag:s17] =	ssyncadd.s32 $0xFFFFFE00  }
0x23: {  	[tilespmem:s19], [sflag:$0x3] =	stream.indirect.gather [hbm4b:s5+s8], $0x10, s18, s8, $0xb8;
	[tilespmem:$0x14F50] =	vst v63  }
0x24: {  	s20 =	simm.s32 $0x10F50  }
0x25: {  	[tilespmem:s20], [sflag:$0x3] =	stream.indirect.gather [hbm4b:s7+s8], $0x10, s2, s8, $0xb8;
	[tilespmem:$0x14F50] =	vst v63  }
.Ltmp2:
0x26: {  	_ = 	snop;
	(pc) =	sbr.rel .LBB2_2-.Ltmp2, $4  }
0x27: {  	s21 =	simm.s32 $0xC550  }
0x28: {  	[tilespmem:s21], [sflag:$0x2] =	stream.linear.gather [hbm4b:s11+s3], $0x200, $0x38;
	[tilespmem:$0x14F50] =	vst v63  }
0x29: {  	s22 =	simm.s32 $0xC950;
	s0 =	simm.s32 $0x0  }
0x2a: {  	[tilespmem:s22], [sflag:$0x2] =	stream.linear.gather [hbm4b:s12+s3], $0x200, $0x38;
	[tilespmem:$0x14F50] =	vst v63  }
.LBB2_10:
0x2b: {  	s0 =	sadd.s32 $0x1, s0  }
0x2c: {  	p0 =	sne.s32 s0, $0xC4  }
.Ltmp3:
0x2d: {  	_ = 	snop;
	(pc) =	sbr.rel @!p0 .LBB2_11-.Ltmp3, $1  }
0x2e: {  	_ =	sdelay $0x3  }
.LBB2_2:
0x2f: {  	s2 =	sshll.u32 s0, $0x5;
	s15 =	sand.u32 $0x1, s0  }
0x30: {  	s2 =	sor.u32 s6, s2;
	p1 =	seq.s32 s15, $0x1  }
0x31: {  	p0 =	sgt.u32 @!p1 s2, $0x1869  }
0x32: {  	p2 =	por p1, p0  }
.Ltmp4:
0x33: {  	_ = 	snop;
	(pc) =	sbr.rel @p2 .LBB2_6-.Ltmp4, $2  }
0x34: {  	_ =	sdelay $0x2  }
0x35: {  	p0 =	sgt.u32 s2, $0x1849  }
0x36: {  	s15 =	simm.s32 @!p0 $0x2  }
0x37: {  	_ =	swait.ge @!p0 [sflag:s15], $0x200  }
0x38: {  	[sflag:s15] =	ssyncset.done @!p0 $0x0  }
0x39: {  	[sflag:s15] =	ssyncadd.s32 @!p0 $0xFFFFFE00  }
0x3a: {  	p2 =	seq.s32 @!p0 s0, $0x0;
	_ =	swait.ge @!p0 [sflag:s15], $0x200  }
0x3b: {  	p2 =	por p2, p0;
	[sflag:s15] =	ssyncset.done @!p0 $0x0  }
0x3c: {  	[sflag:s15] =	ssyncadd.s32 @!p0 $0xFFFFFE00;
	s15 =	simm.s32 @!p2 $0x6  }
0x3d: {  	_ =	swait.ge @!p2 [sflag:s15], $0x2000  }
0x3e: {  	s16 =	simm.s32 @!p0 $0xC550;
	[sflag:s15] =	ssyncset.done @!p2 $0x0  }
0x3f: {  	s18 =	simm.s32 @!p0 $0xEF50;
	[sflag:s15] =	ssyncadd.s32 @!p2 $0xFFFFE000;
	s15 =	simm.s32 @!p0 $0x200  }
0x40: {  	[tilespmem:s18], [sflag:$0x4] =	stream.indirect.gather @!p0 [hbm4b:s5+s15], $0x10, s16, s15, $0xb8;
	[tilespmem:$0x14F50] =	vst v63  }
0x41: {  	s16 =	simm.s32 @!p0 $0xC950;
	s18 =	simm.s32 @!p0 $0x12F50  }
0x42: {  	[tilespmem:s18], [sflag:$0x4] =	stream.indirect.gather @!p0 [hbm4b:s7+s15], $0x10, s16, s15, $0xb8;
	[tilespmem:$0x14F50] =	vst v63  }
0x43: {  	v2 =	vld [tilespmem:$0xC350]  }
0x44: {  	v3 =	vld [tilespmem:$0xC750];
	_ =	sdelay $0x3  }
0x45: {  	v4 =	vshra.s32 v2, $0x1  }
0x46: {  	v5 =	vshra.s32 v3, $0x1;
	_ =	sdelay $0x2  }
0x47: {  	s20 =	simm.s32 $0x0  }
0x48: {  	v4 =	vld.idx.msk [tilespmem:v4+s20+$0x0], $0xffff  }
0x49: {  	v5 =	vld.idx.msk [tilespmem:v5+s20+$0x0], $0xffff  }
0x4a: {  	v6 =	vld [tilespmem:$0xC360]  }
0x4b: {  	v7 =	vld [tilespmem:$0xC760]  }
0x4c: {  	v2 =	vshll.u32 v2, $0x4;
	v3 =	vshll.u32 v3, $0x4  }
0x4d: {  	v2 =	vand.u32 $0x10, v2;
	v3 =	vand.u32 $0x10, v3  }
0x4e: {  	v2 =	vshra.s32 v4, v2;
	v3 =	vshra.s32 v5, v3  }
0x4f: {  	v2 =	vxor.u32 v2, v3;
	v3 =	vshra.s32 v6, $0x1  }
0x50: {  	v4 =	vshra.s32 v7, $0x1;
	v2 =	vand.u32 $0xFFFF, v2  }
0x51: {  	vm0 =	veq.s32 v2, $0x0  }
0x52: {  	v2 =	vsel vm0, $0x3F800000, v0  }
0x53: {  	[tilespmem:$0xCB50] =	vst v2  }
0x54: {  	v2 =	vld.idx.msk [tilespmem:v3+s20+$0x0], $0xffff  }
0x55: {  	v3 =	vld.idx.msk [tilespmem:v4+s20+$0x0], $0xffff  }
0x56: {  	v4 =	vld [tilespmem:$0xC370]  }
0x57: {  	v5 =	vld [tilespmem:$0xC770]  }
0x58: {  	v7 =	vshll.u32 v7, $0x4;
	v6 =	vshll.u32 v6, $0x4  }
0x59: {  	v7 =	vand.u32 $0x10, v7;
	v6 =	vand.u32 $0x10, v6  }
0x5a: {  	v2 =	vshra.s32 v2, v6;
	v3 =	vshra.s32 v3, v7  }
0x5b: {  	v2 =	vxor.u32 v2, v3;
	v3 =	vshra.s32 v4, $0x1  }
0x5c: {  	v19 =	vshra.s32 v5, $0x1;
	v2 =	vand.u32 $0xFFFF, v2  }
0x5d: {  	vm9 =	veq.s32 v2, $0x0  }
0x5e: {  	v2 =	vsel vm9, $0x3F800000, v0  }
0x5f: {  	[tilespmem:$0xCB60] =	vst v2  }
0x60: {  	v2 =	vld.idx.msk [tilespmem:v3+s20+$0x0], $0xffff  }
0x61: {  	v3 =	vld.idx.msk [tilespmem:v19+s20+$0x0], $0xffff  }
0x62: {  	v20 =	vld [tilespmem:$0xC380]  }
0x63: {  	v21 =	vld [tilespmem:$0xC780]  }
0x64: {  	v5 =	vshll.u32 v5, $0x4;
	v4 =	vshll.u32 v4, $0x4  }
0x65: {  	v5 =	vand.u32 $0x10, v5;
	v4 =	vand.u32 $0x10, v4  }
0x66: {  	v2 =	vshra.s32 v2, v4;
	v3 =	vshra.s32 v3, v5  }
0x67: {  	v2 =	vxor.u32 v2, v3;
	v3 =	vshra.s32 v20, $0x1  }
0x68: {  	v4 =	vshra.s32 v21, $0x1;
	v2 =	vand.u32 $0xFFFF, v2  }
0x69: {  	vm10 =	veq.s32 v2, $0x0  }
0x6a: {  	v2 =	vsel vm10, $0x3F800000, v0  }
0x6b: {  	[tilespmem:$0xCB70] =	vst v2  }
0x6c: {  	v2 =	vld.idx.msk [tilespmem:v3+s20+$0x0], $0xffff  }
0x6d: {  	v3 =	vld.idx.msk [tilespmem:v4+s20+$0x0], $0xffff  }
0x6e: {  	v4 =	vld [tilespmem:$0xC390]  }
0x6f: {  	v5 =	vld [tilespmem:$0xC790]  }
0x70: {  	v6 =	vshll.u32 v20, $0x4;
	v7 =	vshll.u32 v21, $0x4  }
0x71: {  	v6 =	vand.u32 $0x10, v6;
	v7 =	vand.u32 $0x10, v7  }
0x72: {  	v2 =	vshra.s32 v2, v6;
	v3 =	vshra.s32 v3, v7  }
0x73: {  	v2 =	vxor.u32 v2, v3;
	v3 =	vshra.s32 v4, $0x1  }
0x74: {  	v22 =	vshra.s32 v5, $0x1;
	v2 =	vand.u32 $0xFFFF, v2  }
0x75: {  	vm11 =	veq.s32 v2, $0x0  }
0x76: {  	v2 =	vsel vm11, $0x3F800000, v0  }
0x77: {  	[tilespmem:$0xCB80] =	vst v2  }
0x78: {  	v2 =	vld.idx.msk [tilespmem:v3+s20+$0x0], $0xffff  }
0x79: {  	v3 =	vld.idx.msk [tilespmem:v22+s20+$0x0], $0xffff  }
0x7a: {  	v23 =	vld [tilespmem:$0xC3A0]  }
0x7b: {  	v24 =	vld [tilespmem:$0xC7A0]  }
0x7c: {  	v5 =	vshll.u32 v5, $0x4;
	v4 =	vshll.u32 v4, $0x4  }
0x7d: {  	v5 =	vand.u32 $0x10, v5;
	v4 =	vand.u32 $0x10, v4  }
0x7e: {  	v2 =	vshra.s32 v2, v4;
	v3 =	vshra.s32 v3, v5  }
0x7f: {  	v2 =	vxor.u32 v2, v3;
	v3 =	vshra.s32 v23, $0x1  }
0x80: {  	v4 =	vshra.s32 v24, $0x1;
	v2 =	vand.u32 $0xFFFF, v2  }
0x81: {  	vm12 =	veq.s32 v2, $0x0  }
0x82: {  	v2 =	vsel vm12, $0x3F800000, v0  }
0x83: {  	[tilespmem:$0xCB90] =	vst v2  }
0x84: {  	v2 =	vld.idx.msk [tilespmem:v3+s20+$0x0], $0xffff  }
0x85: {  	v3 =	vld.idx.msk [tilespmem:v4+s20+$0x0], $0xffff  }
0x86: {  	v4 =	vld [tilespmem:$0xC3B0]  }
0x87: {  	v5 =	vld [tilespmem:$0xC7B0]  }
0x88: {  	v6 =	vshll.u32 v23, $0x4;
	v7 =	vshll.u32 v24, $0x4  }
0x89: {  	v6 =	vand.u32 $0x10, v6;
	v7 =	vand.u32 $0x10, v7  }
0x8a: {  	v2 =	vshra.s32 v2, v6;
	v3 =	vshra.s32 v3, v7  }
0x8b: {  	v2 =	vxor.u32 v2, v3;
	v3 =	vshra.s32 v4, $0x1  }
0x8c: {  	v25 =	vshra.s32 v5, $0x1;
	v2 =	vand.u32 $0xFFFF, v2  }
0x8d: {  	vm13 =	veq.s32 v2, $0x0  }
0x8e: {  	v2 =	vsel vm13, $0x3F800000, v0  }
0x8f: {  	[tilespmem:$0xCBA0] =	vst v2  }
0x90: {  	v2 =	vld.idx.msk [tilespmem:v3+s20+$0x0], $0xffff  }
0x91: {  	v3 =	vld.idx.msk [tilespmem:v25+s20+$0x0], $0xffff  }
0x92: {  	v26 =	vld [tilespmem:$0xC3C0]  }
0x93: {  	v27 =	vld [tilespmem:$0xC7C0]  }
0x94: {  	v5 =	vshll.u32 v5, $0x4;
	v4 =	vshll.u32 v4, $0x4  }
0x95: {  	v5 =	vand.u32 $0x10, v5;
	v4 =	vand.u32 $0x10, v4  }
0x96: {  	v2 =	vshra.s32 v2, v4;
	v3 =	vshra.s32 v3, v5  }
0x97: {  	v2 =	vxor.u32 v2, v3;
	v3 =	vshra.s32 v26, $0x1  }
0x98: {  	v4 =	vshra.s32 v27, $0x1;
	v2 =	vand.u32 $0xFFFF, v2  }
0x99: {  	vm14 =	veq.s32 v2, $0x0  }
0x9a: {  	v2 =	vsel vm14, $0x3F800000, v0  }
0x9b: {  	[tilespmem:$0xCBB0] =	vst v2  }
0x9c: {  	v2 =	vld.idx.msk [tilespmem:v3+s20+$0x0], $0xffff  }
0x9d: {  	v3 =	vld.idx.msk [tilespmem:v4+s20+$0x0], $0xffff  }
0x9e: {  	v4 =	vld [tilespmem:$0xC3D0]  }
0x9f: {  	v5 =	vld [tilespmem:$0xC7D0]  }
0xa0: {  	v6 =	vshll.u32 v26, $0x4;
	v7 =	vshll.u32 v27, $0x4  }
0xa1: {  	v6 =	vand.u32 $0x10, v6;
	v7 =	vand.u32 $0x10, v7  }
0xa2: {  	v2 =	vshra.s32 v2, v6;
	v3 =	vshra.s32 v3, v7  }
0xa3: {  	v2 =	vxor.u32 v2, v3;
	v3 =	vshra.s32 v4, $0x1  }
0xa4: {  	v28 =	vshra.s32 v5, $0x1;
	v2 =	vand.u32 $0xFFFF, v2  }
0xa5: {  	vm15 =	veq.s32 v2, $0x0  }
0xa6: {  	v2 =	vsel vm15, $0x3F800000, v0  }
0xa7: {  	[tilespmem:$0xCBC0] =	vst v2  }
0xa8: {  	v2 =	vld.idx.msk [tilespmem:v3+s20+$0x0], $0xffff  }
0xa9: {  	v3 =	vld.idx.msk [tilespmem:v28+s20+$0x0], $0xffff  }
0xaa: {  	v29 =	vld [tilespmem:$0xC3E0]  }
0xab: {  	v30 =	vld [tilespmem:$0xC7E0]  }
0xac: {  	v5 =	vshll.u32 v5, $0x4;
	v4 =	vshll.u32 v4, $0x4  }
0xad: {  	v5 =	vand.u32 $0x10, v5;
	v4 =	vand.u32 $0x10, v4  }
0xae: {  	v2 =	vshra.s32 v2, v4;
	v3 =	vshra.s32 v3, v5  }
0xaf: {  	v2 =	vxor.u32 v2, v3;
	v3 =	vshra.s32 v29, $0x1  }
0xb0: {  	v4 =	vshra.s32 v30, $0x1;
	v2 =	vand.u32 $0xFFFF, v2  }
0xb1: {  	vm4 =	veq.s32 v2, $0x0  }
0xb2: {  	v2 =	vsel vm4, $0x3F800000, v0  }
0xb3: {  	[tilespmem:$0xCBD0] =	vst v2  }
0xb4: {  	v2 =	vld.idx.msk [tilespmem:v3+s20+$0x0], $0xffff  }
0xb5: {  	v3 =	vld.idx.msk [tilespmem:v4+s20+$0x0], $0xffff  }
0xb6: {  	v4 =	vld [tilespmem:$0xC3F0]  }
0xb7: {  	v5 =	vld [tilespmem:$0xC7F0]  }
0xb8: {  	v6 =	vshll.u32 v29, $0x4;
	v7 =	vshll.u32 v30, $0x4  }
0xb9: {  	v6 =	vand.u32 $0x10, v6;
	v7 =	vand.u32 $0x10, v7  }
0xba: {  	v2 =	vshra.s32 v2, v6;
	v3 =	vshra.s32 v3, v7  }
0xbb: {  	v2 =	vxor.u32 v2, v3;
	v3 =	vshra.s32 v4, $0x1  }
0xbc: {  	v31 =	vshra.s32 v5, $0x1;
	v2 =	vand.u32 $0xFFFF, v2  }
0xbd: {  	vm5 =	veq.s32 v2, $0x0  }
0xbe: {  	v2 =	vsel vm5, $0x3F800000, v0  }
0xbf: {  	[tilespmem:$0xCBE0] =	vst v2  }
0xc0: {  	v2 =	vld.idx.msk [tilespmem:v3+s20+$0x0], $0xffff  }
0xc1: {  	v3 =	vld.idx.msk [tilespmem:v31+s20+$0x0], $0xffff  }
0xc2: {  	v32 =	vld [tilespmem:$0xC400]  }
0xc3: {  	v33 =	vld [tilespmem:$0xC800]  }
0xc4: {  	v5 =	vshll.u32 v5, $0x4;
	v4 =	vshll.u32 v4, $0x4  }
0xc5: {  	v5 =	vand.u32 $0x10, v5;
	v4 =	vand.u32 $0x10, v4  }
0xc6: {  	v2 =	vshra.s32 v2, v4;
	v3 =	vshra.s32 v3, v5  }
0xc7: {  	v2 =	vxor.u32 v2, v3;
	v3 =	vshra.s32 v32, $0x1  }
0xc8: {  	v4 =	vshra.s32 v33, $0x1;
	v2 =	vand.u32 $0xFFFF, v2  }
0xc9: {  	vm6 =	veq.s32 v2, $0x0  }
0xca: {  	v2 =	vsel vm6, $0x3F800000, v0  }
0xcb: {  	[tilespmem:$0xCBF0] =	vst v2  }
0xcc: {  	v2 =	vld.idx.msk [tilespmem:v3+s20+$0x0], $0xffff  }
0xcd: {  	v3 =	vld.idx.msk [tilespmem:v4+s20+$0x0], $0xffff  }
0xce: {  	v4 =	vld [tilespmem:$0xC410]  }
0xcf: {  	v5 =	vld [tilespmem:$0xC810]  }
0xd0: {  	v6 =	vshll.u32 v32, $0x4;
	v7 =	vshll.u32 v33, $0x4  }
0xd1: {  	v6 =	vand.u32 $0x10, v6;
	v7 =	vand.u32 $0x10, v7  }
0xd2: {  	v2 =	vshra.s32 v2, v6;
	v3 =	vshra.s32 v3, v7  }
0xd3: {  	v2 =	vxor.u32 v2, v3;
	v3 =	vshra.s32 v4, $0x1  }
0xd4: {  	v34 =	vshra.s32 v5, $0x1;
	v2 =	vand.u32 $0xFFFF, v2  }
0xd5: {  	vm7 =	veq.s32 v2, $0x0  }
0xd6: {  	v2 =	vsel vm7, $0x3F800000, v0  }
0xd7: {  	[tilespmem:$0xCC00] =	vst v2  }
0xd8: {  	v2 =	vld.idx.msk [tilespmem:v3+s20+$0x0], $0xffff  }
0xd9: {  	v3 =	vld.idx.msk [tilespmem:v34+s20+$0x0], $0xffff  }
0xda: {  	v35 =	vld [tilespmem:$0xC420]  }
0xdb: {  	v36 =	vld [tilespmem:$0xC820]  }
0xdc: {  	v5 =	vshll.u32 v5, $0x4;
	v4 =	vshll.u32 v4, $0x4  }
0xdd: {  	v5 =	vand.u32 $0x10, v5;
	v4 =	vand.u32 $0x10, v4  }
0xde: {  	v2 =	vshra.s32 v2, v4;
	v3 =	vshra.s32 v3, v5  }
0xdf: {  	v2 =	vxor.u32 v2, v3;
	v3 =	vshra.s32 v35, $0x1  }
0xe0: {  	v4 =	vshra.s32 v36, $0x1;
	v2 =	vand.u32 $0xFFFF, v2  }
0xe1: {  	vm8 =	veq.s32 v2, $0x0  }
0xe2: {  	v2 =	vsel vm8, $0x3F800000, v0  }
0xe3: {  	[tilespmem:$0xCC10] =	vst v2  }
0xe4: {  	v2 =	vld.idx.msk [tilespmem:v3+s20+$0x0], $0xffff  }
0xe5: {  	v3 =	vld.idx.msk [tilespmem:v4+s20+$0x0], $0xffff  }
0xe6: {  	v4 =	vld [tilespmem:$0xC430]  }
0xe7: {  	v5 =	vld [tilespmem:$0xC830]  }
0xe8: {  	v6 =	vshll.u32 v35, $0x4;
	v7 =	vshll.u32 v36, $0x4  }
0xe9: {  	v6 =	vand.u32 $0x10, v6;
	v7 =	vand.u32 $0x10, v7  }
0xea: {  	v2 =	vshra.s32 v2, v6;
	v3 =	vshra.s32 v3, v7  }
0xeb: {  	v2 =	vxor.u32 v2, v3;
	v3 =	vshra.s32 v4, $0x1  }
0xec: {  	v37 =	vshra.s32 v5, $0x1;
	v2 =	vand.u32 $0xFFFF, v2  }
0xed: {  	vm9 =	veq.s32 v2, $0x0  }
0xee: {  	v2 =	vsel vm9, $0x3F800000, v0  }
0xef: {  	[tilespmem:$0xCC20] =	vst v2  }
0xf0: {  	v2 =	vld.idx.msk [tilespmem:v3+s20+$0x0], $0xffff  }
0xf1: {  	v3 =	vld.idx.msk [tilespmem:v37+s20+$0x0], $0xffff  }
0xf2: {  	v38 =	vld [tilespmem:$0xC440]  }
0xf3: {  	v39 =	vld [tilespmem:$0xC840]  }
0xf4: {  	v5 =	vshll.u32 v5, $0x4;
	v4 =	vshll.u32 v4, $0x4  }
0xf5: {  	v5 =	vand.u32 $0x10, v5;
	v4 =	vand.u32 $0x10, v4  }
0xf6: {  	v2 =	vshra.s32 v2, v4;
	v3 =	vshra.s32 v3, v5  }
0xf7: {  	v2 =	vxor.u32 v2, v3;
	v3 =	vshra.s32 v38, $0x1  }
0xf8: {  	v4 =	vshra.s32 v39, $0x1;
	v2 =	vand.u32 $0xFFFF, v2  }
0xf9: {  	vm10 =	veq.s32 v2, $0x0  }
0xfa: {  	v2 =	vsel vm10, $0x3F800000, v0  }
0xfb: {  	[tilespmem:$0xCC30] =	vst v2  }
0xfc: {  	v2 =	vld.idx.msk [tilespmem:v3+s20+$0x0], $0xffff  }
0xfd: {  	v3 =	vld.idx.msk [tilespmem:v4+s20+$0x0], $0xffff  }
0xfe: {  	v4 =	vld [tilespmem:$0xC450]  }
0xff: {  	v5 =	vld [tilespmem:$0xC850]  }
0x100: {  	v6 =	vshll.u32 v38, $0x4;
	v7 =	vshll.u32 v39, $0x4  }
0x101: {  	v6 =	vand.u32 $0x10, v6;
	v7 =	vand.u32 $0x10, v7  }
0x102: {  	v2 =	vshra.s32 v2, v6;
	v3 =	vshra.s32 v3, v7  }
0x103: {  	v2 =	vxor.u32 v2, v3;
	v3 =	vshra.s32 v4, $0x1  }
0x104: {  	v40 =	vshra.s32 v5, $0x1;
	v2 =	vand.u32 $0xFFFF, v2  }
0x105: {  	vm11 =	veq.s32 v2, $0x0  }
0x106: {  	v2 =	vsel vm11, $0x3F800000, v0  }
0x107: {  	[tilespmem:$0xCC40] =	vst v2  }
0x108: {  	v2 =	vld.idx.msk [tilespmem:v3+s20+$0x0], $0xffff  }
0x109: {  	v3 =	vld.idx.msk [tilespmem:v40+s20+$0x0], $0xffff  }
0x10a: {  	v41 =	vld [tilespmem:$0xC460]  }
0x10b: {  	v42 =	vld [tilespmem:$0xC860]  }
0x10c: {  	v5 =	vshll.u32 v5, $0x4;
	v4 =	vshll.u32 v4, $0x4  }
0x10d: {  	v5 =	vand.u32 $0x10, v5;
	v4 =	vand.u32 $0x10, v4  }
0x10e: {  	v2 =	vshra.s32 v2, v4;
	v3 =	vshra.s32 v3, v5  }
0x10f: {  	v2 =	vxor.u32 v2, v3;
	v3 =	vshra.s32 v41, $0x1  }
0x110: {  	v4 =	vshra.s32 v42, $0x1;
	v2 =	vand.u32 $0xFFFF, v2  }
0x111: {  	vm12 =	veq.s32 v2, $0x0  }
0x112: {  	v2 =	vsel vm12, $0x3F800000, v0  }
0x113: {  	[tilespmem:$0xCC50] =	vst v2  }
0x114: {  	v2 =	vld.idx.msk [tilespmem:v3+s20+$0x0], $0xffff  }
0x115: {  	v3 =	vld.idx.msk [tilespmem:v4+s20+$0x0], $0xffff  }
0x116: {  	v4 =	vld [tilespmem:$0xC470]  }
0x117: {  	v5 =	vld [tilespmem:$0xC870]  }
0x118: {  	v6 =	vshll.u32 v41, $0x4;
	v7 =	vshll.u32 v42, $0x4  }
0x119: {  	v6 =	vand.u32 $0x10, v6;
	v7 =	vand.u32 $0x10, v7  }
0x11a: {  	v2 =	vshra.s32 v2, v6;
	v3 =	vshra.s32 v3, v7  }
0x11b: {  	v2 =	vxor.u32 v2, v3;
	v3 =	vshra.s32 v4, $0x1  }
0x11c: {  	v43 =	vshra.s32 v5, $0x1;
	v2 =	vand.u32 $0xFFFF, v2  }
0x11d: {  	vm13 =	veq.s32 v2, $0x0  }
0x11e: {  	v2 =	vsel vm13, $0x3F800000, v0  }
0x11f: {  	[tilespmem:$0xCC60] =	vst v2  }
0x120: {  	v2 =	vld.idx.msk [tilespmem:v3+s20+$0x0], $0xffff  }
0x121: {  	v3 =	vld.idx.msk [tilespmem:v43+s20+$0x0], $0xffff  }
0x122: {  	v44 =	vld [tilespmem:$0xC480]  }
0x123: {  	v45 =	vld [tilespmem:$0xC880]  }
0x124: {  	v5 =	vshll.u32 v5, $0x4;
	v4 =	vshll.u32 v4, $0x4  }
0x125: {  	v5 =	vand.u32 $0x10, v5;
	v4 =	vand.u32 $0x10, v4  }
0x126: {  	v2 =	vshra.s32 v2, v4;
	v3 =	vshra.s32 v3, v5  }
0x127: {  	v2 =	vxor.u32 v2, v3;
	v3 =	vshra.s32 v44, $0x1  }
0x128: {  	v4 =	vshra.s32 v45, $0x1;
	v2 =	vand.u32 $0xFFFF, v2  }
0x129: {  	vm14 =	veq.s32 v2, $0x0  }
0x12a: {  	v2 =	vsel vm14, $0x3F800000, v0  }
0x12b: {  	[tilespmem:$0xCC70] =	vst v2  }
0x12c: {  	v2 =	vld.idx.msk [tilespmem:v3+s20+$0x0], $0xffff  }
0x12d: {  	v3 =	vld.idx.msk [tilespmem:v4+s20+$0x0], $0xffff  }
0x12e: {  	v4 =	vld [tilespmem:$0xC490]  }
0x12f: {  	v5 =	vld [tilespmem:$0xC890]  }
0x130: {  	v6 =	vshll.u32 v44, $0x4;
	v7 =	vshll.u32 v45, $0x4  }
0x131: {  	v6 =	vand.u32 $0x10, v6;
	v7 =	vand.u32 $0x10, v7  }
0x132: {  	v2 =	vshra.s32 v2, v6;
	v3 =	vshra.s32 v3, v7  }
0x133: {  	v2 =	vxor.u32 v2, v3;
	v3 =	vshra.s32 v4, $0x1  }
0x134: {  	v46 =	vshra.s32 v5, $0x1;
	v2 =	vand.u32 $0xFFFF, v2  }
0x135: {  	vm15 =	veq.s32 v2, $0x0  }
0x136: {  	v2 =	vsel vm15, $0x3F800000, v0  }
0x137: {  	[tilespmem:$0xCC80] =	vst v2  }
0x138: {  	v2 =	vld.idx.msk [tilespmem:v3+s20+$0x0], $0xffff  }
0x139: {  	v3 =	vld.idx.msk [tilespmem:v46+s20+$0x0], $0xffff  }
0x13a: {  	v47 =	vld [tilespmem:$0xC4A0]  }
0x13b: {  	v48 =	vld [tilespmem:$0xC8A0]  }
0x13c: {  	v5 =	vshll.u32 v5, $0x4;
	v4 =	vshll.u32 v4, $0x4  }
0x13d: {  	v5 =	vand.u32 $0x10, v5;
	v4 =	vand.u32 $0x10, v4  }
0x13e: {  	v2 =	vshra.s32 v2, v4;
	v3 =	vshra.s32 v3, v5  }
0x13f: {  	v2 =	vxor.u32 v2, v3;
	v3 =	vshra.s32 v47, $0x1  }
0x140: {  	v4 =	vshra.s32 v48, $0x1;
	v2 =	vand.u32 $0xFFFF, v2  }
0x141: {  	vm4 =	veq.s32 v2, $0x0  }
0x142: {  	v2 =	vsel vm4, $0x3F800000, v0  }
0x143: {  	[tilespmem:$0xCC90] =	vst v2  }
0x144: {  	v2 =	vld.idx.msk [tilespmem:v3+s20+$0x0], $0xffff  }
0x145: {  	v3 =	vld.idx.msk [tilespmem:v4+s20+$0x0], $0xffff  }
0x146: {  	v4 =	vld [tilespmem:$0xC4B0]  }
0x147: {  	v5 =	vld [tilespmem:$0xC8B0]  }
0x148: {  	v6 =	vshll.u32 v47, $0x4;
	v7 =	vshll.u32 v48, $0x4  }
0x149: {  	v6 =	vand.u32 $0x10, v6;
	v7 =	vand.u32 $0x10, v7  }
0x14a: {  	v2 =	vshra.s32 v2, v6;
	v3 =	vshra.s32 v3, v7  }
0x14b: {  	v2 =	vxor.u32 v2, v3;
	v3 =	vshra.s32 v4, $0x1  }
0x14c: {  	v49 =	vshra.s32 v5, $0x1;
	v2 =	vand.u32 $0xFFFF, v2  }
0x14d: {  	vm5 =	veq.s32 v2, $0x0  }
0x14e: {  	v2 =	vsel vm5, $0x3F800000, v0  }
0x14f: {  	[tilespmem:$0xCCA0] =	vst v2  }
0x150: {  	v2 =	vld.idx.msk [tilespmem:v3+s20+$0x0], $0xffff  }
0x151: {  	v3 =	vld.idx.msk [tilespmem:v49+s20+$0x0], $0xffff  }
0x152: {  	v50 =	vld [tilespmem:$0xC4C0]  }
0x153: {  	v51 =	vld [tilespmem:$0xC8C0]  }
0x154: {  	v5 =	vshll.u32 v5, $0x4;
	v4 =	vshll.u32 v4, $0x4  }
0x155: {  	v5 =	vand.u32 $0x10, v5;
	v4 =	vand.u32 $0x10, v4  }
0x156: {  	v2 =	vshra.s32 v2, v4;
	v3 =	vshra.s32 v3, v5  }
0x157: {  	v2 =	vxor.u32 v2, v3;
	v3 =	vshra.s32 v50, $0x1  }
0x158: {  	v4 =	vshra.s32 v51, $0x1;
	v2 =	vand.u32 $0xFFFF, v2  }
0x159: {  	vm6 =	veq.s32 v2, $0x0  }
0x15a: {  	v2 =	vsel vm6, $0x3F800000, v0  }
0x15b: {  	[tilespmem:$0xCCB0] =	vst v2  }
0x15c: {  	v2 =	vld.idx.msk [tilespmem:v3+s20+$0x0], $0xffff  }
0x15d: {  	v3 =	vld.idx.msk [tilespmem:v4+s20+$0x0], $0xffff  }
0x15e: {  	v4 =	vld [tilespmem:$0xC4D0]  }
0x15f: {  	v5 =	vld [tilespmem:$0xC8D0]  }
0x160: {  	v6 =	vshll.u32 v50, $0x4;
	v7 =	vshll.u32 v51, $0x4  }
0x161: {  	v6 =	vand.u32 $0x10, v6;
	v7 =	vand.u32 $0x10, v7  }
0x162: {  	v2 =	vshra.s32 v2, v6;
	v3 =	vshra.s32 v3, v7  }
0x163: {  	v2 =	vxor.u32 v2, v3;
	v3 =	vshra.s32 v4, $0x1  }
0x164: {  	v52 =	vshra.s32 v5, $0x1;
	v2 =	vand.u32 $0xFFFF, v2  }
0x165: {  	vm7 =	veq.s32 v2, $0x0  }
0x166: {  	v2 =	vsel vm7, $0x3F800000, v0  }
0x167: {  	[tilespmem:$0xCCC0] =	vst v2  }
0x168: {  	v2 =	vld.idx.msk [tilespmem:v3+s20+$0x0], $0xffff  }
0x169: {  	v3 =	vld.idx.msk [tilespmem:v52+s20+$0x0], $0xffff  }
0x16a: {  	v53 =	vld [tilespmem:$0xC4E0]  }
0x16b: {  	v54 =	vld [tilespmem:$0xC8E0]  }
0x16c: {  	v5 =	vshll.u32 v5, $0x4;
	v4 =	vshll.u32 v4, $0x4  }
0x16d: {  	v5 =	vand.u32 $0x10, v5;
	v4 =	vand.u32 $0x10, v4  }
0x16e: {  	v2 =	vshra.s32 v2, v4;
	v3 =	vshra.s32 v3, v5  }
0x16f: {  	v2 =	vxor.u32 v2, v3;
	v3 =	vshra.s32 v53, $0x1  }
0x170: {  	v4 =	vshra.s32 v54, $0x1;
	v2 =	vand.u32 $0xFFFF, v2  }
0x171: {  	vm8 =	veq.s32 v2, $0x0  }
0x172: {  	v2 =	vsel vm8, $0x3F800000, v0  }
0x173: {  	[tilespmem:$0xCCD0] =	vst v2  }
0x174: {  	v2 =	vld.idx.msk [tilespmem:v3+s20+$0x0], $0xffff  }
0x175: {  	v3 =	vld.idx.msk [tilespmem:v4+s20+$0x0], $0xffff  }
0x176: {  	v4 =	vld [tilespmem:$0xC4F0]  }
0x177: {  	v5 =	vld [tilespmem:$0xC8F0]  }
0x178: {  	v6 =	vshll.u32 v53, $0x4;
	v7 =	vshll.u32 v54, $0x4  }
0x179: {  	v6 =	vand.u32 $0x10, v6;
	v7 =	vand.u32 $0x10, v7  }
0x17a: {  	v2 =	vshra.s32 v2, v6;
	v3 =	vshra.s32 v3, v7  }
0x17b: {  	v2 =	vxor.u32 v2, v3;
	v3 =	vshra.s32 v4, $0x1  }
0x17c: {  	v55 =	vshra.s32 v5, $0x1;
	v2 =	vand.u32 $0xFFFF, v2  }
0x17d: {  	vm9 =	veq.s32 v2, $0x0  }
0x17e: {  	v2 =	vsel vm9, $0x3F800000, v0  }
0x17f: {  	[tilespmem:$0xCCE0] =	vst v2  }
0x180: {  	v2 =	vld.idx.msk [tilespmem:v3+s20+$0x0], $0xffff  }
0x181: {  	v3 =	vld.idx.msk [tilespmem:v55+s20+$0x0], $0xffff  }
0x182: {  	v56 =	vld [tilespmem:$0xC500]  }
0x183: {  	v57 =	vld [tilespmem:$0xC900]  }
0x184: {  	v5 =	vshll.u32 v5, $0x4;
	v4 =	vshll.u32 v4, $0x4  }
0x185: {  	v5 =	vand.u32 $0x10, v5;
	v4 =	vand.u32 $0x10, v4  }
0x186: {  	v2 =	vshra.s32 v2, v4;
	v3 =	vshra.s32 v3, v5  }
0x187: {  	v2 =	vxor.u32 v2, v3;
	v3 =	vshra.s32 v56, $0x1  }
0x188: {  	v4 =	vshra.s32 v57, $0x1;
	v2 =	vand.u32 $0xFFFF, v2  }
0x189: {  	vm10 =	veq.s32 v2, $0x0  }
0x18a: {  	v2 =	vsel vm10, $0x3F800000, v0  }
0x18b: {  	[tilespmem:$0xCCF0] =	vst v2  }
0x18c: {  	v2 =	vld.idx.msk [tilespmem:v3+s20+$0x0], $0xffff  }
0x18d: {  	v3 =	vld.idx.msk [tilespmem:v4+s20+$0x0], $0xffff  }
0x18e: {  	v4 =	vld [tilespmem:$0xC510]  }
0x18f: {  	v5 =	vld [tilespmem:$0xC910]  }
0x190: {  	v6 =	vshll.u32 v56, $0x4;
	v7 =	vshll.u32 v57, $0x4  }
0x191: {  	v6 =	vand.u32 $0x10, v6;
	v7 =	vand.u32 $0x10, v7  }
0x192: {  	v2 =	vshra.s32 v2, v6;
	v3 =	vshra.s32 v3, v7  }
0x193: {  	v2 =	vxor.u32 v2, v3;
	v3 =	vshra.s32 v4, $0x1  }
0x194: {  	v58 =	vshra.s32 v5, $0x1;
	v2 =	vand.u32 $0xFFFF, v2  }
0x195: {  	vm11 =	veq.s32 v2, $0x0  }
0x196: {  	v2 =	vsel vm11, $0x3F800000, v0  }
0x197: {  	[tilespmem:$0xCD00] =	vst v2  }
0x198: {  	v2 =	vld.idx.msk [tilespmem:v3+s20+$0x0], $0xffff  }
0x199: {  	v3 =	vld.idx.msk [tilespmem:v58+s20+$0x0], $0xffff  }
0x19a: {  	v59 =	vld [tilespmem:$0xC520]  }
0x19b: {  	v60 =	vld [tilespmem:$0xC920]  }
0x19c: {  	v5 =	vshll.u32 v5, $0x4;
	v4 =	vshll.u32 v4, $0x4  }
0x19d: {  	v5 =	vand.u32 $0x10, v5;
	v4 =	vand.u32 $0x10, v4  }
0x19e: {  	v2 =	vshra.s32 v2, v4;
	v3 =	vshra.s32 v3, v5  }
0x19f: {  	v2 =	vxor.u32 v2, v3;
	v3 =	vshra.s32 v59, $0x1  }
0x1a0: {  	v4 =	vshra.s32 v60, $0x1;
	v2 =	vand.u32 $0xFFFF, v2  }
0x1a1: {  	vm12 =	veq.s32 v2, $0x0  }
0x1a2: {  	v2 =	vsel vm12, $0x3F800000, v0  }
0x1a3: {  	[tilespmem:$0xCD10] =	vst v2  }
0x1a4: {  	v2 =	vld.idx.msk [tilespmem:v3+s20+$0x0], $0xffff  }
0x1a5: {  	v3 =	vld.idx.msk [tilespmem:v4+s20+$0x0], $0xffff  }
0x1a6: {  	v4 =	vld [tilespmem:$0xC530]  }
0x1a7: {  	v5 =	vld [tilespmem:$0xC930]  }
0x1a8: {  	v6 =	vshll.u32 v59, $0x4;
	v7 =	vshll.u32 v60, $0x4  }
0x1a9: {  	v6 =	vand.u32 $0x10, v6;
	v7 =	vand.u32 $0x10, v7  }
0x1aa: {  	v2 =	vshra.s32 v2, v6;
	v3 =	vshra.s32 v3, v7  }
0x1ab: {  	v2 =	vxor.u32 v2, v3;
	v3 =	vshra.s32 v4, $0x1  }
0x1ac: {  	v61 =	vshra.s32 v5, $0x1;
	v2 =	vand.u32 $0xFFFF, v2  }
0x1ad: {  	vm13 =	veq.s32 v2, $0x0  }
0x1ae: {  	v2 =	vsel vm13, $0x3F800000, v0  }
0x1af: {  	[tilespmem:$0xCD20] =	vst v2  }
0x1b0: {  	v2 =	vld.idx.msk [tilespmem:v3+s20+$0x0], $0xffff  }
0x1b1: {  	v3 =	vld.idx.msk [tilespmem:v61+s20+$0x0], $0xffff  }
0x1b2: {  	v62 =	vld [tilespmem:$0xC540]  }
0x1b3: {  	v63 =	vld [tilespmem:$0xC940]  }
0x1b4: {  	v5 =	vshll.u32 v5, $0x4;
	v4 =	vshll.u32 v4, $0x4  }
0x1b5: {  	v5 =	vand.u32 $0x10, v5;
	v4 =	vand.u32 $0x10, v4  }
0x1b6: {  	v2 =	vshra.s32 v2, v4;
	v3 =	vshra.s32 v3, v5  }
0x1b7: {  	v2 =	vxor.u32 v2, v3;
	v3 =	vshra.s32 v62, $0x1  }
0x1b8: {  	v4 =	vshra.s32 v63, $0x1;
	v2 =	vand.u32 $0xFFFF, v2  }
0x1b9: {  	vm14 =	veq.s32 v2, $0x0  }
0x1ba: {  	v2 =	vsel vm14, $0x3F800000, v0  }
0x1bb: {  	[tilespmem:$0xCD30] =	vst v2  }
0x1bc: {  	v2 =	vld.idx.msk [tilespmem:v3+s20+$0x0], $0xffff  }
0x1bd: {  	v3 =	vld.idx.msk [tilespmem:v4+s20+$0x0], $0xffff;
	_ =	sdelay $0x2  }
0x1be: {  	v5 =	vshll.u32 v63, $0x4;
	v4 =	vshll.u32 v62, $0x4  }
0x1bf: {  	v5 =	vand.u32 $0x10, v5;
	v4 =	vand.u32 $0x10, v4  }
0x1c0: {  	v2 =	vshra.s32 v2, v4;
	v3 =	vshra.s32 v3, v5  }
0x1c1: {  	v2 =	vxor.u32 v2, v3  }
0x1c2: {  	v2 =	vand.u32 $0xFFFF, v2  }
0x1c3: {  	vm15 =	veq.s32 v2, $0x0  }
0x1c4: {  	v2 =	vsel vm15, $0x3F800000, v0  }
0x1c5: {  	[tilespmem:$0xCD40] =	vst v2  }
0x1c6: {  	v2 =	vmov s20;
	_ =	swait.ge [sflag:s23], $0x2000  }
0x1c7: {  	v2 =	vshrl.u32 v2, $0x3;
	[sflag:s23] =	ssyncset.done $0x0  }
0x1c8: {  	v2 =	vshll.u32 v2, v1;
	[sflag:s23] =	ssyncadd.s32 $0xFFFFE000  }
0x1c9: {  	v2 =	vbroadcast v2, $0x0;
	_ =	swait.ge [sflag:s23], $0x2000  }
0x1ca: {  	[sflag:s23] =	ssyncset.done $0x0  }
0x1cb: {  	s21 =	simm.s32 $0xCF90;
	[sflag:s23] =	ssyncadd.s32 $0xFFFFE000  }
0x1cc: {  	s20 =	simm.s32 $0x10F90;
	v3 =	vld [tilespmem:s21+$0xFFFFFFC0]  }
0x1cd: {  	v4 =	vld [tilespmem:s20+$0xFFFFFFC0]  }
0x1ce: {  	s16 =	simm.s32 $0x1  }
0x1cf: {  	v5 =	vmov s16;
	v2 =	vld.idx.msk [tilespmem:v2+s24+$0x0], $0xffff  }
0x1d0: {  	v5 =	vshrl.u32 v5, $0x3  }
0x1d1: {  	v5 =	vshll.u32 v5, v1  }
0x1d2: {  	v3 =	vmul.f32 v4, v3;
	v4 =	vadd.s32 $0x1, v5  }
0x1d3: {  	v4 =	vbroadcast v4, $0x0  }
0x1d4: {  	v2 =	vmul.f32 v3, v2;
	_ =	sdelay $0x1  }
0x1d5: {  	[tilespmem:s21+$0xFFFFFFC0] =	vst v2;
	v2 =	vld [tilespmem:s21+$0xFFFFFFD0]  }
0x1d6: {  	v3 =	vld [tilespmem:s20+$0xFFFFFFD0]  }
0x1d7: {  	s18 =	simm.s32 $0x2  }
0x1d8: {  	v5 =	vmov s18;
	v4 =	vld.idx.msk [tilespmem:v4+s24+$0x0], $0xffff  }
0x1d9: {  	v5 =	vshrl.u32 v5, $0x3  }
0x1da: {  	v5 =	vshll.u32 v5, v1  }
0x1db: {  	v2 =	vmul.f32 v3, v2;
	v3 =	vadd.s32 $0x2, v5  }
0x1dc: {  	v3 =	vbroadcast v3, $0x0  }
0x1dd: {  	v2 =	vmul.f32 v2, v4;
	_ =	sdelay $0x1  }
0x1de: {  	[tilespmem:s21+$0xFFFFFFD0] =	vst v2;
	v2 =	vld [tilespmem:s21+$0xFFFFFFE0]  }
0x1df: {  	v4 =	vld [tilespmem:s20+$0xFFFFFFE0]  }
0x1e0: {  	s22 =	simm.s32 $0x3  }
0x1e1: {  	v5 =	vmov s22;
	v3 =	vld.idx.msk [tilespmem:v3+s24+$0x0], $0xffff  }
0x1e2: {  	v5 =	vshrl.u32 v5, $0x3  }
0x1e3: {  	v5 =	vshll.u32 v5, v1  }
0x1e4: {  	v2 =	vmul.f32 v4, v2;
	v4 =	vadd.s32 $0x3, v5  }
0x1e5: {  	v4 =	vbroadcast v4, $0x0  }
0x1e6: {  	v2 =	vmul.f32 v2, v3;
	_ =	sdelay $0x1  }
0x1e7: {  	[tilespmem:s21+$0xFFFFFFE0] =	vst v2;
	v2 =	vld [tilespmem:s21+$0xFFFFFFF0]  }
0x1e8: {  	v3 =	vld [tilespmem:s20+$0xFFFFFFF0]  }
0x1e9: {  	s8 =	simm.s32 $0x4  }
0x1ea: {  	v5 =	vmov s8;
	v4 =	vld.idx.msk [tilespmem:v4+s24+$0x0], $0xffff  }
0x1eb: {  	v5 =	vshrl.u32 v5, $0x3  }
0x1ec: {  	v5 =	vshll.u32 v5, v1  }
0x1ed: {  	v2 =	vmul.f32 v3, v2;
	v3 =	vadd.s32 $0x4, v5  }
0x1ee: {  	v3 =	vbroadcast v3, $0x0  }
0x1ef: {  	v2 =	vmul.f32 v2, v4;
	_ =	sdelay $0x1  }
0x1f0: {  	[tilespmem:s21+$0xFFFFFFF0] =	vst v2;
	v2 =	vld [tilespmem:s21+$0x0]  }
0x1f1: {  	v4 =	vld [tilespmem:s20+$0x0]  }
0x1f2: {  	s16 =	simm.s32 $0x5  }
0x1f3: {  	v5 =	vmov s16;
	v3 =	vld.idx.msk [tilespmem:v3+s24+$0x0], $0xffff  }
0x1f4: {  	v5 =	vshrl.u32 v5, $0x3  }
0x1f5: {  	v5 =	vshll.u32 v5, v1  }
0x1f6: {  	v2 =	vmul.f32 v4, v2;
	v4 =	vadd.s32 $0x5, v5  }
0x1f7: {  	v4 =	vbroadcast v4, $0x0  }
0x1f8: {  	v2 =	vmul.f32 v2, v3;
	_ =	sdelay $0x1  }
0x1f9: {  	[tilespmem:s21+$0x0] =	vst v2;
	v2 =	vld [tilespmem:s21+$0x10]  }
0x1fa: {  	v3 =	vld [tilespmem:s20+$0x10]  }
0x1fb: {  	s18 =	simm.s32 $0x6  }
0x1fc: {  	v5 =	vmov s18;
	v4 =	vld.idx.msk [tilespmem:v4+s24+$0x0], $0xffff  }
0x1fd: {  	v5 =	vshrl.u32 v5, $0x3  }
0x1fe: {  	v5 =	vshll.u32 v5, v1  }
0x1ff: {  	v2 =	vmul.f32 v3, v2;
	v3 =	vadd.s32 $0x6, v5  }
0x200: {  	v3 =	vbroadcast v3, $0x0  }
0x201: {  	v2 =	vmul.f32 v2, v4;
	_ =	sdelay $0x1  }
0x202: {  	[tilespmem:s21+$0x10] =	vst v2;
	v2 =	vld [tilespmem:s21+$0x20]  }
0x203: {  	v4 =	vld [tilespmem:s20+$0x20];
	_ =	sdelay $0x1  }
0x204: {  	s22 =	simm.s32 $0x7;
	v3 =	vld.idx.msk [tilespmem:v3+s24+$0x0], $0xffff  }
0x205: {  	v5 =	vmov s22  }
0x206: {  	v5 =	vshrl.u32 v5, $0x3  }
0x207: {  	v5 =	vshll.u32 v5, v1;
	v2 =	vmul.f32 v4, v2  }
0x208: {  	v4 =	vadd.s32 $0x7, v5  }
0x209: {  	v4 =	vbroadcast v4, $0x0;
	v2 =	vmul.f32 v2, v3;
	_ =	sdelay $0x1  }
0x20a: {  	[tilespmem:s21+$0x20] =	vst v2;
	v2 =	vld [tilespmem:s21+$0x30]  }
0x20b: {  	v3 =	vld [tilespmem:s20+$0x30];
	_ =	sdelay $0x1  }
0x20c: {  	s15 =	simm.s32 $0x8  }
0x20d: {  	v5 =	vmov s15;
	v4 =	vld.idx.msk [tilespmem:v4+s24+$0x0], $0xffff  }
0x20e: {  	v5 =	vshrl.u32 v5, $0x3  }
0x20f: {  	v3 =	vmul.f32 v3, v2;
	v2 =	vshll.u32 v5, v1  }
0x210: {  	v2 =	vbroadcast v2, $0x0;
	_ =	sdelay $0x1  }
0x211: {  	s16 =	simm.s32 $0x10;
	s22 =	simm.s32 $0xD010;
	v3 =	vmul.f32 v3, v4  }
.LBB2_4:
0x212: {  	p2 =	slt.u32 s16, $0x1F8;
	s20 =	sadd.s32 $0x80, s20  }
0x213: {  	v4 =	vld [tilespmem:s22+$0xFFFFFFC0];
	[tilespmem:s21+$0x30] =	vst v3;
	s18 =	smov.u32 s16;
	s16 =	sadd.s32 $0x8, s16;
	s21 =	smov.u32 s22  }
0x214: {  	s8 =	sadd.s32 $0x1, s15;
	v3 =	vld [tilespmem:s20+$0xFFFFFFC0]  }
0x215: {  	v5 =	vmov s8;
	v2 =	vld.idx.msk [tilespmem:v2+s24+$0x0], $0xffff  }
0x216: {  	v5 =	vshrl.u32 v5, $0x3  }
0x217: {  	v5 =	vshll.u32 v5, v1  }
0x218: {  	v5 =	vadd.s32 $0x1, v5  }
0x219: {  	v3 =	vmul.f32 v3, v4;
	v4 =	vbroadcast v5, $0x0;
	_ =	sdelay $0x1  }
0x21a: {  	v2 =	vmul.f32 v3, v2;
	_ =	sdelay $0x1  }
0x21b: {  	[tilespmem:s22+$0xFFFFFFC0] =	vst v2;
	v2 =	vld [tilespmem:s22+$0xFFFFFFD0]  }
0x21c: {  	s8 =	sadd.s32 $0x2, s15;
	v3 =	vld [tilespmem:s20+$0xFFFFFFD0]  }
0x21d: {  	v5 =	vmov s8;
	v4 =	vld.idx.msk [tilespmem:v4+s24+$0x0], $0xffff  }
0x21e: {  	v5 =	vshrl.u32 v5, $0x3  }
0x21f: {  	v5 =	vshll.u32 v5, v1  }
0x220: {  	v5 =	vadd.s32 $0x2, v5  }
0x221: {  	v2 =	vmul.f32 v3, v2;
	v3 =	vbroadcast v5, $0x0;
	_ =	sdelay $0x1  }
0x222: {  	v2 =	vmul.f32 v2, v4;
	_ =	sdelay $0x1  }
0x223: {  	[tilespmem:s22+$0xFFFFFFD0] =	vst v2;
	v2 =	vld [tilespmem:s22+$0xFFFFFFE0]  }
0x224: {  	s8 =	sadd.s32 $0x3, s15;
	v4 =	vld [tilespmem:s20+$0xFFFFFFE0]  }
0x225: {  	v5 =	vmov s8;
	v3 =	vld.idx.msk [tilespmem:v3+s24+$0x0], $0xffff  }
0x226: {  	v5 =	vshrl.u32 v5, $0x3  }
0x227: {  	v5 =	vshll.u32 v5, v1  }
0x228: {  	v5 =	vadd.s32 $0x3, v5  }
0x229: {  	v2 =	vmul.f32 v4, v2;
	v4 =	vbroadcast v5, $0x0;
	_ =	sdelay $0x1  }
0x22a: {  	v2 =	vmul.f32 v2, v3;
	_ =	sdelay $0x1  }
0x22b: {  	[tilespmem:s22+$0xFFFFFFE0] =	vst v2;
	v2 =	vld [tilespmem:s22+$0xFFFFFFF0]  }
0x22c: {  	s8 =	sadd.s32 $0x4, s15;
	v3 =	vld [tilespmem:s20+$0xFFFFFFF0]  }
0x22d: {  	v5 =	vmov s8;
	v4 =	vld.idx.msk [tilespmem:v4+s24+$0x0], $0xffff  }
0x22e: {  	v5 =	vshrl.u32 v5, $0x3  }
0x22f: {  	v5 =	vshll.u32 v5, v1  }
0x230: {  	v5 =	vadd.s32 $0x4, v5  }
0x231: {  	v2 =	vmul.f32 v3, v2;
	v3 =	vbroadcast v5, $0x0;
	_ =	sdelay $0x1  }
0x232: {  	v2 =	vmul.f32 v2, v4;
	_ =	sdelay $0x1  }
0x233: {  	[tilespmem:s22+$0xFFFFFFF0] =	vst v2;
	v2 =	vld [tilespmem:s22+$0x0]  }
0x234: {  	s8 =	sadd.s32 $0x5, s15;
	v4 =	vld [tilespmem:s20+$0x0]  }
0x235: {  	v5 =	vmov s8;
	v3 =	vld.idx.msk [tilespmem:v3+s24+$0x0], $0xffff  }
0x236: {  	v5 =	vshrl.u32 v5, $0x3  }
0x237: {  	v5 =	vshll.u32 v5, v1  }
0x238: {  	v5 =	vadd.s32 $0x5, v5  }
0x239: {  	v2 =	vmul.f32 v4, v2;
	v4 =	vbroadcast v5, $0x0;
	_ =	sdelay $0x1  }
0x23a: {  	v2 =	vmul.f32 v2, v3;
	_ =	sdelay $0x1  }
0x23b: {  	[tilespmem:s22+$0x0] =	vst v2;
	v2 =	vld [tilespmem:s22+$0x10]  }
0x23c: {  	s8 =	sadd.s32 $0x6, s15;
	v3 =	vld [tilespmem:s20+$0x10]  }
0x23d: {  	v5 =	vmov s8;
	v4 =	vld.idx.msk [tilespmem:v4+s24+$0x0], $0xffff  }
0x23e: {  	v5 =	vshrl.u32 v5, $0x3  }
0x23f: {  	v5 =	vshll.u32 v5, v1  }
0x240: {  	v5 =	vadd.s32 $0x6, v5  }
0x241: {  	v2 =	vmul.f32 v3, v2;
	v3 =	vbroadcast v5, $0x0;
	_ =	sdelay $0x1  }
0x242: {  	v2 =	vmul.f32 v2, v4;
	_ =	sdelay $0x1  }
0x243: {  	[tilespmem:s22+$0x10] =	vst v2;
	v2 =	vld [tilespmem:s22+$0x20]  }
0x244: {  	s8 =	sadd.s32 $0x7, s15;
	s15 =	smov.u32 s18;
	v4 =	vld [tilespmem:s20+$0x20]  }
0x245: {  	v5 =	vmov s8;
	v3 =	vld.idx.msk [tilespmem:v3+s24+$0x0], $0xffff  }
0x246: {  	v5 =	vshrl.u32 v5, $0x3  }
0x247: {  	v5 =	vshll.u32 v5, v1  }
0x248: {  	v5 =	vadd.s32 $0x7, v5  }
0x249: {  	v2 =	vmul.f32 v4, v2;
	v4 =	vbroadcast v5, $0x0;
	_ =	sdelay $0x1  }
0x24a: {  	v2 =	vmul.f32 v2, v3;
	_ =	sdelay $0x1  }
0x24b: {  	[tilespmem:s22+$0x20] =	vst v2;
	v3 =	vld [tilespmem:s22+$0x30]  }
0x24c: {  	v5 =	vld [tilespmem:s20+$0x30]  }
0x24d: {  	v4 =	vld.idx.msk [tilespmem:v4+s24+$0x0], $0xffff  }
0x24e: {  	v2 =	vmov s15  }
0x24f: {  	v2 =	vshrl.u32 v2, $0x3  }
.Ltmp5:
0x250: {  	v2 =	vshll.u32 v2, v1;
	(pc) =	sbr.rel @p2 .LBB2_4-.Ltmp5, $3  }
0x251: {  	v2 =	vbroadcast v2, $0x0;
	v3 =	vmul.f32 v5, v3;
	_ =	sdelay $0x1  }
0x252: {  	v3 =	vmul.f32 v3, v4  }
0x253: {  	s22 =	sadd.s32 $0x80, s22  }
0x254: {  	_ = 	snop  }
0x255: {  	v4 =	vld [tilespmem:s22+$0xFFFFFFC0];
	[tilespmem:s21+$0x30] =	vst v3;
	s16 =	sadd.s32 $0x80, s20  }
0x256: {  	v3 =	vld [tilespmem:s16+$0xFFFFFFC0]  }
0x257: {  	s8 =	sadd.s32 $0x1, s15  }
0x258: {  	v2 =	vld.idx.msk [tilespmem:v2+s24+$0x0], $0xffff;
	v5 =	vmov s8  }
0x259: {  	v5 =	vshrl.u32 v5, $0x3  }
0x25a: {  	v5 =	vshll.u32 v5, v1  }
0x25b: {  	v51 =	vadd.s32 $0x1, v5;
	v3 =	vmul.f32 v3, v4  }
0x25c: {  	v4 =	vbroadcast v51, $0x0  }
0x25d: {  	v2 =	vmul.f32 v3, v2;
	_ =	sdelay $0x1  }
0x25e: {  	[tilespmem:s22+$0xFFFFFFC0] =	vst v2;
	v2 =	vld [tilespmem:s22+$0xFFFFFFD0]  }
0x25f: {  	v3 =	vld [tilespmem:s16+$0xFFFFFFD0]  }
0x260: {  	s21 =	sadd.s32 $0x2, s15  }
0x261: {  	v52 =	vmov s21;
	v4 =	vld.idx.msk [tilespmem:v4+s24+$0x0], $0xffff  }
0x262: {  	v5 =	vshrl.u32 v52, $0x3  }
0x263: {  	v5 =	vshll.u32 v5, v1  }
0x264: {  	v2 =	vmul.f32 v3, v2;
	v3 =	vadd.s32 $0x2, v5  }
0x265: {  	v3 =	vbroadcast v3, $0x0  }
0x266: {  	v2 =	vmul.f32 v2, v4;
	_ =	sdelay $0x1  }
0x267: {  	[tilespmem:s22+$0xFFFFFFD0] =	vst v2;
	v2 =	vld [tilespmem:s22+$0xFFFFFFE0]  }
0x268: {  	v53 =	vld [tilespmem:s16+$0xFFFFFFE0]  }
0x269: {  	s18 =	sadd.s32 $0x3, s15  }
0x26a: {  	v54 =	vmov s18;
	v3 =	vld.idx.msk [tilespmem:v3+s24+$0x0], $0xffff  }
0x26b: {  	v5 =	vshrl.u32 v54, $0x3  }
0x26c: {  	v5 =	vshll.u32 v5, v1  }
0x26d: {  	v55 =	vadd.s32 $0x3, v5;
	v2 =	vmul.f32 v53, v2  }
0x26e: {  	v4 =	vbroadcast v55, $0x0  }
0x26f: {  	v2 =	vmul.f32 v2, v3;
	_ =	sdelay $0x1  }
0x270: {  	[tilespmem:s22+$0xFFFFFFE0] =	vst v2;
	v2 =	vld [tilespmem:s22+$0xFFFFFFF0]  }
0x271: {  	v3 =	vld [tilespmem:s16+$0xFFFFFFF0]  }
0x272: {  	s20 =	sadd.s32 $0x4, s15  }
0x273: {  	v56 =	vmov s20;
	v4 =	vld.idx.msk [tilespmem:v4+s24+$0x0], $0xffff  }
0x274: {  	v5 =	vshrl.u32 v56, $0x3  }
0x275: {  	v5 =	vshll.u32 v5, v1  }
0x276: {  	v2 =	vmul.f32 v3, v2;
	v3 =	vadd.s32 $0x4, v5  }
0x277: {  	v3 =	vbroadcast v3, $0x0  }
0x278: {  	v2 =	vmul.f32 v2, v4;
	_ =	sdelay $0x1  }
0x279: {  	[tilespmem:s22+$0xFFFFFFF0] =	vst v2;
	v2 =	vld [tilespmem:s22+$0x0]  }
0x27a: {  	v57 =	vld [tilespmem:s16+$0x0]  }
0x27b: {  	s21 =	sadd.s32 $0x5, s15  }
0x27c: {  	v58 =	vmov s21;
	v3 =	vld.idx.msk [tilespmem:v3+s24+$0x0], $0xffff  }
0x27d: {  	v5 =	vshrl.u32 v58, $0x3  }
0x27e: {  	v5 =	vshll.u32 v5, v1  }
0x27f: {  	v59 =	vadd.s32 $0x5, v5;
	v2 =	vmul.f32 v57, v2  }
0x280: {  	v4 =	vbroadcast v59, $0x0  }
0x281: {  	v2 =	vmul.f32 v2, v3;
	_ =	sdelay $0x1  }
0x282: {  	[tilespmem:s22+$0x0] =	vst v2;
	v2 =	vld [tilespmem:s22+$0x10]  }
0x283: {  	v3 =	vld [tilespmem:s16+$0x10]  }
0x284: {  	s18 =	sadd.s32 $0x6, s15  }
0x285: {  	v60 =	vmov s18;
	v4 =	vld.idx.msk [tilespmem:v4+s24+$0x0], $0xffff  }
0x286: {  	v5 =	vshrl.u32 v60, $0x3  }
0x287: {  	v5 =	vshll.u32 v5, v1  }
0x288: {  	v2 =	vmul.f32 v3, v2;
	v3 =	vadd.s32 $0x6, v5  }
0x289: {  	v3 =	vbroadcast v3, $0x0  }
0x28a: {  	v2 =	vmul.f32 v2, v4;
	_ =	sdelay $0x1  }
0x28b: {  	[tilespmem:s22+$0x10] =	vst v2;
	v2 =	vld [tilespmem:s22+$0x20]  }
0x28c: {  	v61 =	vld [tilespmem:s16+$0x20]  }
0x28d: {  	s20 =	sadd.s32 $0x7, s15  }
0x28e: {  	v62 =	vmov s20;
	v3 =	vld.idx.msk [tilespmem:v3+s24+$0x0], $0xffff  }
0x28f: {  	v5 =	vshrl.u32 v62, $0x3  }
0x290: {  	v5 =	vshll.u32 v5, v1  }
0x291: {  	v63 =	vadd.s32 $0x7, v5;
	v2 =	vmul.f32 v61, v2  }
0x292: {  	v4 =	vbroadcast v63, $0x0  }
0x293: {  	v2 =	vmul.f32 v2, v3;
	_ =	sdelay $0x1  }
0x294: {  	[tilespmem:s22+$0x20] =	vst v2;
	v2 =	vld [tilespmem:s22+$0x30]  }
0x295: {  	v3 =	vld [tilespmem:s16+$0x30];
	_ =	sdelay $0x1  }
0x296: {  	v4 =	vld.idx.msk [tilespmem:v4+s24+$0x0], $0xffff;
	_ =	sdelay $0x2  }
0x297: {  	v2 =	vmul.f32 v3, v2;
	_ =	sdelay $0x1  }
0x298: {  	v2 =	vmul.f32 v2, v4  }
0x299: {  	s21 =	sshll.u32 s2, $0xA  }
0x29a: {  	p2 =	sgt.u32 s2, $0x1829;
	s8 =	sadd.s32 s1, s21;
	[tilespmem:s22+$0x30] =	vst v2  }
0x29b: {  	[hbm4b:s8+s3] =	stream.linear.scatter [tilespmem:s19], [sflag:$0x5], $0x2000, $0x38;
	[tilespmem:$0x14F50] =	vst v63  }
0x29c: {  	s8 =	sshll.u32 @!p2 s2, $0x6  }
0x29d: {  	s8 =	sand.u32 @!p2 $0x1FFFFFC0, s8  }
0x29e: {  	s8 =	sadd.s32 @!p2 s4, s8  }
0x29f: {  	s18 =	simm.s32 @!p2 $0xC350;
	s16 =	simm.s32 @!p2 $0x0;
	s15 =	sadd.s32 @!p2 $0x1000, s8  }
0x2a0: {  	[tilespmem:s18], [sflag:$0x1] =	stream.linear.gather @!p2 [hbm4b:s15+s16], $0x200, $0x38;
	[tilespmem:$0x14F50] =	vst v63  }
0x2a1: {  	s8 =	sadd.s32 @!p2 $0x62A80, s8;
	s15 =	simm.s32 @!p2 $0xC750  }
0x2a2: {  	[tilespmem:s15], [sflag:$0x1] =	stream.linear.gather @!p2 [hbm4b:s8+s16], $0x200, $0x38;
	[tilespmem:$0x14F50] =	vst v63  }
.LBB2_6:
0x2a3: {  	p2 =	sgt.u32 s2, $0x1869  }
0x2a4: {  	p1 =	por p2, !p1  }
.Ltmp6:
0x2a5: {  	_ = 	snop;
	(pc) =	sbr.rel @p1 .LBB2_10-.Ltmp6, $1  }
0x2a6: {  	_ =	sdelay $0x3  }
0x2a7: {  	s8 =	simm.s32 @!p0 $0x1  }
0x2a8: {  	_ =	swait.ge @!p0 [sflag:s8], $0x200  }
0x2a9: {  	[sflag:s8] =	ssyncset.done @!p0 $0x0  }
0x2aa: {  	[sflag:s8] =	ssyncadd.s32 @!p0 $0xFFFFFE00  }
0x2ab: {  	_ =	swait.ge @!p0 [sflag:s8], $0x200  }
0x2ac: {  	[sflag:s8] =	ssyncset.done @!p0 $0x0  }
0x2ad: {  	[sflag:s8] =	ssyncadd.s32 @!p0 $0xFFFFFE00;
	s8 =	simm.s32 @!p0 $0x5  }
0x2ae: {  	_ =	swait.ge @!p0 [sflag:s8], $0x2000  }
0x2af: {  	s15 =	simm.s32 @!p0 $0xC350;
	[sflag:s8] =	ssyncset.done @!p0 $0x0  }
0x2b0: {  	s16 =	simm.s32 @!p0 $0xCF50;
	[sflag:s8] =	ssyncadd.s32 @!p0 $0xFFFFE000;
	s8 =	simm.s32 @!p0 $0x200  }
0x2b1: {  	[tilespmem:s16], [sflag:$0x3] =	stream.indirect.gather @!p0 [hbm4b:s5+s8], $0x10, s15, s8, $0xb8;
	[tilespmem:$0x14F50] =	vst v63  }
0x2b2: {  	s15 =	simm.s32 @!p0 $0xC750;
	s16 =	simm.s32 @!p0 $0x10F50  }
0x2b3: {  	[tilespmem:s16], [sflag:$0x3] =	stream.indirect.gather @!p0 [hbm4b:s7+s8], $0x10, s15, s8, $0xb8;
	[tilespmem:$0x14F50] =	vst v63  }
0x2b4: {  	v2 =	vld [tilespmem:$0xC550]  }
0x2b5: {  	v3 =	vld [tilespmem:$0xC950];
	_ =	sdelay $0x3  }
0x2b6: {  	v4 =	vshra.s32 v2, $0x1  }
0x2b7: {  	v5 =	vshra.s32 v3, $0x1;
	_ =	sdelay $0x2  }
0x2b8: {  	s20 =	simm.s32 $0x0  }
0x2b9: {  	v4 =	vld.idx.msk [tilespmem:v4+s20+$0x0], $0xffff  }
0x2ba: {  	v5 =	vld.idx.msk [tilespmem:v5+s20+$0x0], $0xffff  }
0x2bb: {  	v6 =	vld [tilespmem:$0xC560]  }
0x2bc: {  	v7 =	vld [tilespmem:$0xC960]  }
0x2bd: {  	v2 =	vshll.u32 v2, $0x4;
	v3 =	vshll.u32 v3, $0x4  }
0x2be: {  	v2 =	vand.u32 $0x10, v2;
	v3 =	vand.u32 $0x10, v3  }
0x2bf: {  	v2 =	vshra.s32 v4, v2;
	v3 =	vshra.s32 v5, v3  }
0x2c0: {  	v2 =	vxor.u32 v2, v3;
	v3 =	vshra.s32 v6, $0x1  }
0x2c1: {  	v4 =	vshra.s32 v7, $0x1;
	v2 =	vand.u32 $0xFFFF, v2  }
0x2c2: {  	vm0 =	veq.s32 v2, $0x0  }
0x2c3: {  	v2 =	vsel vm0, $0x3F800000, v0  }
0x2c4: {  	[tilespmem:$0xCD50] =	vst v2  }
0x2c5: {  	v2 =	vld.idx.msk [tilespmem:v3+s20+$0x0], $0xffff  }
0x2c6: {  	v3 =	vld.idx.msk [tilespmem:v4+s20+$0x0], $0xffff  }
0x2c7: {  	v4 =	vld [tilespmem:$0xC570]  }
0x2c8: {  	v5 =	vld [tilespmem:$0xC970]  }
0x2c9: {  	v7 =	vshll.u32 v7, $0x4;
	v6 =	vshll.u32 v6, $0x4  }
0x2ca: {  	v7 =	vand.u32 $0x10, v7;
	v6 =	vand.u32 $0x10, v6  }
0x2cb: {  	v2 =	vshra.s32 v2, v6;
	v3 =	vshra.s32 v3, v7  }
0x2cc: {  	v2 =	vxor.u32 v2, v3;
	v3 =	vshra.s32 v4, $0x1  }
0x2cd: {  	v19 =	vshra.s32 v5, $0x1;
	v2 =	vand.u32 $0xFFFF, v2  }
0x2ce: {  	vm9 =	veq.s32 v2, $0x0  }
0x2cf: {  	v2 =	vsel vm9, $0x3F800000, v0  }
0x2d0: {  	[tilespmem:$0xCD60] =	vst v2  }
0x2d1: {  	v2 =	vld.idx.msk [tilespmem:v3+s20+$0x0], $0xffff  }
0x2d2: {  	v3 =	vld.idx.msk [tilespmem:v19+s20+$0x0], $0xffff  }
0x2d3: {  	v20 =	vld [tilespmem:$0xC580]  }
0x2d4: {  	v21 =	vld [tilespmem:$0xC980]  }
0x2d5: {  	v5 =	vshll.u32 v5, $0x4;
	v4 =	vshll.u32 v4, $0x4  }
0x2d6: {  	v5 =	vand.u32 $0x10, v5;
	v4 =	vand.u32 $0x10, v4  }
0x2d7: {  	v2 =	vshra.s32 v2, v4;
	v3 =	vshra.s32 v3, v5  }
0x2d8: {  	v2 =	vxor.u32 v2, v3;
	v3 =	vshra.s32 v20, $0x1  }
0x2d9: {  	v4 =	vshra.s32 v21, $0x1;
	v2 =	vand.u32 $0xFFFF, v2  }
0x2da: {  	vm10 =	veq.s32 v2, $0x0  }
0x2db: {  	v2 =	vsel vm10, $0x3F800000, v0  }
0x2dc: {  	[tilespmem:$0xCD70] =	vst v2  }
0x2dd: {  	v2 =	vld.idx.msk [tilespmem:v3+s20+$0x0], $0xffff  }
0x2de: {  	v3 =	vld.idx.msk [tilespmem:v4+s20+$0x0], $0xffff  }
0x2df: {  	v4 =	vld [tilespmem:$0xC590]  }
0x2e0: {  	v5 =	vld [tilespmem:$0xC990]  }
0x2e1: {  	v6 =	vshll.u32 v20, $0x4;
	v7 =	vshll.u32 v21, $0x4  }
0x2e2: {  	v6 =	vand.u32 $0x10, v6;
	v7 =	vand.u32 $0x10, v7  }
0x2e3: {  	v2 =	vshra.s32 v2, v6;
	v3 =	vshra.s32 v3, v7  }
0x2e4: {  	v2 =	vxor.u32 v2, v3;
	v3 =	vshra.s32 v4, $0x1  }
0x2e5: {  	v22 =	vshra.s32 v5, $0x1;
	v2 =	vand.u32 $0xFFFF, v2  }
0x2e6: {  	vm11 =	veq.s32 v2, $0x0  }
0x2e7: {  	v2 =	vsel vm11, $0x3F800000, v0  }
0x2e8: {  	[tilespmem:$0xCD80] =	vst v2  }
0x2e9: {  	v2 =	vld.idx.msk [tilespmem:v3+s20+$0x0], $0xffff  }
0x2ea: {  	v3 =	vld.idx.msk [tilespmem:v22+s20+$0x0], $0xffff  }
0x2eb: {  	v23 =	vld [tilespmem:$0xC5A0]  }
0x2ec: {  	v24 =	vld [tilespmem:$0xC9A0]  }
0x2ed: {  	v5 =	vshll.u32 v5, $0x4;
	v4 =	vshll.u32 v4, $0x4  }
0x2ee: {  	v5 =	vand.u32 $0x10, v5;
	v4 =	vand.u32 $0x10, v4  }
0x2ef: {  	v2 =	vshra.s32 v2, v4;
	v3 =	vshra.s32 v3, v5  }
0x2f0: {  	v2 =	vxor.u32 v2, v3;
	v3 =	vshra.s32 v23, $0x1  }
0x2f1: {  	v4 =	vshra.s32 v24, $0x1;
	v2 =	vand.u32 $0xFFFF, v2  }
0x2f2: {  	vm12 =	veq.s32 v2, $0x0  }
0x2f3: {  	v2 =	vsel vm12, $0x3F800000, v0  }
0x2f4: {  	[tilespmem:$0xCD90] =	vst v2  }
0x2f5: {  	v2 =	vld.idx.msk [tilespmem:v3+s20+$0x0], $0xffff  }
0x2f6: {  	v3 =	vld.idx.msk [tilespmem:v4+s20+$0x0], $0xffff  }
0x2f7: {  	v4 =	vld [tilespmem:$0xC5B0]  }
0x2f8: {  	v5 =	vld [tilespmem:$0xC9B0]  }
0x2f9: {  	v6 =	vshll.u32 v23, $0x4;
	v7 =	vshll.u32 v24, $0x4  }
0x2fa: {  	v6 =	vand.u32 $0x10, v6;
	v7 =	vand.u32 $0x10, v7  }
0x2fb: {  	v2 =	vshra.s32 v2, v6;
	v3 =	vshra.s32 v3, v7  }
0x2fc: {  	v2 =	vxor.u32 v2, v3;
	v3 =	vshra.s32 v4, $0x1  }
0x2fd: {  	v25 =	vshra.s32 v5, $0x1;
	v2 =	vand.u32 $0xFFFF, v2  }
0x2fe: {  	vm13 =	veq.s32 v2, $0x0  }
0x2ff: {  	v2 =	vsel vm13, $0x3F800000, v0  }
0x300: {  	[tilespmem:$0xCDA0] =	vst v2  }
0x301: {  	v2 =	vld.idx.msk [tilespmem:v3+s20+$0x0], $0xffff  }
0x302: {  	v3 =	vld.idx.msk [tilespmem:v25+s20+$0x0], $0xffff  }
0x303: {  	v26 =	vld [tilespmem:$0xC5C0]  }
0x304: {  	v27 =	vld [tilespmem:$0xC9C0]  }
0x305: {  	v5 =	vshll.u32 v5, $0x4;
	v4 =	vshll.u32 v4, $0x4  }
0x306: {  	v5 =	vand.u32 $0x10, v5;
	v4 =	vand.u32 $0x10, v4  }
0x307: {  	v2 =	vshra.s32 v2, v4;
	v3 =	vshra.s32 v3, v5  }
0x308: {  	v2 =	vxor.u32 v2, v3;
	v3 =	vshra.s32 v26, $0x1  }
0x309: {  	v4 =	vshra.s32 v27, $0x1;
	v2 =	vand.u32 $0xFFFF, v2  }
0x30a: {  	vm14 =	veq.s32 v2, $0x0  }
0x30b: {  	v2 =	vsel vm14, $0x3F800000, v0  }
0x30c: {  	[tilespmem:$0xCDB0] =	vst v2  }
0x30d: {  	v2 =	vld.idx.msk [tilespmem:v3+s20+$0x0], $0xffff  }
0x30e: {  	v3 =	vld.idx.msk [tilespmem:v4+s20+$0x0], $0xffff  }
0x30f: {  	v4 =	vld [tilespmem:$0xC5D0]  }
0x310: {  	v5 =	vld [tilespmem:$0xC9D0]  }
0x311: {  	v6 =	vshll.u32 v26, $0x4;
	v7 =	vshll.u32 v27, $0x4  }
0x312: {  	v6 =	vand.u32 $0x10, v6;
	v7 =	vand.u32 $0x10, v7  }
0x313: {  	v2 =	vshra.s32 v2, v6;
	v3 =	vshra.s32 v3, v7  }
0x314: {  	v2 =	vxor.u32 v2, v3;
	v3 =	vshra.s32 v4, $0x1  }
0x315: {  	v28 =	vshra.s32 v5, $0x1;
	v2 =	vand.u32 $0xFFFF, v2  }
0x316: {  	vm15 =	veq.s32 v2, $0x0  }
0x317: {  	v2 =	vsel vm15, $0x3F800000, v0  }
0x318: {  	[tilespmem:$0xCDC0] =	vst v2  }
0x319: {  	v2 =	vld.idx.msk [tilespmem:v3+s20+$0x0], $0xffff  }
0x31a: {  	v3 =	vld.idx.msk [tilespmem:v28+s20+$0x0], $0xffff  }
0x31b: {  	v29 =	vld [tilespmem:$0xC5E0]  }
0x31c: {  	v30 =	vld [tilespmem:$0xC9E0]  }
0x31d: {  	v5 =	vshll.u32 v5, $0x4;
	v4 =	vshll.u32 v4, $0x4  }
0x31e: {  	v5 =	vand.u32 $0x10, v5;
	v4 =	vand.u32 $0x10, v4  }
0x31f: {  	v2 =	vshra.s32 v2, v4;
	v3 =	vshra.s32 v3, v5  }
0x320: {  	v2 =	vxor.u32 v2, v3;
	v3 =	vshra.s32 v29, $0x1  }
0x321: {  	v4 =	vshra.s32 v30, $0x1;
	v2 =	vand.u32 $0xFFFF, v2  }
0x322: {  	vm4 =	veq.s32 v2, $0x0  }
0x323: {  	v2 =	vsel vm4, $0x3F800000, v0  }
0x324: {  	[tilespmem:$0xCDD0] =	vst v2  }
0x325: {  	v2 =	vld.idx.msk [tilespmem:v3+s20+$0x0], $0xffff  }
0x326: {  	v3 =	vld.idx.msk [tilespmem:v4+s20+$0x0], $0xffff  }
0x327: {  	v4 =	vld [tilespmem:$0xC5F0]  }
0x328: {  	v5 =	vld [tilespmem:$0xC9F0]  }
0x329: {  	v6 =	vshll.u32 v29, $0x4;
	v7 =	vshll.u32 v30, $0x4  }
0x32a: {  	v6 =	vand.u32 $0x10, v6;
	v7 =	vand.u32 $0x10, v7  }
0x32b: {  	v2 =	vshra.s32 v2, v6;
	v3 =	vshra.s32 v3, v7  }
0x32c: {  	v2 =	vxor.u32 v2, v3;
	v3 =	vshra.s32 v4, $0x1  }
0x32d: {  	v31 =	vshra.s32 v5, $0x1;
	v2 =	vand.u32 $0xFFFF, v2  }
0x32e: {  	vm5 =	veq.s32 v2, $0x0  }
0x32f: {  	v2 =	vsel vm5, $0x3F800000, v0  }
0x330: {  	[tilespmem:$0xCDE0] =	vst v2  }
0x331: {  	v2 =	vld.idx.msk [tilespmem:v3+s20+$0x0], $0xffff  }
0x332: {  	v3 =	vld.idx.msk [tilespmem:v31+s20+$0x0], $0xffff  }
0x333: {  	v32 =	vld [tilespmem:$0xC600]  }
0x334: {  	v33 =	vld [tilespmem:$0xCA00]  }
0x335: {  	v5 =	vshll.u32 v5, $0x4;
	v4 =	vshll.u32 v4, $0x4  }
0x336: {  	v5 =	vand.u32 $0x10, v5;
	v4 =	vand.u32 $0x10, v4  }
0x337: {  	v2 =	vshra.s32 v2, v4;
	v3 =	vshra.s32 v3, v5  }
0x338: {  	v2 =	vxor.u32 v2, v3;
	v3 =	vshra.s32 v32, $0x1  }
0x339: {  	v4 =	vshra.s32 v33, $0x1;
	v2 =	vand.u32 $0xFFFF, v2  }
0x33a: {  	vm6 =	veq.s32 v2, $0x0  }
0x33b: {  	v2 =	vsel vm6, $0x3F800000, v0  }
0x33c: {  	[tilespmem:$0xCDF0] =	vst v2  }
0x33d: {  	v2 =	vld.idx.msk [tilespmem:v3+s20+$0x0], $0xffff  }
0x33e: {  	v3 =	vld.idx.msk [tilespmem:v4+s20+$0x0], $0xffff  }
0x33f: {  	v4 =	vld [tilespmem:$0xC610]  }
0x340: {  	v5 =	vld [tilespmem:$0xCA10]  }
0x341: {  	v6 =	vshll.u32 v32, $0x4;
	v7 =	vshll.u32 v33, $0x4  }
0x342: {  	v6 =	vand.u32 $0x10, v6;
	v7 =	vand.u32 $0x10, v7  }
0x343: {  	v2 =	vshra.s32 v2, v6;
	v3 =	vshra.s32 v3, v7  }
0x344: {  	v2 =	vxor.u32 v2, v3;
	v3 =	vshra.s32 v4, $0x1  }
0x345: {  	v34 =	vshra.s32 v5, $0x1;
	v2 =	vand.u32 $0xFFFF, v2  }
0x346: {  	vm7 =	veq.s32 v2, $0x0  }
0x347: {  	v2 =	vsel vm7, $0x3F800000, v0  }
0x348: {  	[tilespmem:$0xCE00] =	vst v2  }
0x349: {  	v2 =	vld.idx.msk [tilespmem:v3+s20+$0x0], $0xffff  }
0x34a: {  	v3 =	vld.idx.msk [tilespmem:v34+s20+$0x0], $0xffff  }
0x34b: {  	v35 =	vld [tilespmem:$0xC620]  }
0x34c: {  	v36 =	vld [tilespmem:$0xCA20]  }
0x34d: {  	v5 =	vshll.u32 v5, $0x4;
	v4 =	vshll.u32 v4, $0x4  }
0x34e: {  	v5 =	vand.u32 $0x10, v5;
	v4 =	vand.u32 $0x10, v4  }
0x34f: {  	v2 =	vshra.s32 v2, v4;
	v3 =	vshra.s32 v3, v5  }
0x350: {  	v2 =	vxor.u32 v2, v3;
	v3 =	vshra.s32 v35, $0x1  }
0x351: {  	v4 =	vshra.s32 v36, $0x1;
	v2 =	vand.u32 $0xFFFF, v2  }
0x352: {  	vm8 =	veq.s32 v2, $0x0  }
0x353: {  	v2 =	vsel vm8, $0x3F800000, v0  }
0x354: {  	[tilespmem:$0xCE10] =	vst v2  }
0x355: {  	v2 =	vld.idx.msk [tilespmem:v3+s20+$0x0], $0xffff  }
0x356: {  	v3 =	vld.idx.msk [tilespmem:v4+s20+$0x0], $0xffff  }
0x357: {  	v4 =	vld [tilespmem:$0xC630]  }
0x358: {  	v5 =	vld [tilespmem:$0xCA30]  }
0x359: {  	v6 =	vshll.u32 v35, $0x4;
	v7 =	vshll.u32 v36, $0x4  }
0x35a: {  	v6 =	vand.u32 $0x10, v6;
	v7 =	vand.u32 $0x10, v7  }
0x35b: {  	v2 =	vshra.s32 v2, v6;
	v3 =	vshra.s32 v3, v7  }
0x35c: {  	v2 =	vxor.u32 v2, v3;
	v3 =	vshra.s32 v4, $0x1  }
0x35d: {  	v37 =	vshra.s32 v5, $0x1;
	v2 =	vand.u32 $0xFFFF, v2  }
0x35e: {  	vm9 =	veq.s32 v2, $0x0  }
0x35f: {  	v2 =	vsel vm9, $0x3F800000, v0  }
0x360: {  	[tilespmem:$0xCE20] =	vst v2  }
0x361: {  	v2 =	vld.idx.msk [tilespmem:v3+s20+$0x0], $0xffff  }
0x362: {  	v3 =	vld.idx.msk [tilespmem:v37+s20+$0x0], $0xffff  }
0x363: {  	v38 =	vld [tilespmem:$0xC640]  }
0x364: {  	v39 =	vld [tilespmem:$0xCA40]  }
0x365: {  	v5 =	vshll.u32 v5, $0x4;
	v4 =	vshll.u32 v4, $0x4  }
0x366: {  	v5 =	vand.u32 $0x10, v5;
	v4 =	vand.u32 $0x10, v4  }
0x367: {  	v2 =	vshra.s32 v2, v4;
	v3 =	vshra.s32 v3, v5  }
0x368: {  	v2 =	vxor.u32 v2, v3;
	v3 =	vshra.s32 v38, $0x1  }
0x369: {  	v4 =	vshra.s32 v39, $0x1;
	v2 =	vand.u32 $0xFFFF, v2  }
0x36a: {  	vm10 =	veq.s32 v2, $0x0  }
0x36b: {  	v2 =	vsel vm10, $0x3F800000, v0  }
0x36c: {  	[tilespmem:$0xCE30] =	vst v2  }
0x36d: {  	v2 =	vld.idx.msk [tilespmem:v3+s20+$0x0], $0xffff  }
0x36e: {  	v3 =	vld.idx.msk [tilespmem:v4+s20+$0x0], $0xffff  }
0x36f: {  	v4 =	vld [tilespmem:$0xC650]  }
0x370: {  	v5 =	vld [tilespmem:$0xCA50]  }
0x371: {  	v6 =	vshll.u32 v38, $0x4;
	v7 =	vshll.u32 v39, $0x4  }
0x372: {  	v6 =	vand.u32 $0x10, v6;
	v7 =	vand.u32 $0x10, v7  }
0x373: {  	v2 =	vshra.s32 v2, v6;
	v3 =	vshra.s32 v3, v7  }
0x374: {  	v2 =	vxor.u32 v2, v3;
	v3 =	vshra.s32 v4, $0x1  }
0x375: {  	v40 =	vshra.s32 v5, $0x1;
	v2 =	vand.u32 $0xFFFF, v2  }
0x376: {  	vm11 =	veq.s32 v2, $0x0  }
0x377: {  	v2 =	vsel vm11, $0x3F800000, v0  }
0x378: {  	[tilespmem:$0xCE40] =	vst v2  }
0x379: {  	v2 =	vld.idx.msk [tilespmem:v3+s20+$0x0], $0xffff  }
0x37a: {  	v3 =	vld.idx.msk [tilespmem:v40+s20+$0x0], $0xffff  }
0x37b: {  	v41 =	vld [tilespmem:$0xC660]  }
0x37c: {  	v42 =	vld [tilespmem:$0xCA60]  }
0x37d: {  	v5 =	vshll.u32 v5, $0x4;
	v4 =	vshll.u32 v4, $0x4  }
0x37e: {  	v5 =	vand.u32 $0x10, v5;
	v4 =	vand.u32 $0x10, v4  }
0x37f: {  	v2 =	vshra.s32 v2, v4;
	v3 =	vshra.s32 v3, v5  }
0x380: {  	v2 =	vxor.u32 v2, v3;
	v3 =	vshra.s32 v41, $0x1  }
0x381: {  	v4 =	vshra.s32 v42, $0x1;
	v2 =	vand.u32 $0xFFFF, v2  }
0x382: {  	vm12 =	veq.s32 v2, $0x0  }
0x383: {  	v2 =	vsel vm12, $0x3F800000, v0  }
0x384: {  	[tilespmem:$0xCE50] =	vst v2  }
0x385: {  	v2 =	vld.idx.msk [tilespmem:v3+s20+$0x0], $0xffff  }
0x386: {  	v3 =	vld.idx.msk [tilespmem:v4+s20+$0x0], $0xffff  }
0x387: {  	v4 =	vld [tilespmem:$0xC670]  }
0x388: {  	v5 =	vld [tilespmem:$0xCA70]  }
0x389: {  	v6 =	vshll.u32 v41, $0x4;
	v7 =	vshll.u32 v42, $0x4  }
0x38a: {  	v6 =	vand.u32 $0x10, v6;
	v7 =	vand.u32 $0x10, v7  }
0x38b: {  	v2 =	vshra.s32 v2, v6;
	v3 =	vshra.s32 v3, v7  }
0x38c: {  	v2 =	vxor.u32 v2, v3;
	v3 =	vshra.s32 v4, $0x1  }
0x38d: {  	v43 =	vshra.s32 v5, $0x1;
	v2 =	vand.u32 $0xFFFF, v2  }
0x38e: {  	vm13 =	veq.s32 v2, $0x0  }
0x38f: {  	v2 =	vsel vm13, $0x3F800000, v0  }
0x390: {  	[tilespmem:$0xCE60] =	vst v2  }
0x391: {  	v2 =	vld.idx.msk [tilespmem:v3+s20+$0x0], $0xffff  }
0x392: {  	v3 =	vld.idx.msk [tilespmem:v43+s20+$0x0], $0xffff  }
0x393: {  	v44 =	vld [tilespmem:$0xC680]  }
0x394: {  	v45 =	vld [tilespmem:$0xCA80]  }
0x395: {  	v5 =	vshll.u32 v5, $0x4;
	v4 =	vshll.u32 v4, $0x4  }
0x396: {  	v5 =	vand.u32 $0x10, v5;
	v4 =	vand.u32 $0x10, v4  }
0x397: {  	v2 =	vshra.s32 v2, v4;
	v3 =	vshra.s32 v3, v5  }
0x398: {  	v2 =	vxor.u32 v2, v3;
	v3 =	vshra.s32 v44, $0x1  }
0x399: {  	v4 =	vshra.s32 v45, $0x1;
	v2 =	vand.u32 $0xFFFF, v2  }
0x39a: {  	vm14 =	veq.s32 v2, $0x0  }
0x39b: {  	v2 =	vsel vm14, $0x3F800000, v0  }
0x39c: {  	[tilespmem:$0xCE70] =	vst v2  }
0x39d: {  	v2 =	vld.idx.msk [tilespmem:v3+s20+$0x0], $0xffff  }
0x39e: {  	v3 =	vld.idx.msk [tilespmem:v4+s20+$0x0], $0xffff  }
0x39f: {  	v4 =	vld [tilespmem:$0xC690]  }
0x3a0: {  	v5 =	vld [tilespmem:$0xCA90]  }
0x3a1: {  	v6 =	vshll.u32 v44, $0x4;
	v7 =	vshll.u32 v45, $0x4  }
0x3a2: {  	v6 =	vand.u32 $0x10, v6;
	v7 =	vand.u32 $0x10, v7  }
0x3a3: {  	v2 =	vshra.s32 v2, v6;
	v3 =	vshra.s32 v3, v7  }
0x3a4: {  	v2 =	vxor.u32 v2, v3;
	v3 =	vshra.s32 v4, $0x1  }
0x3a5: {  	v46 =	vshra.s32 v5, $0x1;
	v2 =	vand.u32 $0xFFFF, v2  }
0x3a6: {  	vm15 =	veq.s32 v2, $0x0  }
0x3a7: {  	v2 =	vsel vm15, $0x3F800000, v0  }
0x3a8: {  	[tilespmem:$0xCE80] =	vst v2  }
0x3a9: {  	v2 =	vld.idx.msk [tilespmem:v3+s20+$0x0], $0xffff  }
0x3aa: {  	v3 =	vld.idx.msk [tilespmem:v46+s20+$0x0], $0xffff  }
0x3ab: {  	v47 =	vld [tilespmem:$0xC6A0]  }
0x3ac: {  	v48 =	vld [tilespmem:$0xCAA0]  }
0x3ad: {  	v5 =	vshll.u32 v5, $0x4;
	v4 =	vshll.u32 v4, $0x4  }
0x3ae: {  	v5 =	vand.u32 $0x10, v5;
	v4 =	vand.u32 $0x10, v4  }
0x3af: {  	v2 =	vshra.s32 v2, v4;
	v3 =	vshra.s32 v3, v5  }
0x3b0: {  	v2 =	vxor.u32 v2, v3;
	v3 =	vshra.s32 v47, $0x1  }
0x3b1: {  	v4 =	vshra.s32 v48, $0x1;
	v2 =	vand.u32 $0xFFFF, v2  }
0x3b2: {  	vm4 =	veq.s32 v2, $0x0  }
0x3b3: {  	v2 =	vsel vm4, $0x3F800000, v0  }
0x3b4: {  	[tilespmem:$0xCE90] =	vst v2  }
0x3b5: {  	v2 =	vld.idx.msk [tilespmem:v3+s20+$0x0], $0xffff  }
0x3b6: {  	v3 =	vld.idx.msk [tilespmem:v4+s20+$0x0], $0xffff  }
0x3b7: {  	v4 =	vld [tilespmem:$0xC6B0]  }
0x3b8: {  	v5 =	vld [tilespmem:$0xCAB0]  }
0x3b9: {  	v6 =	vshll.u32 v47, $0x4;
	v7 =	vshll.u32 v48, $0x4  }
0x3ba: {  	v6 =	vand.u32 $0x10, v6;
	v7 =	vand.u32 $0x10, v7  }
0x3bb: {  	v2 =	vshra.s32 v2, v6;
	v3 =	vshra.s32 v3, v7  }
0x3bc: {  	v2 =	vxor.u32 v2, v3;
	v3 =	vshra.s32 v4, $0x1  }
0x3bd: {  	v49 =	vshra.s32 v5, $0x1;
	v2 =	vand.u32 $0xFFFF, v2  }
0x3be: {  	vm5 =	veq.s32 v2, $0x0  }
0x3bf: {  	v2 =	vsel vm5, $0x3F800000, v0  }
0x3c0: {  	[tilespmem:$0xCEA0] =	vst v2  }
0x3c1: {  	v2 =	vld.idx.msk [tilespmem:v3+s20+$0x0], $0xffff  }
0x3c2: {  	v3 =	vld.idx.msk [tilespmem:v49+s20+$0x0], $0xffff  }
0x3c3: {  	v50 =	vld [tilespmem:$0xC6C0]  }
0x3c4: {  	v51 =	vld [tilespmem:$0xCAC0]  }
0x3c5: {  	v5 =	vshll.u32 v5, $0x4;
	v4 =	vshll.u32 v4, $0x4  }
0x3c6: {  	v5 =	vand.u32 $0x10, v5;
	v4 =	vand.u32 $0x10, v4  }
0x3c7: {  	v2 =	vshra.s32 v2, v4;
	v3 =	vshra.s32 v3, v5  }
0x3c8: {  	v2 =	vxor.u32 v2, v3;
	v3 =	vshra.s32 v50, $0x1  }
0x3c9: {  	v4 =	vshra.s32 v51, $0x1;
	v2 =	vand.u32 $0xFFFF, v2  }
0x3ca: {  	vm6 =	veq.s32 v2, $0x0  }
0x3cb: {  	v2 =	vsel vm6, $0x3F800000, v0  }
0x3cc: {  	[tilespmem:$0xCEB0] =	vst v2  }
0x3cd: {  	v2 =	vld.idx.msk [tilespmem:v3+s20+$0x0], $0xffff  }
0x3ce: {  	v3 =	vld.idx.msk [tilespmem:v4+s20+$0x0], $0xffff  }
0x3cf: {  	v4 =	vld [tilespmem:$0xC6D0]  }
0x3d0: {  	v5 =	vld [tilespmem:$0xCAD0]  }
0x3d1: {  	v6 =	vshll.u32 v50, $0x4;
	v7 =	vshll.u32 v51, $0x4  }
0x3d2: {  	v6 =	vand.u32 $0x10, v6;
	v7 =	vand.u32 $0x10, v7  }
0x3d3: {  	v2 =	vshra.s32 v2, v6;
	v3 =	vshra.s32 v3, v7  }
0x3d4: {  	v2 =	vxor.u32 v2, v3;
	v3 =	vshra.s32 v4, $0x1  }
0x3d5: {  	v52 =	vshra.s32 v5, $0x1;
	v2 =	vand.u32 $0xFFFF, v2  }
0x3d6: {  	vm7 =	veq.s32 v2, $0x0  }
0x3d7: {  	v2 =	vsel vm7, $0x3F800000, v0  }
0x3d8: {  	[tilespmem:$0xCEC0] =	vst v2  }
0x3d9: {  	v2 =	vld.idx.msk [tilespmem:v3+s20+$0x0], $0xffff  }
0x3da: {  	v3 =	vld.idx.msk [tilespmem:v52+s20+$0x0], $0xffff  }
0x3db: {  	v53 =	vld [tilespmem:$0xC6E0]  }
0x3dc: {  	v54 =	vld [tilespmem:$0xCAE0]  }
0x3dd: {  	v5 =	vshll.u32 v5, $0x4;
	v4 =	vshll.u32 v4, $0x4  }
0x3de: {  	v5 =	vand.u32 $0x10, v5;
	v4 =	vand.u32 $0x10, v4  }
0x3df: {  	v2 =	vshra.s32 v2, v4;
	v3 =	vshra.s32 v3, v5  }
0x3e0: {  	v2 =	vxor.u32 v2, v3;
	v3 =	vshra.s32 v53, $0x1  }
0x3e1: {  	v4 =	vshra.s32 v54, $0x1;
	v2 =	vand.u32 $0xFFFF, v2  }
0x3e2: {  	vm8 =	veq.s32 v2, $0x0  }
0x3e3: {  	v2 =	vsel vm8, $0x3F800000, v0  }
0x3e4: {  	[tilespmem:$0xCED0] =	vst v2  }
0x3e5: {  	v2 =	vld.idx.msk [tilespmem:v3+s20+$0x0], $0xffff  }
0x3e6: {  	v3 =	vld.idx.msk [tilespmem:v4+s20+$0x0], $0xffff  }
0x3e7: {  	v4 =	vld [tilespmem:$0xC6F0]  }
0x3e8: {  	v5 =	vld [tilespmem:$0xCAF0]  }
0x3e9: {  	v6 =	vshll.u32 v53, $0x4;
	v7 =	vshll.u32 v54, $0x4  }
0x3ea: {  	v6 =	vand.u32 $0x10, v6;
	v7 =	vand.u32 $0x10, v7  }
0x3eb: {  	v2 =	vshra.s32 v2, v6;
	v3 =	vshra.s32 v3, v7  }
0x3ec: {  	v2 =	vxor.u32 v2, v3;
	v3 =	vshra.s32 v4, $0x1  }
0x3ed: {  	v55 =	vshra.s32 v5, $0x1;
	v2 =	vand.u32 $0xFFFF, v2  }
0x3ee: {  	vm9 =	veq.s32 v2, $0x0  }
0x3ef: {  	v2 =	vsel vm9, $0x3F800000, v0  }
0x3f0: {  	[tilespmem:$0xCEE0] =	vst v2  }
0x3f1: {  	v2 =	vld.idx.msk [tilespmem:v3+s20+$0x0], $0xffff  }
0x3f2: {  	v3 =	vld.idx.msk [tilespmem:v55+s20+$0x0], $0xffff  }
0x3f3: {  	v56 =	vld [tilespmem:$0xC700]  }
0x3f4: {  	v57 =	vld [tilespmem:$0xCB00]  }
0x3f5: {  	v5 =	vshll.u32 v5, $0x4;
	v4 =	vshll.u32 v4, $0x4  }
0x3f6: {  	v5 =	vand.u32 $0x10, v5;
	v4 =	vand.u32 $0x10, v4  }
0x3f7: {  	v2 =	vshra.s32 v2, v4;
	v3 =	vshra.s32 v3, v5  }
0x3f8: {  	v2 =	vxor.u32 v2, v3;
	v3 =	vshra.s32 v56, $0x1  }
0x3f9: {  	v4 =	vshra.s32 v57, $0x1;
	v2 =	vand.u32 $0xFFFF, v2  }
0x3fa: {  	vm10 =	veq.s32 v2, $0x0  }
0x3fb: {  	v2 =	vsel vm10, $0x3F800000, v0  }
0x3fc: {  	[tilespmem:$0xCEF0] =	vst v2  }
0x3fd: {  	v2 =	vld.idx.msk [tilespmem:v3+s20+$0x0], $0xffff  }
0x3fe: {  	v3 =	vld.idx.msk [tilespmem:v4+s20+$0x0], $0xffff  }
0x3ff: {  	v4 =	vld [tilespmem:$0xC710]  }
0x400: {  	v5 =	vld [tilespmem:$0xCB10]  }
0x401: {  	v6 =	vshll.u32 v56, $0x4;
	v7 =	vshll.u32 v57, $0x4  }
0x402: {  	v6 =	vand.u32 $0x10, v6;
	v7 =	vand.u32 $0x10, v7  }
0x403: {  	v2 =	vshra.s32 v2, v6;
	v3 =	vshra.s32 v3, v7  }
0x404: {  	v2 =	vxor.u32 v2, v3;
	v3 =	vshra.s32 v4, $0x1  }
0x405: {  	v58 =	vshra.s32 v5, $0x1;
	v2 =	vand.u32 $0xFFFF, v2  }
0x406: {  	vm11 =	veq.s32 v2, $0x0  }
0x407: {  	v2 =	vsel vm11, $0x3F800000, v0  }
0x408: {  	[tilespmem:$0xCF00] =	vst v2  }
0x409: {  	v2 =	vld.idx.msk [tilespmem:v3+s20+$0x0], $0xffff  }
0x40a: {  	v3 =	vld.idx.msk [tilespmem:v58+s20+$0x0], $0xffff  }
0x40b: {  	v59 =	vld [tilespmem:$0xC720]  }
0x40c: {  	v60 =	vld [tilespmem:$0xCB20]  }
0x40d: {  	v5 =	vshll.u32 v5, $0x4;
	v4 =	vshll.u32 v4, $0x4  }
0x40e: {  	v5 =	vand.u32 $0x10, v5;
	v4 =	vand.u32 $0x10, v4  }
0x40f: {  	v2 =	vshra.s32 v2, v4;
	v3 =	vshra.s32 v3, v5  }
0x410: {  	v2 =	vxor.u32 v2, v3;
	v3 =	vshra.s32 v59, $0x1  }
0x411: {  	v4 =	vshra.s32 v60, $0x1;
	v2 =	vand.u32 $0xFFFF, v2  }
0x412: {  	vm12 =	veq.s32 v2, $0x0  }
0x413: {  	v2 =	vsel vm12, $0x3F800000, v0  }
0x414: {  	[tilespmem:$0xCF10] =	vst v2  }
0x415: {  	v2 =	vld.idx.msk [tilespmem:v3+s20+$0x0], $0xffff  }
0x416: {  	v3 =	vld.idx.msk [tilespmem:v4+s20+$0x0], $0xffff  }
0x417: {  	v4 =	vld [tilespmem:$0xC730]  }
0x418: {  	v5 =	vld [tilespmem:$0xCB30]  }
0x419: {  	v6 =	vshll.u32 v59, $0x4;
	v7 =	vshll.u32 v60, $0x4  }
0x41a: {  	v6 =	vand.u32 $0x10, v6;
	v7 =	vand.u32 $0x10, v7  }
0x41b: {  	v2 =	vshra.s32 v2, v6;
	v3 =	vshra.s32 v3, v7  }
0x41c: {  	v2 =	vxor.u32 v2, v3;
	v3 =	vshra.s32 v4, $0x1  }
0x41d: {  	v61 =	vshra.s32 v5, $0x1;
	v2 =	vand.u32 $0xFFFF, v2  }
0x41e: {  	vm13 =	veq.s32 v2, $0x0  }
0x41f: {  	v2 =	vsel vm13, $0x3F800000, v0  }
0x420: {  	[tilespmem:$0xCF20] =	vst v2  }
0x421: {  	v2 =	vld.idx.msk [tilespmem:v3+s20+$0x0], $0xffff  }
0x422: {  	v3 =	vld.idx.msk [tilespmem:v61+s20+$0x0], $0xffff  }
0x423: {  	v62 =	vld [tilespmem:$0xC740]  }
0x424: {  	v63 =	vld [tilespmem:$0xCB40]  }
0x425: {  	v5 =	vshll.u32 v5, $0x4;
	v4 =	vshll.u32 v4, $0x4  }
0x426: {  	v5 =	vand.u32 $0x10, v5;
	v4 =	vand.u32 $0x10, v4  }
0x427: {  	v2 =	vshra.s32 v2, v4;
	v3 =	vshra.s32 v3, v5  }
0x428: {  	v2 =	vxor.u32 v2, v3;
	v3 =	vshra.s32 v62, $0x1  }
0x429: {  	v4 =	vshra.s32 v63, $0x1;
	v2 =	vand.u32 $0xFFFF, v2  }
0x42a: {  	vm14 =	veq.s32 v2, $0x0  }
0x42b: {  	v2 =	vsel vm14, $0x3F800000, v0  }
0x42c: {  	[tilespmem:$0xCF30] =	vst v2  }
0x42d: {  	v2 =	vld.idx.msk [tilespmem:v3+s20+$0x0], $0xffff  }
0x42e: {  	v3 =	vld.idx.msk [tilespmem:v4+s20+$0x0], $0xffff;
	_ =	sdelay $0x2  }
0x42f: {  	v5 =	vshll.u32 v63, $0x4;
	v4 =	vshll.u32 v62, $0x4  }
0x430: {  	v5 =	vand.u32 $0x10, v5;
	v4 =	vand.u32 $0x10, v4  }
0x431: {  	v2 =	vshra.s32 v2, v4;
	v3 =	vshra.s32 v3, v5  }
0x432: {  	v2 =	vxor.u32 v2, v3  }
0x433: {  	v2 =	vand.u32 $0xFFFF, v2  }
0x434: {  	vm15 =	veq.s32 v2, $0x0  }
0x435: {  	v2 =	vsel vm15, $0x3F800000, v0  }
0x436: {  	[tilespmem:$0xCF40] =	vst v2  }
0x437: {  	v2 =	vmov s20;
	_ =	swait.ge [sflag:s25], $0x2000  }
0x438: {  	v2 =	vshrl.u32 v2, $0x3;
	[sflag:s25] =	ssyncset.done $0x0  }
0x439: {  	v2 =	vshll.u32 v2, v1;
	[sflag:s25] =	ssyncadd.s32 $0xFFFFE000  }
0x43a: {  	v2 =	vbroadcast v2, $0x0;
	_ =	swait.ge [sflag:s25], $0x2000  }
0x43b: {  	[sflag:s25] =	ssyncset.done $0x0  }
0x43c: {  	s21 =	simm.s32 $0xEF90;
	[sflag:s25] =	ssyncadd.s32 $0xFFFFE000  }
0x43d: {  	s20 =	simm.s32 $0x12F90;
	v3 =	vld [tilespmem:s21+$0xFFFFFFC0]  }
0x43e: {  	v4 =	vld [tilespmem:s20+$0xFFFFFFC0]  }
0x43f: {  	s16 =	simm.s32 $0x1  }
0x440: {  	v5 =	vmov s16;
	v2 =	vld.idx.msk [tilespmem:v2+s26+$0x0], $0xffff  }
0x441: {  	v5 =	vshrl.u32 v5, $0x3  }
0x442: {  	v5 =	vshll.u32 v5, v1  }
0x443: {  	v3 =	vmul.f32 v4, v3;
	v4 =	vadd.s32 $0x1, v5  }
0x444: {  	v4 =	vbroadcast v4, $0x0  }
0x445: {  	v2 =	vmul.f32 v3, v2;
	_ =	sdelay $0x1  }
0x446: {  	[tilespmem:s21+$0xFFFFFFC0] =	vst v2;
	v2 =	vld [tilespmem:s21+$0xFFFFFFD0]  }
0x447: {  	v3 =	vld [tilespmem:s20+$0xFFFFFFD0]  }
0x448: {  	s18 =	simm.s32 $0x2  }
0x449: {  	v5 =	vmov s18;
	v4 =	vld.idx.msk [tilespmem:v4+s26+$0x0], $0xffff  }
0x44a: {  	v5 =	vshrl.u32 v5, $0x3  }
0x44b: {  	v5 =	vshll.u32 v5, v1  }
0x44c: {  	v2 =	vmul.f32 v3, v2;
	v3 =	vadd.s32 $0x2, v5  }
0x44d: {  	v3 =	vbroadcast v3, $0x0  }
0x44e: {  	v2 =	vmul.f32 v2, v4;
	_ =	sdelay $0x1  }
0x44f: {  	[tilespmem:s21+$0xFFFFFFD0] =	vst v2;
	v2 =	vld [tilespmem:s21+$0xFFFFFFE0]  }
0x450: {  	v4 =	vld [tilespmem:s20+$0xFFFFFFE0]  }
0x451: {  	s22 =	simm.s32 $0x3  }
0x452: {  	v5 =	vmov s22;
	v3 =	vld.idx.msk [tilespmem:v3+s26+$0x0], $0xffff  }
0x453: {  	v5 =	vshrl.u32 v5, $0x3  }
0x454: {  	v5 =	vshll.u32 v5, v1  }
0x455: {  	v2 =	vmul.f32 v4, v2;
	v4 =	vadd.s32 $0x3, v5  }
0x456: {  	v4 =	vbroadcast v4, $0x0  }
0x457: {  	v2 =	vmul.f32 v2, v3;
	_ =	sdelay $0x1  }
0x458: {  	[tilespmem:s21+$0xFFFFFFE0] =	vst v2;
	v2 =	vld [tilespmem:s21+$0xFFFFFFF0]  }
0x459: {  	v3 =	vld [tilespmem:s20+$0xFFFFFFF0]  }
0x45a: {  	s15 =	simm.s32 $0x4  }
0x45b: {  	v5 =	vmov s15;
	v4 =	vld.idx.msk [tilespmem:v4+s26+$0x0], $0xffff  }
0x45c: {  	v5 =	vshrl.u32 v5, $0x3  }
0x45d: {  	v5 =	vshll.u32 v5, v1  }
0x45e: {  	v2 =	vmul.f32 v3, v2;
	v3 =	vadd.s32 $0x4, v5  }
0x45f: {  	v3 =	vbroadcast v3, $0x0  }
0x460: {  	v2 =	vmul.f32 v2, v4;
	_ =	sdelay $0x1  }
0x461: {  	[tilespmem:s21+$0xFFFFFFF0] =	vst v2;
	v2 =	vld [tilespmem:s21+$0x0]  }
0x462: {  	v4 =	vld [tilespmem:s20+$0x0]  }
0x463: {  	s16 =	simm.s32 $0x5  }
0x464: {  	v5 =	vmov s16;
	v3 =	vld.idx.msk [tilespmem:v3+s26+$0x0], $0xffff  }
0x465: {  	v5 =	vshrl.u32 v5, $0x3  }
0x466: {  	v5 =	vshll.u32 v5, v1  }
0x467: {  	v2 =	vmul.f32 v4, v2;
	v4 =	vadd.s32 $0x5, v5  }
0x468: {  	v4 =	vbroadcast v4, $0x0  }
0x469: {  	v2 =	vmul.f32 v2, v3;
	_ =	sdelay $0x1  }
0x46a: {  	[tilespmem:s21+$0x0] =	vst v2;
	v2 =	vld [tilespmem:s21+$0x10]  }
0x46b: {  	v3 =	vld [tilespmem:s20+$0x10]  }
0x46c: {  	s18 =	simm.s32 $0x6  }
0x46d: {  	v5 =	vmov s18;
	v4 =	vld.idx.msk [tilespmem:v4+s26+$0x0], $0xffff  }
0x46e: {  	v5 =	vshrl.u32 v5, $0x3  }
0x46f: {  	v5 =	vshll.u32 v5, v1  }
0x470: {  	v2 =	vmul.f32 v3, v2;
	v3 =	vadd.s32 $0x6, v5  }
0x471: {  	v3 =	vbroadcast v3, $0x0  }
0x472: {  	v2 =	vmul.f32 v2, v4;
	_ =	sdelay $0x1  }
0x473: {  	[tilespmem:s21+$0x10] =	vst v2;
	v2 =	vld [tilespmem:s21+$0x20]  }
0x474: {  	v4 =	vld [tilespmem:s20+$0x20];
	_ =	sdelay $0x1  }
0x475: {  	s22 =	simm.s32 $0x7;
	v3 =	vld.idx.msk [tilespmem:v3+s26+$0x0], $0xffff  }
0x476: {  	v5 =	vmov s22  }
0x477: {  	v5 =	vshrl.u32 v5, $0x3  }
0x478: {  	v5 =	vshll.u32 v5, v1;
	v2 =	vmul.f32 v4, v2  }
0x479: {  	v4 =	vadd.s32 $0x7, v5  }
0x47a: {  	v4 =	vbroadcast v4, $0x0;
	v2 =	vmul.f32 v2, v3;
	_ =	sdelay $0x1  }
0x47b: {  	[tilespmem:s21+$0x20] =	vst v2;
	v2 =	vld [tilespmem:s21+$0x30]  }
0x47c: {  	v3 =	vld [tilespmem:s20+$0x30];
	_ =	sdelay $0x1  }
0x47d: {  	s15 =	simm.s32 $0x8  }
0x47e: {  	v5 =	vmov s15;
	v4 =	vld.idx.msk [tilespmem:v4+s26+$0x0], $0xffff  }
0x47f: {  	v5 =	vshrl.u32 v5, $0x3  }
0x480: {  	v3 =	vmul.f32 v3, v2;
	v2 =	vshll.u32 v5, v1  }
0x481: {  	v2 =	vbroadcast v2, $0x0;
	_ =	sdelay $0x1  }
0x482: {  	s16 =	simm.s32 $0x10;
	s22 =	simm.s32 $0xF010;
	v3 =	vmul.f32 v3, v4  }
.LBB2_8:
0x483: {  	p0 =	slt.u32 s16, $0x1F8;
	s20 =	sadd.s32 $0x80, s20  }
0x484: {  	v4 =	vld [tilespmem:s22+$0xFFFFFFC0];
	[tilespmem:s21+$0x30] =	vst v3;
	s18 =	smov.u32 s16;
	s16 =	sadd.s32 $0x8, s16;
	s21 =	smov.u32 s22  }
0x485: {  	s8 =	sadd.s32 $0x1, s15;
	v3 =	vld [tilespmem:s20+$0xFFFFFFC0]  }
0x486: {  	v5 =	vmov s8;
	v2 =	vld.idx.msk [tilespmem:v2+s26+$0x0], $0xffff  }
0x487: {  	v5 =	vshrl.u32 v5, $0x3  }
0x488: {  	v5 =	vshll.u32 v5, v1  }
0x489: {  	v5 =	vadd.s32 $0x1, v5  }
0x48a: {  	v3 =	vmul.f32 v3, v4;
	v4 =	vbroadcast v5, $0x0;
	_ =	sdelay $0x1  }
0x48b: {  	v2 =	vmul.f32 v3, v2;
	_ =	sdelay $0x1  }
0x48c: {  	[tilespmem:s22+$0xFFFFFFC0] =	vst v2;
	v2 =	vld [tilespmem:s22+$0xFFFFFFD0]  }
0x48d: {  	s8 =	sadd.s32 $0x2, s15;
	v3 =	vld [tilespmem:s20+$0xFFFFFFD0]  }
0x48e: {  	v5 =	vmov s8;
	v4 =	vld.idx.msk [tilespmem:v4+s26+$0x0], $0xffff  }
0x48f: {  	v5 =	vshrl.u32 v5, $0x3  }
0x490: {  	v5 =	vshll.u32 v5, v1  }
0x491: {  	v5 =	vadd.s32 $0x2, v5  }
0x492: {  	v2 =	vmul.f32 v3, v2;
	v3 =	vbroadcast v5, $0x0;
	_ =	sdelay $0x1  }
0x493: {  	v2 =	vmul.f32 v2, v4;
	_ =	sdelay $0x1  }
0x494: {  	[tilespmem:s22+$0xFFFFFFD0] =	vst v2;
	v2 =	vld [tilespmem:s22+$0xFFFFFFE0]  }
0x495: {  	s8 =	sadd.s32 $0x3, s15;
	v4 =	vld [tilespmem:s20+$0xFFFFFFE0]  }
0x496: {  	v5 =	vmov s8;
	v3 =	vld.idx.msk [tilespmem:v3+s26+$0x0], $0xffff  }
0x497: {  	v5 =	vshrl.u32 v5, $0x3  }
0x498: {  	v5 =	vshll.u32 v5, v1  }
0x499: {  	v5 =	vadd.s32 $0x3, v5  }
0x49a: {  	v2 =	vmul.f32 v4, v2;
	v4 =	vbroadcast v5, $0x0;
	_ =	sdelay $0x1  }
0x49b: {  	v2 =	vmul.f32 v2, v3;
	_ =	sdelay $0x1  }
0x49c: {  	[tilespmem:s22+$0xFFFFFFE0] =	vst v2;
	v2 =	vld [tilespmem:s22+$0xFFFFFFF0]  }
0x49d: {  	s8 =	sadd.s32 $0x4, s15;
	v3 =	vld [tilespmem:s20+$0xFFFFFFF0]  }
0x49e: {  	v5 =	vmov s8;
	v4 =	vld.idx.msk [tilespmem:v4+s26+$0x0], $0xffff  }
0x49f: {  	v5 =	vshrl.u32 v5, $0x3  }
0x4a0: {  	v5 =	vshll.u32 v5, v1  }
0x4a1: {  	v5 =	vadd.s32 $0x4, v5  }
0x4a2: {  	v2 =	vmul.f32 v3, v2;
	v3 =	vbroadcast v5, $0x0;
	_ =	sdelay $0x1  }
0x4a3: {  	v2 =	vmul.f32 v2, v4;
	_ =	sdelay $0x1  }
0x4a4: {  	[tilespmem:s22+$0xFFFFFFF0] =	vst v2;
	v2 =	vld [tilespmem:s22+$0x0]  }
0x4a5: {  	s8 =	sadd.s32 $0x5, s15;
	v4 =	vld [tilespmem:s20+$0x0]  }
0x4a6: {  	v5 =	vmov s8;
	v3 =	vld.idx.msk [tilespmem:v3+s26+$0x0], $0xffff  }
0x4a7: {  	v5 =	vshrl.u32 v5, $0x3  }
0x4a8: {  	v5 =	vshll.u32 v5, v1  }
0x4a9: {  	v5 =	vadd.s32 $0x5, v5  }
0x4aa: {  	v2 =	vmul.f32 v4, v2;
	v4 =	vbroadcast v5, $0x0;
	_ =	sdelay $0x1  }
0x4ab: {  	v2 =	vmul.f32 v2, v3;
	_ =	sdelay $0x1  }
0x4ac: {  	[tilespmem:s22+$0x0] =	vst v2;
	v2 =	vld [tilespmem:s22+$0x10]  }
0x4ad: {  	s8 =	sadd.s32 $0x6, s15;
	v3 =	vld [tilespmem:s20+$0x10]  }
0x4ae: {  	v5 =	vmov s8;
	v4 =	vld.idx.msk [tilespmem:v4+s26+$0x0], $0xffff  }
0x4af: {  	v5 =	vshrl.u32 v5, $0x3  }
0x4b0: {  	v5 =	vshll.u32 v5, v1  }
0x4b1: {  	v5 =	vadd.s32 $0x6, v5  }
0x4b2: {  	v2 =	vmul.f32 v3, v2;
	v3 =	vbroadcast v5, $0x0;
	_ =	sdelay $0x1  }
0x4b3: {  	v2 =	vmul.f32 v2, v4;
	_ =	sdelay $0x1  }
0x4b4: {  	[tilespmem:s22+$0x10] =	vst v2;
	v2 =	vld [tilespmem:s22+$0x20]  }
0x4b5: {  	s8 =	sadd.s32 $0x7, s15;
	s15 =	smov.u32 s18;
	v4 =	vld [tilespmem:s20+$0x20]  }
0x4b6: {  	v5 =	vmov s8;
	v3 =	vld.idx.msk [tilespmem:v3+s26+$0x0], $0xffff  }
0x4b7: {  	v5 =	vshrl.u32 v5, $0x3  }
0x4b8: {  	v5 =	vshll.u32 v5, v1  }
0x4b9: {  	v5 =	vadd.s32 $0x7, v5  }
0x4ba: {  	v2 =	vmul.f32 v4, v2;
	v4 =	vbroadcast v5, $0x0;
	_ =	sdelay $0x1  }
0x4bb: {  	v2 =	vmul.f32 v2, v3;
	_ =	sdelay $0x1  }
0x4bc: {  	[tilespmem:s22+$0x20] =	vst v2;
	v3 =	vld [tilespmem:s22+$0x30]  }
0x4bd: {  	v5 =	vld [tilespmem:s20+$0x30]  }
0x4be: {  	v4 =	vld.idx.msk [tilespmem:v4+s26+$0x0], $0xffff  }
0x4bf: {  	v2 =	vmov s15  }
0x4c0: {  	v2 =	vshrl.u32 v2, $0x3  }
.Ltmp7:
0x4c1: {  	v2 =	vshll.u32 v2, v1;
	(pc) =	sbr.rel @p0 .LBB2_8-.Ltmp7, $3  }
0x4c2: {  	v2 =	vbroadcast v2, $0x0;
	v3 =	vmul.f32 v5, v3;
	_ =	sdelay $0x1  }
0x4c3: {  	v3 =	vmul.f32 v3, v4  }
0x4c4: {  	s22 =	sadd.s32 $0x80, s22  }
0x4c5: {  	_ = 	snop  }
0x4c6: {  	v4 =	vld [tilespmem:s22+$0xFFFFFFC0];
	[tilespmem:s21+$0x30] =	vst v3;
	s16 =	sadd.s32 $0x80, s20  }
0x4c7: {  	v3 =	vld [tilespmem:s16+$0xFFFFFFC0]  }
0x4c8: {  	s8 =	sadd.s32 $0x1, s15  }
0x4c9: {  	v2 =	vld.idx.msk [tilespmem:v2+s26+$0x0], $0xffff;
	v5 =	vmov s8  }
0x4ca: {  	v5 =	vshrl.u32 v5, $0x3  }
0x4cb: {  	v5 =	vshll.u32 v5, v1  }
0x4cc: {  	v51 =	vadd.s32 $0x1, v5;
	v3 =	vmul.f32 v3, v4  }
0x4cd: {  	v4 =	vbroadcast v51, $0x0  }
0x4ce: {  	v2 =	vmul.f32 v3, v2;
	_ =	sdelay $0x1  }
0x4cf: {  	[tilespmem:s22+$0xFFFFFFC0] =	vst v2;
	v2 =	vld [tilespmem:s22+$0xFFFFFFD0]  }
0x4d0: {  	v3 =	vld [tilespmem:s16+$0xFFFFFFD0]  }
0x4d1: {  	s21 =	sadd.s32 $0x2, s15  }
0x4d2: {  	v52 =	vmov s21;
	v4 =	vld.idx.msk [tilespmem:v4+s26+$0x0], $0xffff  }
0x4d3: {  	v5 =	vshrl.u32 v52, $0x3  }
0x4d4: {  	v5 =	vshll.u32 v5, v1  }
0x4d5: {  	v2 =	vmul.f32 v3, v2;
	v3 =	vadd.s32 $0x2, v5  }
0x4d6: {  	v3 =	vbroadcast v3, $0x0  }
0x4d7: {  	v2 =	vmul.f32 v2, v4;
	_ =	sdelay $0x1  }
0x4d8: {  	[tilespmem:s22+$0xFFFFFFD0] =	vst v2;
	v2 =	vld [tilespmem:s22+$0xFFFFFFE0]  }
0x4d9: {  	v53 =	vld [tilespmem:s16+$0xFFFFFFE0]  }
0x4da: {  	s18 =	sadd.s32 $0x3, s15  }
0x4db: {  	v54 =	vmov s18;
	v3 =	vld.idx.msk [tilespmem:v3+s26+$0x0], $0xffff  }
0x4dc: {  	v5 =	vshrl.u32 v54, $0x3  }
0x4dd: {  	v5 =	vshll.u32 v5, v1  }
0x4de: {  	v55 =	vadd.s32 $0x3, v5;
	v2 =	vmul.f32 v53, v2  }
0x4df: {  	v4 =	vbroadcast v55, $0x0  }
0x4e0: {  	v2 =	vmul.f32 v2, v3;
	_ =	sdelay $0x1  }
0x4e1: {  	[tilespmem:s22+$0xFFFFFFE0] =	vst v2;
	v2 =	vld [tilespmem:s22+$0xFFFFFFF0]  }
0x4e2: {  	v3 =	vld [tilespmem:s16+$0xFFFFFFF0]  }
0x4e3: {  	s20 =	sadd.s32 $0x4, s15  }
0x4e4: {  	v56 =	vmov s20;
	v4 =	vld.idx.msk [tilespmem:v4+s26+$0x0], $0xffff  }
0x4e5: {  	v5 =	vshrl.u32 v56, $0x3  }
0x4e6: {  	v5 =	vshll.u32 v5, v1  }
0x4e7: {  	v2 =	vmul.f32 v3, v2;
	v3 =	vadd.s32 $0x4, v5  }
0x4e8: {  	v3 =	vbroadcast v3, $0x0  }
0x4e9: {  	v2 =	vmul.f32 v2, v4;
	_ =	sdelay $0x1  }
0x4ea: {  	[tilespmem:s22+$0xFFFFFFF0] =	vst v2;
	v2 =	vld [tilespmem:s22+$0x0]  }
0x4eb: {  	v57 =	vld [tilespmem:s16+$0x0]  }
0x4ec: {  	s21 =	sadd.s32 $0x5, s15  }
0x4ed: {  	v58 =	vmov s21;
	v3 =	vld.idx.msk [tilespmem:v3+s26+$0x0], $0xffff  }
0x4ee: {  	v5 =	vshrl.u32 v58, $0x3  }
0x4ef: {  	v5 =	vshll.u32 v5, v1  }
0x4f0: {  	v59 =	vadd.s32 $0x5, v5;
	v2 =	vmul.f32 v57, v2  }
0x4f1: {  	v4 =	vbroadcast v59, $0x0  }
0x4f2: {  	v2 =	vmul.f32 v2, v3;
	_ =	sdelay $0x1  }
0x4f3: {  	[tilespmem:s22+$0x0] =	vst v2;
	v2 =	vld [tilespmem:s22+$0x10]  }
0x4f4: {  	v3 =	vld [tilespmem:s16+$0x10]  }
0x4f5: {  	s18 =	sadd.s32 $0x6, s15  }
0x4f6: {  	v60 =	vmov s18;
	v4 =	vld.idx.msk [tilespmem:v4+s26+$0x0], $0xffff  }
0x4f7: {  	v5 =	vshrl.u32 v60, $0x3  }
0x4f8: {  	v5 =	vshll.u32 v5, v1  }
0x4f9: {  	v2 =	vmul.f32 v3, v2;
	v3 =	vadd.s32 $0x6, v5  }
0x4fa: {  	v3 =	vbroadcast v3, $0x0  }
0x4fb: {  	v2 =	vmul.f32 v2, v4;
	_ =	sdelay $0x1  }
0x4fc: {  	[tilespmem:s22+$0x10] =	vst v2;
	v2 =	vld [tilespmem:s22+$0x20]  }
0x4fd: {  	v61 =	vld [tilespmem:s16+$0x20]  }
0x4fe: {  	s20 =	sadd.s32 $0x7, s15  }
0x4ff: {  	v62 =	vmov s20;
	v3 =	vld.idx.msk [tilespmem:v3+s26+$0x0], $0xffff  }
0x500: {  	v5 =	vshrl.u32 v62, $0x3  }
0x501: {  	v5 =	vshll.u32 v5, v1  }
0x502: {  	v63 =	vadd.s32 $0x7, v5;
	v2 =	vmul.f32 v61, v2  }
0x503: {  	v4 =	vbroadcast v63, $0x0  }
0x504: {  	v2 =	vmul.f32 v2, v3;
	_ =	sdelay $0x1  }
0x505: {  	[tilespmem:s22+$0x20] =	vst v2;
	v2 =	vld [tilespmem:s22+$0x30]  }
0x506: {  	v3 =	vld [tilespmem:s16+$0x30];
	_ =	sdelay $0x1  }
0x507: {  	v4 =	vld.idx.msk [tilespmem:v4+s26+$0x0], $0xffff;
	_ =	sdelay $0x2  }
0x508: {  	v2 =	vmul.f32 v3, v2;
	_ =	sdelay $0x1  }
0x509: {  	p0 =	sgt.u32 s2, $0x1829;
	v2 =	vmul.f32 v2, v4  }
0x50a: {  	s21 =	sshll.u32 s2, $0xA;
	s2 =	sshll.u32 @!p0 s2, $0x6  }
0x50b: {  	s8 =	sadd.s32 s1, s21;
	s2 =	sand.u32 @!p0 $0x1FFFFFC0, s2;
	[tilespmem:s22+$0x30] =	vst v2  }
0x50c: {  	[hbm4b:s8+s3] =	stream.linear.scatter [tilespmem:s28], [sflag:$0x6], $0x2000, $0x38;
	[tilespmem:$0x14F50] =	vst v63  }
.Ltmp8:
0x50d: {  	s2 =	sadd.s32 @!p0 s4, s2;
	(pc) =	sbr.rel .LBB2_10-.Ltmp8, $4  }
0x50e: {  	s15 =	simm.s32 @!p0 $0x0;
	s16 =	simm.s32 @!p0 $0xC550;
	s8 =	sadd.s32 @!p0 $0x1000, s2  }
0x50f: {  	[tilespmem:s16], [sflag:$0x2] =	stream.linear.gather @!p0 [hbm4b:s8+s15], $0x200, $0x38;
	[tilespmem:$0x14F50] =	vst v63  }
0x510: {  	s2 =	sadd.s32 @!p0 $0x62A80, s2;
	s8 =	simm.s32 @!p0 $0xC950  }
0x511: {  	[tilespmem:s8], [sflag:$0x2] =	stream.linear.gather @!p0 [hbm4b:s2+s15], $0x200, $0x38;
	[tilespmem:$0x14F50] =	vst v63  }
.LBB2_12:
0x512: {  	_ =	sfence.sel $0x180000  }
0x513: {  	[bflag:$0x0] =	sbarrier.arrive $0xFFFF  }
0x514: {  	_ =	strace $0x90000047  }
0x515: {  	s0 =	stileid.u32;
	[bflag:$0x2] =	sbarrier.arrive $0xFFFF  }
0x516: {  	p0 =	sne.s32 s0, $0x0;
	s0 =	rddreg [dreg:$0x2]  }
0x517: {  	s0 =	sadd.s32 @!p0 $0x100000, s0  }
0x518: {  	[sflag:s0] =	ssyncadd.tile.s32 @!p0 $0x1;
	_ =	shalt  }
.Lfunc_end2:
_tile_overlayer_lowered:
.L_overlay_start_2:
0x519: {  	(tag) =	ssettag $0x2  }
0x51a: {  	s0 =	rddreg [dreg:$0x0];
	s2 =	stileid.u32  }
0x51b: {  	s1 =	rddreg [dreg:$0x1];
	p0 =	sne.s32 s2, $0x0  }
0x51c: {  	s3 =	rddreg [dreg:$0x2];
	[bflag:$0x3] =	sbarrier.arrive $0xFFFF;
	s2 =	simm.s32 @!p0 $0x1C07  }
0x51d: {  	[timem:s3], [sflag:s2] =	dma.local @!p0 [hbm:s0], s1  }
0x51e: {  	s0 =	simm.s32 @!p0 $0x7  }
0x51f: {  	_ =	swait.ge @!p0 [sflag:s0], s1  }
0x520: {  	s1 =	ssub.s32 @!p0 $0x0, s1;
	[sflag:s0] =	ssyncset.done @!p0 $0x0  }
0x521: {  	[sflag:s0] =	ssyncadd.s32 @!p0 s1  }
0x522: {  	[bflag:$0x3] =	sbarrier.arrive $0xFFFF  }
0x523: {  	_ =	shalt  }

// kernel: sparse-core-data-format-call.cloned.1.call-start
scs
called_computation_lowered:
.L_overlay_start_0:
0x0: {  	s2 =	sld [smem:$0x3FD9]  }
0x1: {  	s3 =	sld [smem:$0x3FFE];
	_ =	sdelay $0x1  }
0x2: {  	s1 =	srdreg.scid  }
0x3: {  	s0 =	sand.u32 $0x1, s1  }
0x4: {  	s18 =	sshll.u32 s0, $0xA;
	s2 =	sadd.s32 s3, s2  }
0x5: {  	s2 =	sadd.s32 s2, s18  }
0x6: {  	[smem:$0x3FC5] =	sst s2  }
0x7: {  	_ = 	snop  }
0x8: {  	s2 =	sld [smem:$0x3FD0];
	(tm) =	ssettm $0x1  }
0x9: {  	s19 =	sld [smem:$0x3FFB];
	_ =	sdelay $0x3  }
0xa: {  	_ =	strace s19  }
0xb: {  	s3 =	sld [smem:$0x3FFC];
	_ =	sdelay $0x3  }
0xc: {  	_ =	strace s3  }
0xd: {  	s3 =	sld [smem:$0x3FFD];
	_ =	sdelay $0x3  }
0xe: {  	_ =	strace s3  }
0xf: {  	_ =	strace $0x8FFFFFFF  }
0x10: {  	s20 =	sld [smem:$0x3FDB];
	_ =	sdelay $0x1  }
0x11: {  	s4 =	simm.s32 $_scs_section_size  }
0x12: {  	s5 =	simm.s32 $_size__tile_overlayer_lowered;
	s6 =	simm.s32 $_tile_overlayer_lowered  }
0x13: {  	s23 =	simm.s32 $0x1BFF;
	s22 =	sshll.u32 s6, $0x1;
	s3 =	sadd.s32 s4, s20  }
0x14: {  	s7 =	simm.s32 $0x0;
	s21 =	sshll.u32 s5, $0x1;
	s5 =	sadd.s32 s22, s3  }
0x15: {  	[timem:s7], [sflag:s23] =	dma.local [hbm:s5], s21  }
0x16: {  	_ =	swait.ge [sflag:s23], s21  }
0x17: {  	s4 =	ssub.s32 $0x0, s21;
	[sflag:s23] =	ssyncset.done $0x0  }
0x18: {  	[sflag:s23] =	ssyncadd.s32 s4;
	_ =	sdelay $0x1  }
0x19: {  	s24 =	simm.s32 $0x1B8B  }
0x1a: {  	_ =	swait.ge [sflag:s24], $0x1  }
0x1b: {  	[sflag:s24] =	ssyncset.done $0x0  }
0x1c: {  	s26 =	simm.s32 $0x1B8E;
	s25 =	sld [smem:$0x3FFE];
	[sflag:s24] =	ssyncadd.s32 $0xFFFFFFFF  }
0x1d: {  	s27 =	simm.s32 $execute0_lowered;
	[smem:$0x3FD2] =	sst s26  }
0x1e: {  	s5 =	sshll.u32 s27, $0x1;
	_ =	strace $0x80000049;
	[dreg:$0x1] =	wrdreg $0xFFFFFFFF  }
0x1f: {  	s28 =	simm.s32 $_size_execute0_lowered;
	s3 =	sadd.s32 s3, s5;
	[dreg:$0x0] =	wrdreg $0x0  }
0x20: {  	s5 =	sshll.u32 s28, $0x1;
	[dreg:$0x2] =	wrdreg s3  }
0x21: {  	[dreg:$0x3] =	wrdreg s5  }
0x22: {  	[dreg:$0x4] =	wrdreg $0xC0  }
0x23: {  	_ =	task [dreg:s7], $0x5FFFF  }
0x24: {  	[dreg:$0x1] =	wrdreg $0xFFFFFFFF  }
0x25: {  	[dreg:$0x0] =	wrdreg $0x60  }
0x26: {  	[dreg:$0x2] =	wrdreg s25  }
0x27: {  	[dreg:$0x3] =	wrdreg s2  }
0x28: {  	[dreg:$0x4] =	wrdreg $0x9  }
0x29: {  	_ =	task.clear_ibuf [dreg:s7], $0x5FFFF;
	_ =	strace $0x90000049  }
0x2a: {  	s29 =	simm.s32 $0x9;
	_ =	strace $0x8000004B  }
0x2b: {  	_ =	swait.ge [sflag:s29], $0x1  }
0x2c: {  	[sflag:s29] =	ssyncadd.s32 $0xFFFFFFFF  }
0x2d: {  	_ =	strace $0x9000004B  }
0x2e: {  	_ =	sfence  }
0x2f: {  	s30 =	sld [smem:$0x0];
	_ =	sdelay $0x2  }
0x30: {  	s31 =	sshll.u32 s1, $0xD;
	s1 =	sshrl.u32 s1, $0x2  }
0x31: {  	s3 =	sand.u32 $0x4000, s31;
	s1 =	sadd.s32 s1, s30  }
0x32: {  	s0 =	sor.u32 s3, s0;
	s1 =	sshll.u32 s1, $0x11  }
0x33: {  	s0 =	sor.u32 s1, s0  }
0x34: {  	s0 =	sadd.s32 $0x8F2B, s0  }
0x35: {  	[sflag:s0] =	ssyncadd.remote.s32 $0x1  }
0x36: {  	_ =	sfence.sel $0xFFFF  }
0x37: {  	[dreg:$0x0] =	wrdreg $0xFFFFFFFF;
	(pc) =	sbr.abs _section_cstart, $3  }
0x38: {  	[dreg:$0x1] =	wrdreg $0xFFFFFFFF  }
0x39: {  	_ =	task.clear_ibuf [dreg:s7], $0x2FFFF;
	_ =	strace $0x9FFFFFFF  }
0x3a: {  	(tm) =	ssettm $0x7FFFFFFF  }
0x3b: {  	_ =	shalt  }
tec
execute0_lowered:
.L_overlay_start_1:
0x0: {  	(tag) =	ssettag $0x1  }
0x1: {  	s0 =	srdreg.scid  }
0x2: {  	s1 =	sshll.u32 s0, $0x4  }
0x3: {  	s4 =	rddreg [dreg:$0x0];
	s0 =	stileid.u32;
	s1 =	sand.u32 $0x10, s1  }
0x4: {  	s2 =	rddreg [dreg:$0x1];
	s7 =	simm.s32 $0x1;
	s1 =	sor.u32 s0, s1  }
0x5: {  	s8 =	simm.s32 $0x2;
	s11 =	simm.s32 $0x0;
	s3 =	sshll.u32 s1, $0x7  }
0x6: {  	s10 =	simm.s32 $0x0;
	s4 =	sadd.s32 $0x800, s4;
	s6 =	ssub.s32 $0x30D400, s3  }
.Ltmp0:
0x7: {  	s1 =	rddreg [dreg:$0x2];
	s5 =	sand.u32 $0xF80, s6;
	(pc) =	sbr.rel .LBB1_1-.Ltmp0, $4  }
0x8: {  	_ =	strace $0x8000004A;
	s9 =	smov.u32 s3;
	p0 =	sne.s32 s5, $0x0  }
0x9: {  	s6 =	sshrl.u32 s6, $0xC;
	s5 =	simm.s32 $0x1;
	s7 =	simm.s32 @!p0 $0x0  }
0xa: {  	[sflag:s5] =	ssyncpa.u1 $0x0;
	p0 =	por $0x0, $0x0;
	s6 =	sadd.s32 s7, s6  }
0xb: {  	[sflag:s8] =	ssyncpa.u1 $0x0;
	s8 =	simm.s32 $0x186A000;
	s7 =	sadd.s32 $0x1, s6  }
.LBB1_4:
0xc: {  	s14 =	sshll.u32 s11, $0x3  }
0xd: {  	s15 =	sshrl.u32 s14, $0xA  }
0xe: {  	s15 =	smulhi.u32 $0x53E2D7, s15;
	_ =	sdelay $0x1  }
0xf: {  	s15 =	sshrl.u32 s15, $0x2  }
0x10: {  	s28 =	sand.u32 $0x7F, s11;
	s14 =	sand.u32 $0xFFFFFC00, s14;
	s16 =	smul.u32 $0x30D400, s15  }
0x11: {  	[tilespmem:s12+$0xFFFFFFFC ss:$0x81] =	vst.msk $0xffff, v1;
	s11 =	sor.u32 s28, s14;
	s29 =	sand.u32 $0xF, s15  }
0x12: {  	[tilespmem:s12+$0xFFFFFFFD ss:$0x81] =	vst.msk $0xffff, v2;
	s14 =	smul.u32 $0x61A80, s29;
	s11 =	ssub.s32 s11, s16  }
0x13: {  	[tilespmem:s12+$0xFFFFFFFE ss:$0x81] =	vst.msk $0xffff, v0;
	s30 =	sand.u32 $0x7, s11  }
0x14: {  	[tilespmem:s12+$0xFFFFFFFF ss:$0x81] =	vst.msk $0xffff, v4;
	s11 =	sshrl.u32 s11, $0x3;
	s14 =	sadd.s32 s2, s14;
	s15 =	sshll.u32 s30, $0x12  }
0x15: {  	[tilespmem:s12+$0xFFFFFFF9 ss:$0x81] =	vst.msk $0xffff, v3;
	s11 =	sadd.s32 s11, s14;
	s31 =	sor.u32 $0x400, s15  }
0x16: {  	[hbm4b:s11+s31] =	stream.strided.scatter [tilespmem:s13], [sflag:$0x2], $0x800, s8, s31, $0x20;
	[tilespmem:$0x2020] =	vst v63  }
.LBB1_5:
0x17: {  	s13 =	sadd.s32 $0x1000, s9  }
0x18: {  	p2 =	sgt.s32 s13, $0x30D3FF  }
0x19: {  	s13 =	smov.u32 @p2 s3;
	p2 =	sne.s32 s10, s7  }
.Ltmp1:
0x1a: {  	p1 =	slt.u32 s10, $0x2;
	(pc) =	sbr.rel @!p2 .LBB1_6-.Ltmp1, $4  }
0x1b: {  	s12 =	simm.s32 @!p1 $0x2  }
0x1c: {  	s14 =	sadd.s32 $0x1, s10;
	_ =	swait.ge @!p1 [sflag:s12], $0x800  }
0x1d: {  	s11 =	smov.u32 s9;
	p0 =	por !p0, !p0;
	[sflag:s12] =	ssyncset.done @!p1 $0x0  }
0x1e: {  	s10 =	smov.u32 s14;
	s9 =	smov.u32 s13;
	[sflag:s12] =	ssyncadd.s32 @!p1 $0xFFFFF800  }
.LBB1_1:
0x1f: {  	p1 =	sge.u32 s10, s6  }
0x20: {  	s12 =	sand.u32 @!p1 $0x1FFFFFF, s9  }
0x21: {  	s13 =	smulhi.u32 @!p1 $0x14F8B59, s12;
	_ =	sdelay $0x1  }
0x22: {  	s13 =	sshrl.u32 @!p1 s13, $0xE  }
0x23: {  	s13 =	smul.u32 @!p1 $0x30D400, s13;
	_ =	sdelay $0x1  }
0x24: {  	s31 =	sadd.s32 $0xFFFFFFFF, s10;
	s14 =	sxor.u32 @!p1 $0xFFFFFFFF, s10;
	s12 =	ssub.s32 @!p1 s12, s13  }
0x25: {  	s15 =	simm.s32 @!p1 $0x80;
	s14 =	sshll.u32 @!p1 s14, $0xB;
	s12 =	sshll.u32 @!p1 s12, $0x4  }
0x26: {  	s13 =	sand.u32 @!p1 $0x800, s14;
	s14 =	simm.s32 @!p1 $0x10;
	s12 =	sadd.s32 @!p1 s4, s12  }
0x27: {  	[tilespmem:s13], [sflag:$0x1] =	stream.strided.gather @!p1 [hbm4b:s12+s14], $0x800, s15, s14, $0x38;
	[tilespmem:$0x2020] =	vst v63  }
0x28: {  	p1 =	sge.u32 s31, s6  }
.Ltmp2:
0x29: {  	_ = 	snop;
	(pc) =	sbr.rel @p1 .LBB1_5-.Ltmp2, $1  }
0x2a: {  	_ =	sdelay $0x3  }
0x2b: {  	s12 =	simm.s32 $0x1  }
0x2c: {  	_ =	swait.ge [sflag:s5], $0x800;
	s12 =	simm.s32 @!p0 $0x0  }
0x2d: {  	[sflag:s5] =	ssyncset.done $0x0;
	s13 =	sshll.u32 s12, $0xB  }
0x2e: {  	[sflag:s5] =	ssyncadd.s32 $0xFFFFF800;
	s15 =	sor.u32 $0x40, s13  }
0x2f: {  	v3 =	vld [tilespmem:s15+$0x30]  }
0x30: {  	s12 =	smul.u32 $0x2040, s12;
	v4 =	vld [tilespmem:s15+$0xFFFFFFD0]  }
0x31: {  	v5 =	vld [tilespmem:s15+$0xFFFFFFE0]  }
0x32: {  	s31 =	sand.u32 $0x1, s10;
	s12 =	sshrl.u32 s12, $0x2;
	v1 =	vld [tilespmem:s15+$0xFFFFFFF0]  }
0x33: {  	s13 =	smul.u32 $0x2040, s31;
	v2 =	vld [tilespmem:s15+$0x0];
	s12 =	sor.u32 $0x1007, s12  }
0x34: {  	v0 =	vld [tilespmem:s15+$0x10];
	[tilespmem:s12+$0x0 ss:$0x81] =	vst.msk $0xffff, v3  }
0x35: {  	s13 =	sshrl.u32 s13, $0x2;
	[tilespmem:s12+$0xFFFFFFFA ss:$0x81] =	vst.msk $0xffff, v4;
	v4 =	vld [tilespmem:s15+$0x20]  }
0x36: {  	s14 =	simm.s32 $0x0;
	s13 =	sor.u32 $0x1000, s13;
	v3 =	vld [tilespmem:s15+$0xFFFFFFC0];
	[tilespmem:s12+$0xFFFFFFFB ss:$0x81] =	vst.msk $0xffff, v5;
	s15 =	sadd.s32 $0x80, s15  }
.LBB1_3:
0x37: {  	v5 =	vld [tilespmem:s15+$0x30];
	s14 =	sadd.s32 $0x8, s14;
	[tilespmem:s12+$0xFFFFFFFC ss:$0x81] =	vst.msk $0xffff, v1  }
0x38: {  	v6 =	vld [tilespmem:s15+$0xFFFFFFD0];
	p1 =	slt.u32 s14, $0x78;
	[tilespmem:s12+$0xFFFFFFFD ss:$0x81] =	vst.msk $0xffff, v2  }
0x39: {  	v7 =	vld [tilespmem:s15+$0xFFFFFFE0];
	[tilespmem:s12+$0xFFFFFFFE ss:$0x81] =	vst.msk $0xffff, v0  }
.Ltmp3:
0x3a: {  	v1 =	vld [tilespmem:s15+$0xFFFFFFF0];
	[tilespmem:s12+$0xFFFFFFFF ss:$0x81] =	vst.msk $0xffff, v4;
	(pc) =	sbr.rel @p1 .LBB1_3-.Ltmp3, $4  }
0x3b: {  	v2 =	vld [tilespmem:s15+$0x0];
	[tilespmem:s12+$0xFFFFFFF9 ss:$0x81] =	vst.msk $0xffff, v3;
	s12 =	sadd.s32 $0x8, s12  }
0x3c: {  	v0 =	vld [tilespmem:s15+$0x10];
	[tilespmem:s12+$0x0 ss:$0x81] =	vst.msk $0xffff, v5  }
0x3d: {  	[tilespmem:s12+$0xFFFFFFFA ss:$0x81] =	vst.msk $0xffff, v6;
	v4 =	vld [tilespmem:s15+$0x20]  }
0x3e: {  	v3 =	vld [tilespmem:s15+$0xFFFFFFC0];
	[tilespmem:s12+$0xFFFFFFFB ss:$0x81] =	vst.msk $0xffff, v7;
	s15 =	sadd.s32 $0x80, s15  }
.Ltmp4:
0x3f: {  	_ = 	snop;
	(pc) =	sbr.rel .LBB1_4-.Ltmp4, $1  }
0x40: {  	_ =	sdelay $0x3  }
.LBB1_6:
0x41: {  	_ =	sfence.sel $0x180000  }
0x42: {  	s2 =	simm.s32 $0x1;
	[bflag:$0x0] =	sbarrier.arrive $0xFFFF  }
0x43: {  	s31 =	simm.s32 $0x2;
	[sflag:s2] =	ssyncpa.u1 $0x1  }
0x44: {  	[sflag:s31] =	ssyncpa.u1 $0x1  }
0x45: {  	p0 =	sne.s32 s0, $0x0;
	_ =	strace $0x9000004A  }
0x46: {  	s0 =	sadd.s32 @!p0 $0x100000, s1;
	[bflag:$0x2] =	sbarrier.arrive $0xFFFF  }
0x47: {  	[sflag:s0] =	ssyncadd.tile.s32 @!p0 $0x1;
	_ =	shalt  }
.Lfunc_end1:
_tile_overlayer_lowered:
.L_overlay_start_2:
0x48: {  	(tag) =	ssettag $0x2  }
0x49: {  	s0 =	rddreg [dreg:$0x0];
	s2 =	stileid.u32  }
0x4a: {  	s1 =	rddreg [dreg:$0x1];
	p0 =	sne.s32 s2, $0x0  }
0x4b: {  	s3 =	rddreg [dreg:$0x2];
	[bflag:$0x3] =	sbarrier.arrive $0xFFFF;
	s2 =	simm.s32 @!p0 $0x1C01  }
0x4c: {  	[timem:s3], [sflag:s2] =	dma.local @!p0 [hbm:s0], s1  }
0x4d: {  	s0 =	simm.s32 @!p0 $0x1  }
0x4e: {  	_ =	swait.ge @!p0 [sflag:s0], s1  }
0x4f: {  	s1 =	ssub.s32 @!p0 $0x0, s1;
	[sflag:s0] =	ssyncset.done @!p0 $0x0  }
0x50: {  	[sflag:s0] =	ssyncadd.s32 @!p0 s1  }
0x51: {  	[bflag:$0x3] =	sbarrier.arrive $0xFFFF  }
0x52: {  	_ =	shalt  }

</sc_bundles>
